<compile_context>
chip_gen: v7x
topology: tpu7x:2x2x1
jax: 0.10.2.dev20260603
libtpu: 0.0.44.dev20260713+nightly
codegen_flags: <defaults>
</compile_context>

<pallas_src>
import functools

import jax
import jax.numpy as jnp
from jax import lax
from jax.experimental import pallas as pl
from jax.experimental.pallas import tpu as pltpu
from jax.experimental.pallas import tpu_sc as plsc

_B, _S, _D = 4, 4096, 768
_NC, _NS = 2, 16
_NW = _NC * _NS
_SPW = _S // _NW
_CH = 32
_NSUB = _SPW // _CH
_BP = 2
_NPAIR = _B // _BP
_NCHUNK = _NSUB * _NPAIR
_ROWS = _BP * _CH
_LANES = 16
_JV = _D // _LANES


def _make_emb_kernel():
    mesh = plsc.VectorSubcoreMesh(core_axis_name="c", subcore_axis_name="s")

    @functools.partial(
        pl.kernel,
        mesh=mesh,
        out_type=jax.ShapeDtypeStruct((_B, _S, _D), jnp.float32),
        scratch_types=[
            pltpu.VMEM((_NCHUNK, _ROWS), jnp.int32),
            pltpu.VMEM((2, _ROWS, _D), jnp.float32),
            pltpu.VMEM((_CH, _D), jnp.float32),
            pltpu.SemaphoreType.DMA,
            pltpu.SemaphoreType.DMA,
            pltpu.SemaphoreType.DMA,
            pltpu.SemaphoreType.DMA,
            pltpu.SemaphoreType.DMA,
            pltpu.SemaphoreType.DMA,
        ],
    )
    def emb(x_hbm, table_hbm, pe_hbm, out_hbm,
            idx_v, rows_v, pe_v, sem_i, sem_pe,
            sem_g0, sem_g1, sem_o0, sem_o1):
        wid = lax.axis_index("s") * _NC + lax.axis_index("c")
        s_base = wid * _SPW
        sems_g = (sem_g0, sem_g1)
        sems_o = (sem_o0, sem_o1)

        def coords(t):
            sub = t // _NPAIR
            b0 = (t % _NPAIR) * _BP
            s0 = s_base + sub * _CH
            return sub, b0, s0

        def pe_desc(sub):
            return pltpu.make_async_copy(
                pe_hbm.at[pl.ds(s_base + sub * _CH, _CH)], pe_v, sem_pe)

        def idx_desc(t, i):
            _, b0, s0 = coords(t)
            return pltpu.make_async_copy(
                x_hbm.at[b0 + i, pl.ds(s0, _CH)],
                idx_v.at[t, pl.ds(i * _CH, _CH)], sem_i)

        def gather_desc(t, k):
            return pltpu.make_async_copy(table_hbm.at[idx_v.at[t]],
                                         rows_v.at[k], sems_g[k])

        def out_desc(t, k, i):
            _, b0, s0 = coords(t)
            return pltpu.make_async_copy(
                rows_v.at[k, pl.ds(i * _CH, _CH), :],
                out_hbm.at[b0 + i, pl.ds(s0, _CH), :], sems_o[k])

        for t in range(_NCHUNK):
            for i in range(_BP):
                idx_desc(t, i).start()
        pe_desc(0).start()
        for t in range(_NCHUNK):
            for i in range(_BP):
                idx_desc(t, i).wait()

        @pl.loop(0, _NCHUNK, step=2)
        def _chunks(c):
            for k in range(2):
                t = c + k
                if k == 0:
                    pe_desc(0).wait()

                @pl.when(c > 0)
                def _():
                    tp = lax.max(t - 2, 0)
                    for i in range(_BP):
                        out_desc(tp, k, i).wait()

                gather_desc(t, k).start()

            for k in range(2):
                t = c + k
                sub, b0, s0 = coords(t)
                gather_desc(t, k).wait()

                def row_body(r, carry):
                    for j in range(_JV):
                        sl = pl.ds(j * _LANES, _LANES)
                        v = pe_v[r, sl]
                        plsc.addupdate(rows_v.at[k, r, sl], v)
                        plsc.addupdate(rows_v.at[k, _CH + r, sl], v)
                    return carry

                lax.fori_loop(0, _CH, row_body, 0)
                for i in range(_BP):
                    out_desc(t, k, i).start()
                if k == 1:

                    @pl.when(c < _NCHUNK - 2)
                    def _():
                        pe_desc(lax.min(sub + 1, _NSUB - 1)).start()

        for k in range(2):
            for i in range(_BP):
                out_desc(_NCHUNK - 2 + k, k, i).wait()

    return emb


_emb = _make_emb_kernel()


def kernel(x, table, pe):
    return _emb(x.astype(jnp.int32), table, pe)

# --- scband reference (transcript-rebuilt; emitter-appended) ---
"""Pipeline reference for scband-transformer-embedding-72413148610991 (READ-ONLY COPY).

The authoritative reference and input builder live on the scoring server;
editing this copy changes nothing except your own understanding.
"""

import jax, jax.numpy as jnp
import numpy as np

VOCAB = 100000
D_MODEL = 768
MAX_LEN = 8192
B = 4
S = 4096

def make_positional_encoding():
    pos = np.arange(MAX_LEN)[:, None].astype(np.float32)
    i = np.arange(0, D_MODEL, 2).astype(np.float32)
    div = np.exp(-np.log(10000.0) * i / D_MODEL)
    pe = np.zeros((MAX_LEN, D_MODEL), dtype=np.float32)
    pe[:, 0::2] = np.sin(pos * div)
    pe[:, 1::2] = np.cos(pos * div)
    return jnp.asarray(pe)

def setup_inputs(seed: int = 0) -> dict:
    key = jax.random.key(seed)
    k1, k2 = jax.random.split(key)
    x = jax.random.randint(k1, (B, S), 0, VOCAB)
    table = jax.random.normal(k2, (VOCAB, D_MODEL), dtype=jnp.float32)
    pe = make_positional_encoding()
    return {"x": x, "table": table, "pe": pe}

def reference(x, table, pe):
    # TokenEmbedding: gather rows of the embedding table
    tok = jnp.take(table, x, axis=0)  # [B, S, D]
    # PositionalEncoding: fixed sinusoidal buffer sliced to seq_len
    seq_len = x.shape[1]
    pos = pe[:seq_len, :][None, :, :]  # [1, S, D]
    # Dropout with p=0.0 (eval) is identity
    return tok + pos

if __name__ == "__main__":
    import jax
    _d = setup_inputs()
    print(jax.jit(kernel)(*tuple(_d.values())))

</pallas_src>

<mosaic_0001>
#map = affine_map<(d0, d1) -> (0, 0)>
#map1 = affine_map<(d0, d1) -> (0, 0, 0)>
module attributes {stable_mosaic.version = 14 : i64} {
  func.func @emb(%arg0: i32, %arg1: i32, %arg2: memref<4x4096xi32, #tpu.memory_space<hbm>>, %arg3: memref<100000x768xf32, #tpu.memory_space<hbm>>, %arg4: memref<8192x768xf32, #tpu.memory_space<hbm>>, %arg5: memref<4x4096x768xf32, #tpu.memory_space<hbm>>, %arg6: memref<8x64xi32, #tpu.memory_space<vmem>>, %arg7: memref<2x64x768xf32, #tpu.memory_space<vmem>>, %arg8: memref<32x768xf32, #tpu.memory_space<vmem>>, %arg9: memref<!tpu.dma_semaphore, #tpu.memory_space<semaphore_mem>>, %arg10: memref<!tpu.dma_semaphore, #tpu.memory_space<semaphore_mem>>, %arg11: memref<!tpu.dma_semaphore, #tpu.memory_space<semaphore_mem>>, %arg12: memref<!tpu.dma_semaphore, #tpu.memory_space<semaphore_mem>>, %arg13: memref<!tpu.dma_semaphore, #tpu.memory_space<semaphore_mem>>, %arg14: memref<!tpu.dma_semaphore, #tpu.memory_space<semaphore_mem>>) attributes {dimension_semantics = [#tpu.dimension_semantics<core_parallel>, #tpu.dimension_semantics<subcore_parallel>], iteration_bounds = array<i64: 2, 16>, scalar_prefetch = 0 : i64, scratch_operands = 9 : i64, tpu.core_type = #tpu.core_type<sc_vector_subcore>, window_params = [{transform_indices = #map}, {transform_indices = #map}, {transform_indices = #map}, {transform_indices = #map1}]} {
    %mul3A = arith.constant 2 : i32
    %mul3A_0 = arith.muli %arg1, %mul3A : i32
    %add3A = arith.addi %mul3A_0, %arg0 : i32
    %mul3A_1 = arith.constant 128 : i32
    %mul3A_2 = arith.muli %add3A, %mul3A_1 : i32
    %add3A_3 = arith.constant 0 : i32
    %add3A_4 = arith.addi %mul3A_2, %add3A_3 : i32
    %dma_start3A = arith.constant 0 : i32
    %dma_start3A_5 = arith.constant 0 : i32
    %dma_start3A_6 = arith.constant 0 : i32
    %dma_start3A_7 = tpu.memref_slice %arg6[%dma_start3A_5, %dma_start3A_6] : memref<8x64xi32, #tpu.memory_space<vmem>> -> memref<1x32xi32, #tpu.memory_space<vmem>>
    %dma_start3A_8 = tpu.memref_squeeze %dma_start3A_7 : memref<1x32xi32, #tpu.memory_space<vmem>> -> memref<32xi32, #tpu.memory_space<vmem>>
    %dma_start3A_9 = tpu.memref_slice %arg2[%dma_start3A, %add3A_4] : memref<4x4096xi32, #tpu.memory_space<hbm>> -> memref<1x32xi32, #tpu.memory_space<hbm>>
    %dma_start3A_10 = tpu.memref_squeeze %dma_start3A_9 : memref<1x32xi32, #tpu.memory_space<hbm>> -> memref<32xi32, #tpu.memory_space<hbm>>
    %dma_start3A_11 = arith.constant 0 : i32
    %dma_start3A_12 = tpu.memref_slice %arg6[%dma_start3A_5, %dma_start3A_11] : memref<8x64xi32, #tpu.memory_space<vmem>> -> memref<1x32xi32, #tpu.memory_space<vmem>>
    %dma_start3A_13 = tpu.memref_squeeze %dma_start3A_12 : memref<1x32xi32, #tpu.memory_space<vmem>> -> memref<32xi32, #tpu.memory_space<vmem>>
    %dma_start3A_14 = tpu.memref_slice %arg2[%dma_start3A, %add3A_4] : memref<4x4096xi32, #tpu.memory_space<hbm>> -> memref<1x32xi32, #tpu.memory_space<hbm>>
    %dma_start3A_15 = tpu.memref_squeeze %dma_start3A_14 : memref<1x32xi32, #tpu.memory_space<hbm>> -> memref<32xi32, #tpu.memory_space<hbm>>
    tpu.enqueue_dma source(%dma_start3A_15 : memref<32xi32, #tpu.memory_space<hbm>>) target(%dma_start3A_13 : memref<32xi32, #tpu.memory_space<vmem>>) target_semaphore(%arg9 : memref<!tpu.dma_semaphore, #tpu.memory_space<semaphore_mem>>)
    %add3A_16 = arith.constant 0 : i32
    %add3A_17 = arith.addi %mul3A_2, %add3A_16 : i32
    %dma_start3A_18 = arith.constant 1 : i32
    %dma_start3A_19 = arith.constant 0 : i32
    %dma_start3A_20 = arith.constant 32 : i32
    %dma_start3A_21 = tpu.memref_slice %arg6[%dma_start3A_19, %dma_start3A_20] : memref<8x64xi32, #tpu.memory_space<vmem>> -> memref<1x32xi32, #tpu.memory_space<vmem>>
    %dma_start3A_22 = tpu.memref_squeeze %dma_start3A_21 : memref<1x32xi32, #tpu.memory_space<vmem>> -> memref<32xi32, #tpu.memory_space<vmem>>
    %dma_start3A_23 = tpu.memref_slice %arg2[%dma_start3A_18, %add3A_17] : memref<4x4096xi32, #tpu.memory_space<hbm>> -> memref<1x32xi32, #tpu.memory_space<hbm>>
    %dma_start3A_24 = tpu.memref_squeeze %dma_start3A_23 : memref<1x32xi32, #tpu.memory_space<hbm>> -> memref<32xi32, #tpu.memory_space<hbm>>
    %dma_start3A_25 = arith.constant 32 : i32
    %dma_start3A_26 = tpu.memref_slice %arg6[%dma_start3A_19, %dma_start3A_25] : memref<8x64xi32, #tpu.memory_space<vmem>> -> memref<1x32xi32, #tpu.memory_space<vmem>>
    %dma_start3A_27 = tpu.memref_squeeze %dma_start3A_26 : memref<1x32xi32, #tpu.memory_space<vmem>> -> memref<32xi32, #tpu.memory_space<vmem>>
    %dma_start3A_28 = tpu.memref_slice %arg2[%dma_start3A_18, %add3A_17] : memref<4x4096xi32, #tpu.memory_space<hbm>> -> memref<1x32xi32, #tpu.memory_space<hbm>>
    %dma_start3A_29 = tpu.memref_squeeze %dma_start3A_28 : memref<1x32xi32, #tpu.memory_space<hbm>> -> memref<32xi32, #tpu.memory_space<hbm>>
    tpu.enqueue_dma source(%dma_start3A_29 : memref<32xi32, #tpu.memory_space<hbm>>) target(%dma_start3A_27 : memref<32xi32, #tpu.memory_space<vmem>>) target_semaphore(%arg9 : memref<!tpu.dma_semaphore, #tpu.memory_space<semaphore_mem>>)
    %add3A_30 = arith.constant 0 : i32
    %add3A_31 = arith.addi %mul3A_2, %add3A_30 : i32
    %dma_start3A_32 = arith.constant 2 : i32
    %dma_start3A_33 = arith.constant 1 : i32
    %dma_start3A_34 = arith.constant 0 : i32
    %dma_start3A_35 = tpu.memref_slice %arg6[%dma_start3A_33, %dma_start3A_34] : memref<8x64xi32, #tpu.memory_space<vmem>> -> memref<1x32xi32, #tpu.memory_space<vmem>>
    %dma_start3A_36 = tpu.memref_squeeze %dma_start3A_35 : memref<1x32xi32, #tpu.memory_space<vmem>> -> memref<32xi32, #tpu.memory_space<vmem>>
    %dma_start3A_37 = tpu.memref_slice %arg2[%dma_start3A_32, %add3A_31] : memref<4x4096xi32, #tpu.memory_space<hbm>> -> memref<1x32xi32, #tpu.memory_space<hbm>>
    %dma_start3A_38 = tpu.memref_squeeze %dma_start3A_37 : memref<1x32xi32, #tpu.memory_space<hbm>> -> memref<32xi32, #tpu.memory_space<hbm>>
    %dma_start3A_39 = arith.constant 0 : i32
    %dma_start3A_40 = tpu.memref_slice %arg6[%dma_start3A_33, %dma_start3A_39] : memref<8x64xi32, #tpu.memory_space<vmem>> -> memref<1x32xi32, #tpu.memory_space<vmem>>
    %dma_start3A_41 = tpu.memref_squeeze %dma_start3A_40 : memref<1x32xi32, #tpu.memory_space<vmem>> -> memref<32xi32, #tpu.memory_space<vmem>>
    %dma_start3A_42 = tpu.memref_slice %arg2[%dma_start3A_32, %add3A_31] : memref<4x4096xi32, #tpu.memory_space<hbm>> -> memref<1x32xi32, #tpu.memory_space<hbm>>
    %dma_start3A_43 = tpu.memref_squeeze %dma_start3A_42 : memref<1x32xi32, #tpu.memory_space<hbm>> -> memref<32xi32, #tpu.memory_space<hbm>>
    tpu.enqueue_dma source(%dma_start3A_43 : memref<32xi32, #tpu.memory_space<hbm>>) target(%dma_start3A_41 : memref<32xi32, #tpu.memory_space<vmem>>) target_semaphore(%arg9 : memref<!tpu.dma_semaphore, #tpu.memory_space<semaphore_mem>>)
    %add3A_44 = arith.constant 0 : i32
    %add3A_45 = arith.addi %mul3A_2, %add3A_44 : i32
    %dma_start3A_46 = arith.constant 3 : i32
    %dma_start3A_47 = arith.constant 1 : i32
    %dma_start3A_48 = arith.constant 32 : i32
    %dma_start3A_49 = tpu.memref_slice %arg6[%dma_start3A_47, %dma_start3A_48] : memref<8x64xi32, #tpu.memory_space<vmem>> -> memref<1x32xi32, #tpu.memory_space<vmem>>
    %dma_start3A_50 = tpu.memref_squeeze %dma_start3A_49 : memref<1x32xi32, #tpu.memory_space<vmem>> -> memref<32xi32, #tpu.memory_space<vmem>>
    %dma_start3A_51 = tpu.memref_slice %arg2[%dma_start3A_46, %add3A_45] : memref<4x4096xi32, #tpu.memory_space<hbm>> -> memref<1x32xi32, #tpu.memory_space<hbm>>
    %dma_start3A_52 = tpu.memref_squeeze %dma_start3A_51 : memref<1x32xi32, #tpu.memory_space<hbm>> -> memref<32xi32, #tpu.memory_space<hbm>>
    %dma_start3A_53 = arith.constant 32 : i32
    %dma_start3A_54 = tpu.memref_slice %arg6[%dma_start3A_47, %dma_start3A_53] : memref<8x64xi32, #tpu.memory_space<vmem>> -> memref<1x32xi32, #tpu.memory_space<vmem>>
    %dma_start3A_55 = tpu.memref_squeeze %dma_start3A_54 : memref<1x32xi32, #tpu.memory_space<vmem>> -> memref<32xi32, #tpu.memory_space<vmem>>
    %dma_start3A_56 = tpu.memref_slice %arg2[%dma_start3A_46, %add3A_45] : memref<4x4096xi32, #tpu.memory_space<hbm>> -> memref<1x32xi32, #tpu.memory_space<hbm>>
    %dma_start3A_57 = tpu.memref_squeeze %dma_start3A_56 : memref<1x32xi32, #tpu.memory_space<hbm>> -> memref<32xi32, #tpu.memory_space<hbm>>
    tpu.enqueue_dma source(%dma_start3A_57 : memref<32xi32, #tpu.memory_space<hbm>>) target(%dma_start3A_55 : memref<32xi32, #tpu.memory_space<vmem>>) target_semaphore(%arg9 : memref<!tpu.dma_semaphore, #tpu.memory_space<semaphore_mem>>)
    %add3A_58 = arith.constant 32 : i32
    %add3A_59 = arith.addi %mul3A_2, %add3A_58 : i32
    %dma_start3A_60 = arith.constant 0 : i32
    %dma_start3A_61 = arith.constant 2 : i32
    %dma_start3A_62 = arith.constant 0 : i32
    %dma_start3A_63 = tpu.memref_slice %arg6[%dma_start3A_61, %dma_start3A_62] : memref<8x64xi32, #tpu.memory_space<vmem>> -> memref<1x32xi32, #tpu.memory_space<vmem>>
    %dma_start3A_64 = tpu.memref_squeeze %dma_start3A_63 : memref<1x32xi32, #tpu.memory_space<vmem>> -> memref<32xi32, #tpu.memory_space<vmem>>
    %dma_start3A_65 = tpu.memref_slice %arg2[%dma_start3A_60, %add3A_59] : memref<4x4096xi32, #tpu.memory_space<hbm>> -> memref<1x32xi32, #tpu.memory_space<hbm>>
    %dma_start3A_66 = tpu.memref_squeeze %dma_start3A_65 : memref<1x32xi32, #tpu.memory_space<hbm>> -> memref<32xi32, #tpu.memory_space<hbm>>
    %dma_start3A_67 = arith.constant 0 : i32
    %dma_start3A_68 = tpu.memref_slice %arg6[%dma_start3A_61, %dma_start3A_67] : memref<8x64xi32, #tpu.memory_space<vmem>> -> memref<1x32xi32, #tpu.memory_space<vmem>>
    %dma_start3A_69 = tpu.memref_squeeze %dma_start3A_68 : memref<1x32xi32, #tpu.memory_space<vmem>> -> memref<32xi32, #tpu.memory_space<vmem>>
    %dma_start3A_70 = tpu.memref_slice %arg2[%dma_start3A_60, %add3A_59] : memref<4x4096xi32, #tpu.memory_space<hbm>> -> memref<1x32xi32, #tpu.memory_space<hbm>>
    %dma_start3A_71 = tpu.memref_squeeze %dma_start3A_70 : memref<1x32xi32, #tpu.memory_space<hbm>> -> memref<32xi32, #tpu.memory_space<hbm>>
    tpu.enqueue_dma source(%dma_start3A_71 : memref<32xi32, #tpu.memory_space<hbm>>) target(%dma_start3A_69 : memref<32xi32, #tpu.memory_space<vmem>>) target_semaphore(%arg9 : memref<!tpu.dma_semaphore, #tpu.memory_space<semaphore_mem>>)
    %add3A_72 = arith.constant 32 : i32
    %add3A_73 = arith.addi %mul3A_2, %add3A_72 : i32
    %dma_start3A_74 = arith.constant 1 : i32
    %dma_start3A_75 = arith.constant 2 : i32
    %dma_start3A_76 = arith.constant 32 : i32
    %dma_start3A_77 = tpu.memref_slice %arg6[%dma_start3A_75, %dma_start3A_76] : memref<8x64xi32, #tpu.memory_space<vmem>> -> memref<1x32xi32, #tpu.memory_space<vmem>>
    %dma_start3A_78 = tpu.memref_squeeze %dma_start3A_77 : memref<1x32xi32, #tpu.memory_space<vmem>> -> memref<32xi32, #tpu.memory_space<vmem>>
    %dma_start3A_79 = tpu.memref_slice %arg2[%dma_start3A_74, %add3A_73] : memref<4x4096xi32, #tpu.memory_space<hbm>> -> memref<1x32xi32, #tpu.memory_space<hbm>>
    %dma_start3A_80 = tpu.memref_squeeze %dma_start3A_79 : memref<1x32xi32, #tpu.memory_space<hbm>> -> memref<32xi32, #tpu.memory_space<hbm>>
    %dma_start3A_81 = arith.constant 32 : i32
    %dma_start3A_82 = tpu.memref_slice %arg6[%dma_start3A_75, %dma_start3A_81] : memref<8x64xi32, #tpu.memory_space<vmem>> -> memref<1x32xi32, #tpu.memory_space<vmem>>
    %dma_start3A_83 = tpu.memref_squeeze %dma_start3A_82 : memref<1x32xi32, #tpu.memory_space<vmem>> -> memref<32xi32, #tpu.memory_space<vmem>>
    %dma_start3A_84 = tpu.memref_slice %arg2[%dma_start3A_74, %add3A_73] : memref<4x4096xi32, #tpu.memory_space<hbm>> -> memref<1x32xi32, #tpu.memory_space<hbm>>
    %dma_start3A_85 = tpu.memref_squeeze %dma_start3A_84 : memref<1x32xi32, #tpu.memory_space<hbm>> -> memref<32xi32, #tpu.memory_space<hbm>>
    tpu.enqueue_dma source(%dma_start3A_85 : memref<32xi32, #tpu.memory_space<hbm>>) target(%dma_start3A_83 : memref<32xi32, #tpu.memory_space<vmem>>) target_semaphore(%arg9 : memref<!tpu.dma_semaphore, #tpu.memory_space<semaphore_mem>>)
    %add3A_86 = arith.constant 32 : i32
    %add3A_87 = arith.addi %mul3A_2, %add3A_86 : i32
    %dma_start3A_88 = arith.constant 2 : i32
    %dma_start3A_89 = arith.constant 3 : i32
    %dma_start3A_90 = arith.constant 0 : i32
    %dma_start3A_91 = tpu.memref_slice %arg6[%dma_start3A_89, %dma_start3A_90] : memref<8x64xi32, #tpu.memory_space<vmem>> -> memref<1x32xi32, #tpu.memory_space<vmem>>
    %dma_start3A_92 = tpu.memref_squeeze %dma_start3A_91 : memref<1x32xi32, #tpu.memory_space<vmem>> -> memref<32xi32, #tpu.memory_space<vmem>>
    %dma_start3A_93 = tpu.memref_slice %arg2[%dma_start3A_88, %add3A_87] : memref<4x4096xi32, #tpu.memory_space<hbm>> -> memref<1x32xi32, #tpu.memory_space<hbm>>
    %dma_start3A_94 = tpu.memref_squeeze %dma_start3A_93 : memref<1x32xi32, #tpu.memory_space<hbm>> -> memref<32xi32, #tpu.memory_space<hbm>>
    %dma_start3A_95 = arith.constant 0 : i32
    %dma_start3A_96 = tpu.memref_slice %arg6[%dma_start3A_89, %dma_start3A_95] : memref<8x64xi32, #tpu.memory_space<vmem>> -> memref<1x32xi32, #tpu.memory_space<vmem>>
    %dma_start3A_97 = tpu.memref_squeeze %dma_start3A_96 : memref<1x32xi32, #tpu.memory_space<vmem>> -> memref<32xi32, #tpu.memory_space<vmem>>
    %dma_start3A_98 = tpu.memref_slice %arg2[%dma_start3A_88, %add3A_87] : memref<4x4096xi32, #tpu.memory_space<hbm>> -> memref<1x32xi32, #tpu.memory_space<hbm>>
    %dma_start3A_99 = tpu.memref_squeeze %dma_start3A_98 : memref<1x32xi32, #tpu.memory_space<hbm>> -> memref<32xi32, #tpu.memory_space<hbm>>
    tpu.enqueue_dma source(%dma_start3A_99 : memref<32xi32, #tpu.memory_space<hbm>>) target(%dma_start3A_97 : memref<32xi32, #tpu.memory_space<vmem>>) target_semaphore(%arg9 : memref<!tpu.dma_semaphore, #tpu.memory_space<semaphore_mem>>)
    %add3A_100 = arith.constant 32 : i32
    %add3A_101 = arith.addi %mul3A_2, %add3A_100 : i32
    %dma_start3A_102 = arith.constant 3 : i32
    %dma_start3A_103 = arith.constant 3 : i32
    %dma_start3A_104 = arith.constant 32 : i32
    %dma_start3A_105 = tpu.memref_slice %arg6[%dma_start3A_103, %dma_start3A_104] : memref<8x64xi32, #tpu.memory_space<vmem>> -> memref<1x32xi32, #tpu.memory_space<vmem>>
    %dma_start3A_106 = tpu.memref_squeeze %dma_start3A_105 : memref<1x32xi32, #tpu.memory_space<vmem>> -> memref<32xi32, #tpu.memory_space<vmem>>
    %dma_start3A_107 = tpu.memref_slice %arg2[%dma_start3A_102, %add3A_101] : memref<4x4096xi32, #tpu.memory_space<hbm>> -> memref<1x32xi32, #tpu.memory_space<hbm>>
    %dma_start3A_108 = tpu.memref_squeeze %dma_start3A_107 : memref<1x32xi32, #tpu.memory_space<hbm>> -> memref<32xi32, #tpu.memory_space<hbm>>
    %dma_start3A_109 = arith.constant 32 : i32
    %dma_start3A_110 = tpu.memref_slice %arg6[%dma_start3A_103, %dma_start3A_109] : memref<8x64xi32, #tpu.memory_space<vmem>> -> memref<1x32xi32, #tpu.memory_space<vmem>>
    %dma_start3A_111 = tpu.memref_squeeze %dma_start3A_110 : memref<1x32xi32, #tpu.memory_space<vmem>> -> memref<32xi32, #tpu.memory_space<vmem>>
    %dma_start3A_112 = tpu.memref_slice %arg2[%dma_start3A_102, %add3A_101] : memref<4x4096xi32, #tpu.memory_space<hbm>> -> memref<1x32xi32, #tpu.memory_space<hbm>>
    %dma_start3A_113 = tpu.memref_squeeze %dma_start3A_112 : memref<1x32xi32, #tpu.memory_space<hbm>> -> memref<32xi32, #tpu.memory_space<hbm>>
    tpu.enqueue_dma source(%dma_start3A_113 : memref<32xi32, #tpu.memory_space<hbm>>) target(%dma_start3A_111 : memref<32xi32, #tpu.memory_space<vmem>>) target_semaphore(%arg9 : memref<!tpu.dma_semaphore, #tpu.memory_space<semaphore_mem>>)
    %add3A_114 = arith.constant 64 : i32
    %add3A_115 = arith.addi %mul3A_2, %add3A_114 : i32
    %dma_start3A_116 = arith.constant 0 : i32
    %dma_start3A_117 = arith.constant 4 : i32
    %dma_start3A_118 = arith.constant 0 : i32
    %dma_start3A_119 = tpu.memref_slice %arg6[%dma_start3A_117, %dma_start3A_118] : memref<8x64xi32, #tpu.memory_space<vmem>> -> memref<1x32xi32, #tpu.memory_space<vmem>>
    %dma_start3A_120 = tpu.memref_squeeze %dma_start3A_119 : memref<1x32xi32, #tpu.memory_space<vmem>> -> memref<32xi32, #tpu.memory_space<vmem>>
    %dma_start3A_121 = tpu.memref_slice %arg2[%dma_start3A_116, %add3A_115] : memref<4x4096xi32, #tpu.memory_space<hbm>> -> memref<1x32xi32, #tpu.memory_space<hbm>>
    %dma_start3A_122 = tpu.memref_squeeze %dma_start3A_121 : memref<1x32xi32, #tpu.memory_space<hbm>> -> memref<32xi32, #tpu.memory_space<hbm>>
    %dma_start3A_123 = arith.constant 0 : i32
    %dma_start3A_124 = tpu.memref_slice %arg6[%dma_start3A_117, %dma_start3A_123] : memref<8x64xi32, #tpu.memory_space<vmem>> -> memref<1x32xi32, #tpu.memory_space<vmem>>
    %dma_start3A_125 = tpu.memref_squeeze %dma_start3A_124 : memref<1x32xi32, #tpu.memory_space<vmem>> -> memref<32xi32, #tpu.memory_space<vmem>>
    %dma_start3A_126 = tpu.memref_slice %arg2[%dma_start3A_116, %add3A_115] : memref<4x4096xi32, #tpu.memory_space<hbm>> -> memref<1x32xi32, #tpu.memory_space<hbm>>
    %dma_start3A_127 = tpu.memref_squeeze %dma_start3A_126 : memref<1x32xi32, #tpu.memory_space<hbm>> -> memref<32xi32, #tpu.memory_space<hbm>>
    tpu.enqueue_dma source(%dma_start3A_127 : memref<32xi32, #tpu.memory_space<hbm>>) target(%dma_start3A_125 : memref<32xi32, #tpu.memory_space<vmem>>) target_semaphore(%arg9 : memref<!tpu.dma_semaphore, #tpu.memory_space<semaphore_mem>>)
    %add3A_128 = arith.constant 64 : i32
    %add3A_129 = arith.addi %mul3A_2, %add3A_128 : i32
    %dma_start3A_130 = arith.constant 1 : i32
    %dma_start3A_131 = arith.constant 4 : i32
    %dma_start3A_132 = arith.constant 32 : i32
    %dma_start3A_133 = tpu.memref_slice %arg6[%dma_start3A_131, %dma_start3A_132] : memref<8x64xi32, #tpu.memory_space<vmem>> -> memref<1x32xi32, #tpu.memory_space<vmem>>
    %dma_start3A_134 = tpu.memref_squeeze %dma_start3A_133 : memref<1x32xi32, #tpu.memory_space<vmem>> -> memref<32xi32, #tpu.memory_space<vmem>>
    %dma_start3A_135 = tpu.memref_slice %arg2[%dma_start3A_130, %add3A_129] : memref<4x4096xi32, #tpu.memory_space<hbm>> -> memref<1x32xi32, #tpu.memory_space<hbm>>
    %dma_start3A_136 = tpu.memref_squeeze %dma_start3A_135 : memref<1x32xi32, #tpu.memory_space<hbm>> -> memref<32xi32, #tpu.memory_space<hbm>>
    %dma_start3A_137 = arith.constant 32 : i32
    %dma_start3A_138 = tpu.memref_slice %arg6[%dma_start3A_131, %dma_start3A_137] : memref<8x64xi32, #tpu.memory_space<vmem>> -> memref<1x32xi32, #tpu.memory_space<vmem>>
    %dma_start3A_139 = tpu.memref_squeeze %dma_start3A_138 : memref<1x32xi32, #tpu.memory_space<vmem>> -> memref<32xi32, #tpu.memory_space<vmem>>
    %dma_start3A_140 = tpu.memref_slice %arg2[%dma_start3A_130, %add3A_129] : memref<4x4096xi32, #tpu.memory_space<hbm>> -> memref<1x32xi32, #tpu.memory_space<hbm>>
    %dma_start3A_141 = tpu.memref_squeeze %dma_start3A_140 : memref<1x32xi32, #tpu.memory_space<hbm>> -> memref<32xi32, #tpu.memory_space<hbm>>
    tpu.enqueue_dma source(%dma_start3A_141 : memref<32xi32, #tpu.memory_space<hbm>>) target(%dma_start3A_139 : memref<32xi32, #tpu.memory_space<vmem>>) target_semaphore(%arg9 : memref<!tpu.dma_semaphore, #tpu.memory_space<semaphore_mem>>)
    %add3A_142 = arith.constant 64 : i32
    %add3A_143 = arith.addi %mul3A_2, %add3A_142 : i32
    %dma_start3A_144 = arith.constant 2 : i32
    %dma_start3A_145 = arith.constant 5 : i32
    %dma_start3A_146 = arith.constant 0 : i32
    %dma_start3A_147 = tpu.memref_slice %arg6[%dma_start3A_145, %dma_start3A_146] : memref<8x64xi32, #tpu.memory_space<vmem>> -> memref<1x32xi32, #tpu.memory_space<vmem>>
    %dma_start3A_148 = tpu.memref_squeeze %dma_start3A_147 : memref<1x32xi32, #tpu.memory_space<vmem>> -> memref<32xi32, #tpu.memory_space<vmem>>
    %dma_start3A_149 = tpu.memref_slice %arg2[%dma_start3A_144, %add3A_143] : memref<4x4096xi32, #tpu.memory_space<hbm>> -> memref<1x32xi32, #tpu.memory_space<hbm>>
    %dma_start3A_150 = tpu.memref_squeeze %dma_start3A_149 : memref<1x32xi32, #tpu.memory_space<hbm>> -> memref<32xi32, #tpu.memory_space<hbm>>
    %dma_start3A_151 = arith.constant 0 : i32
    %dma_start3A_152 = tpu.memref_slice %arg6[%dma_start3A_145, %dma_start3A_151] : memref<8x64xi32, #tpu.memory_space<vmem>> -> memref<1x32xi32, #tpu.memory_space<vmem>>
    %dma_start3A_153 = tpu.memref_squeeze %dma_start3A_152 : memref<1x32xi32, #tpu.memory_space<vmem>> -> memref<32xi32, #tpu.memory_space<vmem>>
    %dma_start3A_154 = tpu.memref_slice %arg2[%dma_start3A_144, %add3A_143] : memref<4x4096xi32, #tpu.memory_space<hbm>> -> memref<1x32xi32, #tpu.memory_space<hbm>>
    %dma_start3A_155 = tpu.memref_squeeze %dma_start3A_154 : memref<1x32xi32, #tpu.memory_space<hbm>> -> memref<32xi32, #tpu.memory_space<hbm>>
    tpu.enqueue_dma source(%dma_start3A_155 : memref<32xi32, #tpu.memory_space<hbm>>) target(%dma_start3A_153 : memref<32xi32, #tpu.memory_space<vmem>>) target_semaphore(%arg9 : memref<!tpu.dma_semaphore, #tpu.memory_space<semaphore_mem>>)
    %add3A_156 = arith.constant 64 : i32
    %add3A_157 = arith.addi %mul3A_2, %add3A_156 : i32
    %dma_start3A_158 = arith.constant 3 : i32
    %dma_start3A_159 = arith.constant 5 : i32
    %dma_start3A_160 = arith.constant 32 : i32
    %dma_start3A_161 = tpu.memref_slice %arg6[%dma_start3A_159, %dma_start3A_160] : memref<8x64xi32, #tpu.memory_space<vmem>> -> memref<1x32xi32, #tpu.memory_space<vmem>>
    %dma_start3A_162 = tpu.memref_squeeze %dma_start3A_161 : memref<1x32xi32, #tpu.memory_space<vmem>> -> memref<32xi32, #tpu.memory_space<vmem>>
    %dma_start3A_163 = tpu.memref_slice %arg2[%dma_start3A_158, %add3A_157] : memref<4x4096xi32, #tpu.memory_space<hbm>> -> memref<1x32xi32, #tpu.memory_space<hbm>>
    %dma_start3A_164 = tpu.memref_squeeze %dma_start3A_163 : memref<1x32xi32, #tpu.memory_space<hbm>> -> memref<32xi32, #tpu.memory_space<hbm>>
    %dma_start3A_165 = arith.constant 32 : i32
    %dma_start3A_166 = tpu.memref_slice %arg6[%dma_start3A_159, %dma_start3A_165] : memref<8x64xi32, #tpu.memory_space<vmem>> -> memref<1x32xi32, #tpu.memory_space<vmem>>
    %dma_start3A_167 = tpu.memref_squeeze %dma_start3A_166 : memref<1x32xi32, #tpu.memory_space<vmem>> -> memref<32xi32, #tpu.memory_space<vmem>>
    %dma_start3A_168 = tpu.memref_slice %arg2[%dma_start3A_158, %add3A_157] : memref<4x4096xi32, #tpu.memory_space<hbm>> -> memref<1x32xi32, #tpu.memory_space<hbm>>
    %dma_start3A_169 = tpu.memref_squeeze %dma_start3A_168 : memref<1x32xi32, #tpu.memory_space<hbm>> -> memref<32xi32, #tpu.memory_space<hbm>>
    tpu.enqueue_dma source(%dma_start3A_169 : memref<32xi32, #tpu.memory_space<hbm>>) target(%dma_start3A_167 : memref<32xi32, #tpu.memory_space<vmem>>) target_semaphore(%arg9 : memref<!tpu.dma_semaphore, #tpu.memory_space<semaphore_mem>>)
    %add3A_170 = arith.constant 96 : i32
    %add3A_171 = arith.addi %mul3A_2, %add3A_170 : i32
    %dma_start3A_172 = arith.constant 0 : i32
    %dma_start3A_173 = arith.constant 6 : i32
    %dma_start3A_174 = arith.constant 0 : i32
    %dma_start3A_175 = tpu.memref_slice %arg6[%dma_start3A_173, %dma_start3A_174] : memref<8x64xi32, #tpu.memory_space<vmem>> -> memref<1x32xi32, #tpu.memory_space<vmem>>
    %dma_start3A_176 = tpu.memref_squeeze %dma_start3A_175 : memref<1x32xi32, #tpu.memory_space<vmem>> -> memref<32xi32, #tpu.memory_space<vmem>>
    %dma_start3A_177 = tpu.memref_slice %arg2[%dma_start3A_172, %add3A_171] : memref<4x4096xi32, #tpu.memory_space<hbm>> -> memref<1x32xi32, #tpu.memory_space<hbm>>
    %dma_start3A_178 = tpu.memref_squeeze %dma_start3A_177 : memref<1x32xi32, #tpu.memory_space<hbm>> -> memref<32xi32, #tpu.memory_space<hbm>>
    %dma_start3A_179 = arith.constant 0 : i32
    %dma_start3A_180 = tpu.memref_slice %arg6[%dma_start3A_173, %dma_start3A_179] : memref<8x64xi32, #tpu.memory_space<vmem>> -> memref<1x32xi32, #tpu.memory_space<vmem>>
    %dma_start3A_181 = tpu.memref_squeeze %dma_start3A_180 : memref<1x32xi32, #tpu.memory_space<vmem>> -> memref<32xi32, #tpu.memory_space<vmem>>
    %dma_start3A_182 = tpu.memref_slice %arg2[%dma_start3A_172, %add3A_171] : memref<4x4096xi32, #tpu.memory_space<hbm>> -> memref<1x32xi32, #tpu.memory_space<hbm>>
    %dma_start3A_183 = tpu.memref_squeeze %dma_start3A_182 : memref<1x32xi32, #tpu.memory_space<hbm>> -> memref<32xi32, #tpu.memory_space<hbm>>
    tpu.enqueue_dma source(%dma_start3A_183 : memref<32xi32, #tpu.memory_space<hbm>>) target(%dma_start3A_181 : memref<32xi32, #tpu.memory_space<vmem>>) target_semaphore(%arg9 : memref<!tpu.dma_semaphore, #tpu.memory_space<semaphore_mem>>)
    %add3A_184 = arith.constant 96 : i32
    %add3A_185 = arith.addi %mul3A_2, %add3A_184 : i32
    %dma_start3A_186 = arith.constant 1 : i32
    %dma_start3A_187 = arith.constant 6 : i32
    %dma_start3A_188 = arith.constant 32 : i32
    %dma_start3A_189 = tpu.memref_slice %arg6[%dma_start3A_187, %dma_start3A_188] : memref<8x64xi32, #tpu.memory_space<vmem>> -> memref<1x32xi32, #tpu.memory_space<vmem>>
    %dma_start3A_190 = tpu.memref_squeeze %dma_start3A_189 : memref<1x32xi32, #tpu.memory_space<vmem>> -> memref<32xi32, #tpu.memory_space<vmem>>
    %dma_start3A_191 = tpu.memref_slice %arg2[%dma_start3A_186, %add3A_185] : memref<4x4096xi32, #tpu.memory_space<hbm>> -> memref<1x32xi32, #tpu.memory_space<hbm>>
    %dma_start3A_192 = tpu.memref_squeeze %dma_start3A_191 : memref<1x32xi32, #tpu.memory_space<hbm>> -> memref<32xi32, #tpu.memory_space<hbm>>
    %dma_start3A_193 = arith.constant 32 : i32
    %dma_start3A_194 = tpu.memref_slice %arg6[%dma_start3A_187, %dma_start3A_193] : memref<8x64xi32, #tpu.memory_space<vmem>> -> memref<1x32xi32, #tpu.memory_space<vmem>>
    %dma_start3A_195 = tpu.memref_squeeze %dma_start3A_194 : memref<1x32xi32, #tpu.memory_space<vmem>> -> memref<32xi32, #tpu.memory_space<vmem>>
    %dma_start3A_196 = tpu.memref_slice %arg2[%dma_start3A_186, %add3A_185] : memref<4x4096xi32, #tpu.memory_space<hbm>> -> memref<1x32xi32, #tpu.memory_space<hbm>>
    %dma_start3A_197 = tpu.memref_squeeze %dma_start3A_196 : memref<1x32xi32, #tpu.memory_space<hbm>> -> memref<32xi32, #tpu.memory_space<hbm>>
    tpu.enqueue_dma source(%dma_start3A_197 : memref<32xi32, #tpu.memory_space<hbm>>) target(%dma_start3A_195 : memref<32xi32, #tpu.memory_space<vmem>>) target_semaphore(%arg9 : memref<!tpu.dma_semaphore, #tpu.memory_space<semaphore_mem>>)
    %add3A_198 = arith.constant 96 : i32
    %add3A_199 = arith.addi %mul3A_2, %add3A_198 : i32
    %dma_start3A_200 = arith.constant 2 : i32
    %dma_start3A_201 = arith.constant 7 : i32
    %dma_start3A_202 = arith.constant 0 : i32
    %dma_start3A_203 = tpu.memref_slice %arg6[%dma_start3A_201, %dma_start3A_202] : memref<8x64xi32, #tpu.memory_space<vmem>> -> memref<1x32xi32, #tpu.memory_space<vmem>>
    %dma_start3A_204 = tpu.memref_squeeze %dma_start3A_203 : memref<1x32xi32, #tpu.memory_space<vmem>> -> memref<32xi32, #tpu.memory_space<vmem>>
    %dma_start3A_205 = tpu.memref_slice %arg2[%dma_start3A_200, %add3A_199] : memref<4x4096xi32, #tpu.memory_space<hbm>> -> memref<1x32xi32, #tpu.memory_space<hbm>>
    %dma_start3A_206 = tpu.memref_squeeze %dma_start3A_205 : memref<1x32xi32, #tpu.memory_space<hbm>> -> memref<32xi32, #tpu.memory_space<hbm>>
    %dma_start3A_207 = arith.constant 0 : i32
    %dma_start3A_208 = tpu.memref_slice %arg6[%dma_start3A_201, %dma_start3A_207] : memref<8x64xi32, #tpu.memory_space<vmem>> -> memref<1x32xi32, #tpu.memory_space<vmem>>
    %dma_start3A_209 = tpu.memref_squeeze %dma_start3A_208 : memref<1x32xi32, #tpu.memory_space<vmem>> -> memref<32xi32, #tpu.memory_space<vmem>>
    %dma_start3A_210 = tpu.memref_slice %arg2[%dma_start3A_200, %add3A_199] : memref<4x4096xi32, #tpu.memory_space<hbm>> -> memref<1x32xi32, #tpu.memory_space<hbm>>
    %dma_start3A_211 = tpu.memref_squeeze %dma_start3A_210 : memref<1x32xi32, #tpu.memory_space<hbm>> -> memref<32xi32, #tpu.memory_space<hbm>>
    tpu.enqueue_dma source(%dma_start3A_211 : memref<32xi32, #tpu.memory_space<hbm>>) target(%dma_start3A_209 : memref<32xi32, #tpu.memory_space<vmem>>) target_semaphore(%arg9 : memref<!tpu.dma_semaphore, #tpu.memory_space<semaphore_mem>>)
    %add3A_212 = arith.constant 96 : i32
    %add3A_213 = arith.addi %mul3A_2, %add3A_212 : i32
    %dma_start3A_214 = arith.constant 3 : i32
    %dma_start3A_215 = arith.constant 7 : i32
    %dma_start3A_216 = arith.constant 32 : i32
    %dma_start3A_217 = tpu.memref_slice %arg6[%dma_start3A_215, %dma_start3A_216] : memref<8x64xi32, #tpu.memory_space<vmem>> -> memref<1x32xi32, #tpu.memory_space<vmem>>
    %dma_start3A_218 = tpu.memref_squeeze %dma_start3A_217 : memref<1x32xi32, #tpu.memory_space<vmem>> -> memref<32xi32, #tpu.memory_space<vmem>>
    %dma_start3A_219 = tpu.memref_slice %arg2[%dma_start3A_214, %add3A_213] : memref<4x4096xi32, #tpu.memory_space<hbm>> -> memref<1x32xi32, #tpu.memory_space<hbm>>
    %dma_start3A_220 = tpu.memref_squeeze %dma_start3A_219 : memref<1x32xi32, #tpu.memory_space<hbm>> -> memref<32xi32, #tpu.memory_space<hbm>>
    %dma_start3A_221 = arith.constant 32 : i32
    %dma_start3A_222 = tpu.memref_slice %arg6[%dma_start3A_215, %dma_start3A_221] : memref<8x64xi32, #tpu.memory_space<vmem>> -> memref<1x32xi32, #tpu.memory_space<vmem>>
    %dma_start3A_223 = tpu.memref_squeeze %dma_start3A_222 : memref<1x32xi32, #tpu.memory_space<vmem>> -> memref<32xi32, #tpu.memory_space<vmem>>
    %dma_start3A_224 = tpu.memref_slice %arg2[%dma_start3A_214, %add3A_213] : memref<4x4096xi32, #tpu.memory_space<hbm>> -> memref<1x32xi32, #tpu.memory_space<hbm>>
    %dma_start3A_225 = tpu.memref_squeeze %dma_start3A_224 : memref<1x32xi32, #tpu.memory_space<hbm>> -> memref<32xi32, #tpu.memory_space<hbm>>
    tpu.enqueue_dma source(%dma_start3A_225 : memref<32xi32, #tpu.memory_space<hbm>>) target(%dma_start3A_223 : memref<32xi32, #tpu.memory_space<vmem>>) target_semaphore(%arg9 : memref<!tpu.dma_semaphore, #tpu.memory_space<semaphore_mem>>)
    %add3A_226 = arith.constant 0 : i32
    %add3A_227 = arith.addi %mul3A_2, %add3A_226 : i32
    %dma_start3A_228 = arith.constant 0 : i32
    %dma_start3A_229 = tpu.memref_slice %arg4[%add3A_227, %dma_start3A_228] : memref<8192x768xf32, #tpu.memory_space<hbm>> -> memref<32x768xf32, #tpu.memory_space<hbm>>
    %dma_start3A_230 = arith.constant 0 : i32
    %dma_start3A_231 = tpu.memref_slice %arg4[%add3A_227, %dma_start3A_230] : memref<8192x768xf32, #tpu.memory_space<hbm>> -> memref<32x768xf32, #tpu.memory_space<hbm>>
    tpu.enqueue_dma source(%dma_start3A_231 : memref<32x768xf32, #tpu.memory_space<hbm>>) target(%arg8 : memref<32x768xf32, #tpu.memory_space<vmem>>) target_semaphore(%arg10 : memref<!tpu.dma_semaphore, #tpu.memory_space<semaphore_mem>>)
    %add3A_232 = arith.constant 0 : i32
    %add3A_233 = arith.addi %mul3A_2, %add3A_232 : i32
    %dma_wait3A = arith.constant 0 : i32
    %dma_wait3A_234 = arith.constant 0 : i32
    %dma_wait3A_235 = arith.constant 0 : i32
    %dma_wait3A_236 = tpu.memref_slice %arg6[%dma_wait3A_234, %dma_wait3A_235] : memref<8x64xi32, #tpu.memory_space<vmem>> -> memref<1x32xi32, #tpu.memory_space<vmem>>
    %dma_wait3A_237 = tpu.memref_squeeze %dma_wait3A_236 : memref<1x32xi32, #tpu.memory_space<vmem>> -> memref<32xi32, #tpu.memory_space<vmem>>
    %dma_wait3A_238 = tpu.memref_slice %arg2[%dma_wait3A, %add3A_233] : memref<4x4096xi32, #tpu.memory_space<hbm>> -> memref<1x32xi32, #tpu.memory_space<hbm>>
    %dma_wait3A_239 = tpu.memref_squeeze %dma_wait3A_238 : memref<1x32xi32, #tpu.memory_space<hbm>> -> memref<32xi32, #tpu.memory_space<hbm>>
    %dma_wait3A_240 = arith.constant 0 : i32
    %dma_wait3A_241 = tpu.memref_slice %arg6[%dma_wait3A_234, %dma_wait3A_240] : memref<8x64xi32, #tpu.memory_space<vmem>> -> memref<1x32xi32, #tpu.memory_space<vmem>>
    %dma_wait3A_242 = tpu.memref_squeeze %dma_wait3A_241 : memref<1x32xi32, #tpu.memory_space<vmem>> -> memref<32xi32, #tpu.memory_space<vmem>>
    %dma_wait3A_243 = tpu.memref_slice %arg2[%dma_wait3A, %add3A_233] : memref<4x4096xi32, #tpu.memory_space<hbm>> -> memref<1x32xi32, #tpu.memory_space<hbm>>
    %dma_wait3A_244 = tpu.memref_squeeze %dma_wait3A_243 : memref<1x32xi32, #tpu.memory_space<hbm>> -> memref<32xi32, #tpu.memory_space<hbm>>
    tpu.wait_dma2 semaphore(%arg9 : memref<!tpu.dma_semaphore, #tpu.memory_space<semaphore_mem>>) src(%dma_wait3A_244 : memref<32xi32, #tpu.memory_space<hbm>>) dst(%dma_wait3A_242 : memref<32xi32, #tpu.memory_space<vmem>>)
    %add3A_245 = arith.constant 0 : i32
    %add3A_246 = arith.addi %mul3A_2, %add3A_245 : i32
    %dma_wait3A_247 = arith.constant 1 : i32
    %dma_wait3A_248 = arith.constant 0 : i32
    %dma_wait3A_249 = arith.constant 32 : i32
    %dma_wait3A_250 = tpu.memref_slice %arg6[%dma_wait3A_248, %dma_wait3A_249] : memref<8x64xi32, #tpu.memory_space<vmem>> -> memref<1x32xi32, #tpu.memory_space<vmem>>
    %dma_wait3A_251 = tpu.memref_squeeze %dma_wait3A_250 : memref<1x32xi32, #tpu.memory_space<vmem>> -> memref<32xi32, #tpu.memory_space<vmem>>
    %dma_wait3A_252 = tpu.memref_slice %arg2[%dma_wait3A_247, %add3A_246] : memref<4x4096xi32, #tpu.memory_space<hbm>> -> memref<1x32xi32, #tpu.memory_space<hbm>>
    %dma_wait3A_253 = tpu.memref_squeeze %dma_wait3A_252 : memref<1x32xi32, #tpu.memory_space<hbm>> -> memref<32xi32, #tpu.memory_space<hbm>>
    %dma_wait3A_254 = arith.constant 32 : i32
    %dma_wait3A_255 = tpu.memref_slice %arg6[%dma_wait3A_248, %dma_wait3A_254] : memref<8x64xi32, #tpu.memory_space<vmem>> -> memref<1x32xi32, #tpu.memory_space<vmem>>
    %dma_wait3A_256 = tpu.memref_squeeze %dma_wait3A_255 : memref<1x32xi32, #tpu.memory_space<vmem>> -> memref<32xi32, #tpu.memory_space<vmem>>
    %dma_wait3A_257 = tpu.memref_slice %arg2[%dma_wait3A_247, %add3A_246] : memref<4x4096xi32, #tpu.memory_space<hbm>> -> memref<1x32xi32, #tpu.memory_space<hbm>>
    %dma_wait3A_258 = tpu.memref_squeeze %dma_wait3A_257 : memref<1x32xi32, #tpu.memory_space<hbm>> -> memref<32xi32, #tpu.memory_space<hbm>>
    tpu.wait_dma2 semaphore(%arg9 : memref<!tpu.dma_semaphore, #tpu.memory_space<semaphore_mem>>) src(%dma_wait3A_258 : memref<32xi32, #tpu.memory_space<hbm>>) dst(%dma_wait3A_256 : memref<32xi32, #tpu.memory_space<vmem>>)
    %add3A_259 = arith.constant 0 : i32
    %add3A_260 = arith.addi %mul3A_2, %add3A_259 : i32
    %dma_wait3A_261 = arith.constant 2 : i32
    %dma_wait3A_262 = arith.constant 1 : i32
    %dma_wait3A_263 = arith.constant 0 : i32
    %dma_wait3A_264 = tpu.memref_slice %arg6[%dma_wait3A_262, %dma_wait3A_263] : memref<8x64xi32, #tpu.memory_space<vmem>> -> memref<1x32xi32, #tpu.memory_space<vmem>>
    %dma_wait3A_265 = tpu.memref_squeeze %dma_wait3A_264 : memref<1x32xi32, #tpu.memory_space<vmem>> -> memref<32xi32, #tpu.memory_space<vmem>>
    %dma_wait3A_266 = tpu.memref_slice %arg2[%dma_wait3A_261, %add3A_260] : memref<4x4096xi32, #tpu.memory_space<hbm>> -> memref<1x32xi32, #tpu.memory_space<hbm>>
    %dma_wait3A_267 = tpu.memref_squeeze %dma_wait3A_266 : memref<1x32xi32, #tpu.memory_space<hbm>> -> memref<32xi32, #tpu.memory_space<hbm>>
    %dma_wait3A_268 = arith.constant 0 : i32
    %dma_wait3A_269 = tpu.memref_slice %arg6[%dma_wait3A_262, %dma_wait3A_268] : memref<8x64xi32, #tpu.memory_space<vmem>> -> memref<1x32xi32, #tpu.memory_space<vmem>>
    %dma_wait3A_270 = tpu.memref_squeeze %dma_wait3A_269 : memref<1x32xi32, #tpu.memory_space<vmem>> -> memref<32xi32, #tpu.memory_space<vmem>>
    %dma_wait3A_271 = tpu.memref_slice %arg2[%dma_wait3A_261, %add3A_260] : memref<4x4096xi32, #tpu.memory_space<hbm>> -> memref<1x32xi32, #tpu.memory_space<hbm>>
    %dma_wait3A_272 = tpu.memref_squeeze %dma_wait3A_271 : memref<1x32xi32, #tpu.memory_space<hbm>> -> memref<32xi32, #tpu.memory_space<hbm>>
    tpu.wait_dma2 semaphore(%arg9 : memref<!tpu.dma_semaphore, #tpu.memory_space<semaphore_mem>>) src(%dma_wait3A_272 : memref<32xi32, #tpu.memory_space<hbm>>) dst(%dma_wait3A_270 : memref<32xi32, #tpu.memory_space<vmem>>)
    %add3A_273 = arith.constant 0 : i32
    %add3A_274 = arith.addi %mul3A_2, %add3A_273 : i32
    %dma_wait3A_275 = arith.constant 3 : i32
    %dma_wait3A_276 = arith.constant 1 : i32
    %dma_wait3A_277 = arith.constant 32 : i32
    %dma_wait3A_278 = tpu.memref_slice %arg6[%dma_wait3A_276, %dma_wait3A_277] : memref<8x64xi32, #tpu.memory_space<vmem>> -> memref<1x32xi32, #tpu.memory_space<vmem>>
    %dma_wait3A_279 = tpu.memref_squeeze %dma_wait3A_278 : memref<1x32xi32, #tpu.memory_space<vmem>> -> memref<32xi32, #tpu.memory_space<vmem>>
    %dma_wait3A_280 = tpu.memref_slice %arg2[%dma_wait3A_275, %add3A_274] : memref<4x4096xi32, #tpu.memory_space<hbm>> -> memref<1x32xi32, #tpu.memory_space<hbm>>
    %dma_wait3A_281 = tpu.memref_squeeze %dma_wait3A_280 : memref<1x32xi32, #tpu.memory_space<hbm>> -> memref<32xi32, #tpu.memory_space<hbm>>
    %dma_wait3A_282 = arith.constant 32 : i32
    %dma_wait3A_283 = tpu.memref_slice %arg6[%dma_wait3A_276, %dma_wait3A_282] : memref<8x64xi32, #tpu.memory_space<vmem>> -> memref<1x32xi32, #tpu.memory_space<vmem>>
    %dma_wait3A_284 = tpu.memref_squeeze %dma_wait3A_283 : memref<1x32xi32, #tpu.memory_space<vmem>> -> memref<32xi32, #tpu.memory_space<vmem>>
    %dma_wait3A_285 = tpu.memref_slice %arg2[%dma_wait3A_275, %add3A_274] : memref<4x4096xi32, #tpu.memory_space<hbm>> -> memref<1x32xi32, #tpu.memory_space<hbm>>
    %dma_wait3A_286 = tpu.memref_squeeze %dma_wait3A_285 : memref<1x32xi32, #tpu.memory_space<hbm>> -> memref<32xi32, #tpu.memory_space<hbm>>
    tpu.wait_dma2 semaphore(%arg9 : memref<!tpu.dma_semaphore, #tpu.memory_space<semaphore_mem>>) src(%dma_wait3A_286 : memref<32xi32, #tpu.memory_space<hbm>>) dst(%dma_wait3A_284 : memref<32xi32, #tpu.memory_space<vmem>>)
    %add3A_287 = arith.constant 32 : i32
    %add3A_288 = arith.addi %mul3A_2, %add3A_287 : i32
    %dma_wait3A_289 = arith.constant 0 : i32
    %dma_wait3A_290 = arith.constant 2 : i32
    %dma_wait3A_291 = arith.constant 0 : i32
    %dma_wait3A_292 = tpu.memref_slice %arg6[%dma_wait3A_290, %dma_wait3A_291] : memref<8x64xi32, #tpu.memory_space<vmem>> -> memref<1x32xi32, #tpu.memory_space<vmem>>
    %dma_wait3A_293 = tpu.memref_squeeze %dma_wait3A_292 : memref<1x32xi32, #tpu.memory_space<vmem>> -> memref<32xi32, #tpu.memory_space<vmem>>
    %dma_wait3A_294 = tpu.memref_slice %arg2[%dma_wait3A_289, %add3A_288] : memref<4x4096xi32, #tpu.memory_space<hbm>> -> memref<1x32xi32, #tpu.memory_space<hbm>>
    %dma_wait3A_295 = tpu.memref_squeeze %dma_wait3A_294 : memref<1x32xi32, #tpu.memory_space<hbm>> -> memref<32xi32, #tpu.memory_space<hbm>>
    %dma_wait3A_296 = arith.constant 0 : i32
    %dma_wait3A_297 = tpu.memref_slice %arg6[%dma_wait3A_290, %dma_wait3A_296] : memref<8x64xi32, #tpu.memory_space<vmem>> -> memref<1x32xi32, #tpu.memory_space<vmem>>
    %dma_wait3A_298 = tpu.memref_squeeze %dma_wait3A_297 : memref<1x32xi32, #tpu.memory_space<vmem>> -> memref<32xi32, #tpu.memory_space<vmem>>
    %dma_wait3A_299 = tpu.memref_slice %arg2[%dma_wait3A_289, %add3A_288] : memref<4x4096xi32, #tpu.memory_space<hbm>> -> memref<1x32xi32, #tpu.memory_space<hbm>>
    %dma_wait3A_300 = tpu.memref_squeeze %dma_wait3A_299 : memref<1x32xi32, #tpu.memory_space<hbm>> -> memref<32xi32, #tpu.memory_space<hbm>>
    tpu.wait_dma2 semaphore(%arg9 : memref<!tpu.dma_semaphore, #tpu.memory_space<semaphore_mem>>) src(%dma_wait3A_300 : memref<32xi32, #tpu.memory_space<hbm>>) dst(%dma_wait3A_298 : memref<32xi32, #tpu.memory_space<vmem>>)
    %add3A_301 = arith.constant 32 : i32
    %add3A_302 = arith.addi %mul3A_2, %add3A_301 : i32
    %dma_wait3A_303 = arith.constant 1 : i32
    %dma_wait3A_304 = arith.constant 2 : i32
    %dma_wait3A_305 = arith.constant 32 : i32
    %dma_wait3A_306 = tpu.memref_slice %arg6[%dma_wait3A_304, %dma_wait3A_305] : memref<8x64xi32, #tpu.memory_space<vmem>> -> memref<1x32xi32, #tpu.memory_space<vmem>>
    %dma_wait3A_307 = tpu.memref_squeeze %dma_wait3A_306 : memref<1x32xi32, #tpu.memory_space<vmem>> -> memref<32xi32, #tpu.memory_space<vmem>>
    %dma_wait3A_308 = tpu.memref_slice %arg2[%dma_wait3A_303, %add3A_302] : memref<4x4096xi32, #tpu.memory_space<hbm>> -> memref<1x32xi32, #tpu.memory_space<hbm>>
    %dma_wait3A_309 = tpu.memref_squeeze %dma_wait3A_308 : memref<1x32xi32, #tpu.memory_space<hbm>> -> memref<32xi32, #tpu.memory_space<hbm>>
    %dma_wait3A_310 = arith.constant 32 : i32
    %dma_wait3A_311 = tpu.memref_slice %arg6[%dma_wait3A_304, %dma_wait3A_310] : memref<8x64xi32, #tpu.memory_space<vmem>> -> memref<1x32xi32, #tpu.memory_space<vmem>>
    %dma_wait3A_312 = tpu.memref_squeeze %dma_wait3A_311 : memref<1x32xi32, #tpu.memory_space<vmem>> -> memref<32xi32, #tpu.memory_space<vmem>>
    %dma_wait3A_313 = tpu.memref_slice %arg2[%dma_wait3A_303, %add3A_302] : memref<4x4096xi32, #tpu.memory_space<hbm>> -> memref<1x32xi32, #tpu.memory_space<hbm>>
    %dma_wait3A_314 = tpu.memref_squeeze %dma_wait3A_313 : memref<1x32xi32, #tpu.memory_space<hbm>> -> memref<32xi32, #tpu.memory_space<hbm>>
    tpu.wait_dma2 semaphore(%arg9 : memref<!tpu.dma_semaphore, #tpu.memory_space<semaphore_mem>>) src(%dma_wait3A_314 : memref<32xi32, #tpu.memory_space<hbm>>) dst(%dma_wait3A_312 : memref<32xi32, #tpu.memory_space<vmem>>)
    %add3A_315 = arith.constant 32 : i32
    %add3A_316 = arith.addi %mul3A_2, %add3A_315 : i32
    %dma_wait3A_317 = arith.constant 2 : i32
    %dma_wait3A_318 = arith.constant 3 : i32
    %dma_wait3A_319 = arith.constant 0 : i32
    %dma_wait3A_320 = tpu.memref_slice %arg6[%dma_wait3A_318, %dma_wait3A_319] : memref<8x64xi32, #tpu.memory_space<vmem>> -> memref<1x32xi32, #tpu.memory_space<vmem>>
    %dma_wait3A_321 = tpu.memref_squeeze %dma_wait3A_320 : memref<1x32xi32, #tpu.memory_space<vmem>> -> memref<32xi32, #tpu.memory_space<vmem>>
    %dma_wait3A_322 = tpu.memref_slice %arg2[%dma_wait3A_317, %add3A_316] : memref<4x4096xi32, #tpu.memory_space<hbm>> -> memref<1x32xi32, #tpu.memory_space<hbm>>
    %dma_wait3A_323 = tpu.memref_squeeze %dma_wait3A_322 : memref<1x32xi32, #tpu.memory_space<hbm>> -> memref<32xi32, #tpu.memory_space<hbm>>
    %dma_wait3A_324 = arith.constant 0 : i32
    %dma_wait3A_325 = tpu.memref_slice %arg6[%dma_wait3A_318, %dma_wait3A_324] : memref<8x64xi32, #tpu.memory_space<vmem>> -> memref<1x32xi32, #tpu.memory_space<vmem>>
    %dma_wait3A_326 = tpu.memref_squeeze %dma_wait3A_325 : memref<1x32xi32, #tpu.memory_space<vmem>> -> memref<32xi32, #tpu.memory_space<vmem>>
    %dma_wait3A_327 = tpu.memref_slice %arg2[%dma_wait3A_317, %add3A_316] : memref<4x4096xi32, #tpu.memory_space<hbm>> -> memref<1x32xi32, #tpu.memory_space<hbm>>
    %dma_wait3A_328 = tpu.memref_squeeze %dma_wait3A_327 : memref<1x32xi32, #tpu.memory_space<hbm>> -> memref<32xi32, #tpu.memory_space<hbm>>
    tpu.wait_dma2 semaphore(%arg9 : memref<!tpu.dma_semaphore, #tpu.memory_space<semaphore_mem>>) src(%dma_wait3A_328 : memref<32xi32, #tpu.memory_space<hbm>>) dst(%dma_wait3A_326 : memref<32xi32, #tpu.memory_space<vmem>>)
    %add3A_329 = arith.constant 32 : i32
    %add3A_330 = arith.addi %mul3A_2, %add3A_329 : i32
    %dma_wait3A_331 = arith.constant 3 : i32
    %dma_wait3A_332 = arith.constant 3 : i32
    %dma_wait3A_333 = arith.constant 32 : i32
    %dma_wait3A_334 = tpu.memref_slice %arg6[%dma_wait3A_332, %dma_wait3A_333] : memref<8x64xi32, #tpu.memory_space<vmem>> -> memref<1x32xi32, #tpu.memory_space<vmem>>
    %dma_wait3A_335 = tpu.memref_squeeze %dma_wait3A_334 : memref<1x32xi32, #tpu.memory_space<vmem>> -> memref<32xi32, #tpu.memory_space<vmem>>
    %dma_wait3A_336 = tpu.memref_slice %arg2[%dma_wait3A_331, %add3A_330] : memref<4x4096xi32, #tpu.memory_space<hbm>> -> memref<1x32xi32, #tpu.memory_space<hbm>>
    %dma_wait3A_337 = tpu.memref_squeeze %dma_wait3A_336 : memref<1x32xi32, #tpu.memory_space<hbm>> -> memref<32xi32, #tpu.memory_space<hbm>>
    %dma_wait3A_338 = arith.constant 32 : i32
    %dma_wait3A_339 = tpu.memref_slice %arg6[%dma_wait3A_332, %dma_wait3A_338] : memref<8x64xi32, #tpu.memory_space<vmem>> -> memref<1x32xi32, #tpu.memory_space<vmem>>
    %dma_wait3A_340 = tpu.memref_squeeze %dma_wait3A_339 : memref<1x32xi32, #tpu.memory_space<vmem>> -> memref<32xi32, #tpu.memory_space<vmem>>
    %dma_wait3A_341 = tpu.memref_slice %arg2[%dma_wait3A_331, %add3A_330] : memref<4x4096xi32, #tpu.memory_space<hbm>> -> memref<1x32xi32, #tpu.memory_space<hbm>>
    %dma_wait3A_342 = tpu.memref_squeeze %dma_wait3A_341 : memref<1x32xi32, #tpu.memory_space<hbm>> -> memref<32xi32, #tpu.memory_space<hbm>>
    tpu.wait_dma2 semaphore(%arg9 : memref<!tpu.dma_semaphore, #tpu.memory_space<semaphore_mem>>) src(%dma_wait3A_342 : memref<32xi32, #tpu.memory_space<hbm>>) dst(%dma_wait3A_340 : memref<32xi32, #tpu.memory_space<vmem>>)
    %add3A_343 = arith.constant 64 : i32
    %add3A_344 = arith.addi %mul3A_2, %add3A_343 : i32
    %dma_wait3A_345 = arith.constant 0 : i32
    %dma_wait3A_346 = arith.constant 4 : i32
    %dma_wait3A_347 = arith.constant 0 : i32
    %dma_wait3A_348 = tpu.memref_slice %arg6[%dma_wait3A_346, %dma_wait3A_347] : memref<8x64xi32, #tpu.memory_space<vmem>> -> memref<1x32xi32, #tpu.memory_space<vmem>>
    %dma_wait3A_349 = tpu.memref_squeeze %dma_wait3A_348 : memref<1x32xi32, #tpu.memory_space<vmem>> -> memref<32xi32, #tpu.memory_space<vmem>>
    %dma_wait3A_350 = tpu.memref_slice %arg2[%dma_wait3A_345, %add3A_344] : memref<4x4096xi32, #tpu.memory_space<hbm>> -> memref<1x32xi32, #tpu.memory_space<hbm>>
    %dma_wait3A_351 = tpu.memref_squeeze %dma_wait3A_350 : memref<1x32xi32, #tpu.memory_space<hbm>> -> memref<32xi32, #tpu.memory_space<hbm>>
    %dma_wait3A_352 = arith.constant 0 : i32
    %dma_wait3A_353 = tpu.memref_slice %arg6[%dma_wait3A_346, %dma_wait3A_352] : memref<8x64xi32, #tpu.memory_space<vmem>> -> memref<1x32xi32, #tpu.memory_space<vmem>>
    %dma_wait3A_354 = tpu.memref_squeeze %dma_wait3A_353 : memref<1x32xi32, #tpu.memory_space<vmem>> -> memref<32xi32, #tpu.memory_space<vmem>>
    %dma_wait3A_355 = tpu.memref_slice %arg2[%dma_wait3A_345, %add3A_344] : memref<4x4096xi32, #tpu.memory_space<hbm>> -> memref<1x32xi32, #tpu.memory_space<hbm>>
    %dma_wait3A_356 = tpu.memref_squeeze %dma_wait3A_355 : memref<1x32xi32, #tpu.memory_space<hbm>> -> memref<32xi32, #tpu.memory_space<hbm>>
    tpu.wait_dma2 semaphore(%arg9 : memref<!tpu.dma_semaphore, #tpu.memory_space<semaphore_mem>>) src(%dma_wait3A_356 : memref<32xi32, #tpu.memory_space<hbm>>) dst(%dma_wait3A_354 : memref<32xi32, #tpu.memory_space<vmem>>)
    %add3A_357 = arith.constant 64 : i32
    %add3A_358 = arith.addi %mul3A_2, %add3A_357 : i32
    %dma_wait3A_359 = arith.constant 1 : i32
    %dma_wait3A_360 = arith.constant 4 : i32
    %dma_wait3A_361 = arith.constant 32 : i32
    %dma_wait3A_362 = tpu.memref_slice %arg6[%dma_wait3A_360, %dma_wait3A_361] : memref<8x64xi32, #tpu.memory_space<vmem>> -> memref<1x32xi32, #tpu.memory_space<vmem>>
    %dma_wait3A_363 = tpu.memref_squeeze %dma_wait3A_362 : memref<1x32xi32, #tpu.memory_space<vmem>> -> memref<32xi32, #tpu.memory_space<vmem>>
    %dma_wait3A_364 = tpu.memref_slice %arg2[%dma_wait3A_359, %add3A_358] : memref<4x4096xi32, #tpu.memory_space<hbm>> -> memref<1x32xi32, #tpu.memory_space<hbm>>
    %dma_wait3A_365 = tpu.memref_squeeze %dma_wait3A_364 : memref<1x32xi32, #tpu.memory_space<hbm>> -> memref<32xi32, #tpu.memory_space<hbm>>
    %dma_wait3A_366 = arith.constant 32 : i32
    %dma_wait3A_367 = tpu.memref_slice %arg6[%dma_wait3A_360, %dma_wait3A_366] : memref<8x64xi32, #tpu.memory_space<vmem>> -> memref<1x32xi32, #tpu.memory_space<vmem>>
    %dma_wait3A_368 = tpu.memref_squeeze %dma_wait3A_367 : memref<1x32xi32, #tpu.memory_space<vmem>> -> memref<32xi32, #tpu.memory_space<vmem>>
    %dma_wait3A_369 = tpu.memref_slice %arg2[%dma_wait3A_359, %add3A_358] : memref<4x4096xi32, #tpu.memory_space<hbm>> -> memref<1x32xi32, #tpu.memory_space<hbm>>
    %dma_wait3A_370 = tpu.memref_squeeze %dma_wait3A_369 : memref<1x32xi32, #tpu.memory_space<hbm>> -> memref<32xi32, #tpu.memory_space<hbm>>
    tpu.wait_dma2 semaphore(%arg9 : memref<!tpu.dma_semaphore, #tpu.memory_space<semaphore_mem>>) src(%dma_wait3A_370 : memref<32xi32, #tpu.memory_space<hbm>>) dst(%dma_wait3A_368 : memref<32xi32, #tpu.memory_space<vmem>>)
    %add3A_371 = arith.constant 64 : i32
    %add3A_372 = arith.addi %mul3A_2, %add3A_371 : i32
    %dma_wait3A_373 = arith.constant 2 : i32
    %dma_wait3A_374 = arith.constant 5 : i32
    %dma_wait3A_375 = arith.constant 0 : i32
    %dma_wait3A_376 = tpu.memref_slice %arg6[%dma_wait3A_374, %dma_wait3A_375] : memref<8x64xi32, #tpu.memory_space<vmem>> -> memref<1x32xi32, #tpu.memory_space<vmem>>
    %dma_wait3A_377 = tpu.memref_squeeze %dma_wait3A_376 : memref<1x32xi32, #tpu.memory_space<vmem>> -> memref<32xi32, #tpu.memory_space<vmem>>
    %dma_wait3A_378 = tpu.memref_slice %arg2[%dma_wait3A_373, %add3A_372] : memref<4x4096xi32, #tpu.memory_space<hbm>> -> memref<1x32xi32, #tpu.memory_space<hbm>>
    %dma_wait3A_379 = tpu.memref_squeeze %dma_wait3A_378 : memref<1x32xi32, #tpu.memory_space<hbm>> -> memref<32xi32, #tpu.memory_space<hbm>>
    %dma_wait3A_380 = arith.constant 0 : i32
    %dma_wait3A_381 = tpu.memref_slice %arg6[%dma_wait3A_374, %dma_wait3A_380] : memref<8x64xi32, #tpu.memory_space<vmem>> -> memref<1x32xi32, #tpu.memory_space<vmem>>
    %dma_wait3A_382 = tpu.memref_squeeze %dma_wait3A_381 : memref<1x32xi32, #tpu.memory_space<vmem>> -> memref<32xi32, #tpu.memory_space<vmem>>
    %dma_wait3A_383 = tpu.memref_slice %arg2[%dma_wait3A_373, %add3A_372] : memref<4x4096xi32, #tpu.memory_space<hbm>> -> memref<1x32xi32, #tpu.memory_space<hbm>>
    %dma_wait3A_384 = tpu.memref_squeeze %dma_wait3A_383 : memref<1x32xi32, #tpu.memory_space<hbm>> -> memref<32xi32, #tpu.memory_space<hbm>>
    tpu.wait_dma2 semaphore(%arg9 : memref<!tpu.dma_semaphore, #tpu.memory_space<semaphore_mem>>) src(%dma_wait3A_384 : memref<32xi32, #tpu.memory_space<hbm>>) dst(%dma_wait3A_382 : memref<32xi32, #tpu.memory_space<vmem>>)
    %add3A_385 = arith.constant 64 : i32
    %add3A_386 = arith.addi %mul3A_2, %add3A_385 : i32
    %dma_wait3A_387 = arith.constant 3 : i32
    %dma_wait3A_388 = arith.constant 5 : i32
    %dma_wait3A_389 = arith.constant 32 : i32
    %dma_wait3A_390 = tpu.memref_slice %arg6[%dma_wait3A_388, %dma_wait3A_389] : memref<8x64xi32, #tpu.memory_space<vmem>> -> memref<1x32xi32, #tpu.memory_space<vmem>>
    %dma_wait3A_391 = tpu.memref_squeeze %dma_wait3A_390 : memref<1x32xi32, #tpu.memory_space<vmem>> -> memref<32xi32, #tpu.memory_space<vmem>>
    %dma_wait3A_392 = tpu.memref_slice %arg2[%dma_wait3A_387, %add3A_386] : memref<4x4096xi32, #tpu.memory_space<hbm>> -> memref<1x32xi32, #tpu.memory_space<hbm>>
    %dma_wait3A_393 = tpu.memref_squeeze %dma_wait3A_392 : memref<1x32xi32, #tpu.memory_space<hbm>> -> memref<32xi32, #tpu.memory_space<hbm>>
    %dma_wait3A_394 = arith.constant 32 : i32
    %dma_wait3A_395 = tpu.memref_slice %arg6[%dma_wait3A_388, %dma_wait3A_394] : memref<8x64xi32, #tpu.memory_space<vmem>> -> memref<1x32xi32, #tpu.memory_space<vmem>>
    %dma_wait3A_396 = tpu.memref_squeeze %dma_wait3A_395 : memref<1x32xi32, #tpu.memory_space<vmem>> -> memref<32xi32, #tpu.memory_space<vmem>>
    %dma_wait3A_397 = tpu.memref_slice %arg2[%dma_wait3A_387, %add3A_386] : memref<4x4096xi32, #tpu.memory_space<hbm>> -> memref<1x32xi32, #tpu.memory_space<hbm>>
    %dma_wait3A_398 = tpu.memref_squeeze %dma_wait3A_397 : memref<1x32xi32, #tpu.memory_space<hbm>> -> memref<32xi32, #tpu.memory_space<hbm>>
    tpu.wait_dma2 semaphore(%arg9 : memref<!tpu.dma_semaphore, #tpu.memory_space<semaphore_mem>>) src(%dma_wait3A_398 : memref<32xi32, #tpu.memory_space<hbm>>) dst(%dma_wait3A_396 : memref<32xi32, #tpu.memory_space<vmem>>)
    %add3A_399 = arith.constant 96 : i32
    %add3A_400 = arith.addi %mul3A_2, %add3A_399 : i32
    %dma_wait3A_401 = arith.constant 0 : i32
    %dma_wait3A_402 = arith.constant 6 : i32
    %dma_wait3A_403 = arith.constant 0 : i32
    %dma_wait3A_404 = tpu.memref_slice %arg6[%dma_wait3A_402, %dma_wait3A_403] : memref<8x64xi32, #tpu.memory_space<vmem>> -> memref<1x32xi32, #tpu.memory_space<vmem>>
    %dma_wait3A_405 = tpu.memref_squeeze %dma_wait3A_404 : memref<1x32xi32, #tpu.memory_space<vmem>> -> memref<32xi32, #tpu.memory_space<vmem>>
    %dma_wait3A_406 = tpu.memref_slice %arg2[%dma_wait3A_401, %add3A_400] : memref<4x4096xi32, #tpu.memory_space<hbm>> -> memref<1x32xi32, #tpu.memory_space<hbm>>
    %dma_wait3A_407 = tpu.memref_squeeze %dma_wait3A_406 : memref<1x32xi32, #tpu.memory_space<hbm>> -> memref<32xi32, #tpu.memory_space<hbm>>
    %dma_wait3A_408 = arith.constant 0 : i32
    %dma_wait3A_409 = tpu.memref_slice %arg6[%dma_wait3A_402, %dma_wait3A_408] : memref<8x64xi32, #tpu.memory_space<vmem>> -> memref<1x32xi32, #tpu.memory_space<vmem>>
    %dma_wait3A_410 = tpu.memref_squeeze %dma_wait3A_409 : memref<1x32xi32, #tpu.memory_space<vmem>> -> memref<32xi32, #tpu.memory_space<vmem>>
    %dma_wait3A_411 = tpu.memref_slice %arg2[%dma_wait3A_401, %add3A_400] : memref<4x4096xi32, #tpu.memory_space<hbm>> -> memref<1x32xi32, #tpu.memory_space<hbm>>
    %dma_wait3A_412 = tpu.memref_squeeze %dma_wait3A_411 : memref<1x32xi32, #tpu.memory_space<hbm>> -> memref<32xi32, #tpu.memory_space<hbm>>
    tpu.wait_dma2 semaphore(%arg9 : memref<!tpu.dma_semaphore, #tpu.memory_space<semaphore_mem>>) src(%dma_wait3A_412 : memref<32xi32, #tpu.memory_space<hbm>>) dst(%dma_wait3A_410 : memref<32xi32, #tpu.memory_space<vmem>>)
    %add3A_413 = arith.constant 96 : i32
    %add3A_414 = arith.addi %mul3A_2, %add3A_413 : i32
    %dma_wait3A_415 = arith.constant 1 : i32
    %dma_wait3A_416 = arith.constant 6 : i32
    %dma_wait3A_417 = arith.constant 32 : i32
    %dma_wait3A_418 = tpu.memref_slice %arg6[%dma_wait3A_416, %dma_wait3A_417] : memref<8x64xi32, #tpu.memory_space<vmem>> -> memref<1x32xi32, #tpu.memory_space<vmem>>
    %dma_wait3A_419 = tpu.memref_squeeze %dma_wait3A_418 : memref<1x32xi32, #tpu.memory_space<vmem>> -> memref<32xi32, #tpu.memory_space<vmem>>
    %dma_wait3A_420 = tpu.memref_slice %arg2[%dma_wait3A_415, %add3A_414] : memref<4x4096xi32, #tpu.memory_space<hbm>> -> memref<1x32xi32, #tpu.memory_space<hbm>>
    %dma_wait3A_421 = tpu.memref_squeeze %dma_wait3A_420 : memref<1x32xi32, #tpu.memory_space<hbm>> -> memref<32xi32, #tpu.memory_space<hbm>>
    %dma_wait3A_422 = arith.constant 32 : i32
    %dma_wait3A_423 = tpu.memref_slice %arg6[%dma_wait3A_416, %dma_wait3A_422] : memref<8x64xi32, #tpu.memory_space<vmem>> -> memref<1x32xi32, #tpu.memory_space<vmem>>
    %dma_wait3A_424 = tpu.memref_squeeze %dma_wait3A_423 : memref<1x32xi32, #tpu.memory_space<vmem>> -> memref<32xi32, #tpu.memory_space<vmem>>
    %dma_wait3A_425 = tpu.memref_slice %arg2[%dma_wait3A_415, %add3A_414] : memref<4x4096xi32, #tpu.memory_space<hbm>> -> memref<1x32xi32, #tpu.memory_space<hbm>>
    %dma_wait3A_426 = tpu.memref_squeeze %dma_wait3A_425 : memref<1x32xi32, #tpu.memory_space<hbm>> -> memref<32xi32, #tpu.memory_space<hbm>>
    tpu.wait_dma2 semaphore(%arg9 : memref<!tpu.dma_semaphore, #tpu.memory_space<semaphore_mem>>) src(%dma_wait3A_426 : memref<32xi32, #tpu.memory_space<hbm>>) dst(%dma_wait3A_424 : memref<32xi32, #tpu.memory_space<vmem>>)
    %add3A_427 = arith.constant 96 : i32
    %add3A_428 = arith.addi %mul3A_2, %add3A_427 : i32
    %dma_wait3A_429 = arith.constant 2 : i32
    %dma_wait3A_430 = arith.constant 7 : i32
    %dma_wait3A_431 = arith.constant 0 : i32
    %dma_wait3A_432 = tpu.memref_slice %arg6[%dma_wait3A_430, %dma_wait3A_431] : memref<8x64xi32, #tpu.memory_space<vmem>> -> memref<1x32xi32, #tpu.memory_space<vmem>>
    %dma_wait3A_433 = tpu.memref_squeeze %dma_wait3A_432 : memref<1x32xi32, #tpu.memory_space<vmem>> -> memref<32xi32, #tpu.memory_space<vmem>>
    %dma_wait3A_434 = tpu.memref_slice %arg2[%dma_wait3A_429, %add3A_428] : memref<4x4096xi32, #tpu.memory_space<hbm>> -> memref<1x32xi32, #tpu.memory_space<hbm>>
    %dma_wait3A_435 = tpu.memref_squeeze %dma_wait3A_434 : memref<1x32xi32, #tpu.memory_space<hbm>> -> memref<32xi32, #tpu.memory_space<hbm>>
    %dma_wait3A_436 = arith.constant 0 : i32
    %dma_wait3A_437 = tpu.memref_slice %arg6[%dma_wait3A_430, %dma_wait3A_436] : memref<8x64xi32, #tpu.memory_space<vmem>> -> memref<1x32xi32, #tpu.memory_space<vmem>>
    %dma_wait3A_438 = tpu.memref_squeeze %dma_wait3A_437 : memref<1x32xi32, #tpu.memory_space<vmem>> -> memref<32xi32, #tpu.memory_space<vmem>>
    %dma_wait3A_439 = tpu.memref_slice %arg2[%dma_wait3A_429, %add3A_428] : memref<4x4096xi32, #tpu.memory_space<hbm>> -> memref<1x32xi32, #tpu.memory_space<hbm>>
    %dma_wait3A_440 = tpu.memref_squeeze %dma_wait3A_439 : memref<1x32xi32, #tpu.memory_space<hbm>> -> memref<32xi32, #tpu.memory_space<hbm>>
    tpu.wait_dma2 semaphore(%arg9 : memref<!tpu.dma_semaphore, #tpu.memory_space<semaphore_mem>>) src(%dma_wait3A_440 : memref<32xi32, #tpu.memory_space<hbm>>) dst(%dma_wait3A_438 : memref<32xi32, #tpu.memory_space<vmem>>)
    %add3A_441 = arith.constant 96 : i32
    %add3A_442 = arith.addi %mul3A_2, %add3A_441 : i32
    %dma_wait3A_443 = arith.constant 3 : i32
    %dma_wait3A_444 = arith.constant 7 : i32
    %dma_wait3A_445 = arith.constant 32 : i32
    %dma_wait3A_446 = tpu.memref_slice %arg6[%dma_wait3A_444, %dma_wait3A_445] : memref<8x64xi32, #tpu.memory_space<vmem>> -> memref<1x32xi32, #tpu.memory_space<vmem>>
    %dma_wait3A_447 = tpu.memref_squeeze %dma_wait3A_446 : memref<1x32xi32, #tpu.memory_space<vmem>> -> memref<32xi32, #tpu.memory_space<vmem>>
    %dma_wait3A_448 = tpu.memref_slice %arg2[%dma_wait3A_443, %add3A_442] : memref<4x4096xi32, #tpu.memory_space<hbm>> -> memref<1x32xi32, #tpu.memory_space<hbm>>
    %dma_wait3A_449 = tpu.memref_squeeze %dma_wait3A_448 : memref<1x32xi32, #tpu.memory_space<hbm>> -> memref<32xi32, #tpu.memory_space<hbm>>
    %dma_wait3A_450 = arith.constant 32 : i32
    %dma_wait3A_451 = tpu.memref_slice %arg6[%dma_wait3A_444, %dma_wait3A_450] : memref<8x64xi32, #tpu.memory_space<vmem>> -> memref<1x32xi32, #tpu.memory_space<vmem>>
    %dma_wait3A_452 = tpu.memref_squeeze %dma_wait3A_451 : memref<1x32xi32, #tpu.memory_space<vmem>> -> memref<32xi32, #tpu.memory_space<vmem>>
    %dma_wait3A_453 = tpu.memref_slice %arg2[%dma_wait3A_443, %add3A_442] : memref<4x4096xi32, #tpu.memory_space<hbm>> -> memref<1x32xi32, #tpu.memory_space<hbm>>
    %dma_wait3A_454 = tpu.memref_squeeze %dma_wait3A_453 : memref<1x32xi32, #tpu.memory_space<hbm>> -> memref<32xi32, #tpu.memory_space<hbm>>
    tpu.wait_dma2 semaphore(%arg9 : memref<!tpu.dma_semaphore, #tpu.memory_space<semaphore_mem>>) src(%dma_wait3A_454 : memref<32xi32, #tpu.memory_space<hbm>>) dst(%dma_wait3A_452 : memref<32xi32, #tpu.memory_space<vmem>>)
    %scan3A = arith.constant 0 : i32
    %scan3A_455 = arith.constant 4 : i32
    %scan3A_456 = arith.addi %scan3A, %scan3A_455 : i32
    %scan3A_457 = arith.constant 1 : i32
    scf.for %scan3A_531 = %scan3A to %scan3A_456 step %scan3A_457  : i32 {
      %mul3A_532 = arith.constant 2 : i32
      %mul3A_533 = arith.muli %scan3A_531, %mul3A_532 : i32
      %add3A_534 = arith.constant 0 : i32
      %add3A_535 = arith.addi %add3A_534, %mul3A_533 : i32
      %add3A_536 = arith.constant 0 : i32
      %add3A_537 = arith.addi %add3A_535, %add3A_536 : i32
      %add3A_538 = arith.constant 0 : i32
      %add3A_539 = arith.addi %mul3A_2, %add3A_538 : i32
      %dma_wait3A_540 = arith.constant 0 : i32
      %dma_wait3A_541 = tpu.memref_slice %arg4[%add3A_539, %dma_wait3A_540] : memref<8192x768xf32, #tpu.memory_space<hbm>> -> memref<32x768xf32, #tpu.memory_space<hbm>>
      %dma_wait3A_542 = arith.constant 0 : i32
      %dma_wait3A_543 = tpu.memref_slice %arg4[%add3A_539, %dma_wait3A_542] : memref<8192x768xf32, #tpu.memory_space<hbm>> -> memref<32x768xf32, #tpu.memory_space<hbm>>
      tpu.wait_dma2 semaphore(%arg10 : memref<!tpu.dma_semaphore, #tpu.memory_space<semaphore_mem>>) src(%dma_wait3A_543 : memref<32x768xf32, #tpu.memory_space<hbm>>) dst(%arg8 : memref<32x768xf32, #tpu.memory_space<vmem>>)
      %gt3A = arith.constant 0 : i32
      %gt3A_544 = arith.cmpi sgt, %add3A_535, %gt3A : i32
      %convert_element_type3A = arith.extui %gt3A_544 : i1 to i32
      %cond3A = arith.constant 0 : i32
      %cond3A_545 = arith.cmpi ne, %convert_element_type3A, %cond3A : i32
      scf.if %cond3A_545 {
        %sub3A_946 = arith.constant 2 : i32
        %sub3A_947 = arith.subi %add3A_537, %sub3A_946 : i32
        %max3A = arith.constant 0 : i32
        %max3A_948 = arith.maxsi %sub3A_947, %max3A : i32
        %jit3A_949 = arith.constant 2 : i32
        %div3A_950 = arith.divsi %max3A_948, %jit3A_949 : i32
        %sign3A_951 = arith.constant 0 : i32
        %sign3A_952 = arith.cmpi sgt, %max3A_948, %sign3A_951 : i32
        %sign3A_953 = arith.extui %sign3A_952 : i1 to i32
        %sign3A_954 = arith.constant 0 : i32
        %sign3A_955 = arith.cmpi slt, %max3A_948, %sign3A_954 : i32
        %sign3A_956 = arith.extui %sign3A_955 : i1 to i32
        %sign3A_957 = arith.subi %sign3A_953, %sign3A_956 : i32
        %sign3A_958 = arith.constant 0 : i32
        %sign3A_959 = arith.cmpi sgt, %jit3A_949, %sign3A_958 : i32
        %sign3A_960 = arith.extui %sign3A_959 : i1 to i32
        %sign3A_961 = arith.constant 0 : i32
        %sign3A_962 = arith.cmpi slt, %jit3A_949, %sign3A_961 : i32
        %sign3A_963 = arith.extui %sign3A_962 : i1 to i32
        %sign3A_964 = arith.subi %sign3A_960, %sign3A_963 : i32
        %ne3A_965 = arith.cmpi ne, %sign3A_957, %sign3A_964 : i32
        %rem3A_966 = arith.remsi %max3A_948, %jit3A_949 : i32
        %ne3A_967 = arith.constant 0 : i32
        %ne3A_968 = arith.cmpi ne, %rem3A_966, %ne3A_967 : i32
        %and3A_969 = arith.andi %ne3A_965, %ne3A_968 : i1
        %sub3A_970 = arith.constant 1 : i32
        %sub3A_971 = arith.subi %div3A_950, %sub3A_970 : i32
        %select_n3A_972 = arith.select %and3A_969, %sub3A_971, %div3A_950 : i32
        %jit3A_973 = arith.constant 2 : i32
        %eq3A_974 = arith.constant 0 : i32
        %eq3A_975 = arith.cmpi eq, %jit3A_973, %eq3A_974 : i32
        %jit3A_976 = arith.constant 1 : i32
        %select_n3A_977 = arith.select %eq3A_975, %jit3A_976, %jit3A_973 : i32
        %rem3A_978 = arith.remsi %max3A_948, %select_n3A_977 : i32
        %ne3A_979 = arith.constant 0 : i32
        %ne3A_980 = arith.cmpi ne, %rem3A_978, %ne3A_979 : i32
        %lt3A_981 = arith.constant 0 : i32
        %lt3A_982 = arith.cmpi slt, %rem3A_978, %lt3A_981 : i32
        %lt3A_983 = arith.constant 0 : i32
        %lt3A_984 = arith.cmpi slt, %select_n3A_977, %lt3A_983 : i32
        %ne3A_985 = arith.xori %lt3A_982, %lt3A_984 : i1
        %and3A_986 = arith.andi %ne3A_985, %ne3A_980 : i1
        %add3A_987 = arith.addi %rem3A_978, %select_n3A_977 : i32
        %select_n3A_988 = arith.select %and3A_986, %add3A_987, %rem3A_978 : i32
        %mul3A_989 = arith.constant 2 : i32
        %mul3A_990 = arith.muli %select_n3A_988, %mul3A_989 : i32
        %mul3A_991 = arith.constant 32 : i32
        %mul3A_992 = arith.muli %select_n3A_972, %mul3A_991 : i32
        %add3A_993 = arith.addi %mul3A_2, %mul3A_992 : i32
        %add3A_994 = arith.constant 0 : i32
        %add3A_995 = arith.addi %mul3A_990, %add3A_994 : i32
        %dma_wait3A_996 = arith.constant 0 : i32
        %dma_wait3A_997 = arith.constant 0 : i32
        %dma_wait3A_998 = arith.constant 0 : i32
        %dma_wait3A_999 = tpu.memref_slice %arg7[%dma_wait3A_996, %dma_wait3A_997, %dma_wait3A_998] : memref<2x64x768xf32, #tpu.memory_space<vmem>> -> memref<1x32x768xf32, #tpu.memory_space<vmem>>
        %dma_wait3A_1000 = tpu.memref_squeeze %dma_wait3A_999 : memref<1x32x768xf32, #tpu.memory_space<vmem>> -> memref<32x768xf32, #tpu.memory_space<vmem>>
        %dma_wait3A_1001 = arith.constant 0 : i32
        %dma_wait3A_1002 = tpu.memref_slice %arg5[%add3A_995, %add3A_993, %dma_wait3A_1001] : memref<4x4096x768xf32, #tpu.memory_space<hbm>> -> memref<1x32x768xf32, #tpu.memory_space<hbm>>
        %dma_wait3A_1003 = tpu.memref_squeeze %dma_wait3A_1002 : memref<1x32x768xf32, #tpu.memory_space<hbm>> -> memref<32x768xf32, #tpu.memory_space<hbm>>
        %dma_wait3A_1004 = arith.constant 0 : i32
        %dma_wait3A_1005 = tpu.memref_slice %arg5[%add3A_995, %add3A_993, %dma_wait3A_1004] : memref<4x4096x768xf32, #tpu.memory_space<hbm>> -> memref<1x32x768xf32, #tpu.memory_space<hbm>>
        %dma_wait3A_1006 = tpu.memref_squeeze %dma_wait3A_1005 : memref<1x32x768xf32, #tpu.memory_space<hbm>> -> memref<32x768xf32, #tpu.memory_space<hbm>>
        %dma_wait3A_1007 = arith.constant 0 : i32
        %dma_wait3A_1008 = arith.constant 0 : i32
        %dma_wait3A_1009 = tpu.memref_slice %arg7[%dma_wait3A_996, %dma_wait3A_1007, %dma_wait3A_1008] : memref<2x64x768xf32, #tpu.memory_space<vmem>> -> memref<1x32x768xf32, #tpu.memory_space<vmem>>
        %dma_wait3A_1010 = tpu.memref_squeeze %dma_wait3A_1009 : memref<1x32x768xf32, #tpu.memory_space<vmem>> -> memref<32x768xf32, #tpu.memory_space<vmem>>
        tpu.wait_dma2 semaphore(%arg13 : memref<!tpu.dma_semaphore, #tpu.memory_space<semaphore_mem>>) src(%dma_wait3A_1010 : memref<32x768xf32, #tpu.memory_space<vmem>>) dst(%dma_wait3A_1006 : memref<32x768xf32, #tpu.memory_space<hbm>>)
        %jit3A_1011 = arith.constant 2 : i32
        %div3A_1012 = arith.divsi %max3A_948, %jit3A_1011 : i32
        %sign3A_1013 = arith.constant 0 : i32
        %sign3A_1014 = arith.cmpi sgt, %max3A_948, %sign3A_1013 : i32
        %sign3A_1015 = arith.extui %sign3A_1014 : i1 to i32
        %sign3A_1016 = arith.constant 0 : i32
        %sign3A_1017 = arith.cmpi slt, %max3A_948, %sign3A_1016 : i32
        %sign3A_1018 = arith.extui %sign3A_1017 : i1 to i32
        %sign3A_1019 = arith.subi %sign3A_1015, %sign3A_1018 : i32
        %sign3A_1020 = arith.constant 0 : i32
        %sign3A_1021 = arith.cmpi sgt, %jit3A_1011, %sign3A_1020 : i32
        %sign3A_1022 = arith.extui %sign3A_1021 : i1 to i32
        %sign3A_1023 = arith.constant 0 : i32
        %sign3A_1024 = arith.cmpi slt, %jit3A_1011, %sign3A_1023 : i32
        %sign3A_1025 = arith.extui %sign3A_1024 : i1 to i32
        %sign3A_1026 = arith.subi %sign3A_1022, %sign3A_1025 : i32
        %ne3A_1027 = arith.cmpi ne, %sign3A_1019, %sign3A_1026 : i32
        %rem3A_1028 = arith.remsi %max3A_948, %jit3A_1011 : i32
        %ne3A_1029 = arith.constant 0 : i32
        %ne3A_1030 = arith.cmpi ne, %rem3A_1028, %ne3A_1029 : i32
        %and3A_1031 = arith.andi %ne3A_1027, %ne3A_1030 : i1
        %sub3A_1032 = arith.constant 1 : i32
        %sub3A_1033 = arith.subi %div3A_1012, %sub3A_1032 : i32
        %select_n3A_1034 = arith.select %and3A_1031, %sub3A_1033, %div3A_1012 : i32
        %jit3A_1035 = arith.constant 2 : i32
        %eq3A_1036 = arith.constant 0 : i32
        %eq3A_1037 = arith.cmpi eq, %jit3A_1035, %eq3A_1036 : i32
        %jit3A_1038 = arith.constant 1 : i32
        %select_n3A_1039 = arith.select %eq3A_1037, %jit3A_1038, %jit3A_1035 : i32
        %rem3A_1040 = arith.remsi %max3A_948, %select_n3A_1039 : i32
        %ne3A_1041 = arith.constant 0 : i32
        %ne3A_1042 = arith.cmpi ne, %rem3A_1040, %ne3A_1041 : i32
        %lt3A_1043 = arith.constant 0 : i32
        %lt3A_1044 = arith.cmpi slt, %rem3A_1040, %lt3A_1043 : i32
        %lt3A_1045 = arith.constant 0 : i32
        %lt3A_1046 = arith.cmpi slt, %select_n3A_1039, %lt3A_1045 : i32
        %ne3A_1047 = arith.xori %lt3A_1044, %lt3A_1046 : i1
        %and3A_1048 = arith.andi %ne3A_1047, %ne3A_1042 : i1
        %add3A_1049 = arith.addi %rem3A_1040, %select_n3A_1039 : i32
        %select_n3A_1050 = arith.select %and3A_1048, %add3A_1049, %rem3A_1040 : i32
        %mul3A_1051 = arith.constant 2 : i32
        %mul3A_1052 = arith.muli %select_n3A_1050, %mul3A_1051 : i32
        %mul3A_1053 = arith.constant 32 : i32
        %mul3A_1054 = arith.muli %select_n3A_1034, %mul3A_1053 : i32
        %add3A_1055 = arith.addi %mul3A_2, %mul3A_1054 : i32
        %add3A_1056 = arith.constant 1 : i32
        %add3A_1057 = arith.addi %mul3A_1052, %add3A_1056 : i32
        %dma_wait3A_1058 = arith.constant 0 : i32
        %dma_wait3A_1059 = arith.constant 32 : i32
        %dma_wait3A_1060 = arith.constant 0 : i32
        %dma_wait3A_1061 = tpu.memref_slice %arg7[%dma_wait3A_1058, %dma_wait3A_1059, %dma_wait3A_1060] : memref<2x64x768xf32, #tpu.memory_space<vmem>> -> memref<1x32x768xf32, #tpu.memory_space<vmem>>
        %dma_wait3A_1062 = tpu.memref_squeeze %dma_wait3A_1061 : memref<1x32x768xf32, #tpu.memory_space<vmem>> -> memref<32x768xf32, #tpu.memory_space<vmem>>
        %dma_wait3A_1063 = arith.constant 0 : i32
        %dma_wait3A_1064 = tpu.memref_slice %arg5[%add3A_1057, %add3A_1055, %dma_wait3A_1063] : memref<4x4096x768xf32, #tpu.memory_space<hbm>> -> memref<1x32x768xf32, #tpu.memory_space<hbm>>
        %dma_wait3A_1065 = tpu.memref_squeeze %dma_wait3A_1064 : memref<1x32x768xf32, #tpu.memory_space<hbm>> -> memref<32x768xf32, #tpu.memory_space<hbm>>
        %dma_wait3A_1066 = arith.constant 0 : i32
        %dma_wait3A_1067 = tpu.memref_slice %arg5[%add3A_1057, %add3A_1055, %dma_wait3A_1066] : memref<4x4096x768xf32, #tpu.memory_space<hbm>> -> memref<1x32x768xf32, #tpu.memory_space<hbm>>
        %dma_wait3A_1068 = tpu.memref_squeeze %dma_wait3A_1067 : memref<1x32x768xf32, #tpu.memory_space<hbm>> -> memref<32x768xf32, #tpu.memory_space<hbm>>
        %dma_wait3A_1069 = arith.constant 32 : i32
        %dma_wait3A_1070 = arith.constant 0 : i32
        %dma_wait3A_1071 = tpu.memref_slice %arg7[%dma_wait3A_1058, %dma_wait3A_1069, %dma_wait3A_1070] : memref<2x64x768xf32, #tpu.memory_space<vmem>> -> memref<1x32x768xf32, #tpu.memory_space<vmem>>
        %dma_wait3A_1072 = tpu.memref_squeeze %dma_wait3A_1071 : memref<1x32x768xf32, #tpu.memory_space<vmem>> -> memref<32x768xf32, #tpu.memory_space<vmem>>
        tpu.wait_dma2 semaphore(%arg13 : memref<!tpu.dma_semaphore, #tpu.memory_space<semaphore_mem>>) src(%dma_wait3A_1072 : memref<32x768xf32, #tpu.memory_space<vmem>>) dst(%dma_wait3A_1068 : memref<32x768xf32, #tpu.memory_space<hbm>>)
      } else {
      }
      %dma_start3A_546 = arith.constant 0 : i32
      %dma_start3A_547 = arith.constant 0 : i32
      %dma_start3A_548 = arith.constant 0 : i32
      %dma_start3A_549 = tpu.memref_slice %arg7[%dma_start3A_546, %dma_start3A_547, %dma_start3A_548] : memref<2x64x768xf32, #tpu.memory_space<vmem>> -> memref<1x64x768xf32, #tpu.memory_space<vmem>>
      %dma_start3A_550 = tpu.memref_squeeze %dma_start3A_549 : memref<1x64x768xf32, #tpu.memory_space<vmem>> -> memref<64x768xf32, #tpu.memory_space<vmem>>
      %dma_start3A_551 = arith.constant 0 : i32
      %dma_start3A_552 = tpu.memref_slice %arg6[%add3A_537, %dma_start3A_551] : memref<8x64xi32, #tpu.memory_space<vmem>> -> memref<1x64xi32, #tpu.memory_space<vmem>>
      %dma_start3A_553 = tpu.memref_squeeze %dma_start3A_552 : memref<1x64xi32, #tpu.memory_space<vmem>> -> memref<64xi32, #tpu.memory_space<vmem>>
      %dma_start3A_554 = arith.constant 0 : i32
      %dma_start3A_555 = arith.constant 0 : i32
      %dma_start3A_556 = tpu.memref_slice %arg3[%dma_start3A_554, %dma_start3A_555] : memref<100000x768xf32, #tpu.memory_space<hbm>> -> memref<100000x768xf32, #tpu.memory_space<hbm>>
      tpu.enqueue_indirect_dma source(%dma_start3A_556 : memref<100000x768xf32, #tpu.memory_space<hbm>>) target(%dma_start3A_550 : memref<64x768xf32, #tpu.memory_space<vmem>>) offsets(%dma_start3A_553 : memref<64xi32, #tpu.memory_space<vmem>>) semaphore(%arg11 : memref<!tpu.dma_semaphore, #tpu.memory_space<semaphore_mem>>)
      %add3A_557 = arith.constant 1 : i32
      %add3A_558 = arith.addi %add3A_535, %add3A_557 : i32
      %gt3A_559 = arith.constant 0 : i32
      %gt3A_560 = arith.cmpi sgt, %add3A_535, %gt3A_559 : i32
      %convert_element_type3A_561 = arith.extui %gt3A_560 : i1 to i32
      %cond3A_562 = arith.constant 0 : i32
      %cond3A_563 = arith.cmpi ne, %convert_element_type3A_561, %cond3A_562 : i32
      scf.if %cond3A_563 {
        %sub3A_946 = arith.constant 2 : i32
        %sub3A_947 = arith.subi %add3A_558, %sub3A_946 : i32
        %max3A = arith.constant 0 : i32
        %max3A_948 = arith.maxsi %sub3A_947, %max3A : i32
        %jit3A_949 = arith.constant 2 : i32
        %div3A_950 = arith.divsi %max3A_948, %jit3A_949 : i32
        %sign3A_951 = arith.constant 0 : i32
        %sign3A_952 = arith.cmpi sgt, %max3A_948, %sign3A_951 : i32
        %sign3A_953 = arith.extui %sign3A_952 : i1 to i32
        %sign3A_954 = arith.constant 0 : i32
        %sign3A_955 = arith.cmpi slt, %max3A_948, %sign3A_954 : i32
        %sign3A_956 = arith.extui %sign3A_955 : i1 to i32
        %sign3A_957 = arith.subi %sign3A_953, %sign3A_956 : i32
        %sign3A_958 = arith.constant 0 : i32
        %sign3A_959 = arith.cmpi sgt, %jit3A_949, %sign3A_958 : i32
        %sign3A_960 = arith.extui %sign3A_959 : i1 to i32
        %sign3A_961 = arith.constant 0 : i32
        %sign3A_962 = arith.cmpi slt, %jit3A_949, %sign3A_961 : i32
        %sign3A_963 = arith.extui %sign3A_962 : i1 to i32
        %sign3A_964 = arith.subi %sign3A_960, %sign3A_963 : i32
        %ne3A_965 = arith.cmpi ne, %sign3A_957, %sign3A_964 : i32
        %rem3A_966 = arith.remsi %max3A_948, %jit3A_949 : i32
        %ne3A_967 = arith.constant 0 : i32
        %ne3A_968 = arith.cmpi ne, %rem3A_966, %ne3A_967 : i32
        %and3A_969 = arith.andi %ne3A_965, %ne3A_968 : i1
        %sub3A_970 = arith.constant 1 : i32
        %sub3A_971 = arith.subi %div3A_950, %sub3A_970 : i32
        %select_n3A_972 = arith.select %and3A_969, %sub3A_971, %div3A_950 : i32
        %jit3A_973 = arith.constant 2 : i32
        %eq3A_974 = arith.constant 0 : i32
        %eq3A_975 = arith.cmpi eq, %jit3A_973, %eq3A_974 : i32
        %jit3A_976 = arith.constant 1 : i32
        %select_n3A_977 = arith.select %eq3A_975, %jit3A_976, %jit3A_973 : i32
        %rem3A_978 = arith.remsi %max3A_948, %select_n3A_977 : i32
        %ne3A_979 = arith.constant 0 : i32
        %ne3A_980 = arith.cmpi ne, %rem3A_978, %ne3A_979 : i32
        %lt3A_981 = arith.constant 0 : i32
        %lt3A_982 = arith.cmpi slt, %rem3A_978, %lt3A_981 : i32
        %lt3A_983 = arith.constant 0 : i32
        %lt3A_984 = arith.cmpi slt, %select_n3A_977, %lt3A_983 : i32
        %ne3A_985 = arith.xori %lt3A_982, %lt3A_984 : i1
        %and3A_986 = arith.andi %ne3A_985, %ne3A_980 : i1
        %add3A_987 = arith.addi %rem3A_978, %select_n3A_977 : i32
        %select_n3A_988 = arith.select %and3A_986, %add3A_987, %rem3A_978 : i32
        %mul3A_989 = arith.constant 2 : i32
        %mul3A_990 = arith.muli %select_n3A_988, %mul3A_989 : i32
        %mul3A_991 = arith.constant 32 : i32
        %mul3A_992 = arith.muli %select_n3A_972, %mul3A_991 : i32
        %add3A_993 = arith.addi %mul3A_2, %mul3A_992 : i32
        %add3A_994 = arith.constant 0 : i32
        %add3A_995 = arith.addi %mul3A_990, %add3A_994 : i32
        %dma_wait3A_996 = arith.constant 1 : i32
        %dma_wait3A_997 = arith.constant 0 : i32
        %dma_wait3A_998 = arith.constant 0 : i32
        %dma_wait3A_999 = tpu.memref_slice %arg7[%dma_wait3A_996, %dma_wait3A_997, %dma_wait3A_998] : memref<2x64x768xf32, #tpu.memory_space<vmem>> -> memref<1x32x768xf32, #tpu.memory_space<vmem>>
        %dma_wait3A_1000 = tpu.memref_squeeze %dma_wait3A_999 : memref<1x32x768xf32, #tpu.memory_space<vmem>> -> memref<32x768xf32, #tpu.memory_space<vmem>>
        %dma_wait3A_1001 = arith.constant 0 : i32
        %dma_wait3A_1002 = tpu.memref_slice %arg5[%add3A_995, %add3A_993, %dma_wait3A_1001] : memref<4x4096x768xf32, #tpu.memory_space<hbm>> -> memref<1x32x768xf32, #tpu.memory_space<hbm>>
        %dma_wait3A_1003 = tpu.memref_squeeze %dma_wait3A_1002 : memref<1x32x768xf32, #tpu.memory_space<hbm>> -> memref<32x768xf32, #tpu.memory_space<hbm>>
        %dma_wait3A_1004 = arith.constant 0 : i32
        %dma_wait3A_1005 = tpu.memref_slice %arg5[%add3A_995, %add3A_993, %dma_wait3A_1004] : memref<4x4096x768xf32, #tpu.memory_space<hbm>> -> memref<1x32x768xf32, #tpu.memory_space<hbm>>
        %dma_wait3A_1006 = tpu.memref_squeeze %dma_wait3A_1005 : memref<1x32x768xf32, #tpu.memory_space<hbm>> -> memref<32x768xf32, #tpu.memory_space<hbm>>
        %dma_wait3A_1007 = arith.constant 0 : i32
        %dma_wait3A_1008 = arith.constant 0 : i32
        %dma_wait3A_1009 = tpu.memref_slice %arg7[%dma_wait3A_996, %dma_wait3A_1007, %dma_wait3A_1008] : memref<2x64x768xf32, #tpu.memory_space<vmem>> -> memref<1x32x768xf32, #tpu.memory_space<vmem>>
        %dma_wait3A_1010 = tpu.memref_squeeze %dma_wait3A_1009 : memref<1x32x768xf32, #tpu.memory_space<vmem>> -> memref<32x768xf32, #tpu.memory_space<vmem>>
        tpu.wait_dma2 semaphore(%arg14 : memref<!tpu.dma_semaphore, #tpu.memory_space<semaphore_mem>>) src(%dma_wait3A_1010 : memref<32x768xf32, #tpu.memory_space<vmem>>) dst(%dma_wait3A_1006 : memref<32x768xf32, #tpu.memory_space<hbm>>)
        %jit3A_1011 = arith.constant 2 : i32
        %div3A_1012 = arith.divsi %max3A_948, %jit3A_1011 : i32
        %sign3A_1013 = arith.constant 0 : i32
        %sign3A_1014 = arith.cmpi sgt, %max3A_948, %sign3A_1013 : i32
        %sign3A_1015 = arith.extui %sign3A_1014 : i1 to i32
        %sign3A_1016 = arith.constant 0 : i32
        %sign3A_1017 = arith.cmpi slt, %max3A_948, %sign3A_1016 : i32
        %sign3A_1018 = arith.extui %sign3A_1017 : i1 to i32
        %sign3A_1019 = arith.subi %sign3A_1015, %sign3A_1018 : i32
        %sign3A_1020 = arith.constant 0 : i32
        %sign3A_1021 = arith.cmpi sgt, %jit3A_1011, %sign3A_1020 : i32
        %sign3A_1022 = arith.extui %sign3A_1021 : i1 to i32
        %sign3A_1023 = arith.constant 0 : i32
        %sign3A_1024 = arith.cmpi slt, %jit3A_1011, %sign3A_1023 : i32
        %sign3A_1025 = arith.extui %sign3A_1024 : i1 to i32
        %sign3A_1026 = arith.subi %sign3A_1022, %sign3A_1025 : i32
        %ne3A_1027 = arith.cmpi ne, %sign3A_1019, %sign3A_1026 : i32
        %rem3A_1028 = arith.remsi %max3A_948, %jit3A_1011 : i32
        %ne3A_1029 = arith.constant 0 : i32
        %ne3A_1030 = arith.cmpi ne, %rem3A_1028, %ne3A_1029 : i32
        %and3A_1031 = arith.andi %ne3A_1027, %ne3A_1030 : i1
        %sub3A_1032 = arith.constant 1 : i32
        %sub3A_1033 = arith.subi %div3A_1012, %sub3A_1032 : i32
        %select_n3A_1034 = arith.select %and3A_1031, %sub3A_1033, %div3A_1012 : i32
        %jit3A_1035 = arith.constant 2 : i32
        %eq3A_1036 = arith.constant 0 : i32
        %eq3A_1037 = arith.cmpi eq, %jit3A_1035, %eq3A_1036 : i32
        %jit3A_1038 = arith.constant 1 : i32
        %select_n3A_1039 = arith.select %eq3A_1037, %jit3A_1038, %jit3A_1035 : i32
        %rem3A_1040 = arith.remsi %max3A_948, %select_n3A_1039 : i32
        %ne3A_1041 = arith.constant 0 : i32
        %ne3A_1042 = arith.cmpi ne, %rem3A_1040, %ne3A_1041 : i32
        %lt3A_1043 = arith.constant 0 : i32
        %lt3A_1044 = arith.cmpi slt, %rem3A_1040, %lt3A_1043 : i32
        %lt3A_1045 = arith.constant 0 : i32
        %lt3A_1046 = arith.cmpi slt, %select_n3A_1039, %lt3A_1045 : i32
        %ne3A_1047 = arith.xori %lt3A_1044, %lt3A_1046 : i1
        %and3A_1048 = arith.andi %ne3A_1047, %ne3A_1042 : i1
        %add3A_1049 = arith.addi %rem3A_1040, %select_n3A_1039 : i32
        %select_n3A_1050 = arith.select %and3A_1048, %add3A_1049, %rem3A_1040 : i32
        %mul3A_1051 = arith.constant 2 : i32
        %mul3A_1052 = arith.muli %select_n3A_1050, %mul3A_1051 : i32
        %mul3A_1053 = arith.constant 32 : i32
        %mul3A_1054 = arith.muli %select_n3A_1034, %mul3A_1053 : i32
        %add3A_1055 = arith.addi %mul3A_2, %mul3A_1054 : i32
        %add3A_1056 = arith.constant 1 : i32
        %add3A_1057 = arith.addi %mul3A_1052, %add3A_1056 : i32
        %dma_wait3A_1058 = arith.constant 1 : i32
        %dma_wait3A_1059 = arith.constant 32 : i32
        %dma_wait3A_1060 = arith.constant 0 : i32
        %dma_wait3A_1061 = tpu.memref_slice %arg7[%dma_wait3A_1058, %dma_wait3A_1059, %dma_wait3A_1060] : memref<2x64x768xf32, #tpu.memory_space<vmem>> -> memref<1x32x768xf32, #tpu.memory_space<vmem>>
        %dma_wait3A_1062 = tpu.memref_squeeze %dma_wait3A_1061 : memref<1x32x768xf32, #tpu.memory_space<vmem>> -> memref<32x768xf32, #tpu.memory_space<vmem>>
        %dma_wait3A_1063 = arith.constant 0 : i32
        %dma_wait3A_1064 = tpu.memref_slice %arg5[%add3A_1057, %add3A_1055, %dma_wait3A_1063] : memref<4x4096x768xf32, #tpu.memory_space<hbm>> -> memref<1x32x768xf32, #tpu.memory_space<hbm>>
        %dma_wait3A_1065 = tpu.memref_squeeze %dma_wait3A_1064 : memref<1x32x768xf32, #tpu.memory_space<hbm>> -> memref<32x768xf32, #tpu.memory_space<hbm>>
        %dma_wait3A_1066 = arith.constant 0 : i32
        %dma_wait3A_1067 = tpu.memref_slice %arg5[%add3A_1057, %add3A_1055, %dma_wait3A_1066] : memref<4x4096x768xf32, #tpu.memory_space<hbm>> -> memref<1x32x768xf32, #tpu.memory_space<hbm>>
        %dma_wait3A_1068 = tpu.memref_squeeze %dma_wait3A_1067 : memref<1x32x768xf32, #tpu.memory_space<hbm>> -> memref<32x768xf32, #tpu.memory_space<hbm>>
        %dma_wait3A_1069 = arith.constant 32 : i32
        %dma_wait3A_1070 = arith.constant 0 : i32
        %dma_wait3A_1071 = tpu.memref_slice %arg7[%dma_wait3A_1058, %dma_wait3A_1069, %dma_wait3A_1070] : memref<2x64x768xf32, #tpu.memory_space<vmem>> -> memref<1x32x768xf32, #tpu.memory_space<vmem>>
        %dma_wait3A_1072 = tpu.memref_squeeze %dma_wait3A_1071 : memref<1x32x768xf32, #tpu.memory_space<vmem>> -> memref<32x768xf32, #tpu.memory_space<vmem>>
        tpu.wait_dma2 semaphore(%arg14 : memref<!tpu.dma_semaphore, #tpu.memory_space<semaphore_mem>>) src(%dma_wait3A_1072 : memref<32x768xf32, #tpu.memory_space<vmem>>) dst(%dma_wait3A_1068 : memref<32x768xf32, #tpu.memory_space<hbm>>)
      } else {
      }
      %dma_start3A_564 = arith.constant 1 : i32
      %dma_start3A_565 = arith.constant 0 : i32
      %dma_start3A_566 = arith.constant 0 : i32
      %dma_start3A_567 = tpu.memref_slice %arg7[%dma_start3A_564, %dma_start3A_565, %dma_start3A_566] : memref<2x64x768xf32, #tpu.memory_space<vmem>> -> memref<1x64x768xf32, #tpu.memory_space<vmem>>
      %dma_start3A_568 = tpu.memref_squeeze %dma_start3A_567 : memref<1x64x768xf32, #tpu.memory_space<vmem>> -> memref<64x768xf32, #tpu.memory_space<vmem>>
      %dma_start3A_569 = arith.constant 0 : i32
      %dma_start3A_570 = tpu.memref_slice %arg6[%add3A_558, %dma_start3A_569] : memref<8x64xi32, #tpu.memory_space<vmem>> -> memref<1x64xi32, #tpu.memory_space<vmem>>
      %dma_start3A_571 = tpu.memref_squeeze %dma_start3A_570 : memref<1x64xi32, #tpu.memory_space<vmem>> -> memref<64xi32, #tpu.memory_space<vmem>>
      %dma_start3A_572 = arith.constant 0 : i32
      %dma_start3A_573 = arith.constant 0 : i32
      %dma_start3A_574 = tpu.memref_slice %arg3[%dma_start3A_572, %dma_start3A_573] : memref<100000x768xf32, #tpu.memory_space<hbm>> -> memref<100000x768xf32, #tpu.memory_space<hbm>>
      tpu.enqueue_indirect_dma source(%dma_start3A_574 : memref<100000x768xf32, #tpu.memory_space<hbm>>) target(%dma_start3A_568 : memref<64x768xf32, #tpu.memory_space<vmem>>) offsets(%dma_start3A_571 : memref<64xi32, #tpu.memory_space<vmem>>) semaphore(%arg12 : memref<!tpu.dma_semaphore, #tpu.memory_space<semaphore_mem>>)
      %add3A_575 = arith.constant 0 : i32
      %add3A_576 = arith.addi %add3A_535, %add3A_575 : i32
      %jit3A = arith.constant 2 : i32
      %div3A = arith.divsi %add3A_576, %jit3A : i32
      %sign3A = arith.constant 0 : i32
      %sign3A_577 = arith.cmpi sgt, %add3A_576, %sign3A : i32
      %sign3A_578 = arith.extui %sign3A_577 : i1 to i32
      %sign3A_579 = arith.constant 0 : i32
      %sign3A_580 = arith.cmpi slt, %add3A_576, %sign3A_579 : i32
      %sign3A_581 = arith.extui %sign3A_580 : i1 to i32
      %sign3A_582 = arith.subi %sign3A_578, %sign3A_581 : i32
      %sign3A_583 = arith.constant 0 : i32
      %sign3A_584 = arith.cmpi sgt, %jit3A, %sign3A_583 : i32
      %sign3A_585 = arith.extui %sign3A_584 : i1 to i32
      %sign3A_586 = arith.constant 0 : i32
      %sign3A_587 = arith.cmpi slt, %jit3A, %sign3A_586 : i32
      %sign3A_588 = arith.extui %sign3A_587 : i1 to i32
      %sign3A_589 = arith.subi %sign3A_585, %sign3A_588 : i32
      %ne3A = arith.cmpi ne, %sign3A_582, %sign3A_589 : i32
      %rem3A = arith.remsi %add3A_576, %jit3A : i32
      %ne3A_590 = arith.constant 0 : i32
      %ne3A_591 = arith.cmpi ne, %rem3A, %ne3A_590 : i32
      %and3A = arith.andi %ne3A, %ne3A_591 : i1
      %sub3A = arith.constant 1 : i32
      %sub3A_592 = arith.subi %div3A, %sub3A : i32
      %select_n3A = arith.select %and3A, %sub3A_592, %div3A : i32
      %jit3A_593 = arith.constant 2 : i32
      %eq3A = arith.constant 0 : i32
      %eq3A_594 = arith.cmpi eq, %jit3A_593, %eq3A : i32
      %jit3A_595 = arith.constant 1 : i32
      %select_n3A_596 = arith.select %eq3A_594, %jit3A_595, %jit3A_593 : i32
      %rem3A_597 = arith.remsi %add3A_576, %select_n3A_596 : i32
      %ne3A_598 = arith.constant 0 : i32
      %ne3A_599 = arith.cmpi ne, %rem3A_597, %ne3A_598 : i32
      %lt3A = arith.constant 0 : i32
      %lt3A_600 = arith.cmpi slt, %rem3A_597, %lt3A : i32
      %lt3A_601 = arith.constant 0 : i32
      %lt3A_602 = arith.cmpi slt, %select_n3A_596, %lt3A_601 : i32
      %ne3A_603 = arith.xori %lt3A_600, %lt3A_602 : i1
      %and3A_604 = arith.andi %ne3A_603, %ne3A_599 : i1
      %add3A_605 = arith.addi %rem3A_597, %select_n3A_596 : i32
      %select_n3A_606 = arith.select %and3A_604, %add3A_605, %rem3A_597 : i32
      %mul3A_607 = arith.constant 2 : i32
      %mul3A_608 = arith.muli %select_n3A_606, %mul3A_607 : i32
      %mul3A_609 = arith.constant 32 : i32
      %mul3A_610 = arith.muli %select_n3A, %mul3A_609 : i32
      %add3A_611 = arith.addi %mul3A_2, %mul3A_610 : i32
      %dma_wait3A_612 = arith.constant 0 : i32
      %dma_wait3A_613 = arith.constant 0 : i32
      %dma_wait3A_614 = arith.constant 0 : i32
      %dma_wait3A_615 = tpu.memref_slice %arg7[%dma_wait3A_612, %dma_wait3A_613, %dma_wait3A_614] : memref<2x64x768xf32, #tpu.memory_space<vmem>> -> memref<1x64x768xf32, #tpu.memory_space<vmem>>
      %dma_wait3A_616 = tpu.memref_squeeze %dma_wait3A_615 : memref<1x64x768xf32, #tpu.memory_space<vmem>> -> memref<64x768xf32, #tpu.memory_space<vmem>>
      %dma_wait3A_617 = arith.constant 0 : i32
      %dma_wait3A_618 = tpu.memref_slice %arg6[%add3A_576, %dma_wait3A_617] : memref<8x64xi32, #tpu.memory_space<vmem>> -> memref<1x64xi32, #tpu.memory_space<vmem>>
      %dma_wait3A_619 = tpu.memref_squeeze %dma_wait3A_618 : memref<1x64xi32, #tpu.memory_space<vmem>> -> memref<64xi32, #tpu.memory_space<vmem>>
      %dma_wait3A_620 = arith.constant 0 : i32
      %dma_wait3A_621 = arith.constant 0 : i32
      %dma_wait3A_622 = tpu.memref_slice %arg3[%dma_wait3A_620, %dma_wait3A_621] : memref<100000x768xf32, #tpu.memory_space<hbm>> -> memref<100000x768xf32, #tpu.memory_space<hbm>>
      tpu.wait_indirect_dma semaphore(%arg11 : memref<!tpu.dma_semaphore, #tpu.memory_space<semaphore_mem>>) src(%dma_wait3A_622 : memref<100000x768xf32, #tpu.memory_space<hbm>>) dst(%dma_wait3A_616 : memref<64x768xf32, #tpu.memory_space<vmem>>)
      %scan3A_623 = arith.constant 0 : i32
      %scan3A_624 = arith.constant 0 : i32
      %scan3A_625 = arith.constant 32 : i32
      %scan3A_626 = arith.addi %scan3A_624, %scan3A_625 : i32
      %scan3A_627 = arith.constant 1 : i32
      scf.for %scan3A_946 = %scan3A_624 to %scan3A_626 step %scan3A_627  : i32 {
        %get3A = arith.index_cast %scan3A_946 : i32 to index
        %get3A_947 = arith.constant 0 : index
        %get3A_948 = tpu.vector_load %arg8[%get3A, %get3A_947] {strides = array<i32>} : memref<32x768xf32, #tpu.memory_space<vmem>>, vector<1x16xf32>,
        %get3A_949 = vector.shape_cast %get3A_948 : vector<1x16xf32> to vector<16xf32>
        %swap3A = arith.constant 0 : i32
        %swap3A_950 = arith.index_cast %swap3A : i32 to index
        %swap3A_951 = arith.index_cast %scan3A_946 : i32 to index
        %swap3A_952 = arith.constant 0 : index
        %swap3A_953 = tpu.vector_load %arg7[%swap3A_950, %swap3A_951, %swap3A_952] {strides = array<i32>} : memref<2x64x768xf32, #tpu.memory_space<vmem>>, vector<1x1x16xf32>,
        %swap3A_954 = vector.shape_cast %swap3A_953 : vector<1x1x16xf32> to vector<16xf32>
        %swap3A_955 = vector.shape_cast %get3A_949 : vector<16xf32> to vector<1x1x16xf32>
        tpu.vector_store %arg7[%swap3A_950, %swap3A_951, %swap3A_952], %swap3A_955 {add = true, strides = array<i32>} : memref<2x64x768xf32, #tpu.memory_space<vmem>>, vector<1x1x16xf32>,
        %add3A_956 = arith.constant 32 : i32
        %add3A_957 = arith.addi %add3A_956, %scan3A_946 : i32
        %swap3A_958 = arith.constant 0 : i32
        %swap3A_959 = arith.index_cast %swap3A_958 : i32 to index
        %swap3A_960 = arith.index_cast %add3A_957 : i32 to index
        %swap3A_961 = arith.constant 0 : index
        %swap3A_962 = tpu.vector_load %arg7[%swap3A_959, %swap3A_960, %swap3A_961] {strides = array<i32>} : memref<2x64x768xf32, #tpu.memory_space<vmem>>, vector<1x1x16xf32>,
        %swap3A_963 = vector.shape_cast %swap3A_962 : vector<1x1x16xf32> to vector<16xf32>
        %swap3A_964 = vector.shape_cast %get3A_949 : vector<16xf32> to vector<1x1x16xf32>
        tpu.vector_store %arg7[%swap3A_959, %swap3A_960, %swap3A_961], %swap3A_964 {add = true, strides = array<i32>} : memref<2x64x768xf32, #tpu.memory_space<vmem>>, vector<1x1x16xf32>,
        %get3A_965 = arith.index_cast %scan3A_946 : i32 to index
        %get3A_966 = arith.constant 16 : index
        %get3A_967 = tpu.vector_load %arg8[%get3A_965, %get3A_966] {strides = array<i32>} : memref<32x768xf32, #tpu.memory_space<vmem>>, vector<1x16xf32>,
        %get3A_968 = vector.shape_cast %get3A_967 : vector<1x16xf32> to vector<16xf32>
        %swap3A_969 = arith.constant 0 : i32
        %swap3A_970 = arith.index_cast %swap3A_969 : i32 to index
        %swap3A_971 = arith.index_cast %scan3A_946 : i32 to index
        %swap3A_972 = arith.constant 16 : index
        %swap3A_973 = tpu.vector_load %arg7[%swap3A_970, %swap3A_971, %swap3A_972] {strides = array<i32>} : memref<2x64x768xf32, #tpu.memory_space<vmem>>, vector<1x1x16xf32>,
        %swap3A_974 = vector.shape_cast %swap3A_973 : vector<1x1x16xf32> to vector<16xf32>
        %swap3A_975 = vector.shape_cast %get3A_968 : vector<16xf32> to vector<1x1x16xf32>
        tpu.vector_store %arg7[%swap3A_970, %swap3A_971, %swap3A_972], %swap3A_975 {add = true, strides = array<i32>} : memref<2x64x768xf32, #tpu.memory_space<vmem>>, vector<1x1x16xf32>,
        %add3A_976 = arith.constant 32 : i32
        %add3A_977 = arith.addi %add3A_976, %scan3A_946 : i32
        %swap3A_978 = arith.constant 0 : i32
        %swap3A_979 = arith.index_cast %swap3A_978 : i32 to index
        %swap3A_980 = arith.index_cast %add3A_977 : i32 to index
        %swap3A_981 = arith.constant 16 : index
        %swap3A_982 = tpu.vector_load %arg7[%swap3A_979, %swap3A_980, %swap3A_981] {strides = array<i32>} : memref<2x64x768xf32, #tpu.memory_space<vmem>>, vector<1x1x16xf32>,
        %swap3A_983 = vector.shape_cast %swap3A_982 : vector<1x1x16xf32> to vector<16xf32>
        %swap3A_984 = vector.shape_cast %get3A_968 : vector<16xf32> to vector<1x1x16xf32>
        tpu.vector_store %arg7[%swap3A_979, %swap3A_980, %swap3A_981], %swap3A_984 {add = true, strides = array<i32>} : memref<2x64x768xf32, #tpu.memory_space<vmem>>, vector<1x1x16xf32>,
        %get3A_985 = arith.index_cast %scan3A_946 : i32 to index
        %get3A_986 = arith.constant 32 : index
        %get3A_987 = tpu.vector_load %arg8[%get3A_985, %get3A_986] {strides = array<i32>} : memref<32x768xf32, #tpu.memory_space<vmem>>, vector<1x16xf32>,
        %get3A_988 = vector.shape_cast %get3A_987 : vector<1x16xf32> to vector<16xf32>
        %swap3A_989 = arith.constant 0 : i32
        %swap3A_990 = arith.index_cast %swap3A_989 : i32 to index
        %swap3A_991 = arith.index_cast %scan3A_946 : i32 to index
        %swap3A_992 = arith.constant 32 : index
        %swap3A_993 = tpu.vector_load %arg7[%swap3A_990, %swap3A_991, %swap3A_992] {strides = array<i32>} : memref<2x64x768xf32, #tpu.memory_space<vmem>>, vector<1x1x16xf32>,
        %swap3A_994 = vector.shape_cast %swap3A_993 : vector<1x1x16xf32> to vector<16xf32>
        %swap3A_995 = vector.shape_cast %get3A_988 : vector<16xf32> to vector<1x1x16xf32>
        tpu.vector_store %arg7[%swap3A_990, %swap3A_991, %swap3A_992], %swap3A_995 {add = true, strides = array<i32>} : memref<2x64x768xf32, #tpu.memory_space<vmem>>, vector<1x1x16xf32>,
        %add3A_996 = arith.constant 32 : i32
        %add3A_997 = arith.addi %add3A_996, %scan3A_946 : i32
        %swap3A_998 = arith.constant 0 : i32
        %swap3A_999 = arith.index_cast %swap3A_998 : i32 to index
        %swap3A_1000 = arith.index_cast %add3A_997 : i32 to index
        %swap3A_1001 = arith.constant 32 : index
        %swap3A_1002 = tpu.vector_load %arg7[%swap3A_999, %swap3A_1000, %swap3A_1001] {strides = array<i32>} : memref<2x64x768xf32, #tpu.memory_space<vmem>>, vector<1x1x16xf32>,
        %swap3A_1003 = vector.shape_cast %swap3A_1002 : vector<1x1x16xf32> to vector<16xf32>
        %swap3A_1004 = vector.shape_cast %get3A_988 : vector<16xf32> to vector<1x1x16xf32>
        tpu.vector_store %arg7[%swap3A_999, %swap3A_1000, %swap3A_1001], %swap3A_1004 {add = true, strides = array<i32>} : memref<2x64x768xf32, #tpu.memory_space<vmem>>, vector<1x1x16xf32>,
        %get3A_1005 = arith.index_cast %scan3A_946 : i32 to index
        %get3A_1006 = arith.constant 48 : index
        %get3A_1007 = tpu.vector_load %arg8[%get3A_1005, %get3A_1006] {strides = array<i32>} : memref<32x768xf32, #tpu.memory_space<vmem>>, vector<1x16xf32>,
        %get3A_1008 = vector.shape_cast %get3A_1007 : vector<1x16xf32> to vector<16xf32>
        %swap3A_1009 = arith.constant 0 : i32
        %swap3A_1010 = arith.index_cast %swap3A_1009 : i32 to index
        %swap3A_1011 = arith.index_cast %scan3A_946 : i32 to index
        %swap3A_1012 = arith.constant 48 : index
        %swap3A_1013 = tpu.vector_load %arg7[%swap3A_1010, %swap3A_1011, %swap3A_1012] {strides = array<i32>} : memref<2x64x768xf32, #tpu.memory_space<vmem>>, vector<1x1x16xf32>,
        %swap3A_1014 = vector.shape_cast %swap3A_1013 : vector<1x1x16xf32> to vector<16xf32>
        %swap3A_1015 = vector.shape_cast %get3A_1008 : vector<16xf32> to vector<1x1x16xf32>
        tpu.vector_store %arg7[%swap3A_1010, %swap3A_1011, %swap3A_1012], %swap3A_1015 {add = true, strides = array<i32>} : memref<2x64x768xf32, #tpu.memory_space<vmem>>, vector<1x1x16xf32>,
        %add3A_1016 = arith.constant 32 : i32
        %add3A_1017 = arith.addi %add3A_1016, %scan3A_946 : i32
        %swap3A_1018 = arith.constant 0 : i32
        %swap3A_1019 = arith.index_cast %swap3A_1018 : i32 to index
        %swap3A_1020 = arith.index_cast %add3A_1017 : i32 to index
        %swap3A_1021 = arith.constant 48 : index
        %swap3A_1022 = tpu.vector_load %arg7[%swap3A_1019, %swap3A_1020, %swap3A_1021] {strides = array<i32>} : memref<2x64x768xf32, #tpu.memory_space<vmem>>, vector<1x1x16xf32>,
        %swap3A_1023 = vector.shape_cast %swap3A_1022 : vector<1x1x16xf32> to vector<16xf32>
        %swap3A_1024 = vector.shape_cast %get3A_1008 : vector<16xf32> to vector<1x1x16xf32>
        tpu.vector_store %arg7[%swap3A_1019, %swap3A_1020, %swap3A_1021], %swap3A_1024 {add = true, strides = array<i32>} : memref<2x64x768xf32, #tpu.memory_space<vmem>>, vector<1x1x16xf32>,
        %get3A_1025 = arith.index_cast %scan3A_946 : i32 to index
        %get3A_1026 = arith.constant 64 : index
        %get3A_1027 = tpu.vector_load %arg8[%get3A_1025, %get3A_1026] {strides = array<i32>} : memref<32x768xf32, #tpu.memory_space<vmem>>, vector<1x16xf32>,
        %get3A_1028 = vector.shape_cast %get3A_1027 : vector<1x16xf32> to vector<16xf32>
        %swap3A_1029 = arith.constant 0 : i32
        %swap3A_1030 = arith.index_cast %swap3A_1029 : i32 to index
        %swap3A_1031 = arith.index_cast %scan3A_946 : i32 to index
        %swap3A_1032 = arith.constant 64 : index
        %swap3A_1033 = tpu.vector_load %arg7[%swap3A_1030, %swap3A_1031, %swap3A_1032] {strides = array<i32>} : memref<2x64x768xf32, #tpu.memory_space<vmem>>, vector<1x1x16xf32>,
        %swap3A_1034 = vector.shape_cast %swap3A_1033 : vector<1x1x16xf32> to vector<16xf32>
        %swap3A_1035 = vector.shape_cast %get3A_1028 : vector<16xf32> to vector<1x1x16xf32>
        tpu.vector_store %arg7[%swap3A_1030, %swap3A_1031, %swap3A_1032], %swap3A_1035 {add = true, strides = array<i32>} : memref<2x64x768xf32, #tpu.memory_space<vmem>>, vector<1x1x16xf32>,
        %add3A_1036 = arith.constant 32 : i32
        %add3A_1037 = arith.addi %add3A_1036, %scan3A_946 : i32
        %swap3A_1038 = arith.constant 0 : i32
        %swap3A_1039 = arith.index_cast %swap3A_1038 : i32 to index
        %swap3A_1040 = arith.index_cast %add3A_1037 : i32 to index
        %swap3A_1041 = arith.constant 64 : index
        %swap3A_1042 = tpu.vector_load %arg7[%swap3A_1039, %swap3A_1040, %swap3A_1041] {strides = array<i32>} : memref<2x64x768xf32, #tpu.memory_space<vmem>>, vector<1x1x16xf32>,
        %swap3A_1043 = vector.shape_cast %swap3A_1042 : vector<1x1x16xf32> to vector<16xf32>
        %swap3A_1044 = vector.shape_cast %get3A_1028 : vector<16xf32> to vector<1x1x16xf32>
        tpu.vector_store %arg7[%swap3A_1039, %swap3A_1040, %swap3A_1041], %swap3A_1044 {add = true, strides = array<i32>} : memref<2x64x768xf32, #tpu.memory_space<vmem>>, vector<1x1x16xf32>,
        %get3A_1045 = arith.index_cast %scan3A_946 : i32 to index
        %get3A_1046 = arith.constant 80 : index
        %get3A_1047 = tpu.vector_load %arg8[%get3A_1045, %get3A_1046] {strides = array<i32>} : memref<32x768xf32, #tpu.memory_space<vmem>>, vector<1x16xf32>,
        %get3A_1048 = vector.shape_cast %get3A_1047 : vector<1x16xf32> to vector<16xf32>
        %swap3A_1049 = arith.constant 0 : i32
        %swap3A_1050 = arith.index_cast %swap3A_1049 : i32 to index
        %swap3A_1051 = arith.index_cast %scan3A_946 : i32 to index
        %swap3A_1052 = arith.constant 80 : index
        %swap3A_1053 = tpu.vector_load %arg7[%swap3A_1050, %swap3A_1051, %swap3A_1052] {strides = array<i32>} : memref<2x64x768xf32, #tpu.memory_space<vmem>>, vector<1x1x16xf32>,
        %swap3A_1054 = vector.shape_cast %swap3A_1053 : vector<1x1x16xf32> to vector<16xf32>
        %swap3A_1055 = vector.shape_cast %get3A_1048 : vector<16xf32> to vector<1x1x16xf32>
        tpu.vector_store %arg7[%swap3A_1050, %swap3A_1051, %swap3A_1052], %swap3A_1055 {add = true, strides = array<i32>} : memref<2x64x768xf32, #tpu.memory_space<vmem>>, vector<1x1x16xf32>,
        %add3A_1056 = arith.constant 32 : i32
        %add3A_1057 = arith.addi %add3A_1056, %scan3A_946 : i32
        %swap3A_1058 = arith.constant 0 : i32
        %swap3A_1059 = arith.index_cast %swap3A_1058 : i32 to index
        %swap3A_1060 = arith.index_cast %add3A_1057 : i32 to index
        %swap3A_1061 = arith.constant 80 : index
        %swap3A_1062 = tpu.vector_load %arg7[%swap3A_1059, %swap3A_1060, %swap3A_1061] {strides = array<i32>} : memref<2x64x768xf32, #tpu.memory_space<vmem>>, vector<1x1x16xf32>,
        %swap3A_1063 = vector.shape_cast %swap3A_1062 : vector<1x1x16xf32> to vector<16xf32>
        %swap3A_1064 = vector.shape_cast %get3A_1048 : vector<16xf32> to vector<1x1x16xf32>
        tpu.vector_store %arg7[%swap3A_1059, %swap3A_1060, %swap3A_1061], %swap3A_1064 {add = true, strides = array<i32>} : memref<2x64x768xf32, #tpu.memory_space<vmem>>, vector<1x1x16xf32>,
        %get3A_1065 = arith.index_cast %scan3A_946 : i32 to index
        %get3A_1066 = arith.constant 96 : index
        %get3A_1067 = tpu.vector_load %arg8[%get3A_1065, %get3A_1066] {strides = array<i32>} : memref<32x768xf32, #tpu.memory_space<vmem>>, vector<1x16xf32>,
        %get3A_1068 = vector.shape_cast %get3A_1067 : vector<1x16xf32> to vector<16xf32>
        %swap3A_1069 = arith.constant 0 : i32
        %swap3A_1070 = arith.index_cast %swap3A_1069 : i32 to index
        %swap3A_1071 = arith.index_cast %scan3A_946 : i32 to index
        %swap3A_1072 = arith.constant 96 : index
        %swap3A_1073 = tpu.vector_load %arg7[%swap3A_1070, %swap3A_1071, %swap3A_1072] {strides = array<i32>} : memref<2x64x768xf32, #tpu.memory_space<vmem>>, vector<1x1x16xf32>,
        %swap3A_1074 = vector.shape_cast %swap3A_1073 : vector<1x1x16xf32> to vector<16xf32>
        %swap3A_1075 = vector.shape_cast %get3A_1068 : vector<16xf32> to vector<1x1x16xf32>
        tpu.vector_store %arg7[%swap3A_1070, %swap3A_1071, %swap3A_1072], %swap3A_1075 {add = true, strides = array<i32>} : memref<2x64x768xf32, #tpu.memory_space<vmem>>, vector<1x1x16xf32>,
        %add3A_1076 = arith.constant 32 : i32
        %add3A_1077 = arith.addi %add3A_1076, %scan3A_946 : i32
        %swap3A_1078 = arith.constant 0 : i32
        %swap3A_1079 = arith.index_cast %swap3A_1078 : i32 to index
        %swap3A_1080 = arith.index_cast %add3A_1077 : i32 to index
        %swap3A_1081 = arith.constant 96 : index
        %swap3A_1082 = tpu.vector_load %arg7[%swap3A_1079, %swap3A_1080, %swap3A_1081] {strides = array<i32>} : memref<2x64x768xf32, #tpu.memory_space<vmem>>, vector<1x1x16xf32>,
        %swap3A_1083 = vector.shape_cast %swap3A_1082 : vector<1x1x16xf32> to vector<16xf32>
        %swap3A_1084 = vector.shape_cast %get3A_1068 : vector<16xf32> to vector<1x1x16xf32>
        tpu.vector_store %arg7[%swap3A_1079, %swap3A_1080, %swap3A_1081], %swap3A_1084 {add = true, strides = array<i32>} : memref<2x64x768xf32, #tpu.memory_space<vmem>>, vector<1x1x16xf32>,
        %get3A_1085 = arith.index_cast %scan3A_946 : i32 to index
        %get3A_1086 = arith.constant 112 : index
        %get3A_1087 = tpu.vector_load %arg8[%get3A_1085, %get3A_1086] {strides = array<i32>} : memref<32x768xf32, #tpu.memory_space<vmem>>, vector<1x16xf32>,
        %get3A_1088 = vector.shape_cast %get3A_1087 : vector<1x16xf32> to vector<16xf32>
        %swap3A_1089 = arith.constant 0 : i32
        %swap3A_1090 = arith.index_cast %swap3A_1089 : i32 to index
        %swap3A_1091 = arith.index_cast %scan3A_946 : i32 to index
        %swap3A_1092 = arith.constant 112 : index
        %swap3A_1093 = tpu.vector_load %arg7[%swap3A_1090, %swap3A_1091, %swap3A_1092] {strides = array<i32>} : memref<2x64x768xf32, #tpu.memory_space<vmem>>, vector<1x1x16xf32>,
        %swap3A_1094 = vector.shape_cast %swap3A_1093 : vector<1x1x16xf32> to vector<16xf32>
        %swap3A_1095 = vector.shape_cast %get3A_1088 : vector<16xf32> to vector<1x1x16xf32>
        tpu.vector_store %arg7[%swap3A_1090, %swap3A_1091, %swap3A_1092], %swap3A_1095 {add = true, strides = array<i32>} : memref<2x64x768xf32, #tpu.memory_space<vmem>>, vector<1x1x16xf32>,
        %add3A_1096 = arith.constant 32 : i32
        %add3A_1097 = arith.addi %add3A_1096, %scan3A_946 : i32
        %swap3A_1098 = arith.constant 0 : i32
        %swap3A_1099 = arith.index_cast %swap3A_1098 : i32 to index
        %swap3A_1100 = arith.index_cast %add3A_1097 : i32 to index
        %swap3A_1101 = arith.constant 112 : index
        %swap3A_1102 = tpu.vector_load %arg7[%swap3A_1099, %swap3A_1100, %swap3A_1101] {strides = array<i32>} : memref<2x64x768xf32, #tpu.memory_space<vmem>>, vector<1x1x16xf32>,
        %swap3A_1103 = vector.shape_cast %swap3A_1102 : vector<1x1x16xf32> to vector<16xf32>
        %swap3A_1104 = vector.shape_cast %get3A_1088 : vector<16xf32> to vector<1x1x16xf32>
        tpu.vector_store %arg7[%swap3A_1099, %swap3A_1100, %swap3A_1101], %swap3A_1104 {add = true, strides = array<i32>} : memref<2x64x768xf32, #tpu.memory_space<vmem>>, vector<1x1x16xf32>,
        %get3A_1105 = arith.index_cast %scan3A_946 : i32 to index
        %get3A_1106 = arith.constant 128 : index
        %get3A_1107 = tpu.vector_load %arg8[%get3A_1105, %get3A_1106] {strides = array<i32>} : memref<32x768xf32, #tpu.memory_space<vmem>>, vector<1x16xf32>,
        %get3A_1108 = vector.shape_cast %get3A_1107 : vector<1x16xf32> to vector<16xf32>
        %swap3A_1109 = arith.constant 0 : i32
        %swap3A_1110 = arith.index_cast %swap3A_1109 : i32 to index
        %swap3A_1111 = arith.index_cast %scan3A_946 : i32 to index
        %swap3A_1112 = arith.constant 128 : index
        %swap3A_1113 = tpu.vector_load %arg7[%swap3A_1110, %swap3A_1111, %swap3A_1112] {strides = array<i32>} : memref<2x64x768xf32, #tpu.memory_space<vmem>>, vector<1x1x16xf32>,
        %swap3A_1114 = vector.shape_cast %swap3A_1113 : vector<1x1x16xf32> to vector<16xf32>
        %swap3A_1115 = vector.shape_cast %get3A_1108 : vector<16xf32> to vector<1x1x16xf32>
        tpu.vector_store %arg7[%swap3A_1110, %swap3A_1111, %swap3A_1112], %swap3A_1115 {add = true, strides = array<i32>} : memref<2x64x768xf32, #tpu.memory_space<vmem>>, vector<1x1x16xf32>,
        %add3A_1116 = arith.constant 32 : i32
        %add3A_1117 = arith.addi %add3A_1116, %scan3A_946 : i32
        %swap3A_1118 = arith.constant 0 : i32
        %swap3A_1119 = arith.index_cast %swap3A_1118 : i32 to index
        %swap3A_1120 = arith.index_cast %add3A_1117 : i32 to index
        %swap3A_1121 = arith.constant 128 : index
        %swap3A_1122 = tpu.vector_load %arg7[%swap3A_1119, %swap3A_1120, %swap3A_1121] {strides = array<i32>} : memref<2x64x768xf32, #tpu.memory_space<vmem>>, vector<1x1x16xf32>,
        %swap3A_1123 = vector.shape_cast %swap3A_1122 : vector<1x1x16xf32> to vector<16xf32>
        %swap3A_1124 = vector.shape_cast %get3A_1108 : vector<16xf32> to vector<1x1x16xf32>
        tpu.vector_store %arg7[%swap3A_1119, %swap3A_1120, %swap3A_1121], %swap3A_1124 {add = true, strides = array<i32>} : memref<2x64x768xf32, #tpu.memory_space<vmem>>, vector<1x1x16xf32>,
        %get3A_1125 = arith.index_cast %scan3A_946 : i32 to index
        %get3A_1126 = arith.constant 144 : index
        %get3A_1127 = tpu.vector_load %arg8[%get3A_1125, %get3A_1126] {strides = array<i32>} : memref<32x768xf32, #tpu.memory_space<vmem>>, vector<1x16xf32>,
        %get3A_1128 = vector.shape_cast %get3A_1127 : vector<1x16xf32> to vector<16xf32>
        %swap3A_1129 = arith.constant 0 : i32
        %swap3A_1130 = arith.index_cast %swap3A_1129 : i32 to index
        %swap3A_1131 = arith.index_cast %scan3A_946 : i32 to index
        %swap3A_1132 = arith.constant 144 : index
        %swap3A_1133 = tpu.vector_load %arg7[%swap3A_1130, %swap3A_1131, %swap3A_1132] {strides = array<i32>} : memref<2x64x768xf32, #tpu.memory_space<vmem>>, vector<1x1x16xf32>,
        %swap3A_1134 = vector.shape_cast %swap3A_1133 : vector<1x1x16xf32> to vector<16xf32>
        %swap3A_1135 = vector.shape_cast %get3A_1128 : vector<16xf32> to vector<1x1x16xf32>
        tpu.vector_store %arg7[%swap3A_1130, %swap3A_1131, %swap3A_1132], %swap3A_1135 {add = true, strides = array<i32>} : memref<2x64x768xf32, #tpu.memory_space<vmem>>, vector<1x1x16xf32>,
        %add3A_1136 = arith.constant 32 : i32
        %add3A_1137 = arith.addi %add3A_1136, %scan3A_946 : i32
        %swap3A_1138 = arith.constant 0 : i32
        %swap3A_1139 = arith.index_cast %swap3A_1138 : i32 to index
        %swap3A_1140 = arith.index_cast %add3A_1137 : i32 to index
        %swap3A_1141 = arith.constant 144 : index
        %swap3A_1142 = tpu.vector_load %arg7[%swap3A_1139, %swap3A_1140, %swap3A_1141] {strides = array<i32>} : memref<2x64x768xf32, #tpu.memory_space<vmem>>, vector<1x1x16xf32>,
        %swap3A_1143 = vector.shape_cast %swap3A_1142 : vector<1x1x16xf32> to vector<16xf32>
        %swap3A_1144 = vector.shape_cast %get3A_1128 : vector<16xf32> to vector<1x1x16xf32>
        tpu.vector_store %arg7[%swap3A_1139, %swap3A_1140, %swap3A_1141], %swap3A_1144 {add = true, strides = array<i32>} : memref<2x64x768xf32, #tpu.memory_space<vmem>>, vector<1x1x16xf32>,
        %get3A_1145 = arith.index_cast %scan3A_946 : i32 to index
        %get3A_1146 = arith.constant 160 : index
        %get3A_1147 = tpu.vector_load %arg8[%get3A_1145, %get3A_1146] {strides = array<i32>} : memref<32x768xf32, #tpu.memory_space<vmem>>, vector<1x16xf32>,
        %get3A_1148 = vector.shape_cast %get3A_1147 : vector<1x16xf32> to vector<16xf32>
        %swap3A_1149 = arith.constant 0 : i32
        %swap3A_1150 = arith.index_cast %swap3A_1149 : i32 to index
        %swap3A_1151 = arith.index_cast %scan3A_946 : i32 to index
        %swap3A_1152 = arith.constant 160 : index
        %swap3A_1153 = tpu.vector_load %arg7[%swap3A_1150, %swap3A_1151, %swap3A_1152] {strides = array<i32>} : memref<2x64x768xf32, #tpu.memory_space<vmem>>, vector<1x1x16xf32>,
        %swap3A_1154 = vector.shape_cast %swap3A_1153 : vector<1x1x16xf32> to vector<16xf32>
        %swap3A_1155 = vector.shape_cast %get3A_1148 : vector<16xf32> to vector<1x1x16xf32>
        tpu.vector_store %arg7[%swap3A_1150, %swap3A_1151, %swap3A_1152], %swap3A_1155 {add = true, strides = array<i32>} : memref<2x64x768xf32, #tpu.memory_space<vmem>>, vector<1x1x16xf32>,
        %add3A_1156 = arith.constant 32 : i32
        %add3A_1157 = arith.addi %add3A_1156, %scan3A_946 : i32
        %swap3A_1158 = arith.constant 0 : i32
        %swap3A_1159 = arith.index_cast %swap3A_1158 : i32 to index
        %swap3A_1160 = arith.index_cast %add3A_1157 : i32 to index
        %swap3A_1161 = arith.constant 160 : index
        %swap3A_1162 = tpu.vector_load %arg7[%swap3A_1159, %swap3A_1160, %swap3A_1161] {strides = array<i32>} : memref<2x64x768xf32, #tpu.memory_space<vmem>>, vector<1x1x16xf32>,
        %swap3A_1163 = vector.shape_cast %swap3A_1162 : vector<1x1x16xf32> to vector<16xf32>
        %swap3A_1164 = vector.shape_cast %get3A_1148 : vector<16xf32> to vector<1x1x16xf32>
        tpu.vector_store %arg7[%swap3A_1159, %swap3A_1160, %swap3A_1161], %swap3A_1164 {add = true, strides = array<i32>} : memref<2x64x768xf32, #tpu.memory_space<vmem>>, vector<1x1x16xf32>,
        %get3A_1165 = arith.index_cast %scan3A_946 : i32 to index
        %get3A_1166 = arith.constant 176 : index
        %get3A_1167 = tpu.vector_load %arg8[%get3A_1165, %get3A_1166] {strides = array<i32>} : memref<32x768xf32, #tpu.memory_space<vmem>>, vector<1x16xf32>,
        %get3A_1168 = vector.shape_cast %get3A_1167 : vector<1x16xf32> to vector<16xf32>
        %swap3A_1169 = arith.constant 0 : i32
        %swap3A_1170 = arith.index_cast %swap3A_1169 : i32 to index
        %swap3A_1171 = arith.index_cast %scan3A_946 : i32 to index
        %swap3A_1172 = arith.constant 176 : index
        %swap3A_1173 = tpu.vector_load %arg7[%swap3A_1170, %swap3A_1171, %swap3A_1172] {strides = array<i32>} : memref<2x64x768xf32, #tpu.memory_space<vmem>>, vector<1x1x16xf32>,
        %swap3A_1174 = vector.shape_cast %swap3A_1173 : vector<1x1x16xf32> to vector<16xf32>
        %swap3A_1175 = vector.shape_cast %get3A_1168 : vector<16xf32> to vector<1x1x16xf32>
        tpu.vector_store %arg7[%swap3A_1170, %swap3A_1171, %swap3A_1172], %swap3A_1175 {add = true, strides = array<i32>} : memref<2x64x768xf32, #tpu.memory_space<vmem>>, vector<1x1x16xf32>,
        %add3A_1176 = arith.constant 32 : i32
        %add3A_1177 = arith.addi %add3A_1176, %scan3A_946 : i32
        %swap3A_1178 = arith.constant 0 : i32
        %swap3A_1179 = arith.index_cast %swap3A_1178 : i32 to index
        %swap3A_1180 = arith.index_cast %add3A_1177 : i32 to index
        %swap3A_1181 = arith.constant 176 : index
        %swap3A_1182 = tpu.vector_load %arg7[%swap3A_1179, %swap3A_1180, %swap3A_1181] {strides = array<i32>} : memref<2x64x768xf32, #tpu.memory_space<vmem>>, vector<1x1x16xf32>,
        %swap3A_1183 = vector.shape_cast %swap3A_1182 : vector<1x1x16xf32> to vector<16xf32>
        %swap3A_1184 = vector.shape_cast %get3A_1168 : vector<16xf32> to vector<1x1x16xf32>
        tpu.vector_store %arg7[%swap3A_1179, %swap3A_1180, %swap3A_1181], %swap3A_1184 {add = true, strides = array<i32>} : memref<2x64x768xf32, #tpu.memory_space<vmem>>, vector<1x1x16xf32>,
        %get3A_1185 = arith.index_cast %scan3A_946 : i32 to index
        %get3A_1186 = arith.constant 192 : index
        %get3A_1187 = tpu.vector_load %arg8[%get3A_1185, %get3A_1186] {strides = array<i32>} : memref<32x768xf32, #tpu.memory_space<vmem>>, vector<1x16xf32>,
        %get3A_1188 = vector.shape_cast %get3A_1187 : vector<1x16xf32> to vector<16xf32>
        %swap3A_1189 = arith.constant 0 : i32
        %swap3A_1190 = arith.index_cast %swap3A_1189 : i32 to index
        %swap3A_1191 = arith.index_cast %scan3A_946 : i32 to index
        %swap3A_1192 = arith.constant 192 : index
        %swap3A_1193 = tpu.vector_load %arg7[%swap3A_1190, %swap3A_1191, %swap3A_1192] {strides = array<i32>} : memref<2x64x768xf32, #tpu.memory_space<vmem>>, vector<1x1x16xf32>,
        %swap3A_1194 = vector.shape_cast %swap3A_1193 : vector<1x1x16xf32> to vector<16xf32>
        %swap3A_1195 = vector.shape_cast %get3A_1188 : vector<16xf32> to vector<1x1x16xf32>
        tpu.vector_store %arg7[%swap3A_1190, %swap3A_1191, %swap3A_1192], %swap3A_1195 {add = true, strides = array<i32>} : memref<2x64x768xf32, #tpu.memory_space<vmem>>, vector<1x1x16xf32>,
        %add3A_1196 = arith.constant 32 : i32
        %add3A_1197 = arith.addi %add3A_1196, %scan3A_946 : i32
        %swap3A_1198 = arith.constant 0 : i32
        %swap3A_1199 = arith.index_cast %swap3A_1198 : i32 to index
        %swap3A_1200 = arith.index_cast %add3A_1197 : i32 to index
        %swap3A_1201 = arith.constant 192 : index
        %swap3A_1202 = tpu.vector_load %arg7[%swap3A_1199, %swap3A_1200, %swap3A_1201] {strides = array<i32>} : memref<2x64x768xf32, #tpu.memory_space<vmem>>, vector<1x1x16xf32>,
        %swap3A_1203 = vector.shape_cast %swap3A_1202 : vector<1x1x16xf32> to vector<16xf32>
        %swap3A_1204 = vector.shape_cast %get3A_1188 : vector<16xf32> to vector<1x1x16xf32>
        tpu.vector_store %arg7[%swap3A_1199, %swap3A_1200, %swap3A_1201], %swap3A_1204 {add = true, strides = array<i32>} : memref<2x64x768xf32, #tpu.memory_space<vmem>>, vector<1x1x16xf32>,
        %get3A_1205 = arith.index_cast %scan3A_946 : i32 to index
        %get3A_1206 = arith.constant 208 : index
        %get3A_1207 = tpu.vector_load %arg8[%get3A_1205, %get3A_1206] {strides = array<i32>} : memref<32x768xf32, #tpu.memory_space<vmem>>, vector<1x16xf32>,
        %get3A_1208 = vector.shape_cast %get3A_1207 : vector<1x16xf32> to vector<16xf32>
        %swap3A_1209 = arith.constant 0 : i32
        %swap3A_1210 = arith.index_cast %swap3A_1209 : i32 to index
        %swap3A_1211 = arith.index_cast %scan3A_946 : i32 to index
        %swap3A_1212 = arith.constant 208 : index
        %swap3A_1213 = tpu.vector_load %arg7[%swap3A_1210, %swap3A_1211, %swap3A_1212] {strides = array<i32>} : memref<2x64x768xf32, #tpu.memory_space<vmem>>, vector<1x1x16xf32>,
        %swap3A_1214 = vector.shape_cast %swap3A_1213 : vector<1x1x16xf32> to vector<16xf32>
        %swap3A_1215 = vector.shape_cast %get3A_1208 : vector<16xf32> to vector<1x1x16xf32>
        tpu.vector_store %arg7[%swap3A_1210, %swap3A_1211, %swap3A_1212], %swap3A_1215 {add = true, strides = array<i32>} : memref<2x64x768xf32, #tpu.memory_space<vmem>>, vector<1x1x16xf32>,
        %add3A_1216 = arith.constant 32 : i32
        %add3A_1217 = arith.addi %add3A_1216, %scan3A_946 : i32
        %swap3A_1218 = arith.constant 0 : i32
        %swap3A_1219 = arith.index_cast %swap3A_1218 : i32 to index
        %swap3A_1220 = arith.index_cast %add3A_1217 : i32 to index
        %swap3A_1221 = arith.constant 208 : index
        %swap3A_1222 = tpu.vector_load %arg7[%swap3A_1219, %swap3A_1220, %swap3A_1221] {strides = array<i32>} : memref<2x64x768xf32, #tpu.memory_space<vmem>>, vector<1x1x16xf32>,
        %swap3A_1223 = vector.shape_cast %swap3A_1222 : vector<1x1x16xf32> to vector<16xf32>
        %swap3A_1224 = vector.shape_cast %get3A_1208 : vector<16xf32> to vector<1x1x16xf32>
        tpu.vector_store %arg7[%swap3A_1219, %swap3A_1220, %swap3A_1221], %swap3A_1224 {add = true, strides = array<i32>} : memref<2x64x768xf32, #tpu.memory_space<vmem>>, vector<1x1x16xf32>,
        %get3A_1225 = arith.index_cast %scan3A_946 : i32 to index
        %get3A_1226 = arith.constant 224 : index
        %get3A_1227 = tpu.vector_load %arg8[%get3A_1225, %get3A_1226] {strides = array<i32>} : memref<32x768xf32, #tpu.memory_space<vmem>>, vector<1x16xf32>,
        %get3A_1228 = vector.shape_cast %get3A_1227 : vector<1x16xf32> to vector<16xf32>
        %swap3A_1229 = arith.constant 0 : i32
        %swap3A_1230 = arith.index_cast %swap3A_1229 : i32 to index
        %swap3A_1231 = arith.index_cast %scan3A_946 : i32 to index
        %swap3A_1232 = arith.constant 224 : index
        %swap3A_1233 = tpu.vector_load %arg7[%swap3A_1230, %swap3A_1231, %swap3A_1232] {strides = array<i32>} : memref<2x64x768xf32, #tpu.memory_space<vmem>>, vector<1x1x16xf32>,
        %swap3A_1234 = vector.shape_cast %swap3A_1233 : vector<1x1x16xf32> to vector<16xf32>
        %swap3A_1235 = vector.shape_cast %get3A_1228 : vector<16xf32> to vector<1x1x16xf32>
        tpu.vector_store %arg7[%swap3A_1230, %swap3A_1231, %swap3A_1232], %swap3A_1235 {add = true, strides = array<i32>} : memref<2x64x768xf32, #tpu.memory_space<vmem>>, vector<1x1x16xf32>,
        %add3A_1236 = arith.constant 32 : i32
        %add3A_1237 = arith.addi %add3A_1236, %scan3A_946 : i32
        %swap3A_1238 = arith.constant 0 : i32
        %swap3A_1239 = arith.index_cast %swap3A_1238 : i32 to index
        %swap3A_1240 = arith.index_cast %add3A_1237 : i32 to index
        %swap3A_1241 = arith.constant 224 : index
        %swap3A_1242 = tpu.vector_load %arg7[%swap3A_1239, %swap3A_1240, %swap3A_1241] {strides = array<i32>} : memref<2x64x768xf32, #tpu.memory_space<vmem>>, vector<1x1x16xf32>,
        %swap3A_1243 = vector.shape_cast %swap3A_1242 : vector<1x1x16xf32> to vector<16xf32>
        %swap3A_1244 = vector.shape_cast %get3A_1228 : vector<16xf32> to vector<1x1x16xf32>
        tpu.vector_store %arg7[%swap3A_1239, %swap3A_1240, %swap3A_1241], %swap3A_1244 {add = true, strides = array<i32>} : memref<2x64x768xf32, #tpu.memory_space<vmem>>, vector<1x1x16xf32>,
        %get3A_1245 = arith.index_cast %scan3A_946 : i32 to index
        %get3A_1246 = arith.constant 240 : index
        %get3A_1247 = tpu.vector_load %arg8[%get3A_1245, %get3A_1246] {strides = array<i32>} : memref<32x768xf32, #tpu.memory_space<vmem>>, vector<1x16xf32>,
        %get3A_1248 = vector.shape_cast %get3A_1247 : vector<1x16xf32> to vector<16xf32>
        %swap3A_1249 = arith.constant 0 : i32
        %swap3A_1250 = arith.index_cast %swap3A_1249 : i32 to index
        %swap3A_1251 = arith.index_cast %scan3A_946 : i32 to index
        %swap3A_1252 = arith.constant 240 : index
        %swap3A_1253 = tpu.vector_load %arg7[%swap3A_1250, %swap3A_1251, %swap3A_1252] {strides = array<i32>} : memref<2x64x768xf32, #tpu.memory_space<vmem>>, vector<1x1x16xf32>,
        %swap3A_1254 = vector.shape_cast %swap3A_1253 : vector<1x1x16xf32> to vector<16xf32>
        %swap3A_1255 = vector.shape_cast %get3A_1248 : vector<16xf32> to vector<1x1x16xf32>
        tpu.vector_store %arg7[%swap3A_1250, %swap3A_1251, %swap3A_1252], %swap3A_1255 {add = true, strides = array<i32>} : memref<2x64x768xf32, #tpu.memory_space<vmem>>, vector<1x1x16xf32>,
        %add3A_1256 = arith.constant 32 : i32
        %add3A_1257 = arith.addi %add3A_1256, %scan3A_946 : i32
        %swap3A_1258 = arith.constant 0 : i32
        %swap3A_1259 = arith.index_cast %swap3A_1258 : i32 to index
        %swap3A_1260 = arith.index_cast %add3A_1257 : i32 to index
        %swap3A_1261 = arith.constant 240 : index
        %swap3A_1262 = tpu.vector_load %arg7[%swap3A_1259, %swap3A_1260, %swap3A_1261] {strides = array<i32>} : memref<2x64x768xf32, #tpu.memory_space<vmem>>, vector<1x1x16xf32>,
        %swap3A_1263 = vector.shape_cast %swap3A_1262 : vector<1x1x16xf32> to vector<16xf32>
        %swap3A_1264 = vector.shape_cast %get3A_1248 : vector<16xf32> to vector<1x1x16xf32>
        tpu.vector_store %arg7[%swap3A_1259, %swap3A_1260, %swap3A_1261], %swap3A_1264 {add = true, strides = array<i32>} : memref<2x64x768xf32, #tpu.memory_space<vmem>>, vector<1x1x16xf32>,
        %get3A_1265 = arith.index_cast %scan3A_946 : i32 to index
        %get3A_1266 = arith.constant 256 : index
        %get3A_1267 = tpu.vector_load %arg8[%get3A_1265, %get3A_1266] {strides = array<i32>} : memref<32x768xf32, #tpu.memory_space<vmem>>, vector<1x16xf32>,
        %get3A_1268 = vector.shape_cast %get3A_1267 : vector<1x16xf32> to vector<16xf32>
        %swap3A_1269 = arith.constant 0 : i32
        %swap3A_1270 = arith.index_cast %swap3A_1269 : i32 to index
        %swap3A_1271 = arith.index_cast %scan3A_946 : i32 to index
        %swap3A_1272 = arith.constant 256 : index
        %swap3A_1273 = tpu.vector_load %arg7[%swap3A_1270, %swap3A_1271, %swap3A_1272] {strides = array<i32>} : memref<2x64x768xf32, #tpu.memory_space<vmem>>, vector<1x1x16xf32>,
        %swap3A_1274 = vector.shape_cast %swap3A_1273 : vector<1x1x16xf32> to vector<16xf32>
        %swap3A_1275 = vector.shape_cast %get3A_1268 : vector<16xf32> to vector<1x1x16xf32>
        tpu.vector_store %arg7[%swap3A_1270, %swap3A_1271, %swap3A_1272], %swap3A_1275 {add = true, strides = array<i32>} : memref<2x64x768xf32, #tpu.memory_space<vmem>>, vector<1x1x16xf32>,
        %add3A_1276 = arith.constant 32 : i32
        %add3A_1277 = arith.addi %add3A_1276, %scan3A_946 : i32
        %swap3A_1278 = arith.constant 0 : i32
        %swap3A_1279 = arith.index_cast %swap3A_1278 : i32 to index
        %swap3A_1280 = arith.index_cast %add3A_1277 : i32 to index
        %swap3A_1281 = arith.constant 256 : index
        %swap3A_1282 = tpu.vector_load %arg7[%swap3A_1279, %swap3A_1280, %swap3A_1281] {strides = array<i32>} : memref<2x64x768xf32, #tpu.memory_space<vmem>>, vector<1x1x16xf32>,
        %swap3A_1283 = vector.shape_cast %swap3A_1282 : vector<1x1x16xf32> to vector<16xf32>
        %swap3A_1284 = vector.shape_cast %get3A_1268 : vector<16xf32> to vector<1x1x16xf32>
        tpu.vector_store %arg7[%swap3A_1279, %swap3A_1280, %swap3A_1281], %swap3A_1284 {add = true, strides = array<i32>} : memref<2x64x768xf32, #tpu.memory_space<vmem>>, vector<1x1x16xf32>,
        %get3A_1285 = arith.index_cast %scan3A_946 : i32 to index
        %get3A_1286 = arith.constant 272 : index
        %get3A_1287 = tpu.vector_load %arg8[%get3A_1285, %get3A_1286] {strides = array<i32>} : memref<32x768xf32, #tpu.memory_space<vmem>>, vector<1x16xf32>,
        %get3A_1288 = vector.shape_cast %get3A_1287 : vector<1x16xf32> to vector<16xf32>
        %swap3A_1289 = arith.constant 0 : i32
        %swap3A_1290 = arith.index_cast %swap3A_1289 : i32 to index
        %swap3A_1291 = arith.index_cast %scan3A_946 : i32 to index
        %swap3A_1292 = arith.constant 272 : index
        %swap3A_1293 = tpu.vector_load %arg7[%swap3A_1290, %swap3A_1291, %swap3A_1292] {strides = array<i32>} : memref<2x64x768xf32, #tpu.memory_space<vmem>>, vector<1x1x16xf32>,
        %swap3A_1294 = vector.shape_cast %swap3A_1293 : vector<1x1x16xf32> to vector<16xf32>
        %swap3A_1295 = vector.shape_cast %get3A_1288 : vector<16xf32> to vector<1x1x16xf32>
        tpu.vector_store %arg7[%swap3A_1290, %swap3A_1291, %swap3A_1292], %swap3A_1295 {add = true, strides = array<i32>} : memref<2x64x768xf32, #tpu.memory_space<vmem>>, vector<1x1x16xf32>,
        %add3A_1296 = arith.constant 32 : i32
        %add3A_1297 = arith.addi %add3A_1296, %scan3A_946 : i32
        %swap3A_1298 = arith.constant 0 : i32
        %swap3A_1299 = arith.index_cast %swap3A_1298 : i32 to index
        %swap3A_1300 = arith.index_cast %add3A_1297 : i32 to index
        %swap3A_1301 = arith.constant 272 : index
        %swap3A_1302 = tpu.vector_load %arg7[%swap3A_1299, %swap3A_1300, %swap3A_1301] {strides = array<i32>} : memref<2x64x768xf32, #tpu.memory_space<vmem>>, vector<1x1x16xf32>,
        %swap3A_1303 = vector.shape_cast %swap3A_1302 : vector<1x1x16xf32> to vector<16xf32>
        %swap3A_1304 = vector.shape_cast %get3A_1288 : vector<16xf32> to vector<1x1x16xf32>
        tpu.vector_store %arg7[%swap3A_1299, %swap3A_1300, %swap3A_1301], %swap3A_1304 {add = true, strides = array<i32>} : memref<2x64x768xf32, #tpu.memory_space<vmem>>, vector<1x1x16xf32>,
        %get3A_1305 = arith.index_cast %scan3A_946 : i32 to index
        %get3A_1306 = arith.constant 288 : index
        %get3A_1307 = tpu.vector_load %arg8[%get3A_1305, %get3A_1306] {strides = array<i32>} : memref<32x768xf32, #tpu.memory_space<vmem>>, vector<1x16xf32>,
        %get3A_1308 = vector.shape_cast %get3A_1307 : vector<1x16xf32> to vector<16xf32>
        %swap3A_1309 = arith.constant 0 : i32
        %swap3A_1310 = arith.index_cast %swap3A_1309 : i32 to index
        %swap3A_1311 = arith.index_cast %scan3A_946 : i32 to index
        %swap3A_1312 = arith.constant 288 : index
        %swap3A_1313 = tpu.vector_load %arg7[%swap3A_1310, %swap3A_1311, %swap3A_1312] {strides = array<i32>} : memref<2x64x768xf32, #tpu.memory_space<vmem>>, vector<1x1x16xf32>,
        %swap3A_1314 = vector.shape_cast %swap3A_1313 : vector<1x1x16xf32> to vector<16xf32>
        %swap3A_1315 = vector.shape_cast %get3A_1308 : vector<16xf32> to vector<1x1x16xf32>
        tpu.vector_store %arg7[%swap3A_1310, %swap3A_1311, %swap3A_1312], %swap3A_1315 {add = true, strides = array<i32>} : memref<2x64x768xf32, #tpu.memory_space<vmem>>, vector<1x1x16xf32>,
        %add3A_1316 = arith.constant 32 : i32
        %add3A_1317 = arith.addi %add3A_1316, %scan3A_946 : i32
        %swap3A_1318 = arith.constant 0 : i32
        %swap3A_1319 = arith.index_cast %swap3A_1318 : i32 to index
        %swap3A_1320 = arith.index_cast %add3A_1317 : i32 to index
        %swap3A_1321 = arith.constant 288 : index
        %swap3A_1322 = tpu.vector_load %arg7[%swap3A_1319, %swap3A_1320, %swap3A_1321] {strides = array<i32>} : memref<2x64x768xf32, #tpu.memory_space<vmem>>, vector<1x1x16xf32>,
        %swap3A_1323 = vector.shape_cast %swap3A_1322 : vector<1x1x16xf32> to vector<16xf32>
        %swap3A_1324 = vector.shape_cast %get3A_1308 : vector<16xf32> to vector<1x1x16xf32>
        tpu.vector_store %arg7[%swap3A_1319, %swap3A_1320, %swap3A_1321], %swap3A_1324 {add = true, strides = array<i32>} : memref<2x64x768xf32, #tpu.memory_space<vmem>>, vector<1x1x16xf32>,
        %get3A_1325 = arith.index_cast %scan3A_946 : i32 to index
        %get3A_1326 = arith.constant 304 : index
        %get3A_1327 = tpu.vector_load %arg8[%get3A_1325, %get3A_1326] {strides = array<i32>} : memref<32x768xf32, #tpu.memory_space<vmem>>, vector<1x16xf32>,
        %get3A_1328 = vector.shape_cast %get3A_1327 : vector<1x16xf32> to vector<16xf32>
        %swap3A_1329 = arith.constant 0 : i32
        %swap3A_1330 = arith.index_cast %swap3A_1329 : i32 to index
        %swap3A_1331 = arith.index_cast %scan3A_946 : i32 to index
        %swap3A_1332 = arith.constant 304 : index
        %swap3A_1333 = tpu.vector_load %arg7[%swap3A_1330, %swap3A_1331, %swap3A_1332] {strides = array<i32>} : memref<2x64x768xf32, #tpu.memory_space<vmem>>, vector<1x1x16xf32>,
        %swap3A_1334 = vector.shape_cast %swap3A_1333 : vector<1x1x16xf32> to vector<16xf32>
        %swap3A_1335 = vector.shape_cast %get3A_1328 : vector<16xf32> to vector<1x1x16xf32>
        tpu.vector_store %arg7[%swap3A_1330, %swap3A_1331, %swap3A_1332], %swap3A_1335 {add = true, strides = array<i32>} : memref<2x64x768xf32, #tpu.memory_space<vmem>>, vector<1x1x16xf32>,
        %add3A_1336 = arith.constant 32 : i32
        %add3A_1337 = arith.addi %add3A_1336, %scan3A_946 : i32
        %swap3A_1338 = arith.constant 0 : i32
        %swap3A_1339 = arith.index_cast %swap3A_1338 : i32 to index
        %swap3A_1340 = arith.index_cast %add3A_1337 : i32 to index
        %swap3A_1341 = arith.constant 304 : index
        %swap3A_1342 = tpu.vector_load %arg7[%swap3A_1339, %swap3A_1340, %swap3A_1341] {strides = array<i32>} : memref<2x64x768xf32, #tpu.memory_space<vmem>>, vector<1x1x16xf32>,
        %swap3A_1343 = vector.shape_cast %swap3A_1342 : vector<1x1x16xf32> to vector<16xf32>
        %swap3A_1344 = vector.shape_cast %get3A_1328 : vector<16xf32> to vector<1x1x16xf32>
        tpu.vector_store %arg7[%swap3A_1339, %swap3A_1340, %swap3A_1341], %swap3A_1344 {add = true, strides = array<i32>} : memref<2x64x768xf32, #tpu.memory_space<vmem>>, vector<1x1x16xf32>,
        %get3A_1345 = arith.index_cast %scan3A_946 : i32 to index
        %get3A_1346 = arith.constant 320 : index
        %get3A_1347 = tpu.vector_load %arg8[%get3A_1345, %get3A_1346] {strides = array<i32>} : memref<32x768xf32, #tpu.memory_space<vmem>>, vector<1x16xf32>,
        %get3A_1348 = vector.shape_cast %get3A_1347 : vector<1x16xf32> to vector<16xf32>
        %swap3A_1349 = arith.constant 0 : i32
        %swap3A_1350 = arith.index_cast %swap3A_1349 : i32 to index
        %swap3A_1351 = arith.index_cast %scan3A_946 : i32 to index
        %swap3A_1352 = arith.constant 320 : index
        %swap3A_1353 = tpu.vector_load %arg7[%swap3A_1350, %swap3A_1351, %swap3A_1352] {strides = array<i32>} : memref<2x64x768xf32, #tpu.memory_space<vmem>>, vector<1x1x16xf32>,
        %swap3A_1354 = vector.shape_cast %swap3A_1353 : vector<1x1x16xf32> to vector<16xf32>
        %swap3A_1355 = vector.shape_cast %get3A_1348 : vector<16xf32> to vector<1x1x16xf32>
        tpu.vector_store %arg7[%swap3A_1350, %swap3A_1351, %swap3A_1352], %swap3A_1355 {add = true, strides = array<i32>} : memref<2x64x768xf32, #tpu.memory_space<vmem>>, vector<1x1x16xf32>,
        %add3A_1356 = arith.constant 32 : i32
        %add3A_1357 = arith.addi %add3A_1356, %scan3A_946 : i32
        %swap3A_1358 = arith.constant 0 : i32
        %swap3A_1359 = arith.index_cast %swap3A_1358 : i32 to index
        %swap3A_1360 = arith.index_cast %add3A_1357 : i32 to index
        %swap3A_1361 = arith.constant 320 : index
        %swap3A_1362 = tpu.vector_load %arg7[%swap3A_1359, %swap3A_1360, %swap3A_1361] {strides = array<i32>} : memref<2x64x768xf32, #tpu.memory_space<vmem>>, vector<1x1x16xf32>,
        %swap3A_1363 = vector.shape_cast %swap3A_1362 : vector<1x1x16xf32> to vector<16xf32>
        %swap3A_1364 = vector.shape_cast %get3A_1348 : vector<16xf32> to vector<1x1x16xf32>
        tpu.vector_store %arg7[%swap3A_1359, %swap3A_1360, %swap3A_1361], %swap3A_1364 {add = true, strides = array<i32>} : memref<2x64x768xf32, #tpu.memory_space<vmem>>, vector<1x1x16xf32>,
        %get3A_1365 = arith.index_cast %scan3A_946 : i32 to index
        %get3A_1366 = arith.constant 336 : index
        %get3A_1367 = tpu.vector_load %arg8[%get3A_1365, %get3A_1366] {strides = array<i32>} : memref<32x768xf32, #tpu.memory_space<vmem>>, vector<1x16xf32>,
        %get3A_1368 = vector.shape_cast %get3A_1367 : vector<1x16xf32> to vector<16xf32>
        %swap3A_1369 = arith.constant 0 : i32
        %swap3A_1370 = arith.index_cast %swap3A_1369 : i32 to index
        %swap3A_1371 = arith.index_cast %scan3A_946 : i32 to index
        %swap3A_1372 = arith.constant 336 : index
        %swap3A_1373 = tpu.vector_load %arg7[%swap3A_1370, %swap3A_1371, %swap3A_1372] {strides = array<i32>} : memref<2x64x768xf32, #tpu.memory_space<vmem>>, vector<1x1x16xf32>,
        %swap3A_1374 = vector.shape_cast %swap3A_1373 : vector<1x1x16xf32> to vector<16xf32>
        %swap3A_1375 = vector.shape_cast %get3A_1368 : vector<16xf32> to vector<1x1x16xf32>
        tpu.vector_store %arg7[%swap3A_1370, %swap3A_1371, %swap3A_1372], %swap3A_1375 {add = true, strides = array<i32>} : memref<2x64x768xf32, #tpu.memory_space<vmem>>, vector<1x1x16xf32>,
        %add3A_1376 = arith.constant 32 : i32
        %add3A_1377 = arith.addi %add3A_1376, %scan3A_946 : i32
        %swap3A_1378 = arith.constant 0 : i32
        %swap3A_1379 = arith.index_cast %swap3A_1378 : i32 to index
        %swap3A_1380 = arith.index_cast %add3A_1377 : i32 to index
        %swap3A_1381 = arith.constant 336 : index
        %swap3A_1382 = tpu.vector_load %arg7[%swap3A_1379, %swap3A_1380, %swap3A_1381] {strides = array<i32>} : memref<2x64x768xf32, #tpu.memory_space<vmem>>, vector<1x1x16xf32>,
        %swap3A_1383 = vector.shape_cast %swap3A_1382 : vector<1x1x16xf32> to vector<16xf32>
        %swap3A_1384 = vector.shape_cast %get3A_1368 : vector<16xf32> to vector<1x1x16xf32>
        tpu.vector_store %arg7[%swap3A_1379, %swap3A_1380, %swap3A_1381], %swap3A_1384 {add = true, strides = array<i32>} : memref<2x64x768xf32, #tpu.memory_space<vmem>>, vector<1x1x16xf32>,
        %get3A_1385 = arith.index_cast %scan3A_946 : i32 to index
        %get3A_1386 = arith.constant 352 : index
        %get3A_1387 = tpu.vector_load %arg8[%get3A_1385, %get3A_1386] {strides = array<i32>} : memref<32x768xf32, #tpu.memory_space<vmem>>, vector<1x16xf32>,
        %get3A_1388 = vector.shape_cast %get3A_1387 : vector<1x16xf32> to vector<16xf32>
        %swap3A_1389 = arith.constant 0 : i32
        %swap3A_1390 = arith.index_cast %swap3A_1389 : i32 to index
        %swap3A_1391 = arith.index_cast %scan3A_946 : i32 to index
        %swap3A_1392 = arith.constant 352 : index
        %swap3A_1393 = tpu.vector_load %arg7[%swap3A_1390, %swap3A_1391, %swap3A_1392] {strides = array<i32>} : memref<2x64x768xf32, #tpu.memory_space<vmem>>, vector<1x1x16xf32>,
        %swap3A_1394 = vector.shape_cast %swap3A_1393 : vector<1x1x16xf32> to vector<16xf32>
        %swap3A_1395 = vector.shape_cast %get3A_1388 : vector<16xf32> to vector<1x1x16xf32>
        tpu.vector_store %arg7[%swap3A_1390, %swap3A_1391, %swap3A_1392], %swap3A_1395 {add = true, strides = array<i32>} : memref<2x64x768xf32, #tpu.memory_space<vmem>>, vector<1x1x16xf32>,
        %add3A_1396 = arith.constant 32 : i32
        %add3A_1397 = arith.addi %add3A_1396, %scan3A_946 : i32
        %swap3A_1398 = arith.constant 0 : i32
        %swap3A_1399 = arith.index_cast %swap3A_1398 : i32 to index
        %swap3A_1400 = arith.index_cast %add3A_1397 : i32 to index
        %swap3A_1401 = arith.constant 352 : index
        %swap3A_1402 = tpu.vector_load %arg7[%swap3A_1399, %swap3A_1400, %swap3A_1401] {strides = array<i32>} : memref<2x64x768xf32, #tpu.memory_space<vmem>>, vector<1x1x16xf32>,
        %swap3A_1403 = vector.shape_cast %swap3A_1402 : vector<1x1x16xf32> to vector<16xf32>
        %swap3A_1404 = vector.shape_cast %get3A_1388 : vector<16xf32> to vector<1x1x16xf32>
        tpu.vector_store %arg7[%swap3A_1399, %swap3A_1400, %swap3A_1401], %swap3A_1404 {add = true, strides = array<i32>} : memref<2x64x768xf32, #tpu.memory_space<vmem>>, vector<1x1x16xf32>,
        %get3A_1405 = arith.index_cast %scan3A_946 : i32 to index
        %get3A_1406 = arith.constant 368 : index
        %get3A_1407 = tpu.vector_load %arg8[%get3A_1405, %get3A_1406] {strides = array<i32>} : memref<32x768xf32, #tpu.memory_space<vmem>>, vector<1x16xf32>,
        %get3A_1408 = vector.shape_cast %get3A_1407 : vector<1x16xf32> to vector<16xf32>
        %swap3A_1409 = arith.constant 0 : i32
        %swap3A_1410 = arith.index_cast %swap3A_1409 : i32 to index
        %swap3A_1411 = arith.index_cast %scan3A_946 : i32 to index
        %swap3A_1412 = arith.constant 368 : index
        %swap3A_1413 = tpu.vector_load %arg7[%swap3A_1410, %swap3A_1411, %swap3A_1412] {strides = array<i32>} : memref<2x64x768xf32, #tpu.memory_space<vmem>>, vector<1x1x16xf32>,
        %swap3A_1414 = vector.shape_cast %swap3A_1413 : vector<1x1x16xf32> to vector<16xf32>
        %swap3A_1415 = vector.shape_cast %get3A_1408 : vector<16xf32> to vector<1x1x16xf32>
        tpu.vector_store %arg7[%swap3A_1410, %swap3A_1411, %swap3A_1412], %swap3A_1415 {add = true, strides = array<i32>} : memref<2x64x768xf32, #tpu.memory_space<vmem>>, vector<1x1x16xf32>,
        %add3A_1416 = arith.constant 32 : i32
        %add3A_1417 = arith.addi %add3A_1416, %scan3A_946 : i32
        %swap3A_1418 = arith.constant 0 : i32
        %swap3A_1419 = arith.index_cast %swap3A_1418 : i32 to index
        %swap3A_1420 = arith.index_cast %add3A_1417 : i32 to index
        %swap3A_1421 = arith.constant 368 : index
        %swap3A_1422 = tpu.vector_load %arg7[%swap3A_1419, %swap3A_1420, %swap3A_1421] {strides = array<i32>} : memref<2x64x768xf32, #tpu.memory_space<vmem>>, vector<1x1x16xf32>,
        %swap3A_1423 = vector.shape_cast %swap3A_1422 : vector<1x1x16xf32> to vector<16xf32>
        %swap3A_1424 = vector.shape_cast %get3A_1408 : vector<16xf32> to vector<1x1x16xf32>
        tpu.vector_store %arg7[%swap3A_1419, %swap3A_1420, %swap3A_1421], %swap3A_1424 {add = true, strides = array<i32>} : memref<2x64x768xf32, #tpu.memory_space<vmem>>, vector<1x1x16xf32>,
        %get3A_1425 = arith.index_cast %scan3A_946 : i32 to index
        %get3A_1426 = arith.constant 384 : index
        %get3A_1427 = tpu.vector_load %arg8[%get3A_1425, %get3A_1426] {strides = array<i32>} : memref<32x768xf32, #tpu.memory_space<vmem>>, vector<1x16xf32>,
        %get3A_1428 = vector.shape_cast %get3A_1427 : vector<1x16xf32> to vector<16xf32>
        %swap3A_1429 = arith.constant 0 : i32
        %swap3A_1430 = arith.index_cast %swap3A_1429 : i32 to index
        %swap3A_1431 = arith.index_cast %scan3A_946 : i32 to index
        %swap3A_1432 = arith.constant 384 : index
        %swap3A_1433 = tpu.vector_load %arg7[%swap3A_1430, %swap3A_1431, %swap3A_1432] {strides = array<i32>} : memref<2x64x768xf32, #tpu.memory_space<vmem>>, vector<1x1x16xf32>,
        %swap3A_1434 = vector.shape_cast %swap3A_1433 : vector<1x1x16xf32> to vector<16xf32>
        %swap3A_1435 = vector.shape_cast %get3A_1428 : vector<16xf32> to vector<1x1x16xf32>
        tpu.vector_store %arg7[%swap3A_1430, %swap3A_1431, %swap3A_1432], %swap3A_1435 {add = true, strides = array<i32>} : memref<2x64x768xf32, #tpu.memory_space<vmem>>, vector<1x1x16xf32>,
        %add3A_1436 = arith.constant 32 : i32
        %add3A_1437 = arith.addi %add3A_1436, %scan3A_946 : i32
        %swap3A_1438 = arith.constant 0 : i32
        %swap3A_1439 = arith.index_cast %swap3A_1438 : i32 to index
        %swap3A_1440 = arith.index_cast %add3A_1437 : i32 to index
        %swap3A_1441 = arith.constant 384 : index
        %swap3A_1442 = tpu.vector_load %arg7[%swap3A_1439, %swap3A_1440, %swap3A_1441] {strides = array<i32>} : memref<2x64x768xf32, #tpu.memory_space<vmem>>, vector<1x1x16xf32>,
        %swap3A_1443 = vector.shape_cast %swap3A_1442 : vector<1x1x16xf32> to vector<16xf32>
        %swap3A_1444 = vector.shape_cast %get3A_1428 : vector<16xf32> to vector<1x1x16xf32>
        tpu.vector_store %arg7[%swap3A_1439, %swap3A_1440, %swap3A_1441], %swap3A_1444 {add = true, strides = array<i32>} : memref<2x64x768xf32, #tpu.memory_space<vmem>>, vector<1x1x16xf32>,
        %get3A_1445 = arith.index_cast %scan3A_946 : i32 to index
        %get3A_1446 = arith.constant 400 : index
        %get3A_1447 = tpu.vector_load %arg8[%get3A_1445, %get3A_1446] {strides = array<i32>} : memref<32x768xf32, #tpu.memory_space<vmem>>, vector<1x16xf32>,
        %get3A_1448 = vector.shape_cast %get3A_1447 : vector<1x16xf32> to vector<16xf32>
        %swap3A_1449 = arith.constant 0 : i32
        %swap3A_1450 = arith.index_cast %swap3A_1449 : i32 to index
        %swap3A_1451 = arith.index_cast %scan3A_946 : i32 to index
        %swap3A_1452 = arith.constant 400 : index
        %swap3A_1453 = tpu.vector_load %arg7[%swap3A_1450, %swap3A_1451, %swap3A_1452] {strides = array<i32>} : memref<2x64x768xf32, #tpu.memory_space<vmem>>, vector<1x1x16xf32>,
        %swap3A_1454 = vector.shape_cast %swap3A_1453 : vector<1x1x16xf32> to vector<16xf32>
        %swap3A_1455 = vector.shape_cast %get3A_1448 : vector<16xf32> to vector<1x1x16xf32>
        tpu.vector_store %arg7[%swap3A_1450, %swap3A_1451, %swap3A_1452], %swap3A_1455 {add = true, strides = array<i32>} : memref<2x64x768xf32, #tpu.memory_space<vmem>>, vector<1x1x16xf32>,
        %add3A_1456 = arith.constant 32 : i32
        %add3A_1457 = arith.addi %add3A_1456, %scan3A_946 : i32
        %swap3A_1458 = arith.constant 0 : i32
        %swap3A_1459 = arith.index_cast %swap3A_1458 : i32 to index
        %swap3A_1460 = arith.index_cast %add3A_1457 : i32 to index
        %swap3A_1461 = arith.constant 400 : index
        %swap3A_1462 = tpu.vector_load %arg7[%swap3A_1459, %swap3A_1460, %swap3A_1461] {strides = array<i32>} : memref<2x64x768xf32, #tpu.memory_space<vmem>>, vector<1x1x16xf32>,
        %swap3A_1463 = vector.shape_cast %swap3A_1462 : vector<1x1x16xf32> to vector<16xf32>
        %swap3A_1464 = vector.shape_cast %get3A_1448 : vector<16xf32> to vector<1x1x16xf32>
        tpu.vector_store %arg7[%swap3A_1459, %swap3A_1460, %swap3A_1461], %swap3A_1464 {add = true, strides = array<i32>} : memref<2x64x768xf32, #tpu.memory_space<vmem>>, vector<1x1x16xf32>,
        %get3A_1465 = arith.index_cast %scan3A_946 : i32 to index
        %get3A_1466 = arith.constant 416 : index
        %get3A_1467 = tpu.vector_load %arg8[%get3A_1465, %get3A_1466] {strides = array<i32>} : memref<32x768xf32, #tpu.memory_space<vmem>>, vector<1x16xf32>,
        %get3A_1468 = vector.shape_cast %get3A_1467 : vector<1x16xf32> to vector<16xf32>
        %swap3A_1469 = arith.constant 0 : i32
        %swap3A_1470 = arith.index_cast %swap3A_1469 : i32 to index
        %swap3A_1471 = arith.index_cast %scan3A_946 : i32 to index
        %swap3A_1472 = arith.constant 416 : index
        %swap3A_1473 = tpu.vector_load %arg7[%swap3A_1470, %swap3A_1471, %swap3A_1472] {strides = array<i32>} : memref<2x64x768xf32, #tpu.memory_space<vmem>>, vector<1x1x16xf32>,
        %swap3A_1474 = vector.shape_cast %swap3A_1473 : vector<1x1x16xf32> to vector<16xf32>
        %swap3A_1475 = vector.shape_cast %get3A_1468 : vector<16xf32> to vector<1x1x16xf32>
        tpu.vector_store %arg7[%swap3A_1470, %swap3A_1471, %swap3A_1472], %swap3A_1475 {add = true, strides = array<i32>} : memref<2x64x768xf32, #tpu.memory_space<vmem>>, vector<1x1x16xf32>,
        %add3A_1476 = arith.constant 32 : i32
        %add3A_1477 = arith.addi %add3A_1476, %scan3A_946 : i32
        %swap3A_1478 = arith.constant 0 : i32
        %swap3A_1479 = arith.index_cast %swap3A_1478 : i32 to index
        %swap3A_1480 = arith.index_cast %add3A_1477 : i32 to index
        %swap3A_1481 = arith.constant 416 : index
        %swap3A_1482 = tpu.vector_load %arg7[%swap3A_1479, %swap3A_1480, %swap3A_1481] {strides = array<i32>} : memref<2x64x768xf32, #tpu.memory_space<vmem>>, vector<1x1x16xf32>,
        %swap3A_1483 = vector.shape_cast %swap3A_1482 : vector<1x1x16xf32> to vector<16xf32>
        %swap3A_1484 = vector.shape_cast %get3A_1468 : vector<16xf32> to vector<1x1x16xf32>
        tpu.vector_store %arg7[%swap3A_1479, %swap3A_1480, %swap3A_1481], %swap3A_1484 {add = true, strides = array<i32>} : memref<2x64x768xf32, #tpu.memory_space<vmem>>, vector<1x1x16xf32>,
        %get3A_1485 = arith.index_cast %scan3A_946 : i32 to index
        %get3A_1486 = arith.constant 432 : index
        %get3A_1487 = tpu.vector_load %arg8[%get3A_1485, %get3A_1486] {strides = array<i32>} : memref<32x768xf32, #tpu.memory_space<vmem>>, vector<1x16xf32>,
        %get3A_1488 = vector.shape_cast %get3A_1487 : vector<1x16xf32> to vector<16xf32>
        %swap3A_1489 = arith.constant 0 : i32
        %swap3A_1490 = arith.index_cast %swap3A_1489 : i32 to index
        %swap3A_1491 = arith.index_cast %scan3A_946 : i32 to index
        %swap3A_1492 = arith.constant 432 : index
        %swap3A_1493 = tpu.vector_load %arg7[%swap3A_1490, %swap3A_1491, %swap3A_1492] {strides = array<i32>} : memref<2x64x768xf32, #tpu.memory_space<vmem>>, vector<1x1x16xf32>,
        %swap3A_1494 = vector.shape_cast %swap3A_1493 : vector<1x1x16xf32> to vector<16xf32>
        %swap3A_1495 = vector.shape_cast %get3A_1488 : vector<16xf32> to vector<1x1x16xf32>
        tpu.vector_store %arg7[%swap3A_1490, %swap3A_1491, %swap3A_1492], %swap3A_1495 {add = true, strides = array<i32>} : memref<2x64x768xf32, #tpu.memory_space<vmem>>, vector<1x1x16xf32>,
        %add3A_1496 = arith.constant 32 : i32
        %add3A_1497 = arith.addi %add3A_1496, %scan3A_946 : i32
        %swap3A_1498 = arith.constant 0 : i32
        %swap3A_1499 = arith.index_cast %swap3A_1498 : i32 to index
        %swap3A_1500 = arith.index_cast %add3A_1497 : i32 to index
        %swap3A_1501 = arith.constant 432 : index
        %swap3A_1502 = tpu.vector_load %arg7[%swap3A_1499, %swap3A_1500, %swap3A_1501] {strides = array<i32>} : memref<2x64x768xf32, #tpu.memory_space<vmem>>, vector<1x1x16xf32>,
        %swap3A_1503 = vector.shape_cast %swap3A_1502 : vector<1x1x16xf32> to vector<16xf32>
        %swap3A_1504 = vector.shape_cast %get3A_1488 : vector<16xf32> to vector<1x1x16xf32>
        tpu.vector_store %arg7[%swap3A_1499, %swap3A_1500, %swap3A_1501], %swap3A_1504 {add = true, strides = array<i32>} : memref<2x64x768xf32, #tpu.memory_space<vmem>>, vector<1x1x16xf32>,
        %get3A_1505 = arith.index_cast %scan3A_946 : i32 to index
        %get3A_1506 = arith.constant 448 : index
        %get3A_1507 = tpu.vector_load %arg8[%get3A_1505, %get3A_1506] {strides = array<i32>} : memref<32x768xf32, #tpu.memory_space<vmem>>, vector<1x16xf32>,
        %get3A_1508 = vector.shape_cast %get3A_1507 : vector<1x16xf32> to vector<16xf32>
        %swap3A_1509 = arith.constant 0 : i32
        %swap3A_1510 = arith.index_cast %swap3A_1509 : i32 to index
        %swap3A_1511 = arith.index_cast %scan3A_946 : i32 to index
        %swap3A_1512 = arith.constant 448 : index
        %swap3A_1513 = tpu.vector_load %arg7[%swap3A_1510, %swap3A_1511, %swap3A_1512] {strides = array<i32>} : memref<2x64x768xf32, #tpu.memory_space<vmem>>, vector<1x1x16xf32>,
        %swap3A_1514 = vector.shape_cast %swap3A_1513 : vector<1x1x16xf32> to vector<16xf32>
        %swap3A_1515 = vector.shape_cast %get3A_1508 : vector<16xf32> to vector<1x1x16xf32>
        tpu.vector_store %arg7[%swap3A_1510, %swap3A_1511, %swap3A_1512], %swap3A_1515 {add = true, strides = array<i32>} : memref<2x64x768xf32, #tpu.memory_space<vmem>>, vector<1x1x16xf32>,
        %add3A_1516 = arith.constant 32 : i32
        %add3A_1517 = arith.addi %add3A_1516, %scan3A_946 : i32
        %swap3A_1518 = arith.constant 0 : i32
        %swap3A_1519 = arith.index_cast %swap3A_1518 : i32 to index
        %swap3A_1520 = arith.index_cast %add3A_1517 : i32 to index
        %swap3A_1521 = arith.constant 448 : index
        %swap3A_1522 = tpu.vector_load %arg7[%swap3A_1519, %swap3A_1520, %swap3A_1521] {strides = array<i32>} : memref<2x64x768xf32, #tpu.memory_space<vmem>>, vector<1x1x16xf32>,
        %swap3A_1523 = vector.shape_cast %swap3A_1522 : vector<1x1x16xf32> to vector<16xf32>
        %swap3A_1524 = vector.shape_cast %get3A_1508 : vector<16xf32> to vector<1x1x16xf32>
        tpu.vector_store %arg7[%swap3A_1519, %swap3A_1520, %swap3A_1521], %swap3A_1524 {add = true, strides = array<i32>} : memref<2x64x768xf32, #tpu.memory_space<vmem>>, vector<1x1x16xf32>,
        %get3A_1525 = arith.index_cast %scan3A_946 : i32 to index
        %get3A_1526 = arith.constant 464 : index
        %get3A_1527 = tpu.vector_load %arg8[%get3A_1525, %get3A_1526] {strides = array<i32>} : memref<32x768xf32, #tpu.memory_space<vmem>>, vector<1x16xf32>,
        %get3A_1528 = vector.shape_cast %get3A_1527 : vector<1x16xf32> to vector<16xf32>
        %swap3A_1529 = arith.constant 0 : i32
        %swap3A_1530 = arith.index_cast %swap3A_1529 : i32 to index
        %swap3A_1531 = arith.index_cast %scan3A_946 : i32 to index
        %swap3A_1532 = arith.constant 464 : index
        %swap3A_1533 = tpu.vector_load %arg7[%swap3A_1530, %swap3A_1531, %swap3A_1532] {strides = array<i32>} : memref<2x64x768xf32, #tpu.memory_space<vmem>>, vector<1x1x16xf32>,
        %swap3A_1534 = vector.shape_cast %swap3A_1533 : vector<1x1x16xf32> to vector<16xf32>
        %swap3A_1535 = vector.shape_cast %get3A_1528 : vector<16xf32> to vector<1x1x16xf32>
        tpu.vector_store %arg7[%swap3A_1530, %swap3A_1531, %swap3A_1532], %swap3A_1535 {add = true, strides = array<i32>} : memref<2x64x768xf32, #tpu.memory_space<vmem>>, vector<1x1x16xf32>,
        %add3A_1536 = arith.constant 32 : i32
        %add3A_1537 = arith.addi %add3A_1536, %scan3A_946 : i32
        %swap3A_1538 = arith.constant 0 : i32
        %swap3A_1539 = arith.index_cast %swap3A_1538 : i32 to index
        %swap3A_1540 = arith.index_cast %add3A_1537 : i32 to index
        %swap3A_1541 = arith.constant 464 : index
        %swap3A_1542 = tpu.vector_load %arg7[%swap3A_1539, %swap3A_1540, %swap3A_1541] {strides = array<i32>} : memref<2x64x768xf32, #tpu.memory_space<vmem>>, vector<1x1x16xf32>,
        %swap3A_1543 = vector.shape_cast %swap3A_1542 : vector<1x1x16xf32> to vector<16xf32>
        %swap3A_1544 = vector.shape_cast %get3A_1528 : vector<16xf32> to vector<1x1x16xf32>
        tpu.vector_store %arg7[%swap3A_1539, %swap3A_1540, %swap3A_1541], %swap3A_1544 {add = true, strides = array<i32>} : memref<2x64x768xf32, #tpu.memory_space<vmem>>, vector<1x1x16xf32>,
        %get3A_1545 = arith.index_cast %scan3A_946 : i32 to index
        %get3A_1546 = arith.constant 480 : index
        %get3A_1547 = tpu.vector_load %arg8[%get3A_1545, %get3A_1546] {strides = array<i32>} : memref<32x768xf32, #tpu.memory_space<vmem>>, vector<1x16xf32>,
        %get3A_1548 = vector.shape_cast %get3A_1547 : vector<1x16xf32> to vector<16xf32>
        %swap3A_1549 = arith.constant 0 : i32
        %swap3A_1550 = arith.index_cast %swap3A_1549 : i32 to index
        %swap3A_1551 = arith.index_cast %scan3A_946 : i32 to index
        %swap3A_1552 = arith.constant 480 : index
        %swap3A_1553 = tpu.vector_load %arg7[%swap3A_1550, %swap3A_1551, %swap3A_1552] {strides = array<i32>} : memref<2x64x768xf32, #tpu.memory_space<vmem>>, vector<1x1x16xf32>,
        %swap3A_1554 = vector.shape_cast %swap3A_1553 : vector<1x1x16xf32> to vector<16xf32>
        %swap3A_1555 = vector.shape_cast %get3A_1548 : vector<16xf32> to vector<1x1x16xf32>
        tpu.vector_store %arg7[%swap3A_1550, %swap3A_1551, %swap3A_1552], %swap3A_1555 {add = true, strides = array<i32>} : memref<2x64x768xf32, #tpu.memory_space<vmem>>, vector<1x1x16xf32>,
        %add3A_1556 = arith.constant 32 : i32
        %add3A_1557 = arith.addi %add3A_1556, %scan3A_946 : i32
        %swap3A_1558 = arith.constant 0 : i32
        %swap3A_1559 = arith.index_cast %swap3A_1558 : i32 to index
        %swap3A_1560 = arith.index_cast %add3A_1557 : i32 to index
        %swap3A_1561 = arith.constant 480 : index
        %swap3A_1562 = tpu.vector_load %arg7[%swap3A_1559, %swap3A_1560, %swap3A_1561] {strides = array<i32>} : memref<2x64x768xf32, #tpu.memory_space<vmem>>, vector<1x1x16xf32>,
        %swap3A_1563 = vector.shape_cast %swap3A_1562 : vector<1x1x16xf32> to vector<16xf32>
        %swap3A_1564 = vector.shape_cast %get3A_1548 : vector<16xf32> to vector<1x1x16xf32>
        tpu.vector_store %arg7[%swap3A_1559, %swap3A_1560, %swap3A_1561], %swap3A_1564 {add = true, strides = array<i32>} : memref<2x64x768xf32, #tpu.memory_space<vmem>>, vector<1x1x16xf32>,
        %get3A_1565 = arith.index_cast %scan3A_946 : i32 to index
        %get3A_1566 = arith.constant 496 : index
        %get3A_1567 = tpu.vector_load %arg8[%get3A_1565, %get3A_1566] {strides = array<i32>} : memref<32x768xf32, #tpu.memory_space<vmem>>, vector<1x16xf32>,
        %get3A_1568 = vector.shape_cast %get3A_1567 : vector<1x16xf32> to vector<16xf32>
        %swap3A_1569 = arith.constant 0 : i32
        %swap3A_1570 = arith.index_cast %swap3A_1569 : i32 to index
        %swap3A_1571 = arith.index_cast %scan3A_946 : i32 to index
        %swap3A_1572 = arith.constant 496 : index
        %swap3A_1573 = tpu.vector_load %arg7[%swap3A_1570, %swap3A_1571, %swap3A_1572] {strides = array<i32>} : memref<2x64x768xf32, #tpu.memory_space<vmem>>, vector<1x1x16xf32>,
        %swap3A_1574 = vector.shape_cast %swap3A_1573 : vector<1x1x16xf32> to vector<16xf32>
        %swap3A_1575 = vector.shape_cast %get3A_1568 : vector<16xf32> to vector<1x1x16xf32>
        tpu.vector_store %arg7[%swap3A_1570, %swap3A_1571, %swap3A_1572], %swap3A_1575 {add = true, strides = array<i32>} : memref<2x64x768xf32, #tpu.memory_space<vmem>>, vector<1x1x16xf32>,
        %add3A_1576 = arith.constant 32 : i32
        %add3A_1577 = arith.addi %add3A_1576, %scan3A_946 : i32
        %swap3A_1578 = arith.constant 0 : i32
        %swap3A_1579 = arith.index_cast %swap3A_1578 : i32 to index
        %swap3A_1580 = arith.index_cast %add3A_1577 : i32 to index
        %swap3A_1581 = arith.constant 496 : index
        %swap3A_1582 = tpu.vector_load %arg7[%swap3A_1579, %swap3A_1580, %swap3A_1581] {strides = array<i32>} : memref<2x64x768xf32, #tpu.memory_space<vmem>>, vector<1x1x16xf32>,
        %swap3A_1583 = vector.shape_cast %swap3A_1582 : vector<1x1x16xf32> to vector<16xf32>
        %swap3A_1584 = vector.shape_cast %get3A_1568 : vector<16xf32> to vector<1x1x16xf32>
        tpu.vector_store %arg7[%swap3A_1579, %swap3A_1580, %swap3A_1581], %swap3A_1584 {add = true, strides = array<i32>} : memref<2x64x768xf32, #tpu.memory_space<vmem>>, vector<1x1x16xf32>,
        %get3A_1585 = arith.index_cast %scan3A_946 : i32 to index
        %get3A_1586 = arith.constant 512 : index
        %get3A_1587 = tpu.vector_load %arg8[%get3A_1585, %get3A_1586] {strides = array<i32>} : memref<32x768xf32, #tpu.memory_space<vmem>>, vector<1x16xf32>,
        %get3A_1588 = vector.shape_cast %get3A_1587 : vector<1x16xf32> to vector<16xf32>
        %swap3A_1589 = arith.constant 0 : i32
        %swap3A_1590 = arith.index_cast %swap3A_1589 : i32 to index
        %swap3A_1591 = arith.index_cast %scan3A_946 : i32 to index
        %swap3A_1592 = arith.constant 512 : index
        %swap3A_1593 = tpu.vector_load %arg7[%swap3A_1590, %swap3A_1591, %swap3A_1592] {strides = array<i32>} : memref<2x64x768xf32, #tpu.memory_space<vmem>>, vector<1x1x16xf32>,
        %swap3A_1594 = vector.shape_cast %swap3A_1593 : vector<1x1x16xf32> to vector<16xf32>
        %swap3A_1595 = vector.shape_cast %get3A_1588 : vector<16xf32> to vector<1x1x16xf32>
        tpu.vector_store %arg7[%swap3A_1590, %swap3A_1591, %swap3A_1592], %swap3A_1595 {add = true, strides = array<i32>} : memref<2x64x768xf32, #tpu.memory_space<vmem>>, vector<1x1x16xf32>,
        %add3A_1596 = arith.constant 32 : i32
        %add3A_1597 = arith.addi %add3A_1596, %scan3A_946 : i32
        %swap3A_1598 = arith.constant 0 : i32
        %swap3A_1599 = arith.index_cast %swap3A_1598 : i32 to index
        %swap3A_1600 = arith.index_cast %add3A_1597 : i32 to index
        %swap3A_1601 = arith.constant 512 : index
        %swap3A_1602 = tpu.vector_load %arg7[%swap3A_1599, %swap3A_1600, %swap3A_1601] {strides = array<i32>} : memref<2x64x768xf32, #tpu.memory_space<vmem>>, vector<1x1x16xf32>,
        %swap3A_1603 = vector.shape_cast %swap3A_1602 : vector<1x1x16xf32> to vector<16xf32>
        %swap3A_1604 = vector.shape_cast %get3A_1588 : vector<16xf32> to vector<1x1x16xf32>
        tpu.vector_store %arg7[%swap3A_1599, %swap3A_1600, %swap3A_1601], %swap3A_1604 {add = true, strides = array<i32>} : memref<2x64x768xf32, #tpu.memory_space<vmem>>, vector<1x1x16xf32>,
        %get3A_1605 = arith.index_cast %scan3A_946 : i32 to index
        %get3A_1606 = arith.constant 528 : index
        %get3A_1607 = tpu.vector_load %arg8[%get3A_1605, %get3A_1606] {strides = array<i32>} : memref<32x768xf32, #tpu.memory_space<vmem>>, vector<1x16xf32>,
        %get3A_1608 = vector.shape_cast %get3A_1607 : vector<1x16xf32> to vector<16xf32>
        %swap3A_1609 = arith.constant 0 : i32
        %swap3A_1610 = arith.index_cast %swap3A_1609 : i32 to index
        %swap3A_1611 = arith.index_cast %scan3A_946 : i32 to index
        %swap3A_1612 = arith.constant 528 : index
        %swap3A_1613 = tpu.vector_load %arg7[%swap3A_1610, %swap3A_1611, %swap3A_1612] {strides = array<i32>} : memref<2x64x768xf32, #tpu.memory_space<vmem>>, vector<1x1x16xf32>,
        %swap3A_1614 = vector.shape_cast %swap3A_1613 : vector<1x1x16xf32> to vector<16xf32>
        %swap3A_1615 = vector.shape_cast %get3A_1608 : vector<16xf32> to vector<1x1x16xf32>
        tpu.vector_store %arg7[%swap3A_1610, %swap3A_1611, %swap3A_1612], %swap3A_1615 {add = true, strides = array<i32>} : memref<2x64x768xf32, #tpu.memory_space<vmem>>, vector<1x1x16xf32>,
        %add3A_1616 = arith.constant 32 : i32
        %add3A_1617 = arith.addi %add3A_1616, %scan3A_946 : i32
        %swap3A_1618 = arith.constant 0 : i32
        %swap3A_1619 = arith.index_cast %swap3A_1618 : i32 to index
        %swap3A_1620 = arith.index_cast %add3A_1617 : i32 to index
        %swap3A_1621 = arith.constant 528 : index
        %swap3A_1622 = tpu.vector_load %arg7[%swap3A_1619, %swap3A_1620, %swap3A_1621] {strides = array<i32>} : memref<2x64x768xf32, #tpu.memory_space<vmem>>, vector<1x1x16xf32>,
        %swap3A_1623 = vector.shape_cast %swap3A_1622 : vector<1x1x16xf32> to vector<16xf32>
        %swap3A_1624 = vector.shape_cast %get3A_1608 : vector<16xf32> to vector<1x1x16xf32>
        tpu.vector_store %arg7[%swap3A_1619, %swap3A_1620, %swap3A_1621], %swap3A_1624 {add = true, strides = array<i32>} : memref<2x64x768xf32, #tpu.memory_space<vmem>>, vector<1x1x16xf32>,
        %get3A_1625 = arith.index_cast %scan3A_946 : i32 to index
        %get3A_1626 = arith.constant 544 : index
        %get3A_1627 = tpu.vector_load %arg8[%get3A_1625, %get3A_1626] {strides = array<i32>} : memref<32x768xf32, #tpu.memory_space<vmem>>, vector<1x16xf32>,
        %get3A_1628 = vector.shape_cast %get3A_1627 : vector<1x16xf32> to vector<16xf32>
        %swap3A_1629 = arith.constant 0 : i32
        %swap3A_1630 = arith.index_cast %swap3A_1629 : i32 to index
        %swap3A_1631 = arith.index_cast %scan3A_946 : i32 to index
        %swap3A_1632 = arith.constant 544 : index
        %swap3A_1633 = tpu.vector_load %arg7[%swap3A_1630, %swap3A_1631, %swap3A_1632] {strides = array<i32>} : memref<2x64x768xf32, #tpu.memory_space<vmem>>, vector<1x1x16xf32>,
        %swap3A_1634 = vector.shape_cast %swap3A_1633 : vector<1x1x16xf32> to vector<16xf32>
        %swap3A_1635 = vector.shape_cast %get3A_1628 : vector<16xf32> to vector<1x1x16xf32>
        tpu.vector_store %arg7[%swap3A_1630, %swap3A_1631, %swap3A_1632], %swap3A_1635 {add = true, strides = array<i32>} : memref<2x64x768xf32, #tpu.memory_space<vmem>>, vector<1x1x16xf32>,
        %add3A_1636 = arith.constant 32 : i32
        %add3A_1637 = arith.addi %add3A_1636, %scan3A_946 : i32
        %swap3A_1638 = arith.constant 0 : i32
        %swap3A_1639 = arith.index_cast %swap3A_1638 : i32 to index
        %swap3A_1640 = arith.index_cast %add3A_1637 : i32 to index
        %swap3A_1641 = arith.constant 544 : index
        %swap3A_1642 = tpu.vector_load %arg7[%swap3A_1639, %swap3A_1640, %swap3A_1641] {strides = array<i32>} : memref<2x64x768xf32, #tpu.memory_space<vmem>>, vector<1x1x16xf32>,
        %swap3A_1643 = vector.shape_cast %swap3A_1642 : vector<1x1x16xf32> to vector<16xf32>
        %swap3A_1644 = vector.shape_cast %get3A_1628 : vector<16xf32> to vector<1x1x16xf32>
        tpu.vector_store %arg7[%swap3A_1639, %swap3A_1640, %swap3A_1641], %swap3A_1644 {add = true, strides = array<i32>} : memref<2x64x768xf32, #tpu.memory_space<vmem>>, vector<1x1x16xf32>,
        %get3A_1645 = arith.index_cast %scan3A_946 : i32 to index
        %get3A_1646 = arith.constant 560 : index
        %get3A_1647 = tpu.vector_load %arg8[%get3A_1645, %get3A_1646] {strides = array<i32>} : memref<32x768xf32, #tpu.memory_space<vmem>>, vector<1x16xf32>,
        %get3A_1648 = vector.shape_cast %get3A_1647 : vector<1x16xf32> to vector<16xf32>
        %swap3A_1649 = arith.constant 0 : i32
        %swap3A_1650 = arith.index_cast %swap3A_1649 : i32 to index
        %swap3A_1651 = arith.index_cast %scan3A_946 : i32 to index
        %swap3A_1652 = arith.constant 560 : index
        %swap3A_1653 = tpu.vector_load %arg7[%swap3A_1650, %swap3A_1651, %swap3A_1652] {strides = array<i32>} : memref<2x64x768xf32, #tpu.memory_space<vmem>>, vector<1x1x16xf32>,
        %swap3A_1654 = vector.shape_cast %swap3A_1653 : vector<1x1x16xf32> to vector<16xf32>
        %swap3A_1655 = vector.shape_cast %get3A_1648 : vector<16xf32> to vector<1x1x16xf32>
        tpu.vector_store %arg7[%swap3A_1650, %swap3A_1651, %swap3A_1652], %swap3A_1655 {add = true, strides = array<i32>} : memref<2x64x768xf32, #tpu.memory_space<vmem>>, vector<1x1x16xf32>,
        %add3A_1656 = arith.constant 32 : i32
        %add3A_1657 = arith.addi %add3A_1656, %scan3A_946 : i32
        %swap3A_1658 = arith.constant 0 : i32
        %swap3A_1659 = arith.index_cast %swap3A_1658 : i32 to index
        %swap3A_1660 = arith.index_cast %add3A_1657 : i32 to index
        %swap3A_1661 = arith.constant 560 : index
        %swap3A_1662 = tpu.vector_load %arg7[%swap3A_1659, %swap3A_1660, %swap3A_1661] {strides = array<i32>} : memref<2x64x768xf32, #tpu.memory_space<vmem>>, vector<1x1x16xf32>,
        %swap3A_1663 = vector.shape_cast %swap3A_1662 : vector<1x1x16xf32> to vector<16xf32>
        %swap3A_1664 = vector.shape_cast %get3A_1648 : vector<16xf32> to vector<1x1x16xf32>
        tpu.vector_store %arg7[%swap3A_1659, %swap3A_1660, %swap3A_1661], %swap3A_1664 {add = true, strides = array<i32>} : memref<2x64x768xf32, #tpu.memory_space<vmem>>, vector<1x1x16xf32>,
        %get3A_1665 = arith.index_cast %scan3A_946 : i32 to index
        %get3A_1666 = arith.constant 576 : index
        %get3A_1667 = tpu.vector_load %arg8[%get3A_1665, %get3A_1666] {strides = array<i32>} : memref<32x768xf32, #tpu.memory_space<vmem>>, vector<1x16xf32>,
        %get3A_1668 = vector.shape_cast %get3A_1667 : vector<1x16xf32> to vector<16xf32>
        %swap3A_1669 = arith.constant 0 : i32
        %swap3A_1670 = arith.index_cast %swap3A_1669 : i32 to index
        %swap3A_1671 = arith.index_cast %scan3A_946 : i32 to index
        %swap3A_1672 = arith.constant 576 : index
        %swap3A_1673 = tpu.vector_load %arg7[%swap3A_1670, %swap3A_1671, %swap3A_1672] {strides = array<i32>} : memref<2x64x768xf32, #tpu.memory_space<vmem>>, vector<1x1x16xf32>,
        %swap3A_1674 = vector.shape_cast %swap3A_1673 : vector<1x1x16xf32> to vector<16xf32>
        %swap3A_1675 = vector.shape_cast %get3A_1668 : vector<16xf32> to vector<1x1x16xf32>
        tpu.vector_store %arg7[%swap3A_1670, %swap3A_1671, %swap3A_1672], %swap3A_1675 {add = true, strides = array<i32>} : memref<2x64x768xf32, #tpu.memory_space<vmem>>, vector<1x1x16xf32>,
        %add3A_1676 = arith.constant 32 : i32
        %add3A_1677 = arith.addi %add3A_1676, %scan3A_946 : i32
        %swap3A_1678 = arith.constant 0 : i32
        %swap3A_1679 = arith.index_cast %swap3A_1678 : i32 to index
        %swap3A_1680 = arith.index_cast %add3A_1677 : i32 to index
        %swap3A_1681 = arith.constant 576 : index
        %swap3A_1682 = tpu.vector_load %arg7[%swap3A_1679, %swap3A_1680, %swap3A_1681] {strides = array<i32>} : memref<2x64x768xf32, #tpu.memory_space<vmem>>, vector<1x1x16xf32>,
        %swap3A_1683 = vector.shape_cast %swap3A_1682 : vector<1x1x16xf32> to vector<16xf32>
        %swap3A_1684 = vector.shape_cast %get3A_1668 : vector<16xf32> to vector<1x1x16xf32>
        tpu.vector_store %arg7[%swap3A_1679, %swap3A_1680, %swap3A_1681], %swap3A_1684 {add = true, strides = array<i32>} : memref<2x64x768xf32, #tpu.memory_space<vmem>>, vector<1x1x16xf32>,
        %get3A_1685 = arith.index_cast %scan3A_946 : i32 to index
        %get3A_1686 = arith.constant 592 : index
        %get3A_1687 = tpu.vector_load %arg8[%get3A_1685, %get3A_1686] {strides = array<i32>} : memref<32x768xf32, #tpu.memory_space<vmem>>, vector<1x16xf32>,
        %get3A_1688 = vector.shape_cast %get3A_1687 : vector<1x16xf32> to vector<16xf32>
        %swap3A_1689 = arith.constant 0 : i32
        %swap3A_1690 = arith.index_cast %swap3A_1689 : i32 to index
        %swap3A_1691 = arith.index_cast %scan3A_946 : i32 to index
        %swap3A_1692 = arith.constant 592 : index
        %swap3A_1693 = tpu.vector_load %arg7[%swap3A_1690, %swap3A_1691, %swap3A_1692] {strides = array<i32>} : memref<2x64x768xf32, #tpu.memory_space<vmem>>, vector<1x1x16xf32>,
        %swap3A_1694 = vector.shape_cast %swap3A_1693 : vector<1x1x16xf32> to vector<16xf32>
        %swap3A_1695 = vector.shape_cast %get3A_1688 : vector<16xf32> to vector<1x1x16xf32>
        tpu.vector_store %arg7[%swap3A_1690, %swap3A_1691, %swap3A_1692], %swap3A_1695 {add = true, strides = array<i32>} : memref<2x64x768xf32, #tpu.memory_space<vmem>>, vector<1x1x16xf32>,
        %add3A_1696 = arith.constant 32 : i32
        %add3A_1697 = arith.addi %add3A_1696, %scan3A_946 : i32
        %swap3A_1698 = arith.constant 0 : i32
        %swap3A_1699 = arith.index_cast %swap3A_1698 : i32 to index
        %swap3A_1700 = arith.index_cast %add3A_1697 : i32 to index
        %swap3A_1701 = arith.constant 592 : index
        %swap3A_1702 = tpu.vector_load %arg7[%swap3A_1699, %swap3A_1700, %swap3A_1701] {strides = array<i32>} : memref<2x64x768xf32, #tpu.memory_space<vmem>>, vector<1x1x16xf32>,
        %swap3A_1703 = vector.shape_cast %swap3A_1702 : vector<1x1x16xf32> to vector<16xf32>
        %swap3A_1704 = vector.shape_cast %get3A_1688 : vector<16xf32> to vector<1x1x16xf32>
        tpu.vector_store %arg7[%swap3A_1699, %swap3A_1700, %swap3A_1701], %swap3A_1704 {add = true, strides = array<i32>} : memref<2x64x768xf32, #tpu.memory_space<vmem>>, vector<1x1x16xf32>,
        %get3A_1705 = arith.index_cast %scan3A_946 : i32 to index
        %get3A_1706 = arith.constant 608 : index
        %get3A_1707 = tpu.vector_load %arg8[%get3A_1705, %get3A_1706] {strides = array<i32>} : memref<32x768xf32, #tpu.memory_space<vmem>>, vector<1x16xf32>,
        %get3A_1708 = vector.shape_cast %get3A_1707 : vector<1x16xf32> to vector<16xf32>
        %swap3A_1709 = arith.constant 0 : i32
        %swap3A_1710 = arith.index_cast %swap3A_1709 : i32 to index
        %swap3A_1711 = arith.index_cast %scan3A_946 : i32 to index
        %swap3A_1712 = arith.constant 608 : index
        %swap3A_1713 = tpu.vector_load %arg7[%swap3A_1710, %swap3A_1711, %swap3A_1712] {strides = array<i32>} : memref<2x64x768xf32, #tpu.memory_space<vmem>>, vector<1x1x16xf32>,
        %swap3A_1714 = vector.shape_cast %swap3A_1713 : vector<1x1x16xf32> to vector<16xf32>
        %swap3A_1715 = vector.shape_cast %get3A_1708 : vector<16xf32> to vector<1x1x16xf32>
        tpu.vector_store %arg7[%swap3A_1710, %swap3A_1711, %swap3A_1712], %swap3A_1715 {add = true, strides = array<i32>} : memref<2x64x768xf32, #tpu.memory_space<vmem>>, vector<1x1x16xf32>,
        %add3A_1716 = arith.constant 32 : i32
        %add3A_1717 = arith.addi %add3A_1716, %scan3A_946 : i32
        %swap3A_1718 = arith.constant 0 : i32
        %swap3A_1719 = arith.index_cast %swap3A_1718 : i32 to index
        %swap3A_1720 = arith.index_cast %add3A_1717 : i32 to index
        %swap3A_1721 = arith.constant 608 : index
        %swap3A_1722 = tpu.vector_load %arg7[%swap3A_1719, %swap3A_1720, %swap3A_1721] {strides = array<i32>} : memref<2x64x768xf32, #tpu.memory_space<vmem>>, vector<1x1x16xf32>,
        %swap3A_1723 = vector.shape_cast %swap3A_1722 : vector<1x1x16xf32> to vector<16xf32>
        %swap3A_1724 = vector.shape_cast %get3A_1708 : vector<16xf32> to vector<1x1x16xf32>
        tpu.vector_store %arg7[%swap3A_1719, %swap3A_1720, %swap3A_1721], %swap3A_1724 {add = true, strides = array<i32>} : memref<2x64x768xf32, #tpu.memory_space<vmem>>, vector<1x1x16xf32>,
        %get3A_1725 = arith.index_cast %scan3A_946 : i32 to index
        %get3A_1726 = arith.constant 624 : index
        %get3A_1727 = tpu.vector_load %arg8[%get3A_1725, %get3A_1726] {strides = array<i32>} : memref<32x768xf32, #tpu.memory_space<vmem>>, vector<1x16xf32>,
        %get3A_1728 = vector.shape_cast %get3A_1727 : vector<1x16xf32> to vector<16xf32>
        %swap3A_1729 = arith.constant 0 : i32
        %swap3A_1730 = arith.index_cast %swap3A_1729 : i32 to index
        %swap3A_1731 = arith.index_cast %scan3A_946 : i32 to index
        %swap3A_1732 = arith.constant 624 : index
        %swap3A_1733 = tpu.vector_load %arg7[%swap3A_1730, %swap3A_1731, %swap3A_1732] {strides = array<i32>} : memref<2x64x768xf32, #tpu.memory_space<vmem>>, vector<1x1x16xf32>,
        %swap3A_1734 = vector.shape_cast %swap3A_1733 : vector<1x1x16xf32> to vector<16xf32>
        %swap3A_1735 = vector.shape_cast %get3A_1728 : vector<16xf32> to vector<1x1x16xf32>
        tpu.vector_store %arg7[%swap3A_1730, %swap3A_1731, %swap3A_1732], %swap3A_1735 {add = true, strides = array<i32>} : memref<2x64x768xf32, #tpu.memory_space<vmem>>, vector<1x1x16xf32>,
        %add3A_1736 = arith.constant 32 : i32
        %add3A_1737 = arith.addi %add3A_1736, %scan3A_946 : i32
        %swap3A_1738 = arith.constant 0 : i32
        %swap3A_1739 = arith.index_cast %swap3A_1738 : i32 to index
        %swap3A_1740 = arith.index_cast %add3A_1737 : i32 to index
        %swap3A_1741 = arith.constant 624 : index
        %swap3A_1742 = tpu.vector_load %arg7[%swap3A_1739, %swap3A_1740, %swap3A_1741] {strides = array<i32>} : memref<2x64x768xf32, #tpu.memory_space<vmem>>, vector<1x1x16xf32>,
        %swap3A_1743 = vector.shape_cast %swap3A_1742 : vector<1x1x16xf32> to vector<16xf32>
        %swap3A_1744 = vector.shape_cast %get3A_1728 : vector<16xf32> to vector<1x1x16xf32>
        tpu.vector_store %arg7[%swap3A_1739, %swap3A_1740, %swap3A_1741], %swap3A_1744 {add = true, strides = array<i32>} : memref<2x64x768xf32, #tpu.memory_space<vmem>>, vector<1x1x16xf32>,
        %get3A_1745 = arith.index_cast %scan3A_946 : i32 to index
        %get3A_1746 = arith.constant 640 : index
        %get3A_1747 = tpu.vector_load %arg8[%get3A_1745, %get3A_1746] {strides = array<i32>} : memref<32x768xf32, #tpu.memory_space<vmem>>, vector<1x16xf32>,
        %get3A_1748 = vector.shape_cast %get3A_1747 : vector<1x16xf32> to vector<16xf32>
        %swap3A_1749 = arith.constant 0 : i32
        %swap3A_1750 = arith.index_cast %swap3A_1749 : i32 to index
        %swap3A_1751 = arith.index_cast %scan3A_946 : i32 to index
        %swap3A_1752 = arith.constant 640 : index
        %swap3A_1753 = tpu.vector_load %arg7[%swap3A_1750, %swap3A_1751, %swap3A_1752] {strides = array<i32>} : memref<2x64x768xf32, #tpu.memory_space<vmem>>, vector<1x1x16xf32>,
        %swap3A_1754 = vector.shape_cast %swap3A_1753 : vector<1x1x16xf32> to vector<16xf32>
        %swap3A_1755 = vector.shape_cast %get3A_1748 : vector<16xf32> to vector<1x1x16xf32>
        tpu.vector_store %arg7[%swap3A_1750, %swap3A_1751, %swap3A_1752], %swap3A_1755 {add = true, strides = array<i32>} : memref<2x64x768xf32, #tpu.memory_space<vmem>>, vector<1x1x16xf32>,
        %add3A_1756 = arith.constant 32 : i32
        %add3A_1757 = arith.addi %add3A_1756, %scan3A_946 : i32
        %swap3A_1758 = arith.constant 0 : i32
        %swap3A_1759 = arith.index_cast %swap3A_1758 : i32 to index
        %swap3A_1760 = arith.index_cast %add3A_1757 : i32 to index
        %swap3A_1761 = arith.constant 640 : index
        %swap3A_1762 = tpu.vector_load %arg7[%swap3A_1759, %swap3A_1760, %swap3A_1761] {strides = array<i32>} : memref<2x64x768xf32, #tpu.memory_space<vmem>>, vector<1x1x16xf32>,
        %swap3A_1763 = vector.shape_cast %swap3A_1762 : vector<1x1x16xf32> to vector<16xf32>
        %swap3A_1764 = vector.shape_cast %get3A_1748 : vector<16xf32> to vector<1x1x16xf32>
        tpu.vector_store %arg7[%swap3A_1759, %swap3A_1760, %swap3A_1761], %swap3A_1764 {add = true, strides = array<i32>} : memref<2x64x768xf32, #tpu.memory_space<vmem>>, vector<1x1x16xf32>,
        %get3A_1765 = arith.index_cast %scan3A_946 : i32 to index
        %get3A_1766 = arith.constant 656 : index
        %get3A_1767 = tpu.vector_load %arg8[%get3A_1765, %get3A_1766] {strides = array<i32>} : memref<32x768xf32, #tpu.memory_space<vmem>>, vector<1x16xf32>,
        %get3A_1768 = vector.shape_cast %get3A_1767 : vector<1x16xf32> to vector<16xf32>
        %swap3A_1769 = arith.constant 0 : i32
        %swap3A_1770 = arith.index_cast %swap3A_1769 : i32 to index
        %swap3A_1771 = arith.index_cast %scan3A_946 : i32 to index
        %swap3A_1772 = arith.constant 656 : index
        %swap3A_1773 = tpu.vector_load %arg7[%swap3A_1770, %swap3A_1771, %swap3A_1772] {strides = array<i32>} : memref<2x64x768xf32, #tpu.memory_space<vmem>>, vector<1x1x16xf32>,
        %swap3A_1774 = vector.shape_cast %swap3A_1773 : vector<1x1x16xf32> to vector<16xf32>
        %swap3A_1775 = vector.shape_cast %get3A_1768 : vector<16xf32> to vector<1x1x16xf32>
        tpu.vector_store %arg7[%swap3A_1770, %swap3A_1771, %swap3A_1772], %swap3A_1775 {add = true, strides = array<i32>} : memref<2x64x768xf32, #tpu.memory_space<vmem>>, vector<1x1x16xf32>,
        %add3A_1776 = arith.constant 32 : i32
        %add3A_1777 = arith.addi %add3A_1776, %scan3A_946 : i32
        %swap3A_1778 = arith.constant 0 : i32
        %swap3A_1779 = arith.index_cast %swap3A_1778 : i32 to index
        %swap3A_1780 = arith.index_cast %add3A_1777 : i32 to index
        %swap3A_1781 = arith.constant 656 : index
        %swap3A_1782 = tpu.vector_load %arg7[%swap3A_1779, %swap3A_1780, %swap3A_1781] {strides = array<i32>} : memref<2x64x768xf32, #tpu.memory_space<vmem>>, vector<1x1x16xf32>,
        %swap3A_1783 = vector.shape_cast %swap3A_1782 : vector<1x1x16xf32> to vector<16xf32>
        %swap3A_1784 = vector.shape_cast %get3A_1768 : vector<16xf32> to vector<1x1x16xf32>
        tpu.vector_store %arg7[%swap3A_1779, %swap3A_1780, %swap3A_1781], %swap3A_1784 {add = true, strides = array<i32>} : memref<2x64x768xf32, #tpu.memory_space<vmem>>, vector<1x1x16xf32>,
        %get3A_1785 = arith.index_cast %scan3A_946 : i32 to index
        %get3A_1786 = arith.constant 672 : index
        %get3A_1787 = tpu.vector_load %arg8[%get3A_1785, %get3A_1786] {strides = array<i32>} : memref<32x768xf32, #tpu.memory_space<vmem>>, vector<1x16xf32>,
        %get3A_1788 = vector.shape_cast %get3A_1787 : vector<1x16xf32> to vector<16xf32>
        %swap3A_1789 = arith.constant 0 : i32
        %swap3A_1790 = arith.index_cast %swap3A_1789 : i32 to index
        %swap3A_1791 = arith.index_cast %scan3A_946 : i32 to index
        %swap3A_1792 = arith.constant 672 : index
        %swap3A_1793 = tpu.vector_load %arg7[%swap3A_1790, %swap3A_1791, %swap3A_1792] {strides = array<i32>} : memref<2x64x768xf32, #tpu.memory_space<vmem>>, vector<1x1x16xf32>,
        %swap3A_1794 = vector.shape_cast %swap3A_1793 : vector<1x1x16xf32> to vector<16xf32>
        %swap3A_1795 = vector.shape_cast %get3A_1788 : vector<16xf32> to vector<1x1x16xf32>
        tpu.vector_store %arg7[%swap3A_1790, %swap3A_1791, %swap3A_1792], %swap3A_1795 {add = true, strides = array<i32>} : memref<2x64x768xf32, #tpu.memory_space<vmem>>, vector<1x1x16xf32>,
        %add3A_1796 = arith.constant 32 : i32
        %add3A_1797 = arith.addi %add3A_1796, %scan3A_946 : i32
        %swap3A_1798 = arith.constant 0 : i32
        %swap3A_1799 = arith.index_cast %swap3A_1798 : i32 to index
        %swap3A_1800 = arith.index_cast %add3A_1797 : i32 to index
        %swap3A_1801 = arith.constant 672 : index
        %swap3A_1802 = tpu.vector_load %arg7[%swap3A_1799, %swap3A_1800, %swap3A_1801] {strides = array<i32>} : memref<2x64x768xf32, #tpu.memory_space<vmem>>, vector<1x1x16xf32>,
        %swap3A_1803 = vector.shape_cast %swap3A_1802 : vector<1x1x16xf32> to vector<16xf32>
        %swap3A_1804 = vector.shape_cast %get3A_1788 : vector<16xf32> to vector<1x1x16xf32>
        tpu.vector_store %arg7[%swap3A_1799, %swap3A_1800, %swap3A_1801], %swap3A_1804 {add = true, strides = array<i32>} : memref<2x64x768xf32, #tpu.memory_space<vmem>>, vector<1x1x16xf32>,
        %get3A_1805 = arith.index_cast %scan3A_946 : i32 to index
        %get3A_1806 = arith.constant 688 : index
        %get3A_1807 = tpu.vector_load %arg8[%get3A_1805, %get3A_1806] {strides = array<i32>} : memref<32x768xf32, #tpu.memory_space<vmem>>, vector<1x16xf32>,
        %get3A_1808 = vector.shape_cast %get3A_1807 : vector<1x16xf32> to vector<16xf32>
        %swap3A_1809 = arith.constant 0 : i32
        %swap3A_1810 = arith.index_cast %swap3A_1809 : i32 to index
        %swap3A_1811 = arith.index_cast %scan3A_946 : i32 to index
        %swap3A_1812 = arith.constant 688 : index
        %swap3A_1813 = tpu.vector_load %arg7[%swap3A_1810, %swap3A_1811, %swap3A_1812] {strides = array<i32>} : memref<2x64x768xf32, #tpu.memory_space<vmem>>, vector<1x1x16xf32>,
        %swap3A_1814 = vector.shape_cast %swap3A_1813 : vector<1x1x16xf32> to vector<16xf32>
        %swap3A_1815 = vector.shape_cast %get3A_1808 : vector<16xf32> to vector<1x1x16xf32>
        tpu.vector_store %arg7[%swap3A_1810, %swap3A_1811, %swap3A_1812], %swap3A_1815 {add = true, strides = array<i32>} : memref<2x64x768xf32, #tpu.memory_space<vmem>>, vector<1x1x16xf32>,
        %add3A_1816 = arith.constant 32 : i32
        %add3A_1817 = arith.addi %add3A_1816, %scan3A_946 : i32
        %swap3A_1818 = arith.constant 0 : i32
        %swap3A_1819 = arith.index_cast %swap3A_1818 : i32 to index
        %swap3A_1820 = arith.index_cast %add3A_1817 : i32 to index
        %swap3A_1821 = arith.constant 688 : index
        %swap3A_1822 = tpu.vector_load %arg7[%swap3A_1819, %swap3A_1820, %swap3A_1821] {strides = array<i32>} : memref<2x64x768xf32, #tpu.memory_space<vmem>>, vector<1x1x16xf32>,
        %swap3A_1823 = vector.shape_cast %swap3A_1822 : vector<1x1x16xf32> to vector<16xf32>
        %swap3A_1824 = vector.shape_cast %get3A_1808 : vector<16xf32> to vector<1x1x16xf32>
        tpu.vector_store %arg7[%swap3A_1819, %swap3A_1820, %swap3A_1821], %swap3A_1824 {add = true, strides = array<i32>} : memref<2x64x768xf32, #tpu.memory_space<vmem>>, vector<1x1x16xf32>,
        %get3A_1825 = arith.index_cast %scan3A_946 : i32 to index
        %get3A_1826 = arith.constant 704 : index
        %get3A_1827 = tpu.vector_load %arg8[%get3A_1825, %get3A_1826] {strides = array<i32>} : memref<32x768xf32, #tpu.memory_space<vmem>>, vector<1x16xf32>,
        %get3A_1828 = vector.shape_cast %get3A_1827 : vector<1x16xf32> to vector<16xf32>
        %swap3A_1829 = arith.constant 0 : i32
        %swap3A_1830 = arith.index_cast %swap3A_1829 : i32 to index
        %swap3A_1831 = arith.index_cast %scan3A_946 : i32 to index
        %swap3A_1832 = arith.constant 704 : index
        %swap3A_1833 = tpu.vector_load %arg7[%swap3A_1830, %swap3A_1831, %swap3A_1832] {strides = array<i32>} : memref<2x64x768xf32, #tpu.memory_space<vmem>>, vector<1x1x16xf32>,
        %swap3A_1834 = vector.shape_cast %swap3A_1833 : vector<1x1x16xf32> to vector<16xf32>
        %swap3A_1835 = vector.shape_cast %get3A_1828 : vector<16xf32> to vector<1x1x16xf32>
        tpu.vector_store %arg7[%swap3A_1830, %swap3A_1831, %swap3A_1832], %swap3A_1835 {add = true, strides = array<i32>} : memref<2x64x768xf32, #tpu.memory_space<vmem>>, vector<1x1x16xf32>,
        %add3A_1836 = arith.constant 32 : i32
        %add3A_1837 = arith.addi %add3A_1836, %scan3A_946 : i32
        %swap3A_1838 = arith.constant 0 : i32
        %swap3A_1839 = arith.index_cast %swap3A_1838 : i32 to index
        %swap3A_1840 = arith.index_cast %add3A_1837 : i32 to index
        %swap3A_1841 = arith.constant 704 : index
        %swap3A_1842 = tpu.vector_load %arg7[%swap3A_1839, %swap3A_1840, %swap3A_1841] {strides = array<i32>} : memref<2x64x768xf32, #tpu.memory_space<vmem>>, vector<1x1x16xf32>,
        %swap3A_1843 = vector.shape_cast %swap3A_1842 : vector<1x1x16xf32> to vector<16xf32>
        %swap3A_1844 = vector.shape_cast %get3A_1828 : vector<16xf32> to vector<1x1x16xf32>
        tpu.vector_store %arg7[%swap3A_1839, %swap3A_1840, %swap3A_1841], %swap3A_1844 {add = true, strides = array<i32>} : memref<2x64x768xf32, #tpu.memory_space<vmem>>, vector<1x1x16xf32>,
        %get3A_1845 = arith.index_cast %scan3A_946 : i32 to index
        %get3A_1846 = arith.constant 720 : index
        %get3A_1847 = tpu.vector_load %arg8[%get3A_1845, %get3A_1846] {strides = array<i32>} : memref<32x768xf32, #tpu.memory_space<vmem>>, vector<1x16xf32>,
        %get3A_1848 = vector.shape_cast %get3A_1847 : vector<1x16xf32> to vector<16xf32>
        %swap3A_1849 = arith.constant 0 : i32
        %swap3A_1850 = arith.index_cast %swap3A_1849 : i32 to index
        %swap3A_1851 = arith.index_cast %scan3A_946 : i32 to index
        %swap3A_1852 = arith.constant 720 : index
        %swap3A_1853 = tpu.vector_load %arg7[%swap3A_1850, %swap3A_1851, %swap3A_1852] {strides = array<i32>} : memref<2x64x768xf32, #tpu.memory_space<vmem>>, vector<1x1x16xf32>,
        %swap3A_1854 = vector.shape_cast %swap3A_1853 : vector<1x1x16xf32> to vector<16xf32>
        %swap3A_1855 = vector.shape_cast %get3A_1848 : vector<16xf32> to vector<1x1x16xf32>
        tpu.vector_store %arg7[%swap3A_1850, %swap3A_1851, %swap3A_1852], %swap3A_1855 {add = true, strides = array<i32>} : memref<2x64x768xf32, #tpu.memory_space<vmem>>, vector<1x1x16xf32>,
        %add3A_1856 = arith.constant 32 : i32
        %add3A_1857 = arith.addi %add3A_1856, %scan3A_946 : i32
        %swap3A_1858 = arith.constant 0 : i32
        %swap3A_1859 = arith.index_cast %swap3A_1858 : i32 to index
        %swap3A_1860 = arith.index_cast %add3A_1857 : i32 to index
        %swap3A_1861 = arith.constant 720 : index
        %swap3A_1862 = tpu.vector_load %arg7[%swap3A_1859, %swap3A_1860, %swap3A_1861] {strides = array<i32>} : memref<2x64x768xf32, #tpu.memory_space<vmem>>, vector<1x1x16xf32>,
        %swap3A_1863 = vector.shape_cast %swap3A_1862 : vector<1x1x16xf32> to vector<16xf32>
        %swap3A_1864 = vector.shape_cast %get3A_1848 : vector<16xf32> to vector<1x1x16xf32>
        tpu.vector_store %arg7[%swap3A_1859, %swap3A_1860, %swap3A_1861], %swap3A_1864 {add = true, strides = array<i32>} : memref<2x64x768xf32, #tpu.memory_space<vmem>>, vector<1x1x16xf32>,
        %get3A_1865 = arith.index_cast %scan3A_946 : i32 to index
        %get3A_1866 = arith.constant 736 : index
        %get3A_1867 = tpu.vector_load %arg8[%get3A_1865, %get3A_1866] {strides = array<i32>} : memref<32x768xf32, #tpu.memory_space<vmem>>, vector<1x16xf32>,
        %get3A_1868 = vector.shape_cast %get3A_1867 : vector<1x16xf32> to vector<16xf32>
        %swap3A_1869 = arith.constant 0 : i32
        %swap3A_1870 = arith.index_cast %swap3A_1869 : i32 to index
        %swap3A_1871 = arith.index_cast %scan3A_946 : i32 to index
        %swap3A_1872 = arith.constant 736 : index
        %swap3A_1873 = tpu.vector_load %arg7[%swap3A_1870, %swap3A_1871, %swap3A_1872] {strides = array<i32>} : memref<2x64x768xf32, #tpu.memory_space<vmem>>, vector<1x1x16xf32>,
        %swap3A_1874 = vector.shape_cast %swap3A_1873 : vector<1x1x16xf32> to vector<16xf32>
        %swap3A_1875 = vector.shape_cast %get3A_1868 : vector<16xf32> to vector<1x1x16xf32>
        tpu.vector_store %arg7[%swap3A_1870, %swap3A_1871, %swap3A_1872], %swap3A_1875 {add = true, strides = array<i32>} : memref<2x64x768xf32, #tpu.memory_space<vmem>>, vector<1x1x16xf32>,
        %add3A_1876 = arith.constant 32 : i32
        %add3A_1877 = arith.addi %add3A_1876, %scan3A_946 : i32
        %swap3A_1878 = arith.constant 0 : i32
        %swap3A_1879 = arith.index_cast %swap3A_1878 : i32 to index
        %swap3A_1880 = arith.index_cast %add3A_1877 : i32 to index
        %swap3A_1881 = arith.constant 736 : index
        %swap3A_1882 = tpu.vector_load %arg7[%swap3A_1879, %swap3A_1880, %swap3A_1881] {strides = array<i32>} : memref<2x64x768xf32, #tpu.memory_space<vmem>>, vector<1x1x16xf32>,
        %swap3A_1883 = vector.shape_cast %swap3A_1882 : vector<1x1x16xf32> to vector<16xf32>
        %swap3A_1884 = vector.shape_cast %get3A_1868 : vector<16xf32> to vector<1x1x16xf32>
        tpu.vector_store %arg7[%swap3A_1879, %swap3A_1880, %swap3A_1881], %swap3A_1884 {add = true, strides = array<i32>} : memref<2x64x768xf32, #tpu.memory_space<vmem>>, vector<1x1x16xf32>,
        %get3A_1885 = arith.index_cast %scan3A_946 : i32 to index
        %get3A_1886 = arith.constant 752 : index
        %get3A_1887 = tpu.vector_load %arg8[%get3A_1885, %get3A_1886] {strides = array<i32>} : memref<32x768xf32, #tpu.memory_space<vmem>>, vector<1x16xf32>,
        %get3A_1888 = vector.shape_cast %get3A_1887 : vector<1x16xf32> to vector<16xf32>
        %swap3A_1889 = arith.constant 0 : i32
        %swap3A_1890 = arith.index_cast %swap3A_1889 : i32 to index
        %swap3A_1891 = arith.index_cast %scan3A_946 : i32 to index
        %swap3A_1892 = arith.constant 752 : index
        %swap3A_1893 = tpu.vector_load %arg7[%swap3A_1890, %swap3A_1891, %swap3A_1892] {strides = array<i32>} : memref<2x64x768xf32, #tpu.memory_space<vmem>>, vector<1x1x16xf32>,
        %swap3A_1894 = vector.shape_cast %swap3A_1893 : vector<1x1x16xf32> to vector<16xf32>
        %swap3A_1895 = vector.shape_cast %get3A_1888 : vector<16xf32> to vector<1x1x16xf32>
        tpu.vector_store %arg7[%swap3A_1890, %swap3A_1891, %swap3A_1892], %swap3A_1895 {add = true, strides = array<i32>} : memref<2x64x768xf32, #tpu.memory_space<vmem>>, vector<1x1x16xf32>,
        %add3A_1896 = arith.constant 32 : i32
        %add3A_1897 = arith.addi %add3A_1896, %scan3A_946 : i32
        %swap3A_1898 = arith.constant 0 : i32
        %swap3A_1899 = arith.index_cast %swap3A_1898 : i32 to index
        %swap3A_1900 = arith.index_cast %add3A_1897 : i32 to index
        %swap3A_1901 = arith.constant 752 : index
        %swap3A_1902 = tpu.vector_load %arg7[%swap3A_1899, %swap3A_1900, %swap3A_1901] {strides = array<i32>} : memref<2x64x768xf32, #tpu.memory_space<vmem>>, vector<1x1x16xf32>,
        %swap3A_1903 = vector.shape_cast %swap3A_1902 : vector<1x1x16xf32> to vector<16xf32>
        %swap3A_1904 = vector.shape_cast %get3A_1888 : vector<16xf32> to vector<1x1x16xf32>
        tpu.vector_store %arg7[%swap3A_1899, %swap3A_1900, %swap3A_1901], %swap3A_1904 {add = true, strides = array<i32>} : memref<2x64x768xf32, #tpu.memory_space<vmem>>, vector<1x1x16xf32>,
      }
      %scan3A_628 = arith.constant 32 : i32
      %jit3A_629 = arith.constant 2 : i32
      %div3A_630 = arith.divsi %add3A_576, %jit3A_629 : i32
      %sign3A_631 = arith.constant 0 : i32
      %sign3A_632 = arith.cmpi sgt, %add3A_576, %sign3A_631 : i32
      %sign3A_633 = arith.extui %sign3A_632 : i1 to i32
      %sign3A_634 = arith.constant 0 : i32
      %sign3A_635 = arith.cmpi slt, %add3A_576, %sign3A_634 : i32
      %sign3A_636 = arith.extui %sign3A_635 : i1 to i32
      %sign3A_637 = arith.subi %sign3A_633, %sign3A_636 : i32
      %sign3A_638 = arith.constant 0 : i32
      %sign3A_639 = arith.cmpi sgt, %jit3A_629, %sign3A_638 : i32
      %sign3A_640 = arith.extui %sign3A_639 : i1 to i32
      %sign3A_641 = arith.constant 0 : i32
      %sign3A_642 = arith.cmpi slt, %jit3A_629, %sign3A_641 : i32
      %sign3A_643 = arith.extui %sign3A_642 : i1 to i32
      %sign3A_644 = arith.subi %sign3A_640, %sign3A_643 : i32
      %ne3A_645 = arith.cmpi ne, %sign3A_637, %sign3A_644 : i32
      %rem3A_646 = arith.remsi %add3A_576, %jit3A_629 : i32
      %ne3A_647 = arith.constant 0 : i32
      %ne3A_648 = arith.cmpi ne, %rem3A_646, %ne3A_647 : i32
      %and3A_649 = arith.andi %ne3A_645, %ne3A_648 : i1
      %sub3A_650 = arith.constant 1 : i32
      %sub3A_651 = arith.subi %div3A_630, %sub3A_650 : i32
      %select_n3A_652 = arith.select %and3A_649, %sub3A_651, %div3A_630 : i32
      %jit3A_653 = arith.constant 2 : i32
      %eq3A_654 = arith.constant 0 : i32
      %eq3A_655 = arith.cmpi eq, %jit3A_653, %eq3A_654 : i32
      %jit3A_656 = arith.constant 1 : i32
      %select_n3A_657 = arith.select %eq3A_655, %jit3A_656, %jit3A_653 : i32
      %rem3A_658 = arith.remsi %add3A_576, %select_n3A_657 : i32
      %ne3A_659 = arith.constant 0 : i32
      %ne3A_660 = arith.cmpi ne, %rem3A_658, %ne3A_659 : i32
      %lt3A_661 = arith.constant 0 : i32
      %lt3A_662 = arith.cmpi slt, %rem3A_658, %lt3A_661 : i32
      %lt3A_663 = arith.constant 0 : i32
      %lt3A_664 = arith.cmpi slt, %select_n3A_657, %lt3A_663 : i32
      %ne3A_665 = arith.xori %lt3A_662, %lt3A_664 : i1
      %and3A_666 = arith.andi %ne3A_665, %ne3A_660 : i1
      %add3A_667 = arith.addi %rem3A_658, %select_n3A_657 : i32
      %select_n3A_668 = arith.select %and3A_666, %add3A_667, %rem3A_658 : i32
      %mul3A_669 = arith.constant 2 : i32
      %mul3A_670 = arith.muli %select_n3A_668, %mul3A_669 : i32
      %mul3A_671 = arith.constant 32 : i32
      %mul3A_672 = arith.muli %select_n3A_652, %mul3A_671 : i32
      %add3A_673 = arith.addi %mul3A_2, %mul3A_672 : i32
      %add3A_674 = arith.constant 0 : i32
      %add3A_675 = arith.addi %mul3A_670, %add3A_674 : i32
      %dma_start3A_676 = arith.constant 0 : i32
      %dma_start3A_677 = arith.constant 0 : i32
      %dma_start3A_678 = arith.constant 0 : i32
      %dma_start3A_679 = tpu.memref_slice %arg7[%dma_start3A_676, %dma_start3A_677, %dma_start3A_678] : memref<2x64x768xf32, #tpu.memory_space<vmem>> -> memref<1x32x768xf32, #tpu.memory_space<vmem>>
      %dma_start3A_680 = tpu.memref_squeeze %dma_start3A_679 : memref<1x32x768xf32, #tpu.memory_space<vmem>> -> memref<32x768xf32, #tpu.memory_space<vmem>>
      %dma_start3A_681 = arith.constant 0 : i32
      %dma_start3A_682 = tpu.memref_slice %arg5[%add3A_675, %add3A_673, %dma_start3A_681] : memref<4x4096x768xf32, #tpu.memory_space<hbm>> -> memref<1x32x768xf32, #tpu.memory_space<hbm>>
      %dma_start3A_683 = tpu.memref_squeeze %dma_start3A_682 : memref<1x32x768xf32, #tpu.memory_space<hbm>> -> memref<32x768xf32, #tpu.memory_space<hbm>>
      %dma_start3A_684 = arith.constant 0 : i32
      %dma_start3A_685 = tpu.memref_slice %arg5[%add3A_675, %add3A_673, %dma_start3A_684] : memref<4x4096x768xf32, #tpu.memory_space<hbm>> -> memref<1x32x768xf32, #tpu.memory_space<hbm>>
      %dma_start3A_686 = tpu.memref_squeeze %dma_start3A_685 : memref<1x32x768xf32, #tpu.memory_space<hbm>> -> memref<32x768xf32, #tpu.memory_space<hbm>>
      %dma_start3A_687 = arith.constant 0 : i32
      %dma_start3A_688 = arith.constant 0 : i32
      %dma_start3A_689 = tpu.memref_slice %arg7[%dma_start3A_676, %dma_start3A_687, %dma_start3A_688] : memref<2x64x768xf32, #tpu.memory_space<vmem>> -> memref<1x32x768xf32, #tpu.memory_space<vmem>>
      %dma_start3A_690 = tpu.memref_squeeze %dma_start3A_689 : memref<1x32x768xf32, #tpu.memory_space<vmem>> -> memref<32x768xf32, #tpu.memory_space<vmem>>
      tpu.enqueue_dma source(%dma_start3A_690 : memref<32x768xf32, #tpu.memory_space<vmem>>) target(%dma_start3A_686 : memref<32x768xf32, #tpu.memory_space<hbm>>) target_semaphore(%arg13 : memref<!tpu.dma_semaphore, #tpu.memory_space<semaphore_mem>>)
      %jit3A_691 = arith.constant 2 : i32
      %div3A_692 = arith.divsi %add3A_576, %jit3A_691 : i32
      %sign3A_693 = arith.constant 0 : i32
      %sign3A_694 = arith.cmpi sgt, %add3A_576, %sign3A_693 : i32
      %sign3A_695 = arith.extui %sign3A_694 : i1 to i32
      %sign3A_696 = arith.constant 0 : i32
      %sign3A_697 = arith.cmpi slt, %add3A_576, %sign3A_696 : i32
      %sign3A_698 = arith.extui %sign3A_697 : i1 to i32
      %sign3A_699 = arith.subi %sign3A_695, %sign3A_698 : i32
      %sign3A_700 = arith.constant 0 : i32
      %sign3A_701 = arith.cmpi sgt, %jit3A_691, %sign3A_700 : i32
      %sign3A_702 = arith.extui %sign3A_701 : i1 to i32
      %sign3A_703 = arith.constant 0 : i32
      %sign3A_704 = arith.cmpi slt, %jit3A_691, %sign3A_703 : i32
      %sign3A_705 = arith.extui %sign3A_704 : i1 to i32
      %sign3A_706 = arith.subi %sign3A_702, %sign3A_705 : i32
      %ne3A_707 = arith.cmpi ne, %sign3A_699, %sign3A_706 : i32
      %rem3A_708 = arith.remsi %add3A_576, %jit3A_691 : i32
      %ne3A_709 = arith.constant 0 : i32
      %ne3A_710 = arith.cmpi ne, %rem3A_708, %ne3A_709 : i32
      %and3A_711 = arith.andi %ne3A_707, %ne3A_710 : i1
      %sub3A_712 = arith.constant 1 : i32
      %sub3A_713 = arith.subi %div3A_692, %sub3A_712 : i32
      %select_n3A_714 = arith.select %and3A_711, %sub3A_713, %div3A_692 : i32
      %jit3A_715 = arith.constant 2 : i32
      %eq3A_716 = arith.constant 0 : i32
      %eq3A_717 = arith.cmpi eq, %jit3A_715, %eq3A_716 : i32
      %jit3A_718 = arith.constant 1 : i32
      %select_n3A_719 = arith.select %eq3A_717, %jit3A_718, %jit3A_715 : i32
      %rem3A_720 = arith.remsi %add3A_576, %select_n3A_719 : i32
      %ne3A_721 = arith.constant 0 : i32
      %ne3A_722 = arith.cmpi ne, %rem3A_720, %ne3A_721 : i32
      %lt3A_723 = arith.constant 0 : i32
      %lt3A_724 = arith.cmpi slt, %rem3A_720, %lt3A_723 : i32
      %lt3A_725 = arith.constant 0 : i32
      %lt3A_726 = arith.cmpi slt, %select_n3A_719, %lt3A_725 : i32
      %ne3A_727 = arith.xori %lt3A_724, %lt3A_726 : i1
      %and3A_728 = arith.andi %ne3A_727, %ne3A_722 : i1
      %add3A_729 = arith.addi %rem3A_720, %select_n3A_719 : i32
      %select_n3A_730 = arith.select %and3A_728, %add3A_729, %rem3A_720 : i32
      %mul3A_731 = arith.constant 2 : i32
      %mul3A_732 = arith.muli %select_n3A_730, %mul3A_731 : i32
      %mul3A_733 = arith.constant 32 : i32
      %mul3A_734 = arith.muli %select_n3A_714, %mul3A_733 : i32
      %add3A_735 = arith.addi %mul3A_2, %mul3A_734 : i32
      %add3A_736 = arith.constant 1 : i32
      %add3A_737 = arith.addi %mul3A_732, %add3A_736 : i32
      %dma_start3A_738 = arith.constant 0 : i32
      %dma_start3A_739 = arith.constant 32 : i32
      %dma_start3A_740 = arith.constant 0 : i32
      %dma_start3A_741 = tpu.memref_slice %arg7[%dma_start3A_738, %dma_start3A_739, %dma_start3A_740] : memref<2x64x768xf32, #tpu.memory_space<vmem>> -> memref<1x32x768xf32, #tpu.memory_space<vmem>>
      %dma_start3A_742 = tpu.memref_squeeze %dma_start3A_741 : memref<1x32x768xf32, #tpu.memory_space<vmem>> -> memref<32x768xf32, #tpu.memory_space<vmem>>
      %dma_start3A_743 = arith.constant 0 : i32
      %dma_start3A_744 = tpu.memref_slice %arg5[%add3A_737, %add3A_735, %dma_start3A_743] : memref<4x4096x768xf32, #tpu.memory_space<hbm>> -> memref<1x32x768xf32, #tpu.memory_space<hbm>>
      %dma_start3A_745 = tpu.memref_squeeze %dma_start3A_744 : memref<1x32x768xf32, #tpu.memory_space<hbm>> -> memref<32x768xf32, #tpu.memory_space<hbm>>
      %dma_start3A_746 = arith.constant 0 : i32
      %dma_start3A_747 = tpu.memref_slice %arg5[%add3A_737, %add3A_735, %dma_start3A_746] : memref<4x4096x768xf32, #tpu.memory_space<hbm>> -> memref<1x32x768xf32, #tpu.memory_space<hbm>>
      %dma_start3A_748 = tpu.memref_squeeze %dma_start3A_747 : memref<1x32x768xf32, #tpu.memory_space<hbm>> -> memref<32x768xf32, #tpu.memory_space<hbm>>
      %dma_start3A_749 = arith.constant 32 : i32
      %dma_start3A_750 = arith.constant 0 : i32
      %dma_start3A_751 = tpu.memref_slice %arg7[%dma_start3A_738, %dma_start3A_749, %dma_start3A_750] : memref<2x64x768xf32, #tpu.memory_space<vmem>> -> memref<1x32x768xf32, #tpu.memory_space<vmem>>
      %dma_start3A_752 = tpu.memref_squeeze %dma_start3A_751 : memref<1x32x768xf32, #tpu.memory_space<vmem>> -> memref<32x768xf32, #tpu.memory_space<vmem>>
      tpu.enqueue_dma source(%dma_start3A_752 : memref<32x768xf32, #tpu.memory_space<vmem>>) target(%dma_start3A_748 : memref<32x768xf32, #tpu.memory_space<hbm>>) target_semaphore(%arg13 : memref<!tpu.dma_semaphore, #tpu.memory_space<semaphore_mem>>)
      %add3A_753 = arith.constant 1 : i32
      %add3A_754 = arith.addi %add3A_535, %add3A_753 : i32
      %jit3A_755 = arith.constant 2 : i32
      %div3A_756 = arith.divsi %add3A_754, %jit3A_755 : i32
      %sign3A_757 = arith.constant 0 : i32
      %sign3A_758 = arith.cmpi sgt, %add3A_754, %sign3A_757 : i32
      %sign3A_759 = arith.extui %sign3A_758 : i1 to i32
      %sign3A_760 = arith.constant 0 : i32
      %sign3A_761 = arith.cmpi slt, %add3A_754, %sign3A_760 : i32
      %sign3A_762 = arith.extui %sign3A_761 : i1 to i32
      %sign3A_763 = arith.subi %sign3A_759, %sign3A_762 : i32
      %sign3A_764 = arith.constant 0 : i32
      %sign3A_765 = arith.cmpi sgt, %jit3A_755, %sign3A_764 : i32
      %sign3A_766 = arith.extui %sign3A_765 : i1 to i32
      %sign3A_767 = arith.constant 0 : i32
      %sign3A_768 = arith.cmpi slt, %jit3A_755, %sign3A_767 : i32
      %sign3A_769 = arith.extui %sign3A_768 : i1 to i32
      %sign3A_770 = arith.subi %sign3A_766, %sign3A_769 : i32
      %ne3A_771 = arith.cmpi ne, %sign3A_763, %sign3A_770 : i32
      %rem3A_772 = arith.remsi %add3A_754, %jit3A_755 : i32
      %ne3A_773 = arith.constant 0 : i32
      %ne3A_774 = arith.cmpi ne, %rem3A_772, %ne3A_773 : i32
      %and3A_775 = arith.andi %ne3A_771, %ne3A_774 : i1
      %sub3A_776 = arith.constant 1 : i32
      %sub3A_777 = arith.subi %div3A_756, %sub3A_776 : i32
      %select_n3A_778 = arith.select %and3A_775, %sub3A_777, %div3A_756 : i32
      %jit3A_779 = arith.constant 2 : i32
      %eq3A_780 = arith.constant 0 : i32
      %eq3A_781 = arith.cmpi eq, %jit3A_779, %eq3A_780 : i32
      %jit3A_782 = arith.constant 1 : i32
      %select_n3A_783 = arith.select %eq3A_781, %jit3A_782, %jit3A_779 : i32
      %rem3A_784 = arith.remsi %add3A_754, %select_n3A_783 : i32
      %ne3A_785 = arith.constant 0 : i32
      %ne3A_786 = arith.cmpi ne, %rem3A_784, %ne3A_785 : i32
      %lt3A_787 = arith.constant 0 : i32
      %lt3A_788 = arith.cmpi slt, %rem3A_784, %lt3A_787 : i32
      %lt3A_789 = arith.constant 0 : i32
      %lt3A_790 = arith.cmpi slt, %select_n3A_783, %lt3A_789 : i32
      %ne3A_791 = arith.xori %lt3A_788, %lt3A_790 : i1
      %and3A_792 = arith.andi %ne3A_791, %ne3A_786 : i1
      %add3A_793 = arith.addi %rem3A_784, %select_n3A_783 : i32
      %select_n3A_794 = arith.select %and3A_792, %add3A_793, %rem3A_784 : i32
      %mul3A_795 = arith.constant 2 : i32
      %mul3A_796 = arith.muli %select_n3A_794, %mul3A_795 : i32
      %mul3A_797 = arith.constant 32 : i32
      %mul3A_798 = arith.muli %select_n3A_778, %mul3A_797 : i32
      %add3A_799 = arith.addi %mul3A_2, %mul3A_798 : i32
      %dma_wait3A_800 = arith.constant 1 : i32
      %dma_wait3A_801 = arith.constant 0 : i32
      %dma_wait3A_802 = arith.constant 0 : i32
      %dma_wait3A_803 = tpu.memref_slice %arg7[%dma_wait3A_800, %dma_wait3A_801, %dma_wait3A_802] : memref<2x64x768xf32, #tpu.memory_space<vmem>> -> memref<1x64x768xf32, #tpu.memory_space<vmem>>
      %dma_wait3A_804 = tpu.memref_squeeze %dma_wait3A_803 : memref<1x64x768xf32, #tpu.memory_space<vmem>> -> memref<64x768xf32, #tpu.memory_space<vmem>>
      %dma_wait3A_805 = arith.constant 0 : i32
      %dma_wait3A_806 = tpu.memref_slice %arg6[%add3A_754, %dma_wait3A_805] : memref<8x64xi32, #tpu.memory_space<vmem>> -> memref<1x64xi32, #tpu.memory_space<vmem>>
      %dma_wait3A_807 = tpu.memref_squeeze %dma_wait3A_806 : memref<1x64xi32, #tpu.memory_space<vmem>> -> memref<64xi32, #tpu.memory_space<vmem>>
      %dma_wait3A_808 = arith.constant 0 : i32
      %dma_wait3A_809 = arith.constant 0 : i32
      %dma_wait3A_810 = tpu.memref_slice %arg3[%dma_wait3A_808, %dma_wait3A_809] : memref<100000x768xf32, #tpu.memory_space<hbm>> -> memref<100000x768xf32, #tpu.memory_space<hbm>>
      tpu.wait_indirect_dma semaphore(%arg12 : memref<!tpu.dma_semaphore, #tpu.memory_space<semaphore_mem>>) src(%dma_wait3A_810 : memref<100000x768xf32, #tpu.memory_space<hbm>>) dst(%dma_wait3A_804 : memref<64x768xf32, #tpu.memory_space<vmem>>)
      %scan3A_811 = arith.constant 0 : i32
      %scan3A_812 = arith.constant 0 : i32
      %scan3A_813 = arith.constant 32 : i32
      %scan3A_814 = arith.addi %scan3A_812, %scan3A_813 : i32
      %scan3A_815 = arith.constant 1 : i32
      scf.for %scan3A_946 = %scan3A_812 to %scan3A_814 step %scan3A_815  : i32 {
        %get3A = arith.index_cast %scan3A_946 : i32 to index
        %get3A_947 = arith.constant 0 : index
        %get3A_948 = tpu.vector_load %arg8[%get3A, %get3A_947] {strides = array<i32>} : memref<32x768xf32, #tpu.memory_space<vmem>>, vector<1x16xf32>,
        %get3A_949 = vector.shape_cast %get3A_948 : vector<1x16xf32> to vector<16xf32>
        %swap3A = arith.constant 1 : i32
        %swap3A_950 = arith.index_cast %swap3A : i32 to index
        %swap3A_951 = arith.index_cast %scan3A_946 : i32 to index
        %swap3A_952 = arith.constant 0 : index
        %swap3A_953 = tpu.vector_load %arg7[%swap3A_950, %swap3A_951, %swap3A_952] {strides = array<i32>} : memref<2x64x768xf32, #tpu.memory_space<vmem>>, vector<1x1x16xf32>,
        %swap3A_954 = vector.shape_cast %swap3A_953 : vector<1x1x16xf32> to vector<16xf32>
        %swap3A_955 = vector.shape_cast %get3A_949 : vector<16xf32> to vector<1x1x16xf32>
        tpu.vector_store %arg7[%swap3A_950, %swap3A_951, %swap3A_952], %swap3A_955 {add = true, strides = array<i32>} : memref<2x64x768xf32, #tpu.memory_space<vmem>>, vector<1x1x16xf32>,
        %add3A_956 = arith.constant 32 : i32
        %add3A_957 = arith.addi %add3A_956, %scan3A_946 : i32
        %swap3A_958 = arith.constant 1 : i32
        %swap3A_959 = arith.index_cast %swap3A_958 : i32 to index
        %swap3A_960 = arith.index_cast %add3A_957 : i32 to index
        %swap3A_961 = arith.constant 0 : index
        %swap3A_962 = tpu.vector_load %arg7[%swap3A_959, %swap3A_960, %swap3A_961] {strides = array<i32>} : memref<2x64x768xf32, #tpu.memory_space<vmem>>, vector<1x1x16xf32>,
        %swap3A_963 = vector.shape_cast %swap3A_962 : vector<1x1x16xf32> to vector<16xf32>
        %swap3A_964 = vector.shape_cast %get3A_949 : vector<16xf32> to vector<1x1x16xf32>
        tpu.vector_store %arg7[%swap3A_959, %swap3A_960, %swap3A_961], %swap3A_964 {add = true, strides = array<i32>} : memref<2x64x768xf32, #tpu.memory_space<vmem>>, vector<1x1x16xf32>,
        %get3A_965 = arith.index_cast %scan3A_946 : i32 to index
        %get3A_966 = arith.constant 16 : index
        %get3A_967 = tpu.vector_load %arg8[%get3A_965, %get3A_966] {strides = array<i32>} : memref<32x768xf32, #tpu.memory_space<vmem>>, vector<1x16xf32>,
        %get3A_968 = vector.shape_cast %get3A_967 : vector<1x16xf32> to vector<16xf32>
        %swap3A_969 = arith.constant 1 : i32
        %swap3A_970 = arith.index_cast %swap3A_969 : i32 to index
        %swap3A_971 = arith.index_cast %scan3A_946 : i32 to index
        %swap3A_972 = arith.constant 16 : index
        %swap3A_973 = tpu.vector_load %arg7[%swap3A_970, %swap3A_971, %swap3A_972] {strides = array<i32>} : memref<2x64x768xf32, #tpu.memory_space<vmem>>, vector<1x1x16xf32>,
        %swap3A_974 = vector.shape_cast %swap3A_973 : vector<1x1x16xf32> to vector<16xf32>
        %swap3A_975 = vector.shape_cast %get3A_968 : vector<16xf32> to vector<1x1x16xf32>
        tpu.vector_store %arg7[%swap3A_970, %swap3A_971, %swap3A_972], %swap3A_975 {add = true, strides = array<i32>} : memref<2x64x768xf32, #tpu.memory_space<vmem>>, vector<1x1x16xf32>,
        %add3A_976 = arith.constant 32 : i32
        %add3A_977 = arith.addi %add3A_976, %scan3A_946 : i32
        %swap3A_978 = arith.constant 1 : i32
        %swap3A_979 = arith.index_cast %swap3A_978 : i32 to index
        %swap3A_980 = arith.index_cast %add3A_977 : i32 to index
        %swap3A_981 = arith.constant 16 : index
        %swap3A_982 = tpu.vector_load %arg7[%swap3A_979, %swap3A_980, %swap3A_981] {strides = array<i32>} : memref<2x64x768xf32, #tpu.memory_space<vmem>>, vector<1x1x16xf32>,
        %swap3A_983 = vector.shape_cast %swap3A_982 : vector<1x1x16xf32> to vector<16xf32>
        %swap3A_984 = vector.shape_cast %get3A_968 : vector<16xf32> to vector<1x1x16xf32>
        tpu.vector_store %arg7[%swap3A_979, %swap3A_980, %swap3A_981], %swap3A_984 {add = true, strides = array<i32>} : memref<2x64x768xf32, #tpu.memory_space<vmem>>, vector<1x1x16xf32>,
        %get3A_985 = arith.index_cast %scan3A_946 : i32 to index
        %get3A_986 = arith.constant 32 : index
        %get3A_987 = tpu.vector_load %arg8[%get3A_985, %get3A_986] {strides = array<i32>} : memref<32x768xf32, #tpu.memory_space<vmem>>, vector<1x16xf32>,
        %get3A_988 = vector.shape_cast %get3A_987 : vector<1x16xf32> to vector<16xf32>
        %swap3A_989 = arith.constant 1 : i32
        %swap3A_990 = arith.index_cast %swap3A_989 : i32 to index
        %swap3A_991 = arith.index_cast %scan3A_946 : i32 to index
        %swap3A_992 = arith.constant 32 : index
        %swap3A_993 = tpu.vector_load %arg7[%swap3A_990, %swap3A_991, %swap3A_992] {strides = array<i32>} : memref<2x64x768xf32, #tpu.memory_space<vmem>>, vector<1x1x16xf32>,
        %swap3A_994 = vector.shape_cast %swap3A_993 : vector<1x1x16xf32> to vector<16xf32>
        %swap3A_995 = vector.shape_cast %get3A_988 : vector<16xf32> to vector<1x1x16xf32>
        tpu.vector_store %arg7[%swap3A_990, %swap3A_991, %swap3A_992], %swap3A_995 {add = true, strides = array<i32>} : memref<2x64x768xf32, #tpu.memory_space<vmem>>, vector<1x1x16xf32>,
        %add3A_996 = arith.constant 32 : i32
        %add3A_997 = arith.addi %add3A_996, %scan3A_946 : i32
        %swap3A_998 = arith.constant 1 : i32
        %swap3A_999 = arith.index_cast %swap3A_998 : i32 to index
        %swap3A_1000 = arith.index_cast %add3A_997 : i32 to index
        %swap3A_1001 = arith.constant 32 : index
        %swap3A_1002 = tpu.vector_load %arg7[%swap3A_999, %swap3A_1000, %swap3A_1001] {strides = array<i32>} : memref<2x64x768xf32, #tpu.memory_space<vmem>>, vector<1x1x16xf32>,
        %swap3A_1003 = vector.shape_cast %swap3A_1002 : vector<1x1x16xf32> to vector<16xf32>
        %swap3A_1004 = vector.shape_cast %get3A_988 : vector<16xf32> to vector<1x1x16xf32>
        tpu.vector_store %arg7[%swap3A_999, %swap3A_1000, %swap3A_1001], %swap3A_1004 {add = true, strides = array<i32>} : memref<2x64x768xf32, #tpu.memory_space<vmem>>, vector<1x1x16xf32>,
        %get3A_1005 = arith.index_cast %scan3A_946 : i32 to index
        %get3A_1006 = arith.constant 48 : index
        %get3A_1007 = tpu.vector_load %arg8[%get3A_1005, %get3A_1006] {strides = array<i32>} : memref<32x768xf32, #tpu.memory_space<vmem>>, vector<1x16xf32>,
        %get3A_1008 = vector.shape_cast %get3A_1007 : vector<1x16xf32> to vector<16xf32>
        %swap3A_1009 = arith.constant 1 : i32
        %swap3A_1010 = arith.index_cast %swap3A_1009 : i32 to index
        %swap3A_1011 = arith.index_cast %scan3A_946 : i32 to index
        %swap3A_1012 = arith.constant 48 : index
        %swap3A_1013 = tpu.vector_load %arg7[%swap3A_1010, %swap3A_1011, %swap3A_1012] {strides = array<i32>} : memref<2x64x768xf32, #tpu.memory_space<vmem>>, vector<1x1x16xf32>,
        %swap3A_1014 = vector.shape_cast %swap3A_1013 : vector<1x1x16xf32> to vector<16xf32>
        %swap3A_1015 = vector.shape_cast %get3A_1008 : vector<16xf32> to vector<1x1x16xf32>
        tpu.vector_store %arg7[%swap3A_1010, %swap3A_1011, %swap3A_1012], %swap3A_1015 {add = true, strides = array<i32>} : memref<2x64x768xf32, #tpu.memory_space<vmem>>, vector<1x1x16xf32>,
        %add3A_1016 = arith.constant 32 : i32
        %add3A_1017 = arith.addi %add3A_1016, %scan3A_946 : i32
        %swap3A_1018 = arith.constant 1 : i32
        %swap3A_1019 = arith.index_cast %swap3A_1018 : i32 to index
        %swap3A_1020 = arith.index_cast %add3A_1017 : i32 to index
        %swap3A_1021 = arith.constant 48 : index
        %swap3A_1022 = tpu.vector_load %arg7[%swap3A_1019, %swap3A_1020, %swap3A_1021] {strides = array<i32>} : memref<2x64x768xf32, #tpu.memory_space<vmem>>, vector<1x1x16xf32>,
        %swap3A_1023 = vector.shape_cast %swap3A_1022 : vector<1x1x16xf32> to vector<16xf32>
        %swap3A_1024 = vector.shape_cast %get3A_1008 : vector<16xf32> to vector<1x1x16xf32>
        tpu.vector_store %arg7[%swap3A_1019, %swap3A_1020, %swap3A_1021], %swap3A_1024 {add = true, strides = array<i32>} : memref<2x64x768xf32, #tpu.memory_space<vmem>>, vector<1x1x16xf32>,
        %get3A_1025 = arith.index_cast %scan3A_946 : i32 to index
        %get3A_1026 = arith.constant 64 : index
        %get3A_1027 = tpu.vector_load %arg8[%get3A_1025, %get3A_1026] {strides = array<i32>} : memref<32x768xf32, #tpu.memory_space<vmem>>, vector<1x16xf32>,
        %get3A_1028 = vector.shape_cast %get3A_1027 : vector<1x16xf32> to vector<16xf32>
        %swap3A_1029 = arith.constant 1 : i32
        %swap3A_1030 = arith.index_cast %swap3A_1029 : i32 to index
        %swap3A_1031 = arith.index_cast %scan3A_946 : i32 to index
        %swap3A_1032 = arith.constant 64 : index
        %swap3A_1033 = tpu.vector_load %arg7[%swap3A_1030, %swap3A_1031, %swap3A_1032] {strides = array<i32>} : memref<2x64x768xf32, #tpu.memory_space<vmem>>, vector<1x1x16xf32>,
        %swap3A_1034 = vector.shape_cast %swap3A_1033 : vector<1x1x16xf32> to vector<16xf32>
        %swap3A_1035 = vector.shape_cast %get3A_1028 : vector<16xf32> to vector<1x1x16xf32>
        tpu.vector_store %arg7[%swap3A_1030, %swap3A_1031, %swap3A_1032], %swap3A_1035 {add = true, strides = array<i32>} : memref<2x64x768xf32, #tpu.memory_space<vmem>>, vector<1x1x16xf32>,
        %add3A_1036 = arith.constant 32 : i32
        %add3A_1037 = arith.addi %add3A_1036, %scan3A_946 : i32
        %swap3A_1038 = arith.constant 1 : i32
        %swap3A_1039 = arith.index_cast %swap3A_1038 : i32 to index
        %swap3A_1040 = arith.index_cast %add3A_1037 : i32 to index
        %swap3A_1041 = arith.constant 64 : index
        %swap3A_1042 = tpu.vector_load %arg7[%swap3A_1039, %swap3A_1040, %swap3A_1041] {strides = array<i32>} : memref<2x64x768xf32, #tpu.memory_space<vmem>>, vector<1x1x16xf32>,
        %swap3A_1043 = vector.shape_cast %swap3A_1042 : vector<1x1x16xf32> to vector<16xf32>
        %swap3A_1044 = vector.shape_cast %get3A_1028 : vector<16xf32> to vector<1x1x16xf32>
        tpu.vector_store %arg7[%swap3A_1039, %swap3A_1040, %swap3A_1041], %swap3A_1044 {add = true, strides = array<i32>} : memref<2x64x768xf32, #tpu.memory_space<vmem>>, vector<1x1x16xf32>,
        %get3A_1045 = arith.index_cast %scan3A_946 : i32 to index
        %get3A_1046 = arith.constant 80 : index
        %get3A_1047 = tpu.vector_load %arg8[%get3A_1045, %get3A_1046] {strides = array<i32>} : memref<32x768xf32, #tpu.memory_space<vmem>>, vector<1x16xf32>,
        %get3A_1048 = vector.shape_cast %get3A_1047 : vector<1x16xf32> to vector<16xf32>
        %swap3A_1049 = arith.constant 1 : i32
        %swap3A_1050 = arith.index_cast %swap3A_1049 : i32 to index
        %swap3A_1051 = arith.index_cast %scan3A_946 : i32 to index
        %swap3A_1052 = arith.constant 80 : index
        %swap3A_1053 = tpu.vector_load %arg7[%swap3A_1050, %swap3A_1051, %swap3A_1052] {strides = array<i32>} : memref<2x64x768xf32, #tpu.memory_space<vmem>>, vector<1x1x16xf32>,
        %swap3A_1054 = vector.shape_cast %swap3A_1053 : vector<1x1x16xf32> to vector<16xf32>
        %swap3A_1055 = vector.shape_cast %get3A_1048 : vector<16xf32> to vector<1x1x16xf32>
        tpu.vector_store %arg7[%swap3A_1050, %swap3A_1051, %swap3A_1052], %swap3A_1055 {add = true, strides = array<i32>} : memref<2x64x768xf32, #tpu.memory_space<vmem>>, vector<1x1x16xf32>,
        %add3A_1056 = arith.constant 32 : i32
        %add3A_1057 = arith.addi %add3A_1056, %scan3A_946 : i32
        %swap3A_1058 = arith.constant 1 : i32
        %swap3A_1059 = arith.index_cast %swap3A_1058 : i32 to index
        %swap3A_1060 = arith.index_cast %add3A_1057 : i32 to index
        %swap3A_1061 = arith.constant 80 : index
        %swap3A_1062 = tpu.vector_load %arg7[%swap3A_1059, %swap3A_1060, %swap3A_1061] {strides = array<i32>} : memref<2x64x768xf32, #tpu.memory_space<vmem>>, vector<1x1x16xf32>,
        %swap3A_1063 = vector.shape_cast %swap3A_1062 : vector<1x1x16xf32> to vector<16xf32>
        %swap3A_1064 = vector.shape_cast %get3A_1048 : vector<16xf32> to vector<1x1x16xf32>
        tpu.vector_store %arg7[%swap3A_1059, %swap3A_1060, %swap3A_1061], %swap3A_1064 {add = true, strides = array<i32>} : memref<2x64x768xf32, #tpu.memory_space<vmem>>, vector<1x1x16xf32>,
        %get3A_1065 = arith.index_cast %scan3A_946 : i32 to index
        %get3A_1066 = arith.constant 96 : index
        %get3A_1067 = tpu.vector_load %arg8[%get3A_1065, %get3A_1066] {strides = array<i32>} : memref<32x768xf32, #tpu.memory_space<vmem>>, vector<1x16xf32>,
        %get3A_1068 = vector.shape_cast %get3A_1067 : vector<1x16xf32> to vector<16xf32>
        %swap3A_1069 = arith.constant 1 : i32
        %swap3A_1070 = arith.index_cast %swap3A_1069 : i32 to index
        %swap3A_1071 = arith.index_cast %scan3A_946 : i32 to index
        %swap3A_1072 = arith.constant 96 : index
        %swap3A_1073 = tpu.vector_load %arg7[%swap3A_1070, %swap3A_1071, %swap3A_1072] {strides = array<i32>} : memref<2x64x768xf32, #tpu.memory_space<vmem>>, vector<1x1x16xf32>,
        %swap3A_1074 = vector.shape_cast %swap3A_1073 : vector<1x1x16xf32> to vector<16xf32>
        %swap3A_1075 = vector.shape_cast %get3A_1068 : vector<16xf32> to vector<1x1x16xf32>
        tpu.vector_store %arg7[%swap3A_1070, %swap3A_1071, %swap3A_1072], %swap3A_1075 {add = true, strides = array<i32>} : memref<2x64x768xf32, #tpu.memory_space<vmem>>, vector<1x1x16xf32>,
        %add3A_1076 = arith.constant 32 : i32
        %add3A_1077 = arith.addi %add3A_1076, %scan3A_946 : i32
        %swap3A_1078 = arith.constant 1 : i32
        %swap3A_1079 = arith.index_cast %swap3A_1078 : i32 to index
        %swap3A_1080 = arith.index_cast %add3A_1077 : i32 to index
        %swap3A_1081 = arith.constant 96 : index
        %swap3A_1082 = tpu.vector_load %arg7[%swap3A_1079, %swap3A_1080, %swap3A_1081] {strides = array<i32>} : memref<2x64x768xf32, #tpu.memory_space<vmem>>, vector<1x1x16xf32>,
        %swap3A_1083 = vector.shape_cast %swap3A_1082 : vector<1x1x16xf32> to vector<16xf32>
        %swap3A_1084 = vector.shape_cast %get3A_1068 : vector<16xf32> to vector<1x1x16xf32>
        tpu.vector_store %arg7[%swap3A_1079, %swap3A_1080, %swap3A_1081], %swap3A_1084 {add = true, strides = array<i32>} : memref<2x64x768xf32, #tpu.memory_space<vmem>>, vector<1x1x16xf32>,
        %get3A_1085 = arith.index_cast %scan3A_946 : i32 to index
        %get3A_1086 = arith.constant 112 : index
        %get3A_1087 = tpu.vector_load %arg8[%get3A_1085, %get3A_1086] {strides = array<i32>} : memref<32x768xf32, #tpu.memory_space<vmem>>, vector<1x16xf32>,
        %get3A_1088 = vector.shape_cast %get3A_1087 : vector<1x16xf32> to vector<16xf32>
        %swap3A_1089 = arith.constant 1 : i32
        %swap3A_1090 = arith.index_cast %swap3A_1089 : i32 to index
        %swap3A_1091 = arith.index_cast %scan3A_946 : i32 to index
        %swap3A_1092 = arith.constant 112 : index
        %swap3A_1093 = tpu.vector_load %arg7[%swap3A_1090, %swap3A_1091, %swap3A_1092] {strides = array<i32>} : memref<2x64x768xf32, #tpu.memory_space<vmem>>, vector<1x1x16xf32>,
        %swap3A_1094 = vector.shape_cast %swap3A_1093 : vector<1x1x16xf32> to vector<16xf32>
        %swap3A_1095 = vector.shape_cast %get3A_1088 : vector<16xf32> to vector<1x1x16xf32>
        tpu.vector_store %arg7[%swap3A_1090, %swap3A_1091, %swap3A_1092], %swap3A_1095 {add = true, strides = array<i32>} : memref<2x64x768xf32, #tpu.memory_space<vmem>>, vector<1x1x16xf32>,
        %add3A_1096 = arith.constant 32 : i32
        %add3A_1097 = arith.addi %add3A_1096, %scan3A_946 : i32
        %swap3A_1098 = arith.constant 1 : i32
        %swap3A_1099 = arith.index_cast %swap3A_1098 : i32 to index
        %swap3A_1100 = arith.index_cast %add3A_1097 : i32 to index
        %swap3A_1101 = arith.constant 112 : index
        %swap3A_1102 = tpu.vector_load %arg7[%swap3A_1099, %swap3A_1100, %swap3A_1101] {strides = array<i32>} : memref<2x64x768xf32, #tpu.memory_space<vmem>>, vector<1x1x16xf32>,
        %swap3A_1103 = vector.shape_cast %swap3A_1102 : vector<1x1x16xf32> to vector<16xf32>
        %swap3A_1104 = vector.shape_cast %get3A_1088 : vector<16xf32> to vector<1x1x16xf32>
        tpu.vector_store %arg7[%swap3A_1099, %swap3A_1100, %swap3A_1101], %swap3A_1104 {add = true, strides = array<i32>} : memref<2x64x768xf32, #tpu.memory_space<vmem>>, vector<1x1x16xf32>,
        %get3A_1105 = arith.index_cast %scan3A_946 : i32 to index
        %get3A_1106 = arith.constant 128 : index
        %get3A_1107 = tpu.vector_load %arg8[%get3A_1105, %get3A_1106] {strides = array<i32>} : memref<32x768xf32, #tpu.memory_space<vmem>>, vector<1x16xf32>,
        %get3A_1108 = vector.shape_cast %get3A_1107 : vector<1x16xf32> to vector<16xf32>
        %swap3A_1109 = arith.constant 1 : i32
        %swap3A_1110 = arith.index_cast %swap3A_1109 : i32 to index
        %swap3A_1111 = arith.index_cast %scan3A_946 : i32 to index
        %swap3A_1112 = arith.constant 128 : index
        %swap3A_1113 = tpu.vector_load %arg7[%swap3A_1110, %swap3A_1111, %swap3A_1112] {strides = array<i32>} : memref<2x64x768xf32, #tpu.memory_space<vmem>>, vector<1x1x16xf32>,
        %swap3A_1114 = vector.shape_cast %swap3A_1113 : vector<1x1x16xf32> to vector<16xf32>
        %swap3A_1115 = vector.shape_cast %get3A_1108 : vector<16xf32> to vector<1x1x16xf32>
        tpu.vector_store %arg7[%swap3A_1110, %swap3A_1111, %swap3A_1112], %swap3A_1115 {add = true, strides = array<i32>} : memref<2x64x768xf32, #tpu.memory_space<vmem>>, vector<1x1x16xf32>,
        %add3A_1116 = arith.constant 32 : i32
        %add3A_1117 = arith.addi %add3A_1116, %scan3A_946 : i32
        %swap3A_1118 = arith.constant 1 : i32
        %swap3A_1119 = arith.index_cast %swap3A_1118 : i32 to index
        %swap3A_1120 = arith.index_cast %add3A_1117 : i32 to index
        %swap3A_1121 = arith.constant 128 : index
        %swap3A_1122 = tpu.vector_load %arg7[%swap3A_1119, %swap3A_1120, %swap3A_1121] {strides = array<i32>} : memref<2x64x768xf32, #tpu.memory_space<vmem>>, vector<1x1x16xf32>,
        %swap3A_1123 = vector.shape_cast %swap3A_1122 : vector<1x1x16xf32> to vector<16xf32>
        %swap3A_1124 = vector.shape_cast %get3A_1108 : vector<16xf32> to vector<1x1x16xf32>
        tpu.vector_store %arg7[%swap3A_1119, %swap3A_1120, %swap3A_1121], %swap3A_1124 {add = true, strides = array<i32>} : memref<2x64x768xf32, #tpu.memory_space<vmem>>, vector<1x1x16xf32>,
        %get3A_1125 = arith.index_cast %scan3A_946 : i32 to index
        %get3A_1126 = arith.constant 144 : index
        %get3A_1127 = tpu.vector_load %arg8[%get3A_1125, %get3A_1126] {strides = array<i32>} : memref<32x768xf32, #tpu.memory_space<vmem>>, vector<1x16xf32>,
        %get3A_1128 = vector.shape_cast %get3A_1127 : vector<1x16xf32> to vector<16xf32>
        %swap3A_1129 = arith.constant 1 : i32
        %swap3A_1130 = arith.index_cast %swap3A_1129 : i32 to index
        %swap3A_1131 = arith.index_cast %scan3A_946 : i32 to index
        %swap3A_1132 = arith.constant 144 : index
        %swap3A_1133 = tpu.vector_load %arg7[%swap3A_1130, %swap3A_1131, %swap3A_1132] {strides = array<i32>} : memref<2x64x768xf32, #tpu.memory_space<vmem>>, vector<1x1x16xf32>,
        %swap3A_1134 = vector.shape_cast %swap3A_1133 : vector<1x1x16xf32> to vector<16xf32>
        %swap3A_1135 = vector.shape_cast %get3A_1128 : vector<16xf32> to vector<1x1x16xf32>
        tpu.vector_store %arg7[%swap3A_1130, %swap3A_1131, %swap3A_1132], %swap3A_1135 {add = true, strides = array<i32>} : memref<2x64x768xf32, #tpu.memory_space<vmem>>, vector<1x1x16xf32>,
        %add3A_1136 = arith.constant 32 : i32
        %add3A_1137 = arith.addi %add3A_1136, %scan3A_946 : i32
        %swap3A_1138 = arith.constant 1 : i32
        %swap3A_1139 = arith.index_cast %swap3A_1138 : i32 to index
        %swap3A_1140 = arith.index_cast %add3A_1137 : i32 to index
        %swap3A_1141 = arith.constant 144 : index
        %swap3A_1142 = tpu.vector_load %arg7[%swap3A_1139, %swap3A_1140, %swap3A_1141] {strides = array<i32>} : memref<2x64x768xf32, #tpu.memory_space<vmem>>, vector<1x1x16xf32>,
        %swap3A_1143 = vector.shape_cast %swap3A_1142 : vector<1x1x16xf32> to vector<16xf32>
        %swap3A_1144 = vector.shape_cast %get3A_1128 : vector<16xf32> to vector<1x1x16xf32>
        tpu.vector_store %arg7[%swap3A_1139, %swap3A_1140, %swap3A_1141], %swap3A_1144 {add = true, strides = array<i32>} : memref<2x64x768xf32, #tpu.memory_space<vmem>>, vector<1x1x16xf32>,
        %get3A_1145 = arith.index_cast %scan3A_946 : i32 to index
        %get3A_1146 = arith.constant 160 : index
        %get3A_1147 = tpu.vector_load %arg8[%get3A_1145, %get3A_1146] {strides = array<i32>} : memref<32x768xf32, #tpu.memory_space<vmem>>, vector<1x16xf32>,
        %get3A_1148 = vector.shape_cast %get3A_1147 : vector<1x16xf32> to vector<16xf32>
        %swap3A_1149 = arith.constant 1 : i32
        %swap3A_1150 = arith.index_cast %swap3A_1149 : i32 to index
        %swap3A_1151 = arith.index_cast %scan3A_946 : i32 to index
        %swap3A_1152 = arith.constant 160 : index
        %swap3A_1153 = tpu.vector_load %arg7[%swap3A_1150, %swap3A_1151, %swap3A_1152] {strides = array<i32>} : memref<2x64x768xf32, #tpu.memory_space<vmem>>, vector<1x1x16xf32>,
        %swap3A_1154 = vector.shape_cast %swap3A_1153 : vector<1x1x16xf32> to vector<16xf32>
        %swap3A_1155 = vector.shape_cast %get3A_1148 : vector<16xf32> to vector<1x1x16xf32>
        tpu.vector_store %arg7[%swap3A_1150, %swap3A_1151, %swap3A_1152], %swap3A_1155 {add = true, strides = array<i32>} : memref<2x64x768xf32, #tpu.memory_space<vmem>>, vector<1x1x16xf32>,
        %add3A_1156 = arith.constant 32 : i32
        %add3A_1157 = arith.addi %add3A_1156, %scan3A_946 : i32
        %swap3A_1158 = arith.constant 1 : i32
        %swap3A_1159 = arith.index_cast %swap3A_1158 : i32 to index
        %swap3A_1160 = arith.index_cast %add3A_1157 : i32 to index
        %swap3A_1161 = arith.constant 160 : index
        %swap3A_1162 = tpu.vector_load %arg7[%swap3A_1159, %swap3A_1160, %swap3A_1161] {strides = array<i32>} : memref<2x64x768xf32, #tpu.memory_space<vmem>>, vector<1x1x16xf32>,
        %swap3A_1163 = vector.shape_cast %swap3A_1162 : vector<1x1x16xf32> to vector<16xf32>
        %swap3A_1164 = vector.shape_cast %get3A_1148 : vector<16xf32> to vector<1x1x16xf32>
        tpu.vector_store %arg7[%swap3A_1159, %swap3A_1160, %swap3A_1161], %swap3A_1164 {add = true, strides = array<i32>} : memref<2x64x768xf32, #tpu.memory_space<vmem>>, vector<1x1x16xf32>,
        %get3A_1165 = arith.index_cast %scan3A_946 : i32 to index
        %get3A_1166 = arith.constant 176 : index
        %get3A_1167 = tpu.vector_load %arg8[%get3A_1165, %get3A_1166] {strides = array<i32>} : memref<32x768xf32, #tpu.memory_space<vmem>>, vector<1x16xf32>,
        %get3A_1168 = vector.shape_cast %get3A_1167 : vector<1x16xf32> to vector<16xf32>
        %swap3A_1169 = arith.constant 1 : i32
        %swap3A_1170 = arith.index_cast %swap3A_1169 : i32 to index
        %swap3A_1171 = arith.index_cast %scan3A_946 : i32 to index
        %swap3A_1172 = arith.constant 176 : index
        %swap3A_1173 = tpu.vector_load %arg7[%swap3A_1170, %swap3A_1171, %swap3A_1172] {strides = array<i32>} : memref<2x64x768xf32, #tpu.memory_space<vmem>>, vector<1x1x16xf32>,
        %swap3A_1174 = vector.shape_cast %swap3A_1173 : vector<1x1x16xf32> to vector<16xf32>
        %swap3A_1175 = vector.shape_cast %get3A_1168 : vector<16xf32> to vector<1x1x16xf32>
        tpu.vector_store %arg7[%swap3A_1170, %swap3A_1171, %swap3A_1172], %swap3A_1175 {add = true, strides = array<i32>} : memref<2x64x768xf32, #tpu.memory_space<vmem>>, vector<1x1x16xf32>,
        %add3A_1176 = arith.constant 32 : i32
        %add3A_1177 = arith.addi %add3A_1176, %scan3A_946 : i32
        %swap3A_1178 = arith.constant 1 : i32
        %swap3A_1179 = arith.index_cast %swap3A_1178 : i32 to index
        %swap3A_1180 = arith.index_cast %add3A_1177 : i32 to index
        %swap3A_1181 = arith.constant 176 : index
        %swap3A_1182 = tpu.vector_load %arg7[%swap3A_1179, %swap3A_1180, %swap3A_1181] {strides = array<i32>} : memref<2x64x768xf32, #tpu.memory_space<vmem>>, vector<1x1x16xf32>,
        %swap3A_1183 = vector.shape_cast %swap3A_1182 : vector<1x1x16xf32> to vector<16xf32>
        %swap3A_1184 = vector.shape_cast %get3A_1168 : vector<16xf32> to vector<1x1x16xf32>
        tpu.vector_store %arg7[%swap3A_1179, %swap3A_1180, %swap3A_1181], %swap3A_1184 {add = true, strides = array<i32>} : memref<2x64x768xf32, #tpu.memory_space<vmem>>, vector<1x1x16xf32>,
        %get3A_1185 = arith.index_cast %scan3A_946 : i32 to index
        %get3A_1186 = arith.constant 192 : index
        %get3A_1187 = tpu.vector_load %arg8[%get3A_1185, %get3A_1186] {strides = array<i32>} : memref<32x768xf32, #tpu.memory_space<vmem>>, vector<1x16xf32>,
        %get3A_1188 = vector.shape_cast %get3A_1187 : vector<1x16xf32> to vector<16xf32>
        %swap3A_1189 = arith.constant 1 : i32
        %swap3A_1190 = arith.index_cast %swap3A_1189 : i32 to index
        %swap3A_1191 = arith.index_cast %scan3A_946 : i32 to index
        %swap3A_1192 = arith.constant 192 : index
        %swap3A_1193 = tpu.vector_load %arg7[%swap3A_1190, %swap3A_1191, %swap3A_1192] {strides = array<i32>} : memref<2x64x768xf32, #tpu.memory_space<vmem>>, vector<1x1x16xf32>,
        %swap3A_1194 = vector.shape_cast %swap3A_1193 : vector<1x1x16xf32> to vector<16xf32>
        %swap3A_1195 = vector.shape_cast %get3A_1188 : vector<16xf32> to vector<1x1x16xf32>
        tpu.vector_store %arg7[%swap3A_1190, %swap3A_1191, %swap3A_1192], %swap3A_1195 {add = true, strides = array<i32>} : memref<2x64x768xf32, #tpu.memory_space<vmem>>, vector<1x1x16xf32>,
        %add3A_1196 = arith.constant 32 : i32
        %add3A_1197 = arith.addi %add3A_1196, %scan3A_946 : i32
        %swap3A_1198 = arith.constant 1 : i32
        %swap3A_1199 = arith.index_cast %swap3A_1198 : i32 to index
        %swap3A_1200 = arith.index_cast %add3A_1197 : i32 to index
        %swap3A_1201 = arith.constant 192 : index
        %swap3A_1202 = tpu.vector_load %arg7[%swap3A_1199, %swap3A_1200, %swap3A_1201] {strides = array<i32>} : memref<2x64x768xf32, #tpu.memory_space<vmem>>, vector<1x1x16xf32>,
        %swap3A_1203 = vector.shape_cast %swap3A_1202 : vector<1x1x16xf32> to vector<16xf32>
        %swap3A_1204 = vector.shape_cast %get3A_1188 : vector<16xf32> to vector<1x1x16xf32>
        tpu.vector_store %arg7[%swap3A_1199, %swap3A_1200, %swap3A_1201], %swap3A_1204 {add = true, strides = array<i32>} : memref<2x64x768xf32, #tpu.memory_space<vmem>>, vector<1x1x16xf32>,
        %get3A_1205 = arith.index_cast %scan3A_946 : i32 to index
        %get3A_1206 = arith.constant 208 : index
        %get3A_1207 = tpu.vector_load %arg8[%get3A_1205, %get3A_1206] {strides = array<i32>} : memref<32x768xf32, #tpu.memory_space<vmem>>, vector<1x16xf32>,
        %get3A_1208 = vector.shape_cast %get3A_1207 : vector<1x16xf32> to vector<16xf32>
        %swap3A_1209 = arith.constant 1 : i32
        %swap3A_1210 = arith.index_cast %swap3A_1209 : i32 to index
        %swap3A_1211 = arith.index_cast %scan3A_946 : i32 to index
        %swap3A_1212 = arith.constant 208 : index
        %swap3A_1213 = tpu.vector_load %arg7[%swap3A_1210, %swap3A_1211, %swap3A_1212] {strides = array<i32>} : memref<2x64x768xf32, #tpu.memory_space<vmem>>, vector<1x1x16xf32>,
        %swap3A_1214 = vector.shape_cast %swap3A_1213 : vector<1x1x16xf32> to vector<16xf32>
        %swap3A_1215 = vector.shape_cast %get3A_1208 : vector<16xf32> to vector<1x1x16xf32>
        tpu.vector_store %arg7[%swap3A_1210, %swap3A_1211, %swap3A_1212], %swap3A_1215 {add = true, strides = array<i32>} : memref<2x64x768xf32, #tpu.memory_space<vmem>>, vector<1x1x16xf32>,
        %add3A_1216 = arith.constant 32 : i32
        %add3A_1217 = arith.addi %add3A_1216, %scan3A_946 : i32
        %swap3A_1218 = arith.constant 1 : i32
        %swap3A_1219 = arith.index_cast %swap3A_1218 : i32 to index
        %swap3A_1220 = arith.index_cast %add3A_1217 : i32 to index
        %swap3A_1221 = arith.constant 208 : index
        %swap3A_1222 = tpu.vector_load %arg7[%swap3A_1219, %swap3A_1220, %swap3A_1221] {strides = array<i32>} : memref<2x64x768xf32, #tpu.memory_space<vmem>>, vector<1x1x16xf32>,
        %swap3A_1223 = vector.shape_cast %swap3A_1222 : vector<1x1x16xf32> to vector<16xf32>
        %swap3A_1224 = vector.shape_cast %get3A_1208 : vector<16xf32> to vector<1x1x16xf32>
        tpu.vector_store %arg7[%swap3A_1219, %swap3A_1220, %swap3A_1221], %swap3A_1224 {add = true, strides = array<i32>} : memref<2x64x768xf32, #tpu.memory_space<vmem>>, vector<1x1x16xf32>,
        %get3A_1225 = arith.index_cast %scan3A_946 : i32 to index
        %get3A_1226 = arith.constant 224 : index
        %get3A_1227 = tpu.vector_load %arg8[%get3A_1225, %get3A_1226] {strides = array<i32>} : memref<32x768xf32, #tpu.memory_space<vmem>>, vector<1x16xf32>,
        %get3A_1228 = vector.shape_cast %get3A_1227 : vector<1x16xf32> to vector<16xf32>
        %swap3A_1229 = arith.constant 1 : i32
        %swap3A_1230 = arith.index_cast %swap3A_1229 : i32 to index
        %swap3A_1231 = arith.index_cast %scan3A_946 : i32 to index
        %swap3A_1232 = arith.constant 224 : index
        %swap3A_1233 = tpu.vector_load %arg7[%swap3A_1230, %swap3A_1231, %swap3A_1232] {strides = array<i32>} : memref<2x64x768xf32, #tpu.memory_space<vmem>>, vector<1x1x16xf32>,
        %swap3A_1234 = vector.shape_cast %swap3A_1233 : vector<1x1x16xf32> to vector<16xf32>
        %swap3A_1235 = vector.shape_cast %get3A_1228 : vector<16xf32> to vector<1x1x16xf32>
        tpu.vector_store %arg7[%swap3A_1230, %swap3A_1231, %swap3A_1232], %swap3A_1235 {add = true, strides = array<i32>} : memref<2x64x768xf32, #tpu.memory_space<vmem>>, vector<1x1x16xf32>,
        %add3A_1236 = arith.constant 32 : i32
        %add3A_1237 = arith.addi %add3A_1236, %scan3A_946 : i32
        %swap3A_1238 = arith.constant 1 : i32
        %swap3A_1239 = arith.index_cast %swap3A_1238 : i32 to index
        %swap3A_1240 = arith.index_cast %add3A_1237 : i32 to index
        %swap3A_1241 = arith.constant 224 : index
        %swap3A_1242 = tpu.vector_load %arg7[%swap3A_1239, %swap3A_1240, %swap3A_1241] {strides = array<i32>} : memref<2x64x768xf32, #tpu.memory_space<vmem>>, vector<1x1x16xf32>,
        %swap3A_1243 = vector.shape_cast %swap3A_1242 : vector<1x1x16xf32> to vector<16xf32>
        %swap3A_1244 = vector.shape_cast %get3A_1228 : vector<16xf32> to vector<1x1x16xf32>
        tpu.vector_store %arg7[%swap3A_1239, %swap3A_1240, %swap3A_1241], %swap3A_1244 {add = true, strides = array<i32>} : memref<2x64x768xf32, #tpu.memory_space<vmem>>, vector<1x1x16xf32>,
        %get3A_1245 = arith.index_cast %scan3A_946 : i32 to index
        %get3A_1246 = arith.constant 240 : index
        %get3A_1247 = tpu.vector_load %arg8[%get3A_1245, %get3A_1246] {strides = array<i32>} : memref<32x768xf32, #tpu.memory_space<vmem>>, vector<1x16xf32>,
        %get3A_1248 = vector.shape_cast %get3A_1247 : vector<1x16xf32> to vector<16xf32>
        %swap3A_1249 = arith.constant 1 : i32
        %swap3A_1250 = arith.index_cast %swap3A_1249 : i32 to index
        %swap3A_1251 = arith.index_cast %scan3A_946 : i32 to index
        %swap3A_1252 = arith.constant 240 : index
        %swap3A_1253 = tpu.vector_load %arg7[%swap3A_1250, %swap3A_1251, %swap3A_1252] {strides = array<i32>} : memref<2x64x768xf32, #tpu.memory_space<vmem>>, vector<1x1x16xf32>,
        %swap3A_1254 = vector.shape_cast %swap3A_1253 : vector<1x1x16xf32> to vector<16xf32>
        %swap3A_1255 = vector.shape_cast %get3A_1248 : vector<16xf32> to vector<1x1x16xf32>
        tpu.vector_store %arg7[%swap3A_1250, %swap3A_1251, %swap3A_1252], %swap3A_1255 {add = true, strides = array<i32>} : memref<2x64x768xf32, #tpu.memory_space<vmem>>, vector<1x1x16xf32>,
        %add3A_1256 = arith.constant 32 : i32
        %add3A_1257 = arith.addi %add3A_1256, %scan3A_946 : i32
        %swap3A_1258 = arith.constant 1 : i32
        %swap3A_1259 = arith.index_cast %swap3A_1258 : i32 to index
        %swap3A_1260 = arith.index_cast %add3A_1257 : i32 to index
        %swap3A_1261 = arith.constant 240 : index
        %swap3A_1262 = tpu.vector_load %arg7[%swap3A_1259, %swap3A_1260, %swap3A_1261] {strides = array<i32>} : memref<2x64x768xf32, #tpu.memory_space<vmem>>, vector<1x1x16xf32>,
        %swap3A_1263 = vector.shape_cast %swap3A_1262 : vector<1x1x16xf32> to vector<16xf32>
        %swap3A_1264 = vector.shape_cast %get3A_1248 : vector<16xf32> to vector<1x1x16xf32>
        tpu.vector_store %arg7[%swap3A_1259, %swap3A_1260, %swap3A_1261], %swap3A_1264 {add = true, strides = array<i32>} : memref<2x64x768xf32, #tpu.memory_space<vmem>>, vector<1x1x16xf32>,
        %get3A_1265 = arith.index_cast %scan3A_946 : i32 to index
        %get3A_1266 = arith.constant 256 : index
        %get3A_1267 = tpu.vector_load %arg8[%get3A_1265, %get3A_1266] {strides = array<i32>} : memref<32x768xf32, #tpu.memory_space<vmem>>, vector<1x16xf32>,
        %get3A_1268 = vector.shape_cast %get3A_1267 : vector<1x16xf32> to vector<16xf32>
        %swap3A_1269 = arith.constant 1 : i32
        %swap3A_1270 = arith.index_cast %swap3A_1269 : i32 to index
        %swap3A_1271 = arith.index_cast %scan3A_946 : i32 to index
        %swap3A_1272 = arith.constant 256 : index
        %swap3A_1273 = tpu.vector_load %arg7[%swap3A_1270, %swap3A_1271, %swap3A_1272] {strides = array<i32>} : memref<2x64x768xf32, #tpu.memory_space<vmem>>, vector<1x1x16xf32>,
        %swap3A_1274 = vector.shape_cast %swap3A_1273 : vector<1x1x16xf32> to vector<16xf32>
        %swap3A_1275 = vector.shape_cast %get3A_1268 : vector<16xf32> to vector<1x1x16xf32>
        tpu.vector_store %arg7[%swap3A_1270, %swap3A_1271, %swap3A_1272], %swap3A_1275 {add = true, strides = array<i32>} : memref<2x64x768xf32, #tpu.memory_space<vmem>>, vector<1x1x16xf32>,
        %add3A_1276 = arith.constant 32 : i32
        %add3A_1277 = arith.addi %add3A_1276, %scan3A_946 : i32
        %swap3A_1278 = arith.constant 1 : i32
        %swap3A_1279 = arith.index_cast %swap3A_1278 : i32 to index
        %swap3A_1280 = arith.index_cast %add3A_1277 : i32 to index
        %swap3A_1281 = arith.constant 256 : index
        %swap3A_1282 = tpu.vector_load %arg7[%swap3A_1279, %swap3A_1280, %swap3A_1281] {strides = array<i32>} : memref<2x64x768xf32, #tpu.memory_space<vmem>>, vector<1x1x16xf32>,
        %swap3A_1283 = vector.shape_cast %swap3A_1282 : vector<1x1x16xf32> to vector<16xf32>
        %swap3A_1284 = vector.shape_cast %get3A_1268 : vector<16xf32> to vector<1x1x16xf32>
        tpu.vector_store %arg7[%swap3A_1279, %swap3A_1280, %swap3A_1281], %swap3A_1284 {add = true, strides = array<i32>} : memref<2x64x768xf32, #tpu.memory_space<vmem>>, vector<1x1x16xf32>,
        %get3A_1285 = arith.index_cast %scan3A_946 : i32 to index
        %get3A_1286 = arith.constant 272 : index
        %get3A_1287 = tpu.vector_load %arg8[%get3A_1285, %get3A_1286] {strides = array<i32>} : memref<32x768xf32, #tpu.memory_space<vmem>>, vector<1x16xf32>,
        %get3A_1288 = vector.shape_cast %get3A_1287 : vector<1x16xf32> to vector<16xf32>
        %swap3A_1289 = arith.constant 1 : i32
        %swap3A_1290 = arith.index_cast %swap3A_1289 : i32 to index
        %swap3A_1291 = arith.index_cast %scan3A_946 : i32 to index
        %swap3A_1292 = arith.constant 272 : index
        %swap3A_1293 = tpu.vector_load %arg7[%swap3A_1290, %swap3A_1291, %swap3A_1292] {strides = array<i32>} : memref<2x64x768xf32, #tpu.memory_space<vmem>>, vector<1x1x16xf32>,
        %swap3A_1294 = vector.shape_cast %swap3A_1293 : vector<1x1x16xf32> to vector<16xf32>
        %swap3A_1295 = vector.shape_cast %get3A_1288 : vector<16xf32> to vector<1x1x16xf32>
        tpu.vector_store %arg7[%swap3A_1290, %swap3A_1291, %swap3A_1292], %swap3A_1295 {add = true, strides = array<i32>} : memref<2x64x768xf32, #tpu.memory_space<vmem>>, vector<1x1x16xf32>,
        %add3A_1296 = arith.constant 32 : i32
        %add3A_1297 = arith.addi %add3A_1296, %scan3A_946 : i32
        %swap3A_1298 = arith.constant 1 : i32
        %swap3A_1299 = arith.index_cast %swap3A_1298 : i32 to index
        %swap3A_1300 = arith.index_cast %add3A_1297 : i32 to index
        %swap3A_1301 = arith.constant 272 : index
        %swap3A_1302 = tpu.vector_load %arg7[%swap3A_1299, %swap3A_1300, %swap3A_1301] {strides = array<i32>} : memref<2x64x768xf32, #tpu.memory_space<vmem>>, vector<1x1x16xf32>,
        %swap3A_1303 = vector.shape_cast %swap3A_1302 : vector<1x1x16xf32> to vector<16xf32>
        %swap3A_1304 = vector.shape_cast %get3A_1288 : vector<16xf32> to vector<1x1x16xf32>
        tpu.vector_store %arg7[%swap3A_1299, %swap3A_1300, %swap3A_1301], %swap3A_1304 {add = true, strides = array<i32>} : memref<2x64x768xf32, #tpu.memory_space<vmem>>, vector<1x1x16xf32>,
        %get3A_1305 = arith.index_cast %scan3A_946 : i32 to index
        %get3A_1306 = arith.constant 288 : index
        %get3A_1307 = tpu.vector_load %arg8[%get3A_1305, %get3A_1306] {strides = array<i32>} : memref<32x768xf32, #tpu.memory_space<vmem>>, vector<1x16xf32>,
        %get3A_1308 = vector.shape_cast %get3A_1307 : vector<1x16xf32> to vector<16xf32>
        %swap3A_1309 = arith.constant 1 : i32
        %swap3A_1310 = arith.index_cast %swap3A_1309 : i32 to index
        %swap3A_1311 = arith.index_cast %scan3A_946 : i32 to index
        %swap3A_1312 = arith.constant 288 : index
        %swap3A_1313 = tpu.vector_load %arg7[%swap3A_1310, %swap3A_1311, %swap3A_1312] {strides = array<i32>} : memref<2x64x768xf32, #tpu.memory_space<vmem>>, vector<1x1x16xf32>,
        %swap3A_1314 = vector.shape_cast %swap3A_1313 : vector<1x1x16xf32> to vector<16xf32>
        %swap3A_1315 = vector.shape_cast %get3A_1308 : vector<16xf32> to vector<1x1x16xf32>
        tpu.vector_store %arg7[%swap3A_1310, %swap3A_1311, %swap3A_1312], %swap3A_1315 {add = true, strides = array<i32>} : memref<2x64x768xf32, #tpu.memory_space<vmem>>, vector<1x1x16xf32>,
        %add3A_1316 = arith.constant 32 : i32
        %add3A_1317 = arith.addi %add3A_1316, %scan3A_946 : i32
        %swap3A_1318 = arith.constant 1 : i32
        %swap3A_1319 = arith.index_cast %swap3A_1318 : i32 to index
        %swap3A_1320 = arith.index_cast %add3A_1317 : i32 to index
        %swap3A_1321 = arith.constant 288 : index
        %swap3A_1322 = tpu.vector_load %arg7[%swap3A_1319, %swap3A_1320, %swap3A_1321] {strides = array<i32>} : memref<2x64x768xf32, #tpu.memory_space<vmem>>, vector<1x1x16xf32>,
        %swap3A_1323 = vector.shape_cast %swap3A_1322 : vector<1x1x16xf32> to vector<16xf32>
        %swap3A_1324 = vector.shape_cast %get3A_1308 : vector<16xf32> to vector<1x1x16xf32>
        tpu.vector_store %arg7[%swap3A_1319, %swap3A_1320, %swap3A_1321], %swap3A_1324 {add = true, strides = array<i32>} : memref<2x64x768xf32, #tpu.memory_space<vmem>>, vector<1x1x16xf32>,
        %get3A_1325 = arith.index_cast %scan3A_946 : i32 to index
        %get3A_1326 = arith.constant 304 : index
        %get3A_1327 = tpu.vector_load %arg8[%get3A_1325, %get3A_1326] {strides = array<i32>} : memref<32x768xf32, #tpu.memory_space<vmem>>, vector<1x16xf32>,
        %get3A_1328 = vector.shape_cast %get3A_1327 : vector<1x16xf32> to vector<16xf32>
        %swap3A_1329 = arith.constant 1 : i32
        %swap3A_1330 = arith.index_cast %swap3A_1329 : i32 to index
        %swap3A_1331 = arith.index_cast %scan3A_946 : i32 to index
        %swap3A_1332 = arith.constant 304 : index
        %swap3A_1333 = tpu.vector_load %arg7[%swap3A_1330, %swap3A_1331, %swap3A_1332] {strides = array<i32>} : memref<2x64x768xf32, #tpu.memory_space<vmem>>, vector<1x1x16xf32>,
        %swap3A_1334 = vector.shape_cast %swap3A_1333 : vector<1x1x16xf32> to vector<16xf32>
        %swap3A_1335 = vector.shape_cast %get3A_1328 : vector<16xf32> to vector<1x1x16xf32>
        tpu.vector_store %arg7[%swap3A_1330, %swap3A_1331, %swap3A_1332], %swap3A_1335 {add = true, strides = array<i32>} : memref<2x64x768xf32, #tpu.memory_space<vmem>>, vector<1x1x16xf32>,
        %add3A_1336 = arith.constant 32 : i32
        %add3A_1337 = arith.addi %add3A_1336, %scan3A_946 : i32
        %swap3A_1338 = arith.constant 1 : i32
        %swap3A_1339 = arith.index_cast %swap3A_1338 : i32 to index
        %swap3A_1340 = arith.index_cast %add3A_1337 : i32 to index
        %swap3A_1341 = arith.constant 304 : index
        %swap3A_1342 = tpu.vector_load %arg7[%swap3A_1339, %swap3A_1340, %swap3A_1341] {strides = array<i32>} : memref<2x64x768xf32, #tpu.memory_space<vmem>>, vector<1x1x16xf32>,
        %swap3A_1343 = vector.shape_cast %swap3A_1342 : vector<1x1x16xf32> to vector<16xf32>
        %swap3A_1344 = vector.shape_cast %get3A_1328 : vector<16xf32> to vector<1x1x16xf32>
        tpu.vector_store %arg7[%swap3A_1339, %swap3A_1340, %swap3A_1341], %swap3A_1344 {add = true, strides = array<i32>} : memref<2x64x768xf32, #tpu.memory_space<vmem>>, vector<1x1x16xf32>,
        %get3A_1345 = arith.index_cast %scan3A_946 : i32 to index
        %get3A_1346 = arith.constant 320 : index
        %get3A_1347 = tpu.vector_load %arg8[%get3A_1345, %get3A_1346] {strides = array<i32>} : memref<32x768xf32, #tpu.memory_space<vmem>>, vector<1x16xf32>,
        %get3A_1348 = vector.shape_cast %get3A_1347 : vector<1x16xf32> to vector<16xf32>
        %swap3A_1349 = arith.constant 1 : i32
        %swap3A_1350 = arith.index_cast %swap3A_1349 : i32 to index
        %swap3A_1351 = arith.index_cast %scan3A_946 : i32 to index
        %swap3A_1352 = arith.constant 320 : index
        %swap3A_1353 = tpu.vector_load %arg7[%swap3A_1350, %swap3A_1351, %swap3A_1352] {strides = array<i32>} : memref<2x64x768xf32, #tpu.memory_space<vmem>>, vector<1x1x16xf32>,
        %swap3A_1354 = vector.shape_cast %swap3A_1353 : vector<1x1x16xf32> to vector<16xf32>
        %swap3A_1355 = vector.shape_cast %get3A_1348 : vector<16xf32> to vector<1x1x16xf32>
        tpu.vector_store %arg7[%swap3A_1350, %swap3A_1351, %swap3A_1352], %swap3A_1355 {add = true, strides = array<i32>} : memref<2x64x768xf32, #tpu.memory_space<vmem>>, vector<1x1x16xf32>,
        %add3A_1356 = arith.constant 32 : i32
        %add3A_1357 = arith.addi %add3A_1356, %scan3A_946 : i32
        %swap3A_1358 = arith.constant 1 : i32
        %swap3A_1359 = arith.index_cast %swap3A_1358 : i32 to index
        %swap3A_1360 = arith.index_cast %add3A_1357 : i32 to index
        %swap3A_1361 = arith.constant 320 : index
        %swap3A_1362 = tpu.vector_load %arg7[%swap3A_1359, %swap3A_1360, %swap3A_1361] {strides = array<i32>} : memref<2x64x768xf32, #tpu.memory_space<vmem>>, vector<1x1x16xf32>,
        %swap3A_1363 = vector.shape_cast %swap3A_1362 : vector<1x1x16xf32> to vector<16xf32>
        %swap3A_1364 = vector.shape_cast %get3A_1348 : vector<16xf32> to vector<1x1x16xf32>
        tpu.vector_store %arg7[%swap3A_1359, %swap3A_1360, %swap3A_1361], %swap3A_1364 {add = true, strides = array<i32>} : memref<2x64x768xf32, #tpu.memory_space<vmem>>, vector<1x1x16xf32>,
        %get3A_1365 = arith.index_cast %scan3A_946 : i32 to index
        %get3A_1366 = arith.constant 336 : index
        %get3A_1367 = tpu.vector_load %arg8[%get3A_1365, %get3A_1366] {strides = array<i32>} : memref<32x768xf32, #tpu.memory_space<vmem>>, vector<1x16xf32>,
        %get3A_1368 = vector.shape_cast %get3A_1367 : vector<1x16xf32> to vector<16xf32>
        %swap3A_1369 = arith.constant 1 : i32
        %swap3A_1370 = arith.index_cast %swap3A_1369 : i32 to index
        %swap3A_1371 = arith.index_cast %scan3A_946 : i32 to index
        %swap3A_1372 = arith.constant 336 : index
        %swap3A_1373 = tpu.vector_load %arg7[%swap3A_1370, %swap3A_1371, %swap3A_1372] {strides = array<i32>} : memref<2x64x768xf32, #tpu.memory_space<vmem>>, vector<1x1x16xf32>,
        %swap3A_1374 = vector.shape_cast %swap3A_1373 : vector<1x1x16xf32> to vector<16xf32>
        %swap3A_1375 = vector.shape_cast %get3A_1368 : vector<16xf32> to vector<1x1x16xf32>
        tpu.vector_store %arg7[%swap3A_1370, %swap3A_1371, %swap3A_1372], %swap3A_1375 {add = true, strides = array<i32>} : memref<2x64x768xf32, #tpu.memory_space<vmem>>, vector<1x1x16xf32>,
        %add3A_1376 = arith.constant 32 : i32
        %add3A_1377 = arith.addi %add3A_1376, %scan3A_946 : i32
        %swap3A_1378 = arith.constant 1 : i32
        %swap3A_1379 = arith.index_cast %swap3A_1378 : i32 to index
        %swap3A_1380 = arith.index_cast %add3A_1377 : i32 to index
        %swap3A_1381 = arith.constant 336 : index
        %swap3A_1382 = tpu.vector_load %arg7[%swap3A_1379, %swap3A_1380, %swap3A_1381] {strides = array<i32>} : memref<2x64x768xf32, #tpu.memory_space<vmem>>, vector<1x1x16xf32>,
        %swap3A_1383 = vector.shape_cast %swap3A_1382 : vector<1x1x16xf32> to vector<16xf32>
        %swap3A_1384 = vector.shape_cast %get3A_1368 : vector<16xf32> to vector<1x1x16xf32>
        tpu.vector_store %arg7[%swap3A_1379, %swap3A_1380, %swap3A_1381], %swap3A_1384 {add = true, strides = array<i32>} : memref<2x64x768xf32, #tpu.memory_space<vmem>>, vector<1x1x16xf32>,
        %get3A_1385 = arith.index_cast %scan3A_946 : i32 to index
        %get3A_1386 = arith.constant 352 : index
        %get3A_1387 = tpu.vector_load %arg8[%get3A_1385, %get3A_1386] {strides = array<i32>} : memref<32x768xf32, #tpu.memory_space<vmem>>, vector<1x16xf32>,
        %get3A_1388 = vector.shape_cast %get3A_1387 : vector<1x16xf32> to vector<16xf32>
        %swap3A_1389 = arith.constant 1 : i32
        %swap3A_1390 = arith.index_cast %swap3A_1389 : i32 to index
        %swap3A_1391 = arith.index_cast %scan3A_946 : i32 to index
        %swap3A_1392 = arith.constant 352 : index
        %swap3A_1393 = tpu.vector_load %arg7[%swap3A_1390, %swap3A_1391, %swap3A_1392] {strides = array<i32>} : memref<2x64x768xf32, #tpu.memory_space<vmem>>, vector<1x1x16xf32>,
        %swap3A_1394 = vector.shape_cast %swap3A_1393 : vector<1x1x16xf32> to vector<16xf32>
        %swap3A_1395 = vector.shape_cast %get3A_1388 : vector<16xf32> to vector<1x1x16xf32>
        tpu.vector_store %arg7[%swap3A_1390, %swap3A_1391, %swap3A_1392], %swap3A_1395 {add = true, strides = array<i32>} : memref<2x64x768xf32, #tpu.memory_space<vmem>>, vector<1x1x16xf32>,
        %add3A_1396 = arith.constant 32 : i32
        %add3A_1397 = arith.addi %add3A_1396, %scan3A_946 : i32
        %swap3A_1398 = arith.constant 1 : i32
        %swap3A_1399 = arith.index_cast %swap3A_1398 : i32 to index
        %swap3A_1400 = arith.index_cast %add3A_1397 : i32 to index
        %swap3A_1401 = arith.constant 352 : index
        %swap3A_1402 = tpu.vector_load %arg7[%swap3A_1399, %swap3A_1400, %swap3A_1401] {strides = array<i32>} : memref<2x64x768xf32, #tpu.memory_space<vmem>>, vector<1x1x16xf32>,
        %swap3A_1403 = vector.shape_cast %swap3A_1402 : vector<1x1x16xf32> to vector<16xf32>
        %swap3A_1404 = vector.shape_cast %get3A_1388 : vector<16xf32> to vector<1x1x16xf32>
        tpu.vector_store %arg7[%swap3A_1399, %swap3A_1400, %swap3A_1401], %swap3A_1404 {add = true, strides = array<i32>} : memref<2x64x768xf32, #tpu.memory_space<vmem>>, vector<1x1x16xf32>,
        %get3A_1405 = arith.index_cast %scan3A_946 : i32 to index
        %get3A_1406 = arith.constant 368 : index
        %get3A_1407 = tpu.vector_load %arg8[%get3A_1405, %get3A_1406] {strides = array<i32>} : memref<32x768xf32, #tpu.memory_space<vmem>>, vector<1x16xf32>,
        %get3A_1408 = vector.shape_cast %get3A_1407 : vector<1x16xf32> to vector<16xf32>
        %swap3A_1409 = arith.constant 1 : i32
        %swap3A_1410 = arith.index_cast %swap3A_1409 : i32 to index
        %swap3A_1411 = arith.index_cast %scan3A_946 : i32 to index
        %swap3A_1412 = arith.constant 368 : index
        %swap3A_1413 = tpu.vector_load %arg7[%swap3A_1410, %swap3A_1411, %swap3A_1412] {strides = array<i32>} : memref<2x64x768xf32, #tpu.memory_space<vmem>>, vector<1x1x16xf32>,
        %swap3A_1414 = vector.shape_cast %swap3A_1413 : vector<1x1x16xf32> to vector<16xf32>
        %swap3A_1415 = vector.shape_cast %get3A_1408 : vector<16xf32> to vector<1x1x16xf32>
        tpu.vector_store %arg7[%swap3A_1410, %swap3A_1411, %swap3A_1412], %swap3A_1415 {add = true, strides = array<i32>} : memref<2x64x768xf32, #tpu.memory_space<vmem>>, vector<1x1x16xf32>,
        %add3A_1416 = arith.constant 32 : i32
        %add3A_1417 = arith.addi %add3A_1416, %scan3A_946 : i32
        %swap3A_1418 = arith.constant 1 : i32
        %swap3A_1419 = arith.index_cast %swap3A_1418 : i32 to index
        %swap3A_1420 = arith.index_cast %add3A_1417 : i32 to index
        %swap3A_1421 = arith.constant 368 : index
        %swap3A_1422 = tpu.vector_load %arg7[%swap3A_1419, %swap3A_1420, %swap3A_1421] {strides = array<i32>} : memref<2x64x768xf32, #tpu.memory_space<vmem>>, vector<1x1x16xf32>,
        %swap3A_1423 = vector.shape_cast %swap3A_1422 : vector<1x1x16xf32> to vector<16xf32>
        %swap3A_1424 = vector.shape_cast %get3A_1408 : vector<16xf32> to vector<1x1x16xf32>
        tpu.vector_store %arg7[%swap3A_1419, %swap3A_1420, %swap3A_1421], %swap3A_1424 {add = true, strides = array<i32>} : memref<2x64x768xf32, #tpu.memory_space<vmem>>, vector<1x1x16xf32>,
        %get3A_1425 = arith.index_cast %scan3A_946 : i32 to index
        %get3A_1426 = arith.constant 384 : index
        %get3A_1427 = tpu.vector_load %arg8[%get3A_1425, %get3A_1426] {strides = array<i32>} : memref<32x768xf32, #tpu.memory_space<vmem>>, vector<1x16xf32>,
        %get3A_1428 = vector.shape_cast %get3A_1427 : vector<1x16xf32> to vector<16xf32>
        %swap3A_1429 = arith.constant 1 : i32
        %swap3A_1430 = arith.index_cast %swap3A_1429 : i32 to index
        %swap3A_1431 = arith.index_cast %scan3A_946 : i32 to index
        %swap3A_1432 = arith.constant 384 : index
        %swap3A_1433 = tpu.vector_load %arg7[%swap3A_1430, %swap3A_1431, %swap3A_1432] {strides = array<i32>} : memref<2x64x768xf32, #tpu.memory_space<vmem>>, vector<1x1x16xf32>,
        %swap3A_1434 = vector.shape_cast %swap3A_1433 : vector<1x1x16xf32> to vector<16xf32>
        %swap3A_1435 = vector.shape_cast %get3A_1428 : vector<16xf32> to vector<1x1x16xf32>
        tpu.vector_store %arg7[%swap3A_1430, %swap3A_1431, %swap3A_1432], %swap3A_1435 {add = true, strides = array<i32>} : memref<2x64x768xf32, #tpu.memory_space<vmem>>, vector<1x1x16xf32>,
        %add3A_1436 = arith.constant 32 : i32
        %add3A_1437 = arith.addi %add3A_1436, %scan3A_946 : i32
        %swap3A_1438 = arith.constant 1 : i32
        %swap3A_1439 = arith.index_cast %swap3A_1438 : i32 to index
        %swap3A_1440 = arith.index_cast %add3A_1437 : i32 to index
        %swap3A_1441 = arith.constant 384 : index
        %swap3A_1442 = tpu.vector_load %arg7[%swap3A_1439, %swap3A_1440, %swap3A_1441] {strides = array<i32>} : memref<2x64x768xf32, #tpu.memory_space<vmem>>, vector<1x1x16xf32>,
        %swap3A_1443 = vector.shape_cast %swap3A_1442 : vector<1x1x16xf32> to vector<16xf32>
        %swap3A_1444 = vector.shape_cast %get3A_1428 : vector<16xf32> to vector<1x1x16xf32>
        tpu.vector_store %arg7[%swap3A_1439, %swap3A_1440, %swap3A_1441], %swap3A_1444 {add = true, strides = array<i32>} : memref<2x64x768xf32, #tpu.memory_space<vmem>>, vector<1x1x16xf32>,
        %get3A_1445 = arith.index_cast %scan3A_946 : i32 to index
        %get3A_1446 = arith.constant 400 : index
        %get3A_1447 = tpu.vector_load %arg8[%get3A_1445, %get3A_1446] {strides = array<i32>} : memref<32x768xf32, #tpu.memory_space<vmem>>, vector<1x16xf32>,
        %get3A_1448 = vector.shape_cast %get3A_1447 : vector<1x16xf32> to vector<16xf32>
        %swap3A_1449 = arith.constant 1 : i32
        %swap3A_1450 = arith.index_cast %swap3A_1449 : i32 to index
        %swap3A_1451 = arith.index_cast %scan3A_946 : i32 to index
        %swap3A_1452 = arith.constant 400 : index
        %swap3A_1453 = tpu.vector_load %arg7[%swap3A_1450, %swap3A_1451, %swap3A_1452] {strides = array<i32>} : memref<2x64x768xf32, #tpu.memory_space<vmem>>, vector<1x1x16xf32>,
        %swap3A_1454 = vector.shape_cast %swap3A_1453 : vector<1x1x16xf32> to vector<16xf32>
        %swap3A_1455 = vector.shape_cast %get3A_1448 : vector<16xf32> to vector<1x1x16xf32>
        tpu.vector_store %arg7[%swap3A_1450, %swap3A_1451, %swap3A_1452], %swap3A_1455 {add = true, strides = array<i32>} : memref<2x64x768xf32, #tpu.memory_space<vmem>>, vector<1x1x16xf32>,
        %add3A_1456 = arith.constant 32 : i32
        %add3A_1457 = arith.addi %add3A_1456, %scan3A_946 : i32
        %swap3A_1458 = arith.constant 1 : i32
        %swap3A_1459 = arith.index_cast %swap3A_1458 : i32 to index
        %swap3A_1460 = arith.index_cast %add3A_1457 : i32 to index
        %swap3A_1461 = arith.constant 400 : index
        %swap3A_1462 = tpu.vector_load %arg7[%swap3A_1459, %swap3A_1460, %swap3A_1461] {strides = array<i32>} : memref<2x64x768xf32, #tpu.memory_space<vmem>>, vector<1x1x16xf32>,
        %swap3A_1463 = vector.shape_cast %swap3A_1462 : vector<1x1x16xf32> to vector<16xf32>
        %swap3A_1464 = vector.shape_cast %get3A_1448 : vector<16xf32> to vector<1x1x16xf32>
        tpu.vector_store %arg7[%swap3A_1459, %swap3A_1460, %swap3A_1461], %swap3A_1464 {add = true, strides = array<i32>} : memref<2x64x768xf32, #tpu.memory_space<vmem>>, vector<1x1x16xf32>,
        %get3A_1465 = arith.index_cast %scan3A_946 : i32 to index
        %get3A_1466 = arith.constant 416 : index
        %get3A_1467 = tpu.vector_load %arg8[%get3A_1465, %get3A_1466] {strides = array<i32>} : memref<32x768xf32, #tpu.memory_space<vmem>>, vector<1x16xf32>,
        %get3A_1468 = vector.shape_cast %get3A_1467 : vector<1x16xf32> to vector<16xf32>
        %swap3A_1469 = arith.constant 1 : i32
        %swap3A_1470 = arith.index_cast %swap3A_1469 : i32 to index
        %swap3A_1471 = arith.index_cast %scan3A_946 : i32 to index
        %swap3A_1472 = arith.constant 416 : index
        %swap3A_1473 = tpu.vector_load %arg7[%swap3A_1470, %swap3A_1471, %swap3A_1472] {strides = array<i32>} : memref<2x64x768xf32, #tpu.memory_space<vmem>>, vector<1x1x16xf32>,
        %swap3A_1474 = vector.shape_cast %swap3A_1473 : vector<1x1x16xf32> to vector<16xf32>
        %swap3A_1475 = vector.shape_cast %get3A_1468 : vector<16xf32> to vector<1x1x16xf32>
        tpu.vector_store %arg7[%swap3A_1470, %swap3A_1471, %swap3A_1472], %swap3A_1475 {add = true, strides = array<i32>} : memref<2x64x768xf32, #tpu.memory_space<vmem>>, vector<1x1x16xf32>,
        %add3A_1476 = arith.constant 32 : i32
        %add3A_1477 = arith.addi %add3A_1476, %scan3A_946 : i32
        %swap3A_1478 = arith.constant 1 : i32
        %swap3A_1479 = arith.index_cast %swap3A_1478 : i32 to index
        %swap3A_1480 = arith.index_cast %add3A_1477 : i32 to index
        %swap3A_1481 = arith.constant 416 : index
        %swap3A_1482 = tpu.vector_load %arg7[%swap3A_1479, %swap3A_1480, %swap3A_1481] {strides = array<i32>} : memref<2x64x768xf32, #tpu.memory_space<vmem>>, vector<1x1x16xf32>,
        %swap3A_1483 = vector.shape_cast %swap3A_1482 : vector<1x1x16xf32> to vector<16xf32>
        %swap3A_1484 = vector.shape_cast %get3A_1468 : vector<16xf32> to vector<1x1x16xf32>
        tpu.vector_store %arg7[%swap3A_1479, %swap3A_1480, %swap3A_1481], %swap3A_1484 {add = true, strides = array<i32>} : memref<2x64x768xf32, #tpu.memory_space<vmem>>, vector<1x1x16xf32>,
        %get3A_1485 = arith.index_cast %scan3A_946 : i32 to index
        %get3A_1486 = arith.constant 432 : index
        %get3A_1487 = tpu.vector_load %arg8[%get3A_1485, %get3A_1486] {strides = array<i32>} : memref<32x768xf32, #tpu.memory_space<vmem>>, vector<1x16xf32>,
        %get3A_1488 = vector.shape_cast %get3A_1487 : vector<1x16xf32> to vector<16xf32>
        %swap3A_1489 = arith.constant 1 : i32
        %swap3A_1490 = arith.index_cast %swap3A_1489 : i32 to index
        %swap3A_1491 = arith.index_cast %scan3A_946 : i32 to index
        %swap3A_1492 = arith.constant 432 : index
        %swap3A_1493 = tpu.vector_load %arg7[%swap3A_1490, %swap3A_1491, %swap3A_1492] {strides = array<i32>} : memref<2x64x768xf32, #tpu.memory_space<vmem>>, vector<1x1x16xf32>,
        %swap3A_1494 = vector.shape_cast %swap3A_1493 : vector<1x1x16xf32> to vector<16xf32>
        %swap3A_1495 = vector.shape_cast %get3A_1488 : vector<16xf32> to vector<1x1x16xf32>
        tpu.vector_store %arg7[%swap3A_1490, %swap3A_1491, %swap3A_1492], %swap3A_1495 {add = true, strides = array<i32>} : memref<2x64x768xf32, #tpu.memory_space<vmem>>, vector<1x1x16xf32>,
        %add3A_1496 = arith.constant 32 : i32
        %add3A_1497 = arith.addi %add3A_1496, %scan3A_946 : i32
        %swap3A_1498 = arith.constant 1 : i32
        %swap3A_1499 = arith.index_cast %swap3A_1498 : i32 to index
        %swap3A_1500 = arith.index_cast %add3A_1497 : i32 to index
        %swap3A_1501 = arith.constant 432 : index
        %swap3A_1502 = tpu.vector_load %arg7[%swap3A_1499, %swap3A_1500, %swap3A_1501] {strides = array<i32>} : memref<2x64x768xf32, #tpu.memory_space<vmem>>, vector<1x1x16xf32>,
        %swap3A_1503 = vector.shape_cast %swap3A_1502 : vector<1x1x16xf32> to vector<16xf32>
        %swap3A_1504 = vector.shape_cast %get3A_1488 : vector<16xf32> to vector<1x1x16xf32>
        tpu.vector_store %arg7[%swap3A_1499, %swap3A_1500, %swap3A_1501], %swap3A_1504 {add = true, strides = array<i32>} : memref<2x64x768xf32, #tpu.memory_space<vmem>>, vector<1x1x16xf32>,
        %get3A_1505 = arith.index_cast %scan3A_946 : i32 to index
        %get3A_1506 = arith.constant 448 : index
        %get3A_1507 = tpu.vector_load %arg8[%get3A_1505, %get3A_1506] {strides = array<i32>} : memref<32x768xf32, #tpu.memory_space<vmem>>, vector<1x16xf32>,
        %get3A_1508 = vector.shape_cast %get3A_1507 : vector<1x16xf32> to vector<16xf32>
        %swap3A_1509 = arith.constant 1 : i32
        %swap3A_1510 = arith.index_cast %swap3A_1509 : i32 to index
        %swap3A_1511 = arith.index_cast %scan3A_946 : i32 to index
        %swap3A_1512 = arith.constant 448 : index
        %swap3A_1513 = tpu.vector_load %arg7[%swap3A_1510, %swap3A_1511, %swap3A_1512] {strides = array<i32>} : memref<2x64x768xf32, #tpu.memory_space<vmem>>, vector<1x1x16xf32>,
        %swap3A_1514 = vector.shape_cast %swap3A_1513 : vector<1x1x16xf32> to vector<16xf32>
        %swap3A_1515 = vector.shape_cast %get3A_1508 : vector<16xf32> to vector<1x1x16xf32>
        tpu.vector_store %arg7[%swap3A_1510, %swap3A_1511, %swap3A_1512], %swap3A_1515 {add = true, strides = array<i32>} : memref<2x64x768xf32, #tpu.memory_space<vmem>>, vector<1x1x16xf32>,
        %add3A_1516 = arith.constant 32 : i32
        %add3A_1517 = arith.addi %add3A_1516, %scan3A_946 : i32
        %swap3A_1518 = arith.constant 1 : i32
        %swap3A_1519 = arith.index_cast %swap3A_1518 : i32 to index
        %swap3A_1520 = arith.index_cast %add3A_1517 : i32 to index
        %swap3A_1521 = arith.constant 448 : index
        %swap3A_1522 = tpu.vector_load %arg7[%swap3A_1519, %swap3A_1520, %swap3A_1521] {strides = array<i32>} : memref<2x64x768xf32, #tpu.memory_space<vmem>>, vector<1x1x16xf32>,
        %swap3A_1523 = vector.shape_cast %swap3A_1522 : vector<1x1x16xf32> to vector<16xf32>
        %swap3A_1524 = vector.shape_cast %get3A_1508 : vector<16xf32> to vector<1x1x16xf32>
        tpu.vector_store %arg7[%swap3A_1519, %swap3A_1520, %swap3A_1521], %swap3A_1524 {add = true, strides = array<i32>} : memref<2x64x768xf32, #tpu.memory_space<vmem>>, vector<1x1x16xf32>,
        %get3A_1525 = arith.index_cast %scan3A_946 : i32 to index
        %get3A_1526 = arith.constant 464 : index
        %get3A_1527 = tpu.vector_load %arg8[%get3A_1525, %get3A_1526] {strides = array<i32>} : memref<32x768xf32, #tpu.memory_space<vmem>>, vector<1x16xf32>,
        %get3A_1528 = vector.shape_cast %get3A_1527 : vector<1x16xf32> to vector<16xf32>
        %swap3A_1529 = arith.constant 1 : i32
        %swap3A_1530 = arith.index_cast %swap3A_1529 : i32 to index
        %swap3A_1531 = arith.index_cast %scan3A_946 : i32 to index
        %swap3A_1532 = arith.constant 464 : index
        %swap3A_1533 = tpu.vector_load %arg7[%swap3A_1530, %swap3A_1531, %swap3A_1532] {strides = array<i32>} : memref<2x64x768xf32, #tpu.memory_space<vmem>>, vector<1x1x16xf32>,
        %swap3A_1534 = vector.shape_cast %swap3A_1533 : vector<1x1x16xf32> to vector<16xf32>
        %swap3A_1535 = vector.shape_cast %get3A_1528 : vector<16xf32> to vector<1x1x16xf32>
        tpu.vector_store %arg7[%swap3A_1530, %swap3A_1531, %swap3A_1532], %swap3A_1535 {add = true, strides = array<i32>} : memref<2x64x768xf32, #tpu.memory_space<vmem>>, vector<1x1x16xf32>,
        %add3A_1536 = arith.constant 32 : i32
        %add3A_1537 = arith.addi %add3A_1536, %scan3A_946 : i32
        %swap3A_1538 = arith.constant 1 : i32
        %swap3A_1539 = arith.index_cast %swap3A_1538 : i32 to index
        %swap3A_1540 = arith.index_cast %add3A_1537 : i32 to index
        %swap3A_1541 = arith.constant 464 : index
        %swap3A_1542 = tpu.vector_load %arg7[%swap3A_1539, %swap3A_1540, %swap3A_1541] {strides = array<i32>} : memref<2x64x768xf32, #tpu.memory_space<vmem>>, vector<1x1x16xf32>,
        %swap3A_1543 = vector.shape_cast %swap3A_1542 : vector<1x1x16xf32> to vector<16xf32>
        %swap3A_1544 = vector.shape_cast %get3A_1528 : vector<16xf32> to vector<1x1x16xf32>
        tpu.vector_store %arg7[%swap3A_1539, %swap3A_1540, %swap3A_1541], %swap3A_1544 {add = true, strides = array<i32>} : memref<2x64x768xf32, #tpu.memory_space<vmem>>, vector<1x1x16xf32>,
        %get3A_1545 = arith.index_cast %scan3A_946 : i32 to index
        %get3A_1546 = arith.constant 480 : index
        %get3A_1547 = tpu.vector_load %arg8[%get3A_1545, %get3A_1546] {strides = array<i32>} : memref<32x768xf32, #tpu.memory_space<vmem>>, vector<1x16xf32>,
        %get3A_1548 = vector.shape_cast %get3A_1547 : vector<1x16xf32> to vector<16xf32>
        %swap3A_1549 = arith.constant 1 : i32
        %swap3A_1550 = arith.index_cast %swap3A_1549 : i32 to index
        %swap3A_1551 = arith.index_cast %scan3A_946 : i32 to index
        %swap3A_1552 = arith.constant 480 : index
        %swap3A_1553 = tpu.vector_load %arg7[%swap3A_1550, %swap3A_1551, %swap3A_1552] {strides = array<i32>} : memref<2x64x768xf32, #tpu.memory_space<vmem>>, vector<1x1x16xf32>,
        %swap3A_1554 = vector.shape_cast %swap3A_1553 : vector<1x1x16xf32> to vector<16xf32>
        %swap3A_1555 = vector.shape_cast %get3A_1548 : vector<16xf32> to vector<1x1x16xf32>
        tpu.vector_store %arg7[%swap3A_1550, %swap3A_1551, %swap3A_1552], %swap3A_1555 {add = true, strides = array<i32>} : memref<2x64x768xf32, #tpu.memory_space<vmem>>, vector<1x1x16xf32>,
        %add3A_1556 = arith.constant 32 : i32
        %add3A_1557 = arith.addi %add3A_1556, %scan3A_946 : i32
        %swap3A_1558 = arith.constant 1 : i32
        %swap3A_1559 = arith.index_cast %swap3A_1558 : i32 to index
        %swap3A_1560 = arith.index_cast %add3A_1557 : i32 to index
        %swap3A_1561 = arith.constant 480 : index
        %swap3A_1562 = tpu.vector_load %arg7[%swap3A_1559, %swap3A_1560, %swap3A_1561] {strides = array<i32>} : memref<2x64x768xf32, #tpu.memory_space<vmem>>, vector<1x1x16xf32>,
        %swap3A_1563 = vector.shape_cast %swap3A_1562 : vector<1x1x16xf32> to vector<16xf32>
        %swap3A_1564 = vector.shape_cast %get3A_1548 : vector<16xf32> to vector<1x1x16xf32>
        tpu.vector_store %arg7[%swap3A_1559, %swap3A_1560, %swap3A_1561], %swap3A_1564 {add = true, strides = array<i32>} : memref<2x64x768xf32, #tpu.memory_space<vmem>>, vector<1x1x16xf32>,
        %get3A_1565 = arith.index_cast %scan3A_946 : i32 to index
        %get3A_1566 = arith.constant 496 : index
        %get3A_1567 = tpu.vector_load %arg8[%get3A_1565, %get3A_1566] {strides = array<i32>} : memref<32x768xf32, #tpu.memory_space<vmem>>, vector<1x16xf32>,
        %get3A_1568 = vector.shape_cast %get3A_1567 : vector<1x16xf32> to vector<16xf32>
        %swap3A_1569 = arith.constant 1 : i32
        %swap3A_1570 = arith.index_cast %swap3A_1569 : i32 to index
        %swap3A_1571 = arith.index_cast %scan3A_946 : i32 to index
        %swap3A_1572 = arith.constant 496 : index
        %swap3A_1573 = tpu.vector_load %arg7[%swap3A_1570, %swap3A_1571, %swap3A_1572] {strides = array<i32>} : memref<2x64x768xf32, #tpu.memory_space<vmem>>, vector<1x1x16xf32>,
        %swap3A_1574 = vector.shape_cast %swap3A_1573 : vector<1x1x16xf32> to vector<16xf32>
        %swap3A_1575 = vector.shape_cast %get3A_1568 : vector<16xf32> to vector<1x1x16xf32>
        tpu.vector_store %arg7[%swap3A_1570, %swap3A_1571, %swap3A_1572], %swap3A_1575 {add = true, strides = array<i32>} : memref<2x64x768xf32, #tpu.memory_space<vmem>>, vector<1x1x16xf32>,
        %add3A_1576 = arith.constant 32 : i32
        %add3A_1577 = arith.addi %add3A_1576, %scan3A_946 : i32
        %swap3A_1578 = arith.constant 1 : i32
        %swap3A_1579 = arith.index_cast %swap3A_1578 : i32 to index
        %swap3A_1580 = arith.index_cast %add3A_1577 : i32 to index
        %swap3A_1581 = arith.constant 496 : index
        %swap3A_1582 = tpu.vector_load %arg7[%swap3A_1579, %swap3A_1580, %swap3A_1581] {strides = array<i32>} : memref<2x64x768xf32, #tpu.memory_space<vmem>>, vector<1x1x16xf32>,
        %swap3A_1583 = vector.shape_cast %swap3A_1582 : vector<1x1x16xf32> to vector<16xf32>
        %swap3A_1584 = vector.shape_cast %get3A_1568 : vector<16xf32> to vector<1x1x16xf32>
        tpu.vector_store %arg7[%swap3A_1579, %swap3A_1580, %swap3A_1581], %swap3A_1584 {add = true, strides = array<i32>} : memref<2x64x768xf32, #tpu.memory_space<vmem>>, vector<1x1x16xf32>,
        %get3A_1585 = arith.index_cast %scan3A_946 : i32 to index
        %get3A_1586 = arith.constant 512 : index
        %get3A_1587 = tpu.vector_load %arg8[%get3A_1585, %get3A_1586] {strides = array<i32>} : memref<32x768xf32, #tpu.memory_space<vmem>>, vector<1x16xf32>,
        %get3A_1588 = vector.shape_cast %get3A_1587 : vector<1x16xf32> to vector<16xf32>
        %swap3A_1589 = arith.constant 1 : i32
        %swap3A_1590 = arith.index_cast %swap3A_1589 : i32 to index
        %swap3A_1591 = arith.index_cast %scan3A_946 : i32 to index
        %swap3A_1592 = arith.constant 512 : index
        %swap3A_1593 = tpu.vector_load %arg7[%swap3A_1590, %swap3A_1591, %swap3A_1592] {strides = array<i32>} : memref<2x64x768xf32, #tpu.memory_space<vmem>>, vector<1x1x16xf32>,
        %swap3A_1594 = vector.shape_cast %swap3A_1593 : vector<1x1x16xf32> to vector<16xf32>
        %swap3A_1595 = vector.shape_cast %get3A_1588 : vector<16xf32> to vector<1x1x16xf32>
        tpu.vector_store %arg7[%swap3A_1590, %swap3A_1591, %swap3A_1592], %swap3A_1595 {add = true, strides = array<i32>} : memref<2x64x768xf32, #tpu.memory_space<vmem>>, vector<1x1x16xf32>,
        %add3A_1596 = arith.constant 32 : i32
        %add3A_1597 = arith.addi %add3A_1596, %scan3A_946 : i32
        %swap3A_1598 = arith.constant 1 : i32
        %swap3A_1599 = arith.index_cast %swap3A_1598 : i32 to index
        %swap3A_1600 = arith.index_cast %add3A_1597 : i32 to index
        %swap3A_1601 = arith.constant 512 : index
        %swap3A_1602 = tpu.vector_load %arg7[%swap3A_1599, %swap3A_1600, %swap3A_1601] {strides = array<i32>} : memref<2x64x768xf32, #tpu.memory_space<vmem>>, vector<1x1x16xf32>,
        %swap3A_1603 = vector.shape_cast %swap3A_1602 : vector<1x1x16xf32> to vector<16xf32>
        %swap3A_1604 = vector.shape_cast %get3A_1588 : vector<16xf32> to vector<1x1x16xf32>
        tpu.vector_store %arg7[%swap3A_1599, %swap3A_1600, %swap3A_1601], %swap3A_1604 {add = true, strides = array<i32>} : memref<2x64x768xf32, #tpu.memory_space<vmem>>, vector<1x1x16xf32>,
        %get3A_1605 = arith.index_cast %scan3A_946 : i32 to index
        %get3A_1606 = arith.constant 528 : index
        %get3A_1607 = tpu.vector_load %arg8[%get3A_1605, %get3A_1606] {strides = array<i32>} : memref<32x768xf32, #tpu.memory_space<vmem>>, vector<1x16xf32>,
        %get3A_1608 = vector.shape_cast %get3A_1607 : vector<1x16xf32> to vector<16xf32>
        %swap3A_1609 = arith.constant 1 : i32
        %swap3A_1610 = arith.index_cast %swap3A_1609 : i32 to index
        %swap3A_1611 = arith.index_cast %scan3A_946 : i32 to index
        %swap3A_1612 = arith.constant 528 : index
        %swap3A_1613 = tpu.vector_load %arg7[%swap3A_1610, %swap3A_1611, %swap3A_1612] {strides = array<i32>} : memref<2x64x768xf32, #tpu.memory_space<vmem>>, vector<1x1x16xf32>,
        %swap3A_1614 = vector.shape_cast %swap3A_1613 : vector<1x1x16xf32> to vector<16xf32>
        %swap3A_1615 = vector.shape_cast %get3A_1608 : vector<16xf32> to vector<1x1x16xf32>
        tpu.vector_store %arg7[%swap3A_1610, %swap3A_1611, %swap3A_1612], %swap3A_1615 {add = true, strides = array<i32>} : memref<2x64x768xf32, #tpu.memory_space<vmem>>, vector<1x1x16xf32>,
        %add3A_1616 = arith.constant 32 : i32
        %add3A_1617 = arith.addi %add3A_1616, %scan3A_946 : i32
        %swap3A_1618 = arith.constant 1 : i32
        %swap3A_1619 = arith.index_cast %swap3A_1618 : i32 to index
        %swap3A_1620 = arith.index_cast %add3A_1617 : i32 to index
        %swap3A_1621 = arith.constant 528 : index
        %swap3A_1622 = tpu.vector_load %arg7[%swap3A_1619, %swap3A_1620, %swap3A_1621] {strides = array<i32>} : memref<2x64x768xf32, #tpu.memory_space<vmem>>, vector<1x1x16xf32>,
        %swap3A_1623 = vector.shape_cast %swap3A_1622 : vector<1x1x16xf32> to vector<16xf32>
        %swap3A_1624 = vector.shape_cast %get3A_1608 : vector<16xf32> to vector<1x1x16xf32>
        tpu.vector_store %arg7[%swap3A_1619, %swap3A_1620, %swap3A_1621], %swap3A_1624 {add = true, strides = array<i32>} : memref<2x64x768xf32, #tpu.memory_space<vmem>>, vector<1x1x16xf32>,
        %get3A_1625 = arith.index_cast %scan3A_946 : i32 to index
        %get3A_1626 = arith.constant 544 : index
        %get3A_1627 = tpu.vector_load %arg8[%get3A_1625, %get3A_1626] {strides = array<i32>} : memref<32x768xf32, #tpu.memory_space<vmem>>, vector<1x16xf32>,
        %get3A_1628 = vector.shape_cast %get3A_1627 : vector<1x16xf32> to vector<16xf32>
        %swap3A_1629 = arith.constant 1 : i32
        %swap3A_1630 = arith.index_cast %swap3A_1629 : i32 to index
        %swap3A_1631 = arith.index_cast %scan3A_946 : i32 to index
        %swap3A_1632 = arith.constant 544 : index
        %swap3A_1633 = tpu.vector_load %arg7[%swap3A_1630, %swap3A_1631, %swap3A_1632] {strides = array<i32>} : memref<2x64x768xf32, #tpu.memory_space<vmem>>, vector<1x1x16xf32>,
        %swap3A_1634 = vector.shape_cast %swap3A_1633 : vector<1x1x16xf32> to vector<16xf32>
        %swap3A_1635 = vector.shape_cast %get3A_1628 : vector<16xf32> to vector<1x1x16xf32>
        tpu.vector_store %arg7[%swap3A_1630, %swap3A_1631, %swap3A_1632], %swap3A_1635 {add = true, strides = array<i32>} : memref<2x64x768xf32, #tpu.memory_space<vmem>>, vector<1x1x16xf32>,
        %add3A_1636 = arith.constant 32 : i32
        %add3A_1637 = arith.addi %add3A_1636, %scan3A_946 : i32
        %swap3A_1638 = arith.constant 1 : i32
        %swap3A_1639 = arith.index_cast %swap3A_1638 : i32 to index
        %swap3A_1640 = arith.index_cast %add3A_1637 : i32 to index
        %swap3A_1641 = arith.constant 544 : index
        %swap3A_1642 = tpu.vector_load %arg7[%swap3A_1639, %swap3A_1640, %swap3A_1641] {strides = array<i32>} : memref<2x64x768xf32, #tpu.memory_space<vmem>>, vector<1x1x16xf32>,
        %swap3A_1643 = vector.shape_cast %swap3A_1642 : vector<1x1x16xf32> to vector<16xf32>
        %swap3A_1644 = vector.shape_cast %get3A_1628 : vector<16xf32> to vector<1x1x16xf32>
        tpu.vector_store %arg7[%swap3A_1639, %swap3A_1640, %swap3A_1641], %swap3A_1644 {add = true, strides = array<i32>} : memref<2x64x768xf32, #tpu.memory_space<vmem>>, vector<1x1x16xf32>,
        %get3A_1645 = arith.index_cast %scan3A_946 : i32 to index
        %get3A_1646 = arith.constant 560 : index
        %get3A_1647 = tpu.vector_load %arg8[%get3A_1645, %get3A_1646] {strides = array<i32>} : memref<32x768xf32, #tpu.memory_space<vmem>>, vector<1x16xf32>,
        %get3A_1648 = vector.shape_cast %get3A_1647 : vector<1x16xf32> to vector<16xf32>
        %swap3A_1649 = arith.constant 1 : i32
        %swap3A_1650 = arith.index_cast %swap3A_1649 : i32 to index
        %swap3A_1651 = arith.index_cast %scan3A_946 : i32 to index
        %swap3A_1652 = arith.constant 560 : index
        %swap3A_1653 = tpu.vector_load %arg7[%swap3A_1650, %swap3A_1651, %swap3A_1652] {strides = array<i32>} : memref<2x64x768xf32, #tpu.memory_space<vmem>>, vector<1x1x16xf32>,
        %swap3A_1654 = vector.shape_cast %swap3A_1653 : vector<1x1x16xf32> to vector<16xf32>
        %swap3A_1655 = vector.shape_cast %get3A_1648 : vector<16xf32> to vector<1x1x16xf32>
        tpu.vector_store %arg7[%swap3A_1650, %swap3A_1651, %swap3A_1652], %swap3A_1655 {add = true, strides = array<i32>} : memref<2x64x768xf32, #tpu.memory_space<vmem>>, vector<1x1x16xf32>,
        %add3A_1656 = arith.constant 32 : i32
        %add3A_1657 = arith.addi %add3A_1656, %scan3A_946 : i32
        %swap3A_1658 = arith.constant 1 : i32
        %swap3A_1659 = arith.index_cast %swap3A_1658 : i32 to index
        %swap3A_1660 = arith.index_cast %add3A_1657 : i32 to index
        %swap3A_1661 = arith.constant 560 : index
        %swap3A_1662 = tpu.vector_load %arg7[%swap3A_1659, %swap3A_1660, %swap3A_1661] {strides = array<i32>} : memref<2x64x768xf32, #tpu.memory_space<vmem>>, vector<1x1x16xf32>,
        %swap3A_1663 = vector.shape_cast %swap3A_1662 : vector<1x1x16xf32> to vector<16xf32>
        %swap3A_1664 = vector.shape_cast %get3A_1648 : vector<16xf32> to vector<1x1x16xf32>
        tpu.vector_store %arg7[%swap3A_1659, %swap3A_1660, %swap3A_1661], %swap3A_1664 {add = true, strides = array<i32>} : memref<2x64x768xf32, #tpu.memory_space<vmem>>, vector<1x1x16xf32>,
        %get3A_1665 = arith.index_cast %scan3A_946 : i32 to index
        %get3A_1666 = arith.constant 576 : index
        %get3A_1667 = tpu.vector_load %arg8[%get3A_1665, %get3A_1666] {strides = array<i32>} : memref<32x768xf32, #tpu.memory_space<vmem>>, vector<1x16xf32>,
        %get3A_1668 = vector.shape_cast %get3A_1667 : vector<1x16xf32> to vector<16xf32>
        %swap3A_1669 = arith.constant 1 : i32
        %swap3A_1670 = arith.index_cast %swap3A_1669 : i32 to index
        %swap3A_1671 = arith.index_cast %scan3A_946 : i32 to index
        %swap3A_1672 = arith.constant 576 : index
        %swap3A_1673 = tpu.vector_load %arg7[%swap3A_1670, %swap3A_1671, %swap3A_1672] {strides = array<i32>} : memref<2x64x768xf32, #tpu.memory_space<vmem>>, vector<1x1x16xf32>,
        %swap3A_1674 = vector.shape_cast %swap3A_1673 : vector<1x1x16xf32> to vector<16xf32>
        %swap3A_1675 = vector.shape_cast %get3A_1668 : vector<16xf32> to vector<1x1x16xf32>
        tpu.vector_store %arg7[%swap3A_1670, %swap3A_1671, %swap3A_1672], %swap3A_1675 {add = true, strides = array<i32>} : memref<2x64x768xf32, #tpu.memory_space<vmem>>, vector<1x1x16xf32>,
        %add3A_1676 = arith.constant 32 : i32
        %add3A_1677 = arith.addi %add3A_1676, %scan3A_946 : i32
        %swap3A_1678 = arith.constant 1 : i32
        %swap3A_1679 = arith.index_cast %swap3A_1678 : i32 to index
        %swap3A_1680 = arith.index_cast %add3A_1677 : i32 to index
        %swap3A_1681 = arith.constant 576 : index
        %swap3A_1682 = tpu.vector_load %arg7[%swap3A_1679, %swap3A_1680, %swap3A_1681] {strides = array<i32>} : memref<2x64x768xf32, #tpu.memory_space<vmem>>, vector<1x1x16xf32>,
        %swap3A_1683 = vector.shape_cast %swap3A_1682 : vector<1x1x16xf32> to vector<16xf32>
        %swap3A_1684 = vector.shape_cast %get3A_1668 : vector<16xf32> to vector<1x1x16xf32>
        tpu.vector_store %arg7[%swap3A_1679, %swap3A_1680, %swap3A_1681], %swap3A_1684 {add = true, strides = array<i32>} : memref<2x64x768xf32, #tpu.memory_space<vmem>>, vector<1x1x16xf32>,
        %get3A_1685 = arith.index_cast %scan3A_946 : i32 to index
        %get3A_1686 = arith.constant 592 : index
        %get3A_1687 = tpu.vector_load %arg8[%get3A_1685, %get3A_1686] {strides = array<i32>} : memref<32x768xf32, #tpu.memory_space<vmem>>, vector<1x16xf32>,
        %get3A_1688 = vector.shape_cast %get3A_1687 : vector<1x16xf32> to vector<16xf32>
        %swap3A_1689 = arith.constant 1 : i32
        %swap3A_1690 = arith.index_cast %swap3A_1689 : i32 to index
        %swap3A_1691 = arith.index_cast %scan3A_946 : i32 to index
        %swap3A_1692 = arith.constant 592 : index
        %swap3A_1693 = tpu.vector_load %arg7[%swap3A_1690, %swap3A_1691, %swap3A_1692] {strides = array<i32>} : memref<2x64x768xf32, #tpu.memory_space<vmem>>, vector<1x1x16xf32>,
        %swap3A_1694 = vector.shape_cast %swap3A_1693 : vector<1x1x16xf32> to vector<16xf32>
        %swap3A_1695 = vector.shape_cast %get3A_1688 : vector<16xf32> to vector<1x1x16xf32>
        tpu.vector_store %arg7[%swap3A_1690, %swap3A_1691, %swap3A_1692], %swap3A_1695 {add = true, strides = array<i32>} : memref<2x64x768xf32, #tpu.memory_space<vmem>>, vector<1x1x16xf32>,
        %add3A_1696 = arith.constant 32 : i32
        %add3A_1697 = arith.addi %add3A_1696, %scan3A_946 : i32
        %swap3A_1698 = arith.constant 1 : i32
        %swap3A_1699 = arith.index_cast %swap3A_1698 : i32 to index
        %swap3A_1700 = arith.index_cast %add3A_1697 : i32 to index
        %swap3A_1701 = arith.constant 592 : index
        %swap3A_1702 = tpu.vector_load %arg7[%swap3A_1699, %swap3A_1700, %swap3A_1701] {strides = array<i32>} : memref<2x64x768xf32, #tpu.memory_space<vmem>>, vector<1x1x16xf32>,
        %swap3A_1703 = vector.shape_cast %swap3A_1702 : vector<1x1x16xf32> to vector<16xf32>
        %swap3A_1704 = vector.shape_cast %get3A_1688 : vector<16xf32> to vector<1x1x16xf32>
        tpu.vector_store %arg7[%swap3A_1699, %swap3A_1700, %swap3A_1701], %swap3A_1704 {add = true, strides = array<i32>} : memref<2x64x768xf32, #tpu.memory_space<vmem>>, vector<1x1x16xf32>,
        %get3A_1705 = arith.index_cast %scan3A_946 : i32 to index
        %get3A_1706 = arith.constant 608 : index
        %get3A_1707 = tpu.vector_load %arg8[%get3A_1705, %get3A_1706] {strides = array<i32>} : memref<32x768xf32, #tpu.memory_space<vmem>>, vector<1x16xf32>,
        %get3A_1708 = vector.shape_cast %get3A_1707 : vector<1x16xf32> to vector<16xf32>
        %swap3A_1709 = arith.constant 1 : i32
        %swap3A_1710 = arith.index_cast %swap3A_1709 : i32 to index
        %swap3A_1711 = arith.index_cast %scan3A_946 : i32 to index
        %swap3A_1712 = arith.constant 608 : index
        %swap3A_1713 = tpu.vector_load %arg7[%swap3A_1710, %swap3A_1711, %swap3A_1712] {strides = array<i32>} : memref<2x64x768xf32, #tpu.memory_space<vmem>>, vector<1x1x16xf32>,
        %swap3A_1714 = vector.shape_cast %swap3A_1713 : vector<1x1x16xf32> to vector<16xf32>
        %swap3A_1715 = vector.shape_cast %get3A_1708 : vector<16xf32> to vector<1x1x16xf32>
        tpu.vector_store %arg7[%swap3A_1710, %swap3A_1711, %swap3A_1712], %swap3A_1715 {add = true, strides = array<i32>} : memref<2x64x768xf32, #tpu.memory_space<vmem>>, vector<1x1x16xf32>,
        %add3A_1716 = arith.constant 32 : i32
        %add3A_1717 = arith.addi %add3A_1716, %scan3A_946 : i32
        %swap3A_1718 = arith.constant 1 : i32
        %swap3A_1719 = arith.index_cast %swap3A_1718 : i32 to index
        %swap3A_1720 = arith.index_cast %add3A_1717 : i32 to index
        %swap3A_1721 = arith.constant 608 : index
        %swap3A_1722 = tpu.vector_load %arg7[%swap3A_1719, %swap3A_1720, %swap3A_1721] {strides = array<i32>} : memref<2x64x768xf32, #tpu.memory_space<vmem>>, vector<1x1x16xf32>,
        %swap3A_1723 = vector.shape_cast %swap3A_1722 : vector<1x1x16xf32> to vector<16xf32>
        %swap3A_1724 = vector.shape_cast %get3A_1708 : vector<16xf32> to vector<1x1x16xf32>
        tpu.vector_store %arg7[%swap3A_1719, %swap3A_1720, %swap3A_1721], %swap3A_1724 {add = true, strides = array<i32>} : memref<2x64x768xf32, #tpu.memory_space<vmem>>, vector<1x1x16xf32>,
        %get3A_1725 = arith.index_cast %scan3A_946 : i32 to index
        %get3A_1726 = arith.constant 624 : index
        %get3A_1727 = tpu.vector_load %arg8[%get3A_1725, %get3A_1726] {strides = array<i32>} : memref<32x768xf32, #tpu.memory_space<vmem>>, vector<1x16xf32>,
        %get3A_1728 = vector.shape_cast %get3A_1727 : vector<1x16xf32> to vector<16xf32>
        %swap3A_1729 = arith.constant 1 : i32
        %swap3A_1730 = arith.index_cast %swap3A_1729 : i32 to index
        %swap3A_1731 = arith.index_cast %scan3A_946 : i32 to index
        %swap3A_1732 = arith.constant 624 : index
        %swap3A_1733 = tpu.vector_load %arg7[%swap3A_1730, %swap3A_1731, %swap3A_1732] {strides = array<i32>} : memref<2x64x768xf32, #tpu.memory_space<vmem>>, vector<1x1x16xf32>,
        %swap3A_1734 = vector.shape_cast %swap3A_1733 : vector<1x1x16xf32> to vector<16xf32>
        %swap3A_1735 = vector.shape_cast %get3A_1728 : vector<16xf32> to vector<1x1x16xf32>
        tpu.vector_store %arg7[%swap3A_1730, %swap3A_1731, %swap3A_1732], %swap3A_1735 {add = true, strides = array<i32>} : memref<2x64x768xf32, #tpu.memory_space<vmem>>, vector<1x1x16xf32>,
        %add3A_1736 = arith.constant 32 : i32
        %add3A_1737 = arith.addi %add3A_1736, %scan3A_946 : i32
        %swap3A_1738 = arith.constant 1 : i32
        %swap3A_1739 = arith.index_cast %swap3A_1738 : i32 to index
        %swap3A_1740 = arith.index_cast %add3A_1737 : i32 to index
        %swap3A_1741 = arith.constant 624 : index
        %swap3A_1742 = tpu.vector_load %arg7[%swap3A_1739, %swap3A_1740, %swap3A_1741] {strides = array<i32>} : memref<2x64x768xf32, #tpu.memory_space<vmem>>, vector<1x1x16xf32>,
        %swap3A_1743 = vector.shape_cast %swap3A_1742 : vector<1x1x16xf32> to vector<16xf32>
        %swap3A_1744 = vector.shape_cast %get3A_1728 : vector<16xf32> to vector<1x1x16xf32>
        tpu.vector_store %arg7[%swap3A_1739, %swap3A_1740, %swap3A_1741], %swap3A_1744 {add = true, strides = array<i32>} : memref<2x64x768xf32, #tpu.memory_space<vmem>>, vector<1x1x16xf32>,
        %get3A_1745 = arith.index_cast %scan3A_946 : i32 to index
        %get3A_1746 = arith.constant 640 : index
        %get3A_1747 = tpu.vector_load %arg8[%get3A_1745, %get3A_1746] {strides = array<i32>} : memref<32x768xf32, #tpu.memory_space<vmem>>, vector<1x16xf32>,
        %get3A_1748 = vector.shape_cast %get3A_1747 : vector<1x16xf32> to vector<16xf32>
        %swap3A_1749 = arith.constant 1 : i32
        %swap3A_1750 = arith.index_cast %swap3A_1749 : i32 to index
        %swap3A_1751 = arith.index_cast %scan3A_946 : i32 to index
        %swap3A_1752 = arith.constant 640 : index
        %swap3A_1753 = tpu.vector_load %arg7[%swap3A_1750, %swap3A_1751, %swap3A_1752] {strides = array<i32>} : memref<2x64x768xf32, #tpu.memory_space<vmem>>, vector<1x1x16xf32>,
        %swap3A_1754 = vector.shape_cast %swap3A_1753 : vector<1x1x16xf32> to vector<16xf32>
        %swap3A_1755 = vector.shape_cast %get3A_1748 : vector<16xf32> to vector<1x1x16xf32>
        tpu.vector_store %arg7[%swap3A_1750, %swap3A_1751, %swap3A_1752], %swap3A_1755 {add = true, strides = array<i32>} : memref<2x64x768xf32, #tpu.memory_space<vmem>>, vector<1x1x16xf32>,
        %add3A_1756 = arith.constant 32 : i32
        %add3A_1757 = arith.addi %add3A_1756, %scan3A_946 : i32
        %swap3A_1758 = arith.constant 1 : i32
        %swap3A_1759 = arith.index_cast %swap3A_1758 : i32 to index
        %swap3A_1760 = arith.index_cast %add3A_1757 : i32 to index
        %swap3A_1761 = arith.constant 640 : index
        %swap3A_1762 = tpu.vector_load %arg7[%swap3A_1759, %swap3A_1760, %swap3A_1761] {strides = array<i32>} : memref<2x64x768xf32, #tpu.memory_space<vmem>>, vector<1x1x16xf32>,
        %swap3A_1763 = vector.shape_cast %swap3A_1762 : vector<1x1x16xf32> to vector<16xf32>
        %swap3A_1764 = vector.shape_cast %get3A_1748 : vector<16xf32> to vector<1x1x16xf32>
        tpu.vector_store %arg7[%swap3A_1759, %swap3A_1760, %swap3A_1761], %swap3A_1764 {add = true, strides = array<i32>} : memref<2x64x768xf32, #tpu.memory_space<vmem>>, vector<1x1x16xf32>,
        %get3A_1765 = arith.index_cast %scan3A_946 : i32 to index
        %get3A_1766 = arith.constant 656 : index
        %get3A_1767 = tpu.vector_load %arg8[%get3A_1765, %get3A_1766] {strides = array<i32>} : memref<32x768xf32, #tpu.memory_space<vmem>>, vector<1x16xf32>,
        %get3A_1768 = vector.shape_cast %get3A_1767 : vector<1x16xf32> to vector<16xf32>
        %swap3A_1769 = arith.constant 1 : i32
        %swap3A_1770 = arith.index_cast %swap3A_1769 : i32 to index
        %swap3A_1771 = arith.index_cast %scan3A_946 : i32 to index
        %swap3A_1772 = arith.constant 656 : index
        %swap3A_1773 = tpu.vector_load %arg7[%swap3A_1770, %swap3A_1771, %swap3A_1772] {strides = array<i32>} : memref<2x64x768xf32, #tpu.memory_space<vmem>>, vector<1x1x16xf32>,
        %swap3A_1774 = vector.shape_cast %swap3A_1773 : vector<1x1x16xf32> to vector<16xf32>
        %swap3A_1775 = vector.shape_cast %get3A_1768 : vector<16xf32> to vector<1x1x16xf32>
        tpu.vector_store %arg7[%swap3A_1770, %swap3A_1771, %swap3A_1772], %swap3A_1775 {add = true, strides = array<i32>} : memref<2x64x768xf32, #tpu.memory_space<vmem>>, vector<1x1x16xf32>,
        %add3A_1776 = arith.constant 32 : i32
        %add3A_1777 = arith.addi %add3A_1776, %scan3A_946 : i32
        %swap3A_1778 = arith.constant 1 : i32
        %swap3A_1779 = arith.index_cast %swap3A_1778 : i32 to index
        %swap3A_1780 = arith.index_cast %add3A_1777 : i32 to index
        %swap3A_1781 = arith.constant 656 : index
        %swap3A_1782 = tpu.vector_load %arg7[%swap3A_1779, %swap3A_1780, %swap3A_1781] {strides = array<i32>} : memref<2x64x768xf32, #tpu.memory_space<vmem>>, vector<1x1x16xf32>,
        %swap3A_1783 = vector.shape_cast %swap3A_1782 : vector<1x1x16xf32> to vector<16xf32>
        %swap3A_1784 = vector.shape_cast %get3A_1768 : vector<16xf32> to vector<1x1x16xf32>
        tpu.vector_store %arg7[%swap3A_1779, %swap3A_1780, %swap3A_1781], %swap3A_1784 {add = true, strides = array<i32>} : memref<2x64x768xf32, #tpu.memory_space<vmem>>, vector<1x1x16xf32>,
        %get3A_1785 = arith.index_cast %scan3A_946 : i32 to index
        %get3A_1786 = arith.constant 672 : index
        %get3A_1787 = tpu.vector_load %arg8[%get3A_1785, %get3A_1786] {strides = array<i32>} : memref<32x768xf32, #tpu.memory_space<vmem>>, vector<1x16xf32>,
        %get3A_1788 = vector.shape_cast %get3A_1787 : vector<1x16xf32> to vector<16xf32>
        %swap3A_1789 = arith.constant 1 : i32
        %swap3A_1790 = arith.index_cast %swap3A_1789 : i32 to index
        %swap3A_1791 = arith.index_cast %scan3A_946 : i32 to index
        %swap3A_1792 = arith.constant 672 : index
        %swap3A_1793 = tpu.vector_load %arg7[%swap3A_1790, %swap3A_1791, %swap3A_1792] {strides = array<i32>} : memref<2x64x768xf32, #tpu.memory_space<vmem>>, vector<1x1x16xf32>,
        %swap3A_1794 = vector.shape_cast %swap3A_1793 : vector<1x1x16xf32> to vector<16xf32>
        %swap3A_1795 = vector.shape_cast %get3A_1788 : vector<16xf32> to vector<1x1x16xf32>
        tpu.vector_store %arg7[%swap3A_1790, %swap3A_1791, %swap3A_1792], %swap3A_1795 {add = true, strides = array<i32>} : memref<2x64x768xf32, #tpu.memory_space<vmem>>, vector<1x1x16xf32>,
        %add3A_1796 = arith.constant 32 : i32
        %add3A_1797 = arith.addi %add3A_1796, %scan3A_946 : i32
        %swap3A_1798 = arith.constant 1 : i32
        %swap3A_1799 = arith.index_cast %swap3A_1798 : i32 to index
        %swap3A_1800 = arith.index_cast %add3A_1797 : i32 to index
        %swap3A_1801 = arith.constant 672 : index
        %swap3A_1802 = tpu.vector_load %arg7[%swap3A_1799, %swap3A_1800, %swap3A_1801] {strides = array<i32>} : memref<2x64x768xf32, #tpu.memory_space<vmem>>, vector<1x1x16xf32>,
        %swap3A_1803 = vector.shape_cast %swap3A_1802 : vector<1x1x16xf32> to vector<16xf32>
        %swap3A_1804 = vector.shape_cast %get3A_1788 : vector<16xf32> to vector<1x1x16xf32>
        tpu.vector_store %arg7[%swap3A_1799, %swap3A_1800, %swap3A_1801], %swap3A_1804 {add = true, strides = array<i32>} : memref<2x64x768xf32, #tpu.memory_space<vmem>>, vector<1x1x16xf32>,
        %get3A_1805 = arith.index_cast %scan3A_946 : i32 to index
        %get3A_1806 = arith.constant 688 : index
        %get3A_1807 = tpu.vector_load %arg8[%get3A_1805, %get3A_1806] {strides = array<i32>} : memref<32x768xf32, #tpu.memory_space<vmem>>, vector<1x16xf32>,
        %get3A_1808 = vector.shape_cast %get3A_1807 : vector<1x16xf32> to vector<16xf32>
        %swap3A_1809 = arith.constant 1 : i32
        %swap3A_1810 = arith.index_cast %swap3A_1809 : i32 to index
        %swap3A_1811 = arith.index_cast %scan3A_946 : i32 to index
        %swap3A_1812 = arith.constant 688 : index
        %swap3A_1813 = tpu.vector_load %arg7[%swap3A_1810, %swap3A_1811, %swap3A_1812] {strides = array<i32>} : memref<2x64x768xf32, #tpu.memory_space<vmem>>, vector<1x1x16xf32>,
        %swap3A_1814 = vector.shape_cast %swap3A_1813 : vector<1x1x16xf32> to vector<16xf32>
        %swap3A_1815 = vector.shape_cast %get3A_1808 : vector<16xf32> to vector<1x1x16xf32>
        tpu.vector_store %arg7[%swap3A_1810, %swap3A_1811, %swap3A_1812], %swap3A_1815 {add = true, strides = array<i32>} : memref<2x64x768xf32, #tpu.memory_space<vmem>>, vector<1x1x16xf32>,
        %add3A_1816 = arith.constant 32 : i32
        %add3A_1817 = arith.addi %add3A_1816, %scan3A_946 : i32
        %swap3A_1818 = arith.constant 1 : i32
        %swap3A_1819 = arith.index_cast %swap3A_1818 : i32 to index
        %swap3A_1820 = arith.index_cast %add3A_1817 : i32 to index
        %swap3A_1821 = arith.constant 688 : index
        %swap3A_1822 = tpu.vector_load %arg7[%swap3A_1819, %swap3A_1820, %swap3A_1821] {strides = array<i32>} : memref<2x64x768xf32, #tpu.memory_space<vmem>>, vector<1x1x16xf32>,
        %swap3A_1823 = vector.shape_cast %swap3A_1822 : vector<1x1x16xf32> to vector<16xf32>
        %swap3A_1824 = vector.shape_cast %get3A_1808 : vector<16xf32> to vector<1x1x16xf32>
        tpu.vector_store %arg7[%swap3A_1819, %swap3A_1820, %swap3A_1821], %swap3A_1824 {add = true, strides = array<i32>} : memref<2x64x768xf32, #tpu.memory_space<vmem>>, vector<1x1x16xf32>,
        %get3A_1825 = arith.index_cast %scan3A_946 : i32 to index
        %get3A_1826 = arith.constant 704 : index
        %get3A_1827 = tpu.vector_load %arg8[%get3A_1825, %get3A_1826] {strides = array<i32>} : memref<32x768xf32, #tpu.memory_space<vmem>>, vector<1x16xf32>,
        %get3A_1828 = vector.shape_cast %get3A_1827 : vector<1x16xf32> to vector<16xf32>
        %swap3A_1829 = arith.constant 1 : i32
        %swap3A_1830 = arith.index_cast %swap3A_1829 : i32 to index
        %swap3A_1831 = arith.index_cast %scan3A_946 : i32 to index
        %swap3A_1832 = arith.constant 704 : index
        %swap3A_1833 = tpu.vector_load %arg7[%swap3A_1830, %swap3A_1831, %swap3A_1832] {strides = array<i32>} : memref<2x64x768xf32, #tpu.memory_space<vmem>>, vector<1x1x16xf32>,
        %swap3A_1834 = vector.shape_cast %swap3A_1833 : vector<1x1x16xf32> to vector<16xf32>
        %swap3A_1835 = vector.shape_cast %get3A_1828 : vector<16xf32> to vector<1x1x16xf32>
        tpu.vector_store %arg7[%swap3A_1830, %swap3A_1831, %swap3A_1832], %swap3A_1835 {add = true, strides = array<i32>} : memref<2x64x768xf32, #tpu.memory_space<vmem>>, vector<1x1x16xf32>,
        %add3A_1836 = arith.constant 32 : i32
        %add3A_1837 = arith.addi %add3A_1836, %scan3A_946 : i32
        %swap3A_1838 = arith.constant 1 : i32
        %swap3A_1839 = arith.index_cast %swap3A_1838 : i32 to index
        %swap3A_1840 = arith.index_cast %add3A_1837 : i32 to index
        %swap3A_1841 = arith.constant 704 : index
        %swap3A_1842 = tpu.vector_load %arg7[%swap3A_1839, %swap3A_1840, %swap3A_1841] {strides = array<i32>} : memref<2x64x768xf32, #tpu.memory_space<vmem>>, vector<1x1x16xf32>,
        %swap3A_1843 = vector.shape_cast %swap3A_1842 : vector<1x1x16xf32> to vector<16xf32>
        %swap3A_1844 = vector.shape_cast %get3A_1828 : vector<16xf32> to vector<1x1x16xf32>
        tpu.vector_store %arg7[%swap3A_1839, %swap3A_1840, %swap3A_1841], %swap3A_1844 {add = true, strides = array<i32>} : memref<2x64x768xf32, #tpu.memory_space<vmem>>, vector<1x1x16xf32>,
        %get3A_1845 = arith.index_cast %scan3A_946 : i32 to index
        %get3A_1846 = arith.constant 720 : index
        %get3A_1847 = tpu.vector_load %arg8[%get3A_1845, %get3A_1846] {strides = array<i32>} : memref<32x768xf32, #tpu.memory_space<vmem>>, vector<1x16xf32>,
        %get3A_1848 = vector.shape_cast %get3A_1847 : vector<1x16xf32> to vector<16xf32>
        %swap3A_1849 = arith.constant 1 : i32
        %swap3A_1850 = arith.index_cast %swap3A_1849 : i32 to index
        %swap3A_1851 = arith.index_cast %scan3A_946 : i32 to index
        %swap3A_1852 = arith.constant 720 : index
        %swap3A_1853 = tpu.vector_load %arg7[%swap3A_1850, %swap3A_1851, %swap3A_1852] {strides = array<i32>} : memref<2x64x768xf32, #tpu.memory_space<vmem>>, vector<1x1x16xf32>,
        %swap3A_1854 = vector.shape_cast %swap3A_1853 : vector<1x1x16xf32> to vector<16xf32>
        %swap3A_1855 = vector.shape_cast %get3A_1848 : vector<16xf32> to vector<1x1x16xf32>
        tpu.vector_store %arg7[%swap3A_1850, %swap3A_1851, %swap3A_1852], %swap3A_1855 {add = true, strides = array<i32>} : memref<2x64x768xf32, #tpu.memory_space<vmem>>, vector<1x1x16xf32>,
        %add3A_1856 = arith.constant 32 : i32
        %add3A_1857 = arith.addi %add3A_1856, %scan3A_946 : i32
        %swap3A_1858 = arith.constant 1 : i32
        %swap3A_1859 = arith.index_cast %swap3A_1858 : i32 to index
        %swap3A_1860 = arith.index_cast %add3A_1857 : i32 to index
        %swap3A_1861 = arith.constant 720 : index
        %swap3A_1862 = tpu.vector_load %arg7[%swap3A_1859, %swap3A_1860, %swap3A_1861] {strides = array<i32>} : memref<2x64x768xf32, #tpu.memory_space<vmem>>, vector<1x1x16xf32>,
        %swap3A_1863 = vector.shape_cast %swap3A_1862 : vector<1x1x16xf32> to vector<16xf32>
        %swap3A_1864 = vector.shape_cast %get3A_1848 : vector<16xf32> to vector<1x1x16xf32>
        tpu.vector_store %arg7[%swap3A_1859, %swap3A_1860, %swap3A_1861], %swap3A_1864 {add = true, strides = array<i32>} : memref<2x64x768xf32, #tpu.memory_space<vmem>>, vector<1x1x16xf32>,
        %get3A_1865 = arith.index_cast %scan3A_946 : i32 to index
        %get3A_1866 = arith.constant 736 : index
        %get3A_1867 = tpu.vector_load %arg8[%get3A_1865, %get3A_1866] {strides = array<i32>} : memref<32x768xf32, #tpu.memory_space<vmem>>, vector<1x16xf32>,
        %get3A_1868 = vector.shape_cast %get3A_1867 : vector<1x16xf32> to vector<16xf32>
        %swap3A_1869 = arith.constant 1 : i32
        %swap3A_1870 = arith.index_cast %swap3A_1869 : i32 to index
        %swap3A_1871 = arith.index_cast %scan3A_946 : i32 to index
        %swap3A_1872 = arith.constant 736 : index
        %swap3A_1873 = tpu.vector_load %arg7[%swap3A_1870, %swap3A_1871, %swap3A_1872] {strides = array<i32>} : memref<2x64x768xf32, #tpu.memory_space<vmem>>, vector<1x1x16xf32>,
        %swap3A_1874 = vector.shape_cast %swap3A_1873 : vector<1x1x16xf32> to vector<16xf32>
        %swap3A_1875 = vector.shape_cast %get3A_1868 : vector<16xf32> to vector<1x1x16xf32>
        tpu.vector_store %arg7[%swap3A_1870, %swap3A_1871, %swap3A_1872], %swap3A_1875 {add = true, strides = array<i32>} : memref<2x64x768xf32, #tpu.memory_space<vmem>>, vector<1x1x16xf32>,
        %add3A_1876 = arith.constant 32 : i32
        %add3A_1877 = arith.addi %add3A_1876, %scan3A_946 : i32
        %swap3A_1878 = arith.constant 1 : i32
        %swap3A_1879 = arith.index_cast %swap3A_1878 : i32 to index
        %swap3A_1880 = arith.index_cast %add3A_1877 : i32 to index
        %swap3A_1881 = arith.constant 736 : index
        %swap3A_1882 = tpu.vector_load %arg7[%swap3A_1879, %swap3A_1880, %swap3A_1881] {strides = array<i32>} : memref<2x64x768xf32, #tpu.memory_space<vmem>>, vector<1x1x16xf32>,
        %swap3A_1883 = vector.shape_cast %swap3A_1882 : vector<1x1x16xf32> to vector<16xf32>
        %swap3A_1884 = vector.shape_cast %get3A_1868 : vector<16xf32> to vector<1x1x16xf32>
        tpu.vector_store %arg7[%swap3A_1879, %swap3A_1880, %swap3A_1881], %swap3A_1884 {add = true, strides = array<i32>} : memref<2x64x768xf32, #tpu.memory_space<vmem>>, vector<1x1x16xf32>,
        %get3A_1885 = arith.index_cast %scan3A_946 : i32 to index
        %get3A_1886 = arith.constant 752 : index
        %get3A_1887 = tpu.vector_load %arg8[%get3A_1885, %get3A_1886] {strides = array<i32>} : memref<32x768xf32, #tpu.memory_space<vmem>>, vector<1x16xf32>,
        %get3A_1888 = vector.shape_cast %get3A_1887 : vector<1x16xf32> to vector<16xf32>
        %swap3A_1889 = arith.constant 1 : i32
        %swap3A_1890 = arith.index_cast %swap3A_1889 : i32 to index
        %swap3A_1891 = arith.index_cast %scan3A_946 : i32 to index
        %swap3A_1892 = arith.constant 752 : index
        %swap3A_1893 = tpu.vector_load %arg7[%swap3A_1890, %swap3A_1891, %swap3A_1892] {strides = array<i32>} : memref<2x64x768xf32, #tpu.memory_space<vmem>>, vector<1x1x16xf32>,
        %swap3A_1894 = vector.shape_cast %swap3A_1893 : vector<1x1x16xf32> to vector<16xf32>
        %swap3A_1895 = vector.shape_cast %get3A_1888 : vector<16xf32> to vector<1x1x16xf32>
        tpu.vector_store %arg7[%swap3A_1890, %swap3A_1891, %swap3A_1892], %swap3A_1895 {add = true, strides = array<i32>} : memref<2x64x768xf32, #tpu.memory_space<vmem>>, vector<1x1x16xf32>,
        %add3A_1896 = arith.constant 32 : i32
        %add3A_1897 = arith.addi %add3A_1896, %scan3A_946 : i32
        %swap3A_1898 = arith.constant 1 : i32
        %swap3A_1899 = arith.index_cast %swap3A_1898 : i32 to index
        %swap3A_1900 = arith.index_cast %add3A_1897 : i32 to index
        %swap3A_1901 = arith.constant 752 : index
        %swap3A_1902 = tpu.vector_load %arg7[%swap3A_1899, %swap3A_1900, %swap3A_1901] {strides = array<i32>} : memref<2x64x768xf32, #tpu.memory_space<vmem>>, vector<1x1x16xf32>,
        %swap3A_1903 = vector.shape_cast %swap3A_1902 : vector<1x1x16xf32> to vector<16xf32>
        %swap3A_1904 = vector.shape_cast %get3A_1888 : vector<16xf32> to vector<1x1x16xf32>
        tpu.vector_store %arg7[%swap3A_1899, %swap3A_1900, %swap3A_1901], %swap3A_1904 {add = true, strides = array<i32>} : memref<2x64x768xf32, #tpu.memory_space<vmem>>, vector<1x1x16xf32>,
      }
      %scan3A_816 = arith.constant 32 : i32
      %jit3A_817 = arith.constant 2 : i32
      %div3A_818 = arith.divsi %add3A_754, %jit3A_817 : i32
      %sign3A_819 = arith.constant 0 : i32
      %sign3A_820 = arith.cmpi sgt, %add3A_754, %sign3A_819 : i32
      %sign3A_821 = arith.extui %sign3A_820 : i1 to i32
      %sign3A_822 = arith.constant 0 : i32
      %sign3A_823 = arith.cmpi slt, %add3A_754, %sign3A_822 : i32
      %sign3A_824 = arith.extui %sign3A_823 : i1 to i32
      %sign3A_825 = arith.subi %sign3A_821, %sign3A_824 : i32
      %sign3A_826 = arith.constant 0 : i32
      %sign3A_827 = arith.cmpi sgt, %jit3A_817, %sign3A_826 : i32
      %sign3A_828 = arith.extui %sign3A_827 : i1 to i32
      %sign3A_829 = arith.constant 0 : i32
      %sign3A_830 = arith.cmpi slt, %jit3A_817, %sign3A_829 : i32
      %sign3A_831 = arith.extui %sign3A_830 : i1 to i32
      %sign3A_832 = arith.subi %sign3A_828, %sign3A_831 : i32
      %ne3A_833 = arith.cmpi ne, %sign3A_825, %sign3A_832 : i32
      %rem3A_834 = arith.remsi %add3A_754, %jit3A_817 : i32
      %ne3A_835 = arith.constant 0 : i32
      %ne3A_836 = arith.cmpi ne, %rem3A_834, %ne3A_835 : i32
      %and3A_837 = arith.andi %ne3A_833, %ne3A_836 : i1
      %sub3A_838 = arith.constant 1 : i32
      %sub3A_839 = arith.subi %div3A_818, %sub3A_838 : i32
      %select_n3A_840 = arith.select %and3A_837, %sub3A_839, %div3A_818 : i32
      %jit3A_841 = arith.constant 2 : i32
      %eq3A_842 = arith.constant 0 : i32
      %eq3A_843 = arith.cmpi eq, %jit3A_841, %eq3A_842 : i32
      %jit3A_844 = arith.constant 1 : i32
      %select_n3A_845 = arith.select %eq3A_843, %jit3A_844, %jit3A_841 : i32
      %rem3A_846 = arith.remsi %add3A_754, %select_n3A_845 : i32
      %ne3A_847 = arith.constant 0 : i32
      %ne3A_848 = arith.cmpi ne, %rem3A_846, %ne3A_847 : i32
      %lt3A_849 = arith.constant 0 : i32
      %lt3A_850 = arith.cmpi slt, %rem3A_846, %lt3A_849 : i32
      %lt3A_851 = arith.constant 0 : i32
      %lt3A_852 = arith.cmpi slt, %select_n3A_845, %lt3A_851 : i32
      %ne3A_853 = arith.xori %lt3A_850, %lt3A_852 : i1
      %and3A_854 = arith.andi %ne3A_853, %ne3A_848 : i1
      %add3A_855 = arith.addi %rem3A_846, %select_n3A_845 : i32
      %select_n3A_856 = arith.select %and3A_854, %add3A_855, %rem3A_846 : i32
      %mul3A_857 = arith.constant 2 : i32
      %mul3A_858 = arith.muli %select_n3A_856, %mul3A_857 : i32
      %mul3A_859 = arith.constant 32 : i32
      %mul3A_860 = arith.muli %select_n3A_840, %mul3A_859 : i32
      %add3A_861 = arith.addi %mul3A_2, %mul3A_860 : i32
      %add3A_862 = arith.constant 0 : i32
      %add3A_863 = arith.addi %mul3A_858, %add3A_862 : i32
      %dma_start3A_864 = arith.constant 1 : i32
      %dma_start3A_865 = arith.constant 0 : i32
      %dma_start3A_866 = arith.constant 0 : i32
      %dma_start3A_867 = tpu.memref_slice %arg7[%dma_start3A_864, %dma_start3A_865, %dma_start3A_866] : memref<2x64x768xf32, #tpu.memory_space<vmem>> -> memref<1x32x768xf32, #tpu.memory_space<vmem>>
      %dma_start3A_868 = tpu.memref_squeeze %dma_start3A_867 : memref<1x32x768xf32, #tpu.memory_space<vmem>> -> memref<32x768xf32, #tpu.memory_space<vmem>>
      %dma_start3A_869 = arith.constant 0 : i32
      %dma_start3A_870 = tpu.memref_slice %arg5[%add3A_863, %add3A_861, %dma_start3A_869] : memref<4x4096x768xf32, #tpu.memory_space<hbm>> -> memref<1x32x768xf32, #tpu.memory_space<hbm>>
      %dma_start3A_871 = tpu.memref_squeeze %dma_start3A_870 : memref<1x32x768xf32, #tpu.memory_space<hbm>> -> memref<32x768xf32, #tpu.memory_space<hbm>>
      %dma_start3A_872 = arith.constant 0 : i32
      %dma_start3A_873 = tpu.memref_slice %arg5[%add3A_863, %add3A_861, %dma_start3A_872] : memref<4x4096x768xf32, #tpu.memory_space<hbm>> -> memref<1x32x768xf32, #tpu.memory_space<hbm>>
      %dma_start3A_874 = tpu.memref_squeeze %dma_start3A_873 : memref<1x32x768xf32, #tpu.memory_space<hbm>> -> memref<32x768xf32, #tpu.memory_space<hbm>>
      %dma_start3A_875 = arith.constant 0 : i32
      %dma_start3A_876 = arith.constant 0 : i32
      %dma_start3A_877 = tpu.memref_slice %arg7[%dma_start3A_864, %dma_start3A_875, %dma_start3A_876] : memref<2x64x768xf32, #tpu.memory_space<vmem>> -> memref<1x32x768xf32, #tpu.memory_space<vmem>>
      %dma_start3A_878 = tpu.memref_squeeze %dma_start3A_877 : memref<1x32x768xf32, #tpu.memory_space<vmem>> -> memref<32x768xf32, #tpu.memory_space<vmem>>
      tpu.enqueue_dma source(%dma_start3A_878 : memref<32x768xf32, #tpu.memory_space<vmem>>) target(%dma_start3A_874 : memref<32x768xf32, #tpu.memory_space<hbm>>) target_semaphore(%arg14 : memref<!tpu.dma_semaphore, #tpu.memory_space<semaphore_mem>>)
      %jit3A_879 = arith.constant 2 : i32
      %div3A_880 = arith.divsi %add3A_754, %jit3A_879 : i32
      %sign3A_881 = arith.constant 0 : i32
      %sign3A_882 = arith.cmpi sgt, %add3A_754, %sign3A_881 : i32
      %sign3A_883 = arith.extui %sign3A_882 : i1 to i32
      %sign3A_884 = arith.constant 0 : i32
      %sign3A_885 = arith.cmpi slt, %add3A_754, %sign3A_884 : i32
      %sign3A_886 = arith.extui %sign3A_885 : i1 to i32
      %sign3A_887 = arith.subi %sign3A_883, %sign3A_886 : i32
      %sign3A_888 = arith.constant 0 : i32
      %sign3A_889 = arith.cmpi sgt, %jit3A_879, %sign3A_888 : i32
      %sign3A_890 = arith.extui %sign3A_889 : i1 to i32
      %sign3A_891 = arith.constant 0 : i32
      %sign3A_892 = arith.cmpi slt, %jit3A_879, %sign3A_891 : i32
      %sign3A_893 = arith.extui %sign3A_892 : i1 to i32
      %sign3A_894 = arith.subi %sign3A_890, %sign3A_893 : i32
      %ne3A_895 = arith.cmpi ne, %sign3A_887, %sign3A_894 : i32
      %rem3A_896 = arith.remsi %add3A_754, %jit3A_879 : i32
      %ne3A_897 = arith.constant 0 : i32
      %ne3A_898 = arith.cmpi ne, %rem3A_896, %ne3A_897 : i32
      %and3A_899 = arith.andi %ne3A_895, %ne3A_898 : i1
      %sub3A_900 = arith.constant 1 : i32
      %sub3A_901 = arith.subi %div3A_880, %sub3A_900 : i32
      %select_n3A_902 = arith.select %and3A_899, %sub3A_901, %div3A_880 : i32
      %jit3A_903 = arith.constant 2 : i32
      %eq3A_904 = arith.constant 0 : i32
      %eq3A_905 = arith.cmpi eq, %jit3A_903, %eq3A_904 : i32
      %jit3A_906 = arith.constant 1 : i32
      %select_n3A_907 = arith.select %eq3A_905, %jit3A_906, %jit3A_903 : i32
      %rem3A_908 = arith.remsi %add3A_754, %select_n3A_907 : i32
      %ne3A_909 = arith.constant 0 : i32
      %ne3A_910 = arith.cmpi ne, %rem3A_908, %ne3A_909 : i32
      %lt3A_911 = arith.constant 0 : i32
      %lt3A_912 = arith.cmpi slt, %rem3A_908, %lt3A_911 : i32
      %lt3A_913 = arith.constant 0 : i32
      %lt3A_914 = arith.cmpi slt, %select_n3A_907, %lt3A_913 : i32
      %ne3A_915 = arith.xori %lt3A_912, %lt3A_914 : i1
      %and3A_916 = arith.andi %ne3A_915, %ne3A_910 : i1
      %add3A_917 = arith.addi %rem3A_908, %select_n3A_907 : i32
      %select_n3A_918 = arith.select %and3A_916, %add3A_917, %rem3A_908 : i32
      %mul3A_919 = arith.constant 2 : i32
      %mul3A_920 = arith.muli %select_n3A_918, %mul3A_919 : i32
      %mul3A_921 = arith.constant 32 : i32
      %mul3A_922 = arith.muli %select_n3A_902, %mul3A_921 : i32
      %add3A_923 = arith.addi %mul3A_2, %mul3A_922 : i32
      %add3A_924 = arith.constant 1 : i32
      %add3A_925 = arith.addi %mul3A_920, %add3A_924 : i32
      %dma_start3A_926 = arith.constant 1 : i32
      %dma_start3A_927 = arith.constant 32 : i32
      %dma_start3A_928 = arith.constant 0 : i32
      %dma_start3A_929 = tpu.memref_slice %arg7[%dma_start3A_926, %dma_start3A_927, %dma_start3A_928] : memref<2x64x768xf32, #tpu.memory_space<vmem>> -> memref<1x32x768xf32, #tpu.memory_space<vmem>>
      %dma_start3A_930 = tpu.memref_squeeze %dma_start3A_929 : memref<1x32x768xf32, #tpu.memory_space<vmem>> -> memref<32x768xf32, #tpu.memory_space<vmem>>
      %dma_start3A_931 = arith.constant 0 : i32
      %dma_start3A_932 = tpu.memref_slice %arg5[%add3A_925, %add3A_923, %dma_start3A_931] : memref<4x4096x768xf32, #tpu.memory_space<hbm>> -> memref<1x32x768xf32, #tpu.memory_space<hbm>>
      %dma_start3A_933 = tpu.memref_squeeze %dma_start3A_932 : memref<1x32x768xf32, #tpu.memory_space<hbm>> -> memref<32x768xf32, #tpu.memory_space<hbm>>
      %dma_start3A_934 = arith.constant 0 : i32
      %dma_start3A_935 = tpu.memref_slice %arg5[%add3A_925, %add3A_923, %dma_start3A_934] : memref<4x4096x768xf32, #tpu.memory_space<hbm>> -> memref<1x32x768xf32, #tpu.memory_space<hbm>>
      %dma_start3A_936 = tpu.memref_squeeze %dma_start3A_935 : memref<1x32x768xf32, #tpu.memory_space<hbm>> -> memref<32x768xf32, #tpu.memory_space<hbm>>
      %dma_start3A_937 = arith.constant 32 : i32
      %dma_start3A_938 = arith.constant 0 : i32
      %dma_start3A_939 = tpu.memref_slice %arg7[%dma_start3A_926, %dma_start3A_937, %dma_start3A_938] : memref<2x64x768xf32, #tpu.memory_space<vmem>> -> memref<1x32x768xf32, #tpu.memory_space<vmem>>
      %dma_start3A_940 = tpu.memref_squeeze %dma_start3A_939 : memref<1x32x768xf32, #tpu.memory_space<vmem>> -> memref<32x768xf32, #tpu.memory_space<vmem>>
      tpu.enqueue_dma source(%dma_start3A_940 : memref<32x768xf32, #tpu.memory_space<vmem>>) target(%dma_start3A_936 : memref<32x768xf32, #tpu.memory_space<hbm>>) target_semaphore(%arg14 : memref<!tpu.dma_semaphore, #tpu.memory_space<semaphore_mem>>)
      %lt3A_941 = arith.constant 6 : i32
      %lt3A_942 = arith.cmpi slt, %add3A_535, %lt3A_941 : i32
      %convert_element_type3A_943 = arith.extui %lt3A_942 : i1 to i32
      %cond3A_944 = arith.constant 0 : i32
      %cond3A_945 = arith.cmpi ne, %convert_element_type3A_943, %cond3A_944 : i32
      scf.if %cond3A_945 {
        %add3A_946 = arith.constant 1 : i32
        %add3A_947 = arith.addi %select_n3A_778, %add3A_946 : i32
        %min3A = arith.constant 3 : i32
        %min3A_948 = arith.minsi %add3A_947, %min3A : i32
        %mul3A_949 = arith.constant 32 : i32
        %mul3A_950 = arith.muli %min3A_948, %mul3A_949 : i32
        %add3A_951 = arith.addi %mul3A_2, %mul3A_950 : i32
        %dma_start3A_952 = arith.constant 0 : i32
        %dma_start3A_953 = tpu.memref_slice %arg4[%add3A_951, %dma_start3A_952] : memref<8192x768xf32, #tpu.memory_space<hbm>> -> memref<32x768xf32, #tpu.memory_space<hbm>>
        %dma_start3A_954 = arith.constant 0 : i32
        %dma_start3A_955 = tpu.memref_slice %arg4[%add3A_951, %dma_start3A_954] : memref<8192x768xf32, #tpu.memory_space<hbm>> -> memref<32x768xf32, #tpu.memory_space<hbm>>
        tpu.enqueue_dma source(%dma_start3A_955 : memref<32x768xf32, #tpu.memory_space<hbm>>) target(%arg8 : memref<32x768xf32, #tpu.memory_space<vmem>>) target_semaphore(%arg10 : memref<!tpu.dma_semaphore, #tpu.memory_space<semaphore_mem>>)
      } else {
      }
    }
    %scan3A_458 = arith.constant 4 : i32
    %add3A_459 = arith.constant 96 : i32
    %add3A_460 = arith.addi %mul3A_2, %add3A_459 : i32
    %dma_wait3A_461 = arith.constant 0 : i32
    %dma_wait3A_462 = arith.constant 0 : i32
    %dma_wait3A_463 = arith.constant 0 : i32
    %dma_wait3A_464 = arith.constant 0 : i32
    %dma_wait3A_465 = tpu.memref_slice %arg7[%dma_wait3A_461, %dma_wait3A_463, %dma_wait3A_464] : memref<2x64x768xf32, #tpu.memory_space<vmem>> -> memref<1x32x768xf32, #tpu.memory_space<vmem>>
    %dma_wait3A_466 = tpu.memref_squeeze %dma_wait3A_465 : memref<1x32x768xf32, #tpu.memory_space<vmem>> -> memref<32x768xf32, #tpu.memory_space<vmem>>
    %dma_wait3A_467 = arith.constant 0 : i32
    %dma_wait3A_468 = tpu.memref_slice %arg5[%dma_wait3A_462, %add3A_460, %dma_wait3A_467] : memref<4x4096x768xf32, #tpu.memory_space<hbm>> -> memref<1x32x768xf32, #tpu.memory_space<hbm>>
    %dma_wait3A_469 = tpu.memref_squeeze %dma_wait3A_468 : memref<1x32x768xf32, #tpu.memory_space<hbm>> -> memref<32x768xf32, #tpu.memory_space<hbm>>
    %dma_wait3A_470 = arith.constant 0 : i32
    %dma_wait3A_471 = tpu.memref_slice %arg5[%dma_wait3A_462, %add3A_460, %dma_wait3A_470] : memref<4x4096x768xf32, #tpu.memory_space<hbm>> -> memref<1x32x768xf32, #tpu.memory_space<hbm>>
    %dma_wait3A_472 = tpu.memref_squeeze %dma_wait3A_471 : memref<1x32x768xf32, #tpu.memory_space<hbm>> -> memref<32x768xf32, #tpu.memory_space<hbm>>
    %dma_wait3A_473 = arith.constant 0 : i32
    %dma_wait3A_474 = arith.constant 0 : i32
    %dma_wait3A_475 = tpu.memref_slice %arg7[%dma_wait3A_461, %dma_wait3A_473, %dma_wait3A_474] : memref<2x64x768xf32, #tpu.memory_space<vmem>> -> memref<1x32x768xf32, #tpu.memory_space<vmem>>
    %dma_wait3A_476 = tpu.memref_squeeze %dma_wait3A_475 : memref<1x32x768xf32, #tpu.memory_space<vmem>> -> memref<32x768xf32, #tpu.memory_space<vmem>>
    tpu.wait_dma2 semaphore(%arg13 : memref<!tpu.dma_semaphore, #tpu.memory_space<semaphore_mem>>) src(%dma_wait3A_476 : memref<32x768xf32, #tpu.memory_space<vmem>>) dst(%dma_wait3A_472 : memref<32x768xf32, #tpu.memory_space<hbm>>)
    %add3A_477 = arith.constant 96 : i32
    %add3A_478 = arith.addi %mul3A_2, %add3A_477 : i32
    %dma_wait3A_479 = arith.constant 0 : i32
    %dma_wait3A_480 = arith.constant 1 : i32
    %dma_wait3A_481 = arith.constant 32 : i32
    %dma_wait3A_482 = arith.constant 0 : i32
    %dma_wait3A_483 = tpu.memref_slice %arg7[%dma_wait3A_479, %dma_wait3A_481, %dma_wait3A_482] : memref<2x64x768xf32, #tpu.memory_space<vmem>> -> memref<1x32x768xf32, #tpu.memory_space<vmem>>
    %dma_wait3A_484 = tpu.memref_squeeze %dma_wait3A_483 : memref<1x32x768xf32, #tpu.memory_space<vmem>> -> memref<32x768xf32, #tpu.memory_space<vmem>>
    %dma_wait3A_485 = arith.constant 0 : i32
    %dma_wait3A_486 = tpu.memref_slice %arg5[%dma_wait3A_480, %add3A_478, %dma_wait3A_485] : memref<4x4096x768xf32, #tpu.memory_space<hbm>> -> memref<1x32x768xf32, #tpu.memory_space<hbm>>
    %dma_wait3A_487 = tpu.memref_squeeze %dma_wait3A_486 : memref<1x32x768xf32, #tpu.memory_space<hbm>> -> memref<32x768xf32, #tpu.memory_space<hbm>>
    %dma_wait3A_488 = arith.constant 0 : i32
    %dma_wait3A_489 = tpu.memref_slice %arg5[%dma_wait3A_480, %add3A_478, %dma_wait3A_488] : memref<4x4096x768xf32, #tpu.memory_space<hbm>> -> memref<1x32x768xf32, #tpu.memory_space<hbm>>
    %dma_wait3A_490 = tpu.memref_squeeze %dma_wait3A_489 : memref<1x32x768xf32, #tpu.memory_space<hbm>> -> memref<32x768xf32, #tpu.memory_space<hbm>>
    %dma_wait3A_491 = arith.constant 32 : i32
    %dma_wait3A_492 = arith.constant 0 : i32
    %dma_wait3A_493 = tpu.memref_slice %arg7[%dma_wait3A_479, %dma_wait3A_491, %dma_wait3A_492] : memref<2x64x768xf32, #tpu.memory_space<vmem>> -> memref<1x32x768xf32, #tpu.memory_space<vmem>>
    %dma_wait3A_494 = tpu.memref_squeeze %dma_wait3A_493 : memref<1x32x768xf32, #tpu.memory_space<vmem>> -> memref<32x768xf32, #tpu.memory_space<vmem>>
    tpu.wait_dma2 semaphore(%arg13 : memref<!tpu.dma_semaphore, #tpu.memory_space<semaphore_mem>>) src(%dma_wait3A_494 : memref<32x768xf32, #tpu.memory_space<vmem>>) dst(%dma_wait3A_490 : memref<32x768xf32, #tpu.memory_space<hbm>>)
    %add3A_495 = arith.constant 96 : i32
    %add3A_496 = arith.addi %mul3A_2, %add3A_495 : i32
    %dma_wait3A_497 = arith.constant 1 : i32
    %dma_wait3A_498 = arith.constant 2 : i32
    %dma_wait3A_499 = arith.constant 0 : i32
    %dma_wait3A_500 = arith.constant 0 : i32
    %dma_wait3A_501 = tpu.memref_slice %arg7[%dma_wait3A_497, %dma_wait3A_499, %dma_wait3A_500] : memref<2x64x768xf32, #tpu.memory_space<vmem>> -> memref<1x32x768xf32, #tpu.memory_space<vmem>>
    %dma_wait3A_502 = tpu.memref_squeeze %dma_wait3A_501 : memref<1x32x768xf32, #tpu.memory_space<vmem>> -> memref<32x768xf32, #tpu.memory_space<vmem>>
    %dma_wait3A_503 = arith.constant 0 : i32
    %dma_wait3A_504 = tpu.memref_slice %arg5[%dma_wait3A_498, %add3A_496, %dma_wait3A_503] : memref<4x4096x768xf32, #tpu.memory_space<hbm>> -> memref<1x32x768xf32, #tpu.memory_space<hbm>>
    %dma_wait3A_505 = tpu.memref_squeeze %dma_wait3A_504 : memref<1x32x768xf32, #tpu.memory_space<hbm>> -> memref<32x768xf32, #tpu.memory_space<hbm>>
    %dma_wait3A_506 = arith.constant 0 : i32
    %dma_wait3A_507 = tpu.memref_slice %arg5[%dma_wait3A_498, %add3A_496, %dma_wait3A_506] : memref<4x4096x768xf32, #tpu.memory_space<hbm>> -> memref<1x32x768xf32, #tpu.memory_space<hbm>>
    %dma_wait3A_508 = tpu.memref_squeeze %dma_wait3A_507 : memref<1x32x768xf32, #tpu.memory_space<hbm>> -> memref<32x768xf32, #tpu.memory_space<hbm>>
    %dma_wait3A_509 = arith.constant 0 : i32
    %dma_wait3A_510 = arith.constant 0 : i32
    %dma_wait3A_511 = tpu.memref_slice %arg7[%dma_wait3A_497, %dma_wait3A_509, %dma_wait3A_510] : memref<2x64x768xf32, #tpu.memory_space<vmem>> -> memref<1x32x768xf32, #tpu.memory_space<vmem>>
    %dma_wait3A_512 = tpu.memref_squeeze %dma_wait3A_511 : memref<1x32x768xf32, #tpu.memory_space<vmem>> -> memref<32x768xf32, #tpu.memory_space<vmem>>
    tpu.wait_dma2 semaphore(%arg14 : memref<!tpu.dma_semaphore, #tpu.memory_space<semaphore_mem>>) src(%dma_wait3A_512 : memref<32x768xf32, #tpu.memory_space<vmem>>) dst(%dma_wait3A_508 : memref<32x768xf32, #tpu.memory_space<hbm>>)
    %add3A_513 = arith.constant 96 : i32
    %add3A_514 = arith.addi %mul3A_2, %add3A_513 : i32
    %dma_wait3A_515 = arith.constant 1 : i32
    %dma_wait3A_516 = arith.constant 3 : i32
    %dma_wait3A_517 = arith.constant 32 : i32
    %dma_wait3A_518 = arith.constant 0 : i32
    %dma_wait3A_519 = tpu.memref_slice %arg7[%dma_wait3A_515, %dma_wait3A_517, %dma_wait3A_518] : memref<2x64x768xf32, #tpu.memory_space<vmem>> -> memref<1x32x768xf32, #tpu.memory_space<vmem>>
    %dma_wait3A_520 = tpu.memref_squeeze %dma_wait3A_519 : memref<1x32x768xf32, #tpu.memory_space<vmem>> -> memref<32x768xf32, #tpu.memory_space<vmem>>
    %dma_wait3A_521 = arith.constant 0 : i32
    %dma_wait3A_522 = tpu.memref_slice %arg5[%dma_wait3A_516, %add3A_514, %dma_wait3A_521] : memref<4x4096x768xf32, #tpu.memory_space<hbm>> -> memref<1x32x768xf32, #tpu.memory_space<hbm>>
    %dma_wait3A_523 = tpu.memref_squeeze %dma_wait3A_522 : memref<1x32x768xf32, #tpu.memory_space<hbm>> -> memref<32x768xf32, #tpu.memory_space<hbm>>
    %dma_wait3A_524 = arith.constant 0 : i32
    %dma_wait3A_525 = tpu.memref_slice %arg5[%dma_wait3A_516, %add3A_514, %dma_wait3A_524] : memref<4x4096x768xf32, #tpu.memory_space<hbm>> -> memref<1x32x768xf32, #tpu.memory_space<hbm>>
    %dma_wait3A_526 = tpu.memref_squeeze %dma_wait3A_525 : memref<1x32x768xf32, #tpu.memory_space<hbm>> -> memref<32x768xf32, #tpu.memory_space<hbm>>
    %dma_wait3A_527 = arith.constant 32 : i32
    %dma_wait3A_528 = arith.constant 0 : i32
    %dma_wait3A_529 = tpu.memref_slice %arg7[%dma_wait3A_515, %dma_wait3A_527, %dma_wait3A_528] : memref<2x64x768xf32, #tpu.memory_space<vmem>> -> memref<1x32x768xf32, #tpu.memory_space<vmem>>
    %dma_wait3A_530 = tpu.memref_squeeze %dma_wait3A_529 : memref<1x32x768xf32, #tpu.memory_space<vmem>> -> memref<32x768xf32, #tpu.memory_space<vmem>>
    tpu.wait_dma2 semaphore(%arg14 : memref<!tpu.dma_semaphore, #tpu.memory_space<semaphore_mem>>) src(%dma_wait3A_530 : memref<32x768xf32, #tpu.memory_space<vmem>>) dst(%dma_wait3A_526 : memref<32x768xf32, #tpu.memory_space<hbm>>)
    return
  }
}

</mosaic_0001>

<sc_bundles>
// kernel: kernel.3.cloned.1.call-start
scs
__scs_entry_jumppad:
0x0: {  	(pc) =	sbr.rel $0x88, $3  }
0x1: {  	(tag) =	ssettag $0x0;
	lr =	simm.s32 $0x1  }
0x2: {  	[smem:$0x3F9E] =	sst lr;
	_ =	strace $0xD0000000  }
0x3: {  	_ = 	snop  }
0x4: {  	_ = 	snop  }
0x5: {  	_ = 	snop  }
0x6: {  	_ = 	snop  }
0x7: {  	_ = 	snop  }
__scs_overlays_trampoline_lowered:
0x8: {  	[smem:$0x3FAD] =	sst s0  }
0x9: {  	[smem:$0x3FAE] =	sst s1  }
0xa: {  	[smem:$0x3FAF] =	sst s2  }
0xb: {  	[smem:$0x3FB0] =	sst s3  }
0xc: {  	[smem:$0x3FB1] =	sst s4  }
0xd: {  	[smem:$0x3FB2] =	sst s5  }
0xe: {  	[smem:$0x3FB3] =	sst s6  }
0xf: {  	[smem:$0x3FB4] =	sst s7  }
0x10: {  	[smem:$0x3FB5] =	sst s8  }
0x11: {  	[smem:$0x3FB6] =	sst s9;
	s0 =	simm.s32 @!p0 $0x0  }
0x12: {  	s1 =	sld [smem:$0x3F9C];
	s0 =	simm.s32 @p0 $0x1  }
0x13: {  	[smem:$0x3FB7] =	sst s0;
	s0 =	simm.s32 @!p1 $0x0  }
0x14: {  	s2 =	sld [smem:$0x3F9B];
	s0 =	simm.s32 @p1 $0x1  }
0x15: {  	[smem:$0x3FB8] =	sst s0;
	s0 =	simm.s32 @!p2 $0x0  }
0x16: {  	s3 =	sld [smem:$0x3FDB];
	s0 =	simm.s32 @p2 $0x1  }
0x17: {  	s4 =	simm.s32 $0x1BF5;
	[smem:$0x3FBA] =	sst s0  }
0x18: {  	s0 =	sld [smem:$0x3F9D];
	_ =	swait.ge [sflag:s4], $0x0  }
0x19: {  	s7 =	sld [smem:$0x3F9E]  }
0x1a: {  	s8 =	sadd.s32 $0xFFFFE003, lr  }
0x1b: {  	s9 =	sadd.s32 $0xFFFFFEF7, lr;
	s5 =	simm.s32 $0xFFFFFFFF;
	p2 =	slt.u32 s8, $0xFFFFF086  }
0x1c: {  	p1 =	slt.u32 s9, $0xF7A;
	s5 =	simm.s32 @!p2 $0x0  }
0x1d: {  	s5 =	simm.s32 @p1 $0x1;
	p0 =	seq.s32 s7, s2  }
0x1e: {  	s7 =	smul.u32 @!p0 $0xF7A, s2;
	p2 =	seq.s32 @!p0 s5, $0x0  }
0x1f: {  	s9 =	smul.u32 $0xF7A, s1;
	s8 =	simm.s32 @!p0 $0x1BF5;
	p2 =	por !p2, p0  }
0x20: {  	[sflag:s8] =	ssyncset.s32 @!p0 $0xFFFFF086;
	s6 =	sadd.s32 @!p0 s3, s7;
	s7 =	simm.s32 @!p0 $0x108  }
0x21: {  	s3 =	sadd.s32 s3, s9;
	s6 =	sadd.s32 @!p0 $0x88, s6;
	s7 =	simm.s32 @p2 $0x1082  }
0x22: {  	[simem:s7], [sflag:s8] =	dma.local @!p0 [hbm:s6], $0xF7A  }
0x23: {  	s9 =	sor.u32 $0xD0000000, s2;
	s6 =	simm.s32 $0x108;
	_ =	swait.ge @!p0 [sflag:s8], $0x0  }
0x24: {  	s3 =	sadd.s32 $0x88, s3;
	s6 =	simm.s32 @!p1 $0x1082;
	[sflag:s4] =	ssyncset.s32 $0xFFFFF086  }
0x25: {  	[simem:s6], [sflag:s4] =	dma.local [hbm:s3], $0xF7A  }
0x26: {  	[smem:$0x3F9E] =	sst s1;
	(tag) =	ssettag s2;
	_ =	strace s9  }
0x27: {  	s1 =	sld [smem:$0x3FAE]  }
0x28: {  	s2 =	sld [smem:$0x3FAF]  }
0x29: {  	s4 =	sld [smem:$0x3FB1]  }
0x2a: {  	p0 =	seq.s32 s5, $0x0;
	s5 =	sld [smem:$0x3FB2]  }
0x2b: {  	s6 =	sld [smem:$0x3FB3]  }
0x2c: {  	s7 =	sld [smem:$0x3FB4]  }
0x2d: {  	s3 =	simm.s32 $0x108;
	s8 =	sld [smem:$0x3FB5]  }
0x2e: {  	s3 =	simm.s32 @!p0 $0x1082;
	s9 =	sld [smem:$0x3FB6]  }
0x2f: {  	lr =	sadd.s32 s0, s3;
	s0 =	sld [smem:$0x3FAD]  }
0x30: {  	s3 =	sld [smem:$0x3FB0]  }
0x31: {  	[smem:$0x3FB9] =	sst s10  }
0x32: {  	s10 =	sld [smem:$0x3FB7];
	_ =	sdelay $0x3  }
0x33: {  	p0 =	seq.s32 s10, $0x1;
	s10 =	sld [smem:$0x3FB9];
	_ =	sdelay $0x3  }
0x34: {  	[smem:$0x3FB9] =	sst s10  }
0x35: {  	s10 =	sld [smem:$0x3FB8];
	_ =	sdelay $0x3  }
0x36: {  	p1 =	seq.s32 s10, $0x1;
	s10 =	sld [smem:$0x3FB9];
	_ =	sdelay $0x3  }
0x37: {  	[smem:$0x3FB9] =	sst s10  }
0x38: {  	s10 =	sld [smem:$0x3FBA]  }
0x39: {  	_ = 	snop;
	(pc) =	sbr.ind lr, $3  }
0x3a: {  	_ = 	snop  }
0x3b: {  	_ = 	snop  }
0x3c: {  	p2 =	seq.s32 s10, $0x1;
	s10 =	sld [smem:$0x3FB9]  }
0x3d: {  	_ =	shalt  }
0x3e: {  	_ =	shalt  }
0x3f: {  	_ =	shalt  }
0x40: {  	_ =	shalt  }
0x41: {  	_ =	shalt  }
0x42: {  	_ =	shalt  }
0x43: {  	_ =	shalt  }
0x44: {  	_ =	shalt  }
0x45: {  	_ =	shalt  }
0x46: {  	_ =	shalt  }
0x47: {  	_ =	shalt  }
0x48: {  	_ =	shalt  }
0x49: {  	_ =	shalt  }
0x4a: {  	_ =	shalt  }
0x4b: {  	_ =	shalt  }
0x4c: {  	_ =	shalt  }
0x4d: {  	_ =	shalt  }
0x4e: {  	_ =	shalt  }
0x4f: {  	_ =	shalt  }
0x50: {  	_ =	shalt  }
0x51: {  	_ =	shalt  }
0x52: {  	_ =	shalt  }
0x53: {  	_ =	shalt  }
0x54: {  	_ =	shalt  }
0x55: {  	_ =	shalt  }
0x56: {  	_ =	shalt  }
0x57: {  	_ =	shalt  }
0x58: {  	_ =	shalt  }
0x59: {  	_ =	shalt  }
0x5a: {  	_ =	shalt  }
0x5b: {  	_ =	shalt  }
0x5c: {  	_ =	shalt  }
0x5d: {  	_ =	shalt  }
0x5e: {  	_ =	shalt  }
0x5f: {  	_ =	shalt  }
0x60: {  	_ =	shalt  }
0x61: {  	_ =	shalt  }
0x62: {  	_ =	shalt  }
0x63: {  	_ =	shalt  }
0x64: {  	_ =	shalt  }
0x65: {  	_ =	shalt  }
0x66: {  	_ =	shalt  }
0x67: {  	_ =	shalt  }
0x68: {  	_ =	shalt  }
0x69: {  	_ =	shalt  }
0x6a: {  	_ =	shalt  }
0x6b: {  	_ =	shalt  }
0x6c: {  	_ =	shalt  }
0x6d: {  	_ =	shalt  }
0x6e: {  	_ =	shalt  }
0x6f: {  	_ =	shalt  }
0x70: {  	_ =	shalt  }
0x71: {  	_ =	shalt  }
0x72: {  	_ =	shalt  }
0x73: {  	_ =	shalt  }
0x74: {  	_ =	shalt  }
0x75: {  	_ =	shalt  }
0x76: {  	_ =	shalt  }
0x77: {  	_ =	shalt  }
0x78: {  	_ =	shalt  }
0x79: {  	_ =	shalt  }
0x7a: {  	_ =	shalt  }
0x7b: {  	_ =	shalt  }
0x7c: {  	_ =	shalt  }
0x7d: {  	_ =	shalt  }
0x7e: {  	_ =	shalt  }
0x7f: {  	_ =	shalt  }
0x80: {  	_ =	shalt  }
0x81: {  	_ =	shalt  }
0x82: {  	_ =	shalt  }
0x83: {  	_ =	shalt  }
0x84: {  	_ =	shalt  }
0x85: {  	_ =	shalt  }
0x86: {  	_ =	shalt  }
0x87: {  	_ =	shalt  }
.Lfunc_end0:
.L_simem_size_0:
called_computation_lowered:
.L_overlay_start_0:
0x88: {  	s2 =	sld [smem:$0x3FD9]  }
0x89: {  	s3 =	sld [smem:$0x3FFE];
	_ =	sdelay $0x1  }
0x8a: {  	s1 =	srdreg.scid  }
0x8b: {  	s0 =	sand.u32 $0x1, s1  }
0x8c: {  	s18 =	sshll.u32 s0, $0xA;
	s2 =	sadd.s32 s3, s2  }
0x8d: {  	s2 =	sadd.s32 s2, s18  }
0x8e: {  	[smem:$0x3FC5] =	sst s2  }
0x8f: {  	_ = 	snop  }
0x90: {  	s2 =	sld [smem:$0x3FC9]  }
0x91: {  	s19 =	sld [smem:$0x3FC8]  }
0x92: {  	s4 =	sld [smem:$0x3FC7]  }
0x93: {  	s5 =	sld [smem:$0x3FD0];
	(tm) =	ssettm $0x1  }
0x94: {  	s6 =	sld [smem:$0x3FFB];
	_ =	sdelay $0x3  }
0x95: {  	_ =	strace s6  }
0x96: {  	s6 =	sld [smem:$0x3FFC];
	_ =	sdelay $0x3  }
0x97: {  	_ =	strace s6  }
0x98: {  	s6 =	sld [smem:$0x3FFD];
	_ =	sdelay $0x3  }
0x99: {  	_ =	strace s6  }
0x9a: {  	_ =	strace $0x8FFFFFFF  }
0x9b: {  	s20 =	sld [smem:$0x3FDB];
	_ =	sdelay $0x1  }
0x9c: {  	s7 =	simm.s32 $_scs_section_size  }
0x9d: {  	s8 =	simm.s32 $_size__tile_overlayer_lowered;
	s9 =	simm.s32 $_tile_overlayer_lowered  }
0x9e: {  	s23 =	simm.s32 $0x1BFF;
	s22 =	sshll.u32 s9, $0x1;
	s6 =	sadd.s32 s7, s20  }
0x9f: {  	s10 =	simm.s32 $0x0;
	s21 =	sshll.u32 s8, $0x1;
	s8 =	sadd.s32 s22, s6  }
0xa0: {  	[timem:s10], [sflag:s23] =	dma.local [hbm:s8], s21  }
0xa1: {  	_ =	swait.ge [sflag:s23], s21  }
0xa2: {  	s7 =	ssub.s32 $0x0, s21;
	[sflag:s23] =	ssyncset.done $0x0  }
0xa3: {  	[sflag:s23] =	ssyncadd.s32 s7;
	_ =	sdelay $0x1  }
0xa4: {  	s24 =	simm.s32 $0x1B8B  }
0xa5: {  	_ =	swait.ge [sflag:s24], $0x1  }
0xa6: {  	[sflag:s24] =	ssyncset.done $0x0  }
0xa7: {  	s25 =	simm.s32 $0x1B8E;
	[sflag:s24] =	ssyncadd.s32 $0xFFFFFFFF  }
0xa8: {  	s26 =	simm.s32 $execute0_lowered;
	[smem:$0x3FD2] =	sst s25  }
0xa9: {  	s7 =	sshll.u32 s26, $0x1;
	_ =	strace $0x80000046;
	[dreg:$0x1] =	wrdreg $0xFFFFFFFF  }
0xaa: {  	s28 =	simm.s32 $_size_execute0_lowered;
	s6 =	sadd.s32 s6, s7;
	[dreg:$0x0] =	wrdreg $0x0  }
0xab: {  	s7 =	sshll.u32 s28, $0x1;
	[dreg:$0x2] =	wrdreg s6  }
0xac: {  	[dreg:$0x3] =	wrdreg s7  }
0xad: {  	[dreg:$0x4] =	wrdreg $0xC0  }
0xae: {  	_ =	task [dreg:s10], $0x5FFFF  }
0xaf: {  	[dreg:$0x1] =	wrdreg $0xFFFFFFFF  }
0xb0: {  	[dreg:$0x0] =	wrdreg $0x60  }
0xb1: {  	[dreg:$0x2] =	wrdreg s2  }
0xb2: {  	[dreg:$0x3] =	wrdreg s19  }
0xb3: {  	[dreg:$0x4] =	wrdreg s4  }
0xb4: {  	[dreg:$0x5] =	wrdreg s5  }
0xb5: {  	[dreg:$0x6] =	wrdreg $0x9  }
0xb6: {  	_ =	task.clear_ibuf [dreg:s10], $0x7FFFF;
	_ =	strace $0x90000046  }
0xb7: {  	s29 =	simm.s32 $0x9;
	_ =	strace $0x80000048  }
0xb8: {  	_ =	swait.ge [sflag:s29], $0x1  }
0xb9: {  	[sflag:s29] =	ssyncadd.s32 $0xFFFFFFFF  }
0xba: {  	_ =	strace $0x90000048  }
0xbb: {  	_ =	sfence  }
0xbc: {  	s30 =	sld [smem:$0x0];
	_ =	sdelay $0x2  }
0xbd: {  	s31 =	sshll.u32 s1, $0xD;
	s1 =	sshrl.u32 s1, $0x2  }
0xbe: {  	s3 =	sand.u32 $0x4000, s31;
	s1 =	sadd.s32 s1, s30  }
0xbf: {  	s0 =	sor.u32 s3, s0;
	s1 =	sshll.u32 s1, $0x11  }
0xc0: {  	s0 =	sor.u32 s1, s0  }
0xc1: {  	s0 =	sadd.s32 $0x8F2B, s0  }
0xc2: {  	[sflag:s0] =	ssyncadd.remote.s32 $0x1  }
0xc3: {  	_ =	sfence.sel $0xFFFF  }
0xc4: {  	[dreg:$0x0] =	wrdreg $0xFFFFFFFF;
	(pc) =	sbr.abs _section_cstart, $3  }
0xc5: {  	[dreg:$0x1] =	wrdreg $0xFFFFFFFF  }
0xc6: {  	_ =	task.clear_ibuf [dreg:s10], $0x2FFFF;
	_ =	strace $0x9FFFFFFF  }
0xc7: {  	(tm) =	ssettm $0x7FFFFFFF  }
tec
execute0_lowered:
.L_overlay_start_1:
0x0: {  	(tag) =	ssettag $0x1  }
0x1: {  	s1 =	srdreg.scid  }
0x2: {  	s0 =	rddreg [dreg:$0x0];
	s3 =	stileid.u32;
	s1 =	sand.u32 $0x1, s1  }
0x3: {  	s2 =	rddreg [dreg:$0x1];
	s3 =	sshll.u32 s3, $0x8;
	s4 =	sshll.u32 s1, $0x7  }
0x4: {  	s7 =	rddreg [dreg:$0x2];
	s1 =	ssub.s32 $0x2, s1;
	s6 =	sor.u32 s4, s3  }
0x5: {  	s5 =	simm.s32 $0x0;
	s12 =	sshrl.u32 s1, $0x1;
	s4 =	sshrl.u32 s6, $0x1  }
0x6: {  	[smem:$0x7FF] =	sst s5;
	s1 =	ssub.s32 s1, s12;
	s13 =	sadd.s32 s0, s4  }
0x7: {  	_ =	strace $0x80000047;
	s29 =	smax.u32 s1, $0x1;
	[dreg:$0x5] =	wrdreg s13  }
0x8: {  	s0 =	sadd.s32 $0x10, s13;
	[dreg:$0x16] =	wrdreg s29  }
0x9: {  	s14 =	sadd.s32 $0x20, s13;
	[dreg:$0x6] =	wrdreg s0  }
0xa: {  	s30 =	simm.s32 $0x1;
	s15 =	sadd.s32 $0x30, s13;
	[dreg:$0x7] =	wrdreg s14  }
0xb: {  	s31 =	simm.s32 $0x2;
	s16 =	sadd.s32 $0x4, s13;
	[dreg:$0x8] =	wrdreg s15  }
0xc: {  	s8 =	simm.s32 $0xC400;
	s17 =	sadd.s32 $0x14, s13;
	[dreg:$0x9] =	wrdreg s16  }
0xd: {  	s9 =	simm.s32 $0x16C00;
	s18 =	sadd.s32 $0x24, s13;
	[dreg:$0xa] =	wrdreg s17  }
0xe: {  	s10 =	simm.s32 $0x17400;
	s19 =	sadd.s32 $0x34, s13;
	[dreg:$0xb] =	wrdreg s18  }
0xf: {  	s11 =	simm.s32 $0x17C00;
	s20 =	sadd.s32 $0x8, s13;
	[dreg:$0xc] =	wrdreg s19  }
0x10: {  	s21 =	sshrl.u32 s6, $0x3;
	s4 =	sadd.s32 $0x18, s13;
	[dreg:$0xd] =	wrdreg s20  }
0x11: {  	s28 =	sor.u32 $0x20, s6;
	s22 =	sadd.s32 $0x28, s13;
	[dreg:$0xe] =	wrdreg s4  }
0x12: {  	s12 =	simm.s32 $0x3;
	s23 =	sadd.s32 $0x38, s13;
	[dreg:$0xf] =	wrdreg s22  }
0x13: {  	s1 =	simm.s32 $0x16400;
	s24 =	sadd.s32 $0xC, s13;
	[dreg:$0x10] =	wrdreg s23  }
0x14: {  	s25 =	sadd.s32 $0x1C, s13;
	s26 =	sadd.s32 $0x2C, s13;
	[dreg:$0x11] =	wrdreg s24  }
.Ltmp0:
0x15: {  	s3 =	sadd.s32 $0x3C, s13;
	[dreg:$0x12] =	wrdreg s25;
	(pc) =	sbr.rel .LBB2_1-.Ltmp0, $4  }
0x16: {  	s13 =	simm.s32 $0x4;
	s0 =	smul.u32 $0x300, s21;
	[dreg:$0x13] =	wrdreg s26  }
0x17: {  	v2 =	vlaneseq.u32;
	[dreg:$0x14] =	wrdreg s3;
	s24 =	sadd.s32 $0x100, s2;
	s26 =	sadd.s32 $0x200, s2  }
0x18: {  	vm0 =	vmmov $0xffff;
	v1 =	vshrl.u32 v2, $0x3;
	s18 =	simm.s32 $0x6400;
	s21 =	simm.s32 $0x12400;
	s0 =	sadd.s32 s7, s0  }
0x19: {  	v0 =	vand.u32 $0x7, v2;
	v2 =	vor.u32 $0x8, v2;
	v1 =	vmul.u32 $0x8, v1;
	s7 =	simm.s32 $0x0;
	[dreg:$0x15] =	wrdreg s0;
	s0 =	simm.s32 $0x400  }
.LBB2_8:
0x1a: {  	s3 =	simm.s32 $0x5  }
0x1b: {  	_ =	swait.ge [sflag:s3], $0x6000  }
0x1c: {  	[sflag:s3] =	ssyncset.done $0x0  }
0x1d: {  	[sflag:s3] =	ssyncadd.s32 $0xFFFFA000  }
0x1e: {  	_ =	swait.ge [sflag:s3], $0x6000  }
0x1f: {  	[sflag:s3] =	ssyncset.done $0x0  }
0x20: {  	s4 =	simm.s32 $0x6;
	[sflag:s3] =	ssyncadd.s32 $0xFFFFA000  }
0x21: {  	_ =	swait.ge [sflag:s4], $0x6000  }
0x22: {  	[sflag:s4] =	ssyncset.done $0x0  }
0x23: {  	[sflag:s4] =	ssyncadd.s32 $0xFFFFA000  }
0x24: {  	_ =	swait.ge [sflag:s4], $0x6000  }
0x25: {  	s7 =	rddreg [dreg:$0x17]  }
0x26: {  	s29 =	rddreg [dreg:$0x16];
	s7 =	sadd.s32 $0x1, s7  }
0x27: {  	p0 =	sne.s32 s7, s29  }
.Ltmp1:
0x28: {  	_ = 	snop;
	(pc) =	sbr.rel @!p0 .LBB2_9-.Ltmp1, $3  }
0x29: {  	_ =	sdelay $0x1  }
0x2a: {  	[sflag:s4] =	ssyncset.done $0x0  }
0x2b: {  	[sflag:s4] =	ssyncadd.s32 $0xFFFFA000  }
.LBB2_1:
0x2c: {  	[dreg:$0x17] =	wrdreg s7  }
0x2d: {  	s3 =	rddreg [dreg:$0x5]  }
0x2e: {  	[tilespmem:s5], [sflag:$0x1] =	stream.linear.gather [hbm4b:s3+s5], $0x20, $0x38;
	[tilespmem:$0x1E400] =	vst v63  }
0x2f: {  	s17 =	rddreg [dreg:$0x6];
	s4 =	simm.s32 $0x20  }
0x30: {  	[tilespmem:s4], [sflag:$0x1] =	stream.linear.gather [hbm4b:s17+s5], $0x20, $0x38;
	[tilespmem:$0x1E400] =	vst v63  }
0x31: {  	s19 =	rddreg [dreg:$0x7];
	s20 =	simm.s32 $0x80  }
0x32: {  	[tilespmem:s20], [sflag:$0x1] =	stream.linear.gather [hbm4b:s19+s5], $0x20, $0x38;
	[tilespmem:$0x1E400] =	vst v63  }
0x33: {  	s22 =	rddreg [dreg:$0x8];
	s23 =	simm.s32 $0xA0  }
0x34: {  	[tilespmem:s23], [sflag:$0x1] =	stream.linear.gather [hbm4b:s22+s5], $0x20, $0x38;
	[tilespmem:$0x1E400] =	vst v63  }
0x35: {  	s25 =	rddreg [dreg:$0x9];
	s29 =	simm.s32 $0x100  }
0x36: {  	[tilespmem:s29], [sflag:$0x1] =	stream.linear.gather [hbm4b:s25+s5], $0x20, $0x38;
	[tilespmem:$0x1E400] =	vst v63  }
0x37: {  	s7 =	simm.s32 $0x120;
	s4 =	rddreg [dreg:$0xa]  }
0x38: {  	[tilespmem:s7], [sflag:$0x1] =	stream.linear.gather [hbm4b:s4+s5], $0x20, $0x38;
	[tilespmem:$0x1E400] =	vst v63  }
0x39: {  	s14 =	rddreg [dreg:$0xb];
	s15 =	simm.s32 $0x180  }
0x3a: {  	[tilespmem:s15], [sflag:$0x1] =	stream.linear.gather [hbm4b:s14+s5], $0x20, $0x38;
	[tilespmem:$0x1E400] =	vst v63  }
0x3b: {  	s16 =	rddreg [dreg:$0xc];
	s17 =	simm.s32 $0x1A0  }
0x3c: {  	[tilespmem:s17], [sflag:$0x1] =	stream.linear.gather [hbm4b:s16+s5], $0x20, $0x38;
	[tilespmem:$0x1E400] =	vst v63  }
0x3d: {  	s19 =	rddreg [dreg:$0xd];
	s20 =	simm.s32 $0x200  }
0x3e: {  	[tilespmem:s20], [sflag:$0x1] =	stream.linear.gather [hbm4b:s19+s5], $0x20, $0x38;
	[tilespmem:$0x1E400] =	vst v63  }
0x3f: {  	s22 =	rddreg [dreg:$0xe];
	s23 =	simm.s32 $0x220  }
0x40: {  	[tilespmem:s23], [sflag:$0x1] =	stream.linear.gather [hbm4b:s22+s5], $0x20, $0x38;
	[tilespmem:$0x1E400] =	vst v63  }
0x41: {  	s25 =	rddreg [dreg:$0xf];
	s29 =	simm.s32 $0x280  }
0x42: {  	[tilespmem:s29], [sflag:$0x1] =	stream.linear.gather [hbm4b:s25+s5], $0x20, $0x38;
	[tilespmem:$0x1E400] =	vst v63  }
0x43: {  	s4 =	rddreg [dreg:$0x10];
	s7 =	simm.s32 $0x2A0  }
0x44: {  	[tilespmem:s7], [sflag:$0x1] =	stream.linear.gather [hbm4b:s4+s5], $0x20, $0x38;
	[tilespmem:$0x1E400] =	vst v63  }
0x45: {  	s14 =	rddreg [dreg:$0x11];
	s15 =	simm.s32 $0x300  }
0x46: {  	[tilespmem:s15], [sflag:$0x1] =	stream.linear.gather [hbm4b:s14+s5], $0x20, $0x38;
	[tilespmem:$0x1E400] =	vst v63  }
0x47: {  	s16 =	rddreg [dreg:$0x12];
	s17 =	simm.s32 $0x320  }
0x48: {  	[tilespmem:s17], [sflag:$0x1] =	stream.linear.gather [hbm4b:s16+s5], $0x20, $0x38;
	[tilespmem:$0x1E400] =	vst v63  }
0x49: {  	s19 =	rddreg [dreg:$0x13];
	s20 =	simm.s32 $0x380  }
0x4a: {  	[tilespmem:s20], [sflag:$0x1] =	stream.linear.gather [hbm4b:s19+s5], $0x20, $0x38;
	[tilespmem:$0x1E400] =	vst v63  }
0x4b: {  	s22 =	rddreg [dreg:$0x14];
	s23 =	simm.s32 $0x3A0  }
0x4c: {  	[tilespmem:s23], [sflag:$0x1] =	stream.linear.gather [hbm4b:s22+s5], $0x20, $0x38;
	[tilespmem:$0x1E400] =	vst v63  }
0x4d: {  	s25 =	rddreg [dreg:$0x15];
	s29 =	simm.s32 $0x18400  }
0x4e: {  	[tilespmem:s29], [sflag:$0x2] =	stream.linear.gather [hbm4b:s25+s5], $0x6000, $0x38;
	[tilespmem:$0x1E400] =	vst v63  }
0x4f: {  	_ =	swait.ge [sflag:s30], $0x20  }
0x50: {  	[sflag:s30] =	ssyncset.done $0x0  }
0x51: {  	[sflag:s30] =	ssyncadd.s32 $0xFFFFFFE0  }
0x52: {  	_ =	swait.ge [sflag:s30], $0x20  }
0x53: {  	[sflag:s30] =	ssyncset.done $0x0  }
0x54: {  	[sflag:s30] =	ssyncadd.s32 $0xFFFFFFE0  }
0x55: {  	_ =	swait.ge [sflag:s30], $0x20  }
0x56: {  	[sflag:s30] =	ssyncset.done $0x0  }
0x57: {  	[sflag:s30] =	ssyncadd.s32 $0xFFFFFFE0  }
0x58: {  	_ =	swait.ge [sflag:s30], $0x20  }
0x59: {  	[sflag:s30] =	ssyncset.done $0x0  }
0x5a: {  	[sflag:s30] =	ssyncadd.s32 $0xFFFFFFE0  }
0x5b: {  	_ =	swait.ge [sflag:s30], $0x20  }
0x5c: {  	[sflag:s30] =	ssyncset.done $0x0  }
0x5d: {  	[sflag:s30] =	ssyncadd.s32 $0xFFFFFFE0  }
0x5e: {  	_ =	swait.ge [sflag:s30], $0x20  }
0x5f: {  	[sflag:s30] =	ssyncset.done $0x0  }
0x60: {  	[sflag:s30] =	ssyncadd.s32 $0xFFFFFFE0  }
0x61: {  	_ =	swait.ge [sflag:s30], $0x20  }
0x62: {  	[sflag:s30] =	ssyncset.done $0x0  }
0x63: {  	[sflag:s30] =	ssyncadd.s32 $0xFFFFFFE0  }
0x64: {  	_ =	swait.ge [sflag:s30], $0x20  }
0x65: {  	[sflag:s30] =	ssyncset.done $0x0  }
0x66: {  	[sflag:s30] =	ssyncadd.s32 $0xFFFFFFE0  }
0x67: {  	_ =	swait.ge [sflag:s30], $0x20  }
0x68: {  	[sflag:s30] =	ssyncset.done $0x0  }
0x69: {  	[sflag:s30] =	ssyncadd.s32 $0xFFFFFFE0  }
0x6a: {  	_ =	swait.ge [sflag:s30], $0x20  }
0x6b: {  	[sflag:s30] =	ssyncset.done $0x0  }
0x6c: {  	[sflag:s30] =	ssyncadd.s32 $0xFFFFFFE0  }
0x6d: {  	_ =	swait.ge [sflag:s30], $0x20  }
0x6e: {  	[sflag:s30] =	ssyncset.done $0x0  }
0x6f: {  	[sflag:s30] =	ssyncadd.s32 $0xFFFFFFE0  }
0x70: {  	_ =	swait.ge [sflag:s30], $0x20  }
0x71: {  	[sflag:s30] =	ssyncset.done $0x0  }
0x72: {  	[sflag:s30] =	ssyncadd.s32 $0xFFFFFFE0  }
0x73: {  	_ =	swait.ge [sflag:s30], $0x20  }
0x74: {  	[sflag:s30] =	ssyncset.done $0x0  }
0x75: {  	[sflag:s30] =	ssyncadd.s32 $0xFFFFFFE0  }
0x76: {  	_ =	swait.ge [sflag:s30], $0x20  }
0x77: {  	[sflag:s30] =	ssyncset.done $0x0  }
0x78: {  	[sflag:s30] =	ssyncadd.s32 $0xFFFFFFE0  }
0x79: {  	_ =	swait.ge [sflag:s30], $0x20  }
0x7a: {  	[sflag:s30] =	ssyncset.done $0x0  }
0x7b: {  	[sflag:s30] =	ssyncadd.s32 $0xFFFFFFE0  }
0x7c: {  	_ =	swait.ge [sflag:s30], $0x20  }
0x7d: {  	[sflag:s30] =	ssyncset.done $0x0  }
0x7e: {  	s14 =	simm.s32 $0x0;
	[sflag:s30] =	ssyncadd.s32 $0xFFFFFFE0  }
.LBB2_2:
0x7f: {  	_ =	swait.ge [sflag:s31], $0x6000  }
0x80: {  	p0 =	seq.s32 s14, $0x0;
	[sflag:s31] =	ssyncset.done $0x0  }
0x81: {  	s3 =	simm.s32 @!p0 $0x5;
	[sflag:s31] =	ssyncadd.s32 $0xFFFFA000  }
0x82: {  	_ =	swait.ge @!p0 [sflag:s3], $0x6000  }
0x83: {  	[sflag:s3] =	ssyncset.done @!p0 $0x0  }
0x84: {  	[sflag:s3] =	ssyncadd.s32 @!p0 $0xFFFFA000  }
0x85: {  	_ =	swait.ge @!p0 [sflag:s3], $0x6000  }
0x86: {  	s4 =	sshll.u32 s14, $0x8;
	[sflag:s3] =	ssyncset.done @!p0 $0x0  }
0x87: {  	[sflag:s3] =	ssyncadd.s32 @!p0 $0xFFFFA000;
	s3 =	sand.u32 $0x3FFFFF00, s4  }
0x88: {  	v3 =	vld [tilespmem:s3+$0x0];
	_ =	sdelay $0x4  }
0x89: {  	v4 =	vshrl.u32 v3, $0x3  }
0x8a: {  	v4 =	vmul.u32 $0x30, v4  }
0x8b: {  	v3 =	vand.u32 $0x7, v3  }
0x8c: {  	v3 =	vor.u32 v3, v4  }
0x8d: {  	v4 =	vperm.xlane v3, v0;
	_ =	sdelay $0x1  }
0x8e: {  	v4 =	vadd.s32 v1, v4;
	_ =	sdelay $0x3  }
0x8f: {  	v3 =	vperm.xlane v3, v2  }
0x90: {  	[tilespmem:s0], [sflag:$0x3] =	stream.indirect_vreg.gather [hbm4b:s2+s5], $0x80, v4, vm0, $0xb8;
	[tilespmem:$0x1E400] =	vst v63  }
0x91: {  	s25 =	simm.s32 $0xC00;
	v3 =	vadd.s32 v1, v3  }
0x92: {  	[tilespmem:s25], [sflag:$0x3] =	stream.indirect_vreg.gather [hbm4b:s24+s5], $0x80, v4, vm0, $0xb8;
	[tilespmem:$0x1E400] =	vst v63  }
0x93: {  	s29 =	simm.s32 $0x1400  }
0x94: {  	[tilespmem:s29], [sflag:$0x3] =	stream.indirect_vreg.gather [hbm4b:s26+s5], $0x80, v4, vm0, $0xb8;
	[tilespmem:$0x1E400] =	vst v63  }
0x95: {  	s7 =	simm.s32 $0x1C00  }
0x96: {  	[tilespmem:s7], [sflag:$0x3] =	stream.indirect_vreg.gather [hbm4b:s2+s5], $0x80, v3, vm0, $0xb8;
	[tilespmem:$0x1E400] =	vst v63  }
0x97: {  	s15 =	simm.s32 $0x2400  }
0x98: {  	[tilespmem:s15], [sflag:$0x3] =	stream.indirect_vreg.gather [hbm4b:s24+s5], $0x80, v3, vm0, $0xb8;
	[tilespmem:$0x1E400] =	vst v63  }
0x99: {  	s16 =	simm.s32 $0x2C00  }
0x9a: {  	[tilespmem:s16], [sflag:$0x3] =	stream.indirect_vreg.gather [hbm4b:s26+s5], $0x80, v3, vm0, $0xb8;
	[tilespmem:$0x1E400] =	vst v63  }
0x9b: {  	v3 =	vld [tilespmem:s3+$0x10];
	_ =	sdelay $0x4  }
0x9c: {  	v57 =	vshrl.u32 v3, $0x3  }
0x9d: {  	v4 =	vmul.u32 $0x30, v57  }
0x9e: {  	v3 =	vand.u32 $0x7, v3  }
0x9f: {  	v3 =	vor.u32 v3, v4  }
0xa0: {  	v4 =	vperm.xlane v3, v0;
	_ =	sdelay $0x1  }
0xa1: {  	v4 =	vadd.s32 v1, v4;
	_ =	sdelay $0x3  }
0xa2: {  	s17 =	simm.s32 $0x3400;
	v3 =	vperm.xlane v3, v2  }
0xa3: {  	[tilespmem:s17], [sflag:$0x3] =	stream.indirect_vreg.gather [hbm4b:s2+s5], $0x80, v4, vm0, $0xb8;
	[tilespmem:$0x1E400] =	vst v63  }
0xa4: {  	s19 =	simm.s32 $0x3C00;
	v3 =	vadd.s32 v1, v3  }
0xa5: {  	[tilespmem:s19], [sflag:$0x3] =	stream.indirect_vreg.gather [hbm4b:s24+s5], $0x80, v4, vm0, $0xb8;
	[tilespmem:$0x1E400] =	vst v63  }
0xa6: {  	s20 =	simm.s32 $0x4400  }
0xa7: {  	[tilespmem:s20], [sflag:$0x3] =	stream.indirect_vreg.gather [hbm4b:s26+s5], $0x80, v4, vm0, $0xb8;
	[tilespmem:$0x1E400] =	vst v63  }
0xa8: {  	s22 =	simm.s32 $0x4C00  }
0xa9: {  	[tilespmem:s22], [sflag:$0x3] =	stream.indirect_vreg.gather [hbm4b:s2+s5], $0x80, v3, vm0, $0xb8;
	[tilespmem:$0x1E400] =	vst v63  }
0xaa: {  	s23 =	simm.s32 $0x5400  }
0xab: {  	[tilespmem:s23], [sflag:$0x3] =	stream.indirect_vreg.gather [hbm4b:s24+s5], $0x80, v3, vm0, $0xb8;
	[tilespmem:$0x1E400] =	vst v63  }
0xac: {  	s25 =	simm.s32 $0x5C00  }
0xad: {  	[tilespmem:s25], [sflag:$0x3] =	stream.indirect_vreg.gather [hbm4b:s26+s5], $0x80, v3, vm0, $0xb8;
	[tilespmem:$0x1E400] =	vst v63  }
0xae: {  	v3 =	vld [tilespmem:s3+$0x20];
	_ =	sdelay $0x4  }
0xaf: {  	v58 =	vshrl.u32 v3, $0x3  }
0xb0: {  	v4 =	vmul.u32 $0x30, v58  }
0xb1: {  	v3 =	vand.u32 $0x7, v3  }
0xb2: {  	v3 =	vor.u32 v3, v4  }
0xb3: {  	v4 =	vperm.xlane v3, v0;
	_ =	sdelay $0x1  }
0xb4: {  	v4 =	vadd.s32 v1, v4;
	_ =	sdelay $0x3  }
0xb5: {  	v3 =	vperm.xlane v3, v2  }
0xb6: {  	[tilespmem:s18], [sflag:$0x3] =	stream.indirect_vreg.gather [hbm4b:s2+s5], $0x80, v4, vm0, $0xb8;
	[tilespmem:$0x1E400] =	vst v63  }
0xb7: {  	s29 =	simm.s32 $0x6C00;
	v3 =	vadd.s32 v1, v3  }
0xb8: {  	[tilespmem:s29], [sflag:$0x3] =	stream.indirect_vreg.gather [hbm4b:s24+s5], $0x80, v4, vm0, $0xb8;
	[tilespmem:$0x1E400] =	vst v63  }
0xb9: {  	s7 =	simm.s32 $0x7400  }
0xba: {  	[tilespmem:s7], [sflag:$0x3] =	stream.indirect_vreg.gather [hbm4b:s26+s5], $0x80, v4, vm0, $0xb8;
	[tilespmem:$0x1E400] =	vst v63  }
0xbb: {  	s15 =	simm.s32 $0x7C00  }
0xbc: {  	[tilespmem:s15], [sflag:$0x3] =	stream.indirect_vreg.gather [hbm4b:s2+s5], $0x80, v3, vm0, $0xb8;
	[tilespmem:$0x1E400] =	vst v63  }
0xbd: {  	s16 =	simm.s32 $0x8400  }
0xbe: {  	[tilespmem:s16], [sflag:$0x3] =	stream.indirect_vreg.gather [hbm4b:s24+s5], $0x80, v3, vm0, $0xb8;
	[tilespmem:$0x1E400] =	vst v63  }
0xbf: {  	s17 =	simm.s32 $0x8C00  }
0xc0: {  	[tilespmem:s17], [sflag:$0x3] =	stream.indirect_vreg.gather [hbm4b:s26+s5], $0x80, v3, vm0, $0xb8;
	[tilespmem:$0x1E400] =	vst v63  }
0xc1: {  	v3 =	vld [tilespmem:s3+$0x30];
	_ =	sdelay $0x4  }
0xc2: {  	v59 =	vshrl.u32 v3, $0x3  }
0xc3: {  	v4 =	vmul.u32 $0x30, v59  }
0xc4: {  	v3 =	vand.u32 $0x7, v3  }
0xc5: {  	v3 =	vor.u32 v3, v4  }
0xc6: {  	v4 =	vperm.xlane v3, v0;
	_ =	sdelay $0x1  }
0xc7: {  	v4 =	vadd.s32 v1, v4;
	_ =	sdelay $0x3  }
0xc8: {  	s19 =	simm.s32 $0x9400;
	v3 =	vperm.xlane v3, v2  }
0xc9: {  	[tilespmem:s19], [sflag:$0x3] =	stream.indirect_vreg.gather [hbm4b:s2+s5], $0x80, v4, vm0, $0xb8;
	[tilespmem:$0x1E400] =	vst v63  }
0xca: {  	s20 =	simm.s32 $0x9C00;
	v3 =	vadd.s32 v1, v3  }
0xcb: {  	[tilespmem:s20], [sflag:$0x3] =	stream.indirect_vreg.gather [hbm4b:s24+s5], $0x80, v4, vm0, $0xb8;
	[tilespmem:$0x1E400] =	vst v63  }
0xcc: {  	s22 =	simm.s32 $0xA400  }
0xcd: {  	[tilespmem:s22], [sflag:$0x3] =	stream.indirect_vreg.gather [hbm4b:s26+s5], $0x80, v4, vm0, $0xb8;
	[tilespmem:$0x1E400] =	vst v63  }
0xce: {  	s23 =	simm.s32 $0xAC00  }
0xcf: {  	[tilespmem:s23], [sflag:$0x3] =	stream.indirect_vreg.gather [hbm4b:s2+s5], $0x80, v3, vm0, $0xb8;
	[tilespmem:$0x1E400] =	vst v63  }
0xd0: {  	s25 =	simm.s32 $0xB400  }
0xd1: {  	[tilespmem:s25], [sflag:$0x3] =	stream.indirect_vreg.gather [hbm4b:s24+s5], $0x80, v3, vm0, $0xb8;
	[tilespmem:$0x1E400] =	vst v63  }
0xd2: {  	s4 =	simm.s32 @!p0 $0x6;
	s29 =	simm.s32 $0xBC00  }
0xd3: {  	[tilespmem:s29], [sflag:$0x3] =	stream.indirect_vreg.gather [hbm4b:s26+s5], $0x80, v3, vm0, $0xb8;
	[tilespmem:$0x1E400] =	vst v63  }
0xd4: {  	_ =	swait.ge @!p0 [sflag:s4], $0x6000  }
0xd5: {  	[sflag:s4] =	ssyncset.done @!p0 $0x0  }
0xd6: {  	[sflag:s4] =	ssyncadd.s32 @!p0 $0xFFFFA000  }
0xd7: {  	_ =	swait.ge @!p0 [sflag:s4], $0x6000  }
0xd8: {  	[sflag:s4] =	ssyncset.done @!p0 $0x0  }
0xd9: {  	[sflag:s4] =	ssyncadd.s32 @!p0 $0xFFFFA000  }
0xda: {  	v3 =	vld [tilespmem:s3+$0x80];
	_ =	sdelay $0x4  }
0xdb: {  	v60 =	vshrl.u32 v3, $0x3  }
0xdc: {  	v4 =	vmul.u32 $0x30, v60  }
0xdd: {  	v3 =	vand.u32 $0x7, v3  }
0xde: {  	v3 =	vor.u32 v3, v4  }
0xdf: {  	v4 =	vperm.xlane v3, v0;
	_ =	sdelay $0x1  }
0xe0: {  	v4 =	vadd.s32 v1, v4;
	_ =	sdelay $0x3  }
0xe1: {  	s15 =	simm.s32 $0x0;
	v3 =	vperm.xlane v3, v2  }
0xe2: {  	[tilespmem:s8], [sflag:$0x4] =	stream.indirect_vreg.gather [hbm4b:s2+s15], $0x80, v4, vm0, $0xb8;
	[tilespmem:$0x1E400] =	vst v63  }
0xe3: {  	s7 =	simm.s32 $0xCC00;
	v3 =	vadd.s32 v1, v3  }
0xe4: {  	[tilespmem:s7], [sflag:$0x4] =	stream.indirect_vreg.gather [hbm4b:s24+s15], $0x80, v4, vm0, $0xb8;
	[tilespmem:$0x1E400] =	vst v63  }
0xe5: {  	s16 =	simm.s32 $0xD400  }
0xe6: {  	[tilespmem:s16], [sflag:$0x4] =	stream.indirect_vreg.gather [hbm4b:s26+s15], $0x80, v4, vm0, $0xb8;
	[tilespmem:$0x1E400] =	vst v63  }
0xe7: {  	s17 =	simm.s32 $0xDC00  }
0xe8: {  	[tilespmem:s17], [sflag:$0x4] =	stream.indirect_vreg.gather [hbm4b:s2+s15], $0x80, v3, vm0, $0xb8;
	[tilespmem:$0x1E400] =	vst v63  }
0xe9: {  	s19 =	simm.s32 $0xE400  }
0xea: {  	[tilespmem:s19], [sflag:$0x4] =	stream.indirect_vreg.gather [hbm4b:s24+s15], $0x80, v3, vm0, $0xb8;
	[tilespmem:$0x1E400] =	vst v63  }
0xeb: {  	s20 =	simm.s32 $0xEC00  }
0xec: {  	[tilespmem:s20], [sflag:$0x4] =	stream.indirect_vreg.gather [hbm4b:s26+s15], $0x80, v3, vm0, $0xb8;
	[tilespmem:$0x1E400] =	vst v63  }
0xed: {  	v3 =	vld [tilespmem:s3+$0x90];
	_ =	sdelay $0x4  }
0xee: {  	v61 =	vshrl.u32 v3, $0x3  }
0xef: {  	v4 =	vmul.u32 $0x30, v61  }
0xf0: {  	v3 =	vand.u32 $0x7, v3  }
0xf1: {  	v3 =	vor.u32 v3, v4  }
0xf2: {  	v4 =	vperm.xlane v3, v0;
	_ =	sdelay $0x1  }
0xf3: {  	v4 =	vadd.s32 v1, v4;
	_ =	sdelay $0x3  }
0xf4: {  	s22 =	simm.s32 $0xF400;
	v3 =	vperm.xlane v3, v2  }
0xf5: {  	[tilespmem:s22], [sflag:$0x4] =	stream.indirect_vreg.gather [hbm4b:s2+s15], $0x80, v4, vm0, $0xb8;
	[tilespmem:$0x1E400] =	vst v63  }
0xf6: {  	s23 =	simm.s32 $0xFC00;
	v3 =	vadd.s32 v1, v3  }
0xf7: {  	[tilespmem:s23], [sflag:$0x4] =	stream.indirect_vreg.gather [hbm4b:s24+s15], $0x80, v4, vm0, $0xb8;
	[tilespmem:$0x1E400] =	vst v63  }
0xf8: {  	s25 =	simm.s32 $0x10400  }
0xf9: {  	[tilespmem:s25], [sflag:$0x4] =	stream.indirect_vreg.gather [hbm4b:s26+s15], $0x80, v4, vm0, $0xb8;
	[tilespmem:$0x1E400] =	vst v63  }
0xfa: {  	s29 =	simm.s32 $0x10C00  }
0xfb: {  	[tilespmem:s29], [sflag:$0x4] =	stream.indirect_vreg.gather [hbm4b:s2+s15], $0x80, v3, vm0, $0xb8;
	[tilespmem:$0x1E400] =	vst v63  }
0xfc: {  	s7 =	simm.s32 $0x11400  }
0xfd: {  	[tilespmem:s7], [sflag:$0x4] =	stream.indirect_vreg.gather [hbm4b:s24+s15], $0x80, v3, vm0, $0xb8;
	[tilespmem:$0x1E400] =	vst v63  }
0xfe: {  	s16 =	simm.s32 $0x11C00  }
0xff: {  	[tilespmem:s16], [sflag:$0x4] =	stream.indirect_vreg.gather [hbm4b:s26+s15], $0x80, v3, vm0, $0xb8;
	[tilespmem:$0x1E400] =	vst v63  }
0x100: {  	v3 =	vld [tilespmem:s3+$0xA0];
	_ =	sdelay $0x4  }
0x101: {  	v62 =	vshrl.u32 v3, $0x3  }
0x102: {  	v4 =	vmul.u32 $0x30, v62  }
0x103: {  	v3 =	vand.u32 $0x7, v3  }
0x104: {  	v3 =	vor.u32 v3, v4  }
0x105: {  	v4 =	vperm.xlane v3, v0;
	_ =	sdelay $0x1  }
0x106: {  	v4 =	vadd.s32 v1, v4;
	_ =	sdelay $0x3  }
0x107: {  	v3 =	vperm.xlane v3, v2  }
0x108: {  	[tilespmem:s21], [sflag:$0x4] =	stream.indirect_vreg.gather [hbm4b:s2+s15], $0x80, v4, vm0, $0xb8;
	[tilespmem:$0x1E400] =	vst v63  }
0x109: {  	s17 =	simm.s32 $0x12C00;
	v3 =	vadd.s32 v1, v3  }
0x10a: {  	[tilespmem:s17], [sflag:$0x4] =	stream.indirect_vreg.gather [hbm4b:s24+s15], $0x80, v4, vm0, $0xb8;
	[tilespmem:$0x1E400] =	vst v63  }
0x10b: {  	s19 =	simm.s32 $0x13400  }
0x10c: {  	[tilespmem:s19], [sflag:$0x4] =	stream.indirect_vreg.gather [hbm4b:s26+s15], $0x80, v4, vm0, $0xb8;
	[tilespmem:$0x1E400] =	vst v63  }
0x10d: {  	s20 =	simm.s32 $0x13C00  }
0x10e: {  	[tilespmem:s20], [sflag:$0x4] =	stream.indirect_vreg.gather [hbm4b:s2+s15], $0x80, v3, vm0, $0xb8;
	[tilespmem:$0x1E400] =	vst v63  }
0x10f: {  	s22 =	simm.s32 $0x14400  }
0x110: {  	[tilespmem:s22], [sflag:$0x4] =	stream.indirect_vreg.gather [hbm4b:s24+s15], $0x80, v3, vm0, $0xb8;
	[tilespmem:$0x1E400] =	vst v63  }
0x111: {  	s23 =	simm.s32 $0x14C00  }
0x112: {  	[tilespmem:s23], [sflag:$0x4] =	stream.indirect_vreg.gather [hbm4b:s26+s15], $0x80, v3, vm0, $0xb8;
	[tilespmem:$0x1E400] =	vst v63  }
0x113: {  	v3 =	vld [tilespmem:s3+$0xB0];
	_ =	sdelay $0x4  }
0x114: {  	v63 =	vshrl.u32 v3, $0x3  }
0x115: {  	v4 =	vmul.u32 $0x30, v63  }
0x116: {  	v3 =	vand.u32 $0x7, v3  }
0x117: {  	v3 =	vor.u32 v3, v4  }
0x118: {  	v4 =	vperm.xlane v3, v0;
	_ =	sdelay $0x1  }
0x119: {  	v4 =	vadd.s32 v1, v4;
	_ =	sdelay $0x3  }
0x11a: {  	s25 =	simm.s32 $0x15400;
	v3 =	vperm.xlane v3, v2  }
0x11b: {  	[tilespmem:s25], [sflag:$0x4] =	stream.indirect_vreg.gather [hbm4b:s2+s15], $0x80, v4, vm0, $0xb8;
	[tilespmem:$0x1E400] =	vst v63  }
0x11c: {  	s29 =	simm.s32 $0x15C00;
	v3 =	vadd.s32 v1, v3  }
0x11d: {  	[tilespmem:s29], [sflag:$0x4] =	stream.indirect_vreg.gather [hbm4b:s24+s15], $0x80, v4, vm0, $0xb8;
	[tilespmem:$0x1E400] =	vst v63  }
0x11e: {  	_ = 	snop  }
0x11f: {  	[tilespmem:s1], [sflag:$0x4] =	stream.indirect_vreg.gather [hbm4b:s26+s15], $0x80, v4, vm0, $0xb8;
	[tilespmem:$0x1E400] =	vst v63  }
0x120: {  	_ = 	snop  }
0x121: {  	[tilespmem:s9], [sflag:$0x4] =	stream.indirect_vreg.gather [hbm4b:s2+s15], $0x80, v3, vm0, $0xb8;
	[tilespmem:$0x1E400] =	vst v63  }
0x122: {  	_ = 	snop  }
0x123: {  	[tilespmem:s10], [sflag:$0x4] =	stream.indirect_vreg.gather [hbm4b:s24+s15], $0x80, v3, vm0, $0xb8;
	[tilespmem:$0x1E400] =	vst v63  }
0x124: {  	_ = 	snop  }
0x125: {  	[tilespmem:s11], [sflag:$0x4] =	stream.indirect_vreg.gather [hbm4b:s26+s15], $0x80, v3, vm0, $0xb8;
	[tilespmem:$0x1E400] =	vst v63  }
0x126: {  	_ =	swait.ge [sflag:s12], $0xC000  }
0x127: {  	[sflag:s12] =	ssyncset.done $0x0  }
0x128: {  	s7 =	simm.s32 $0x0;
	[sflag:s12] =	ssyncadd.s32 $0xFFFF4000  }
.LBB2_3:
0x129: {  	s3 =	sshrl.u32 s7, $0x3  }
0x12a: {  	s3 =	smul.u32 $0x1800, s3  }
0x12b: {  	s4 =	sand.u32 $0x380, s15  }
0x12c: {  	s3 =	sor.u32 s4, s3  }
0x12d: {  	v3 =	vld [tilespmem:s3+$0x18400];
	_ =	sdelay $0x3  }
0x12e: {  	s4 =	sor.u32 $0x400, s3  }
0x12f: {  	[tilespmem:s4+$0x0] =	vst.add.f32.msk $0xffff, v3  }
0x130: {  	v4 =	vld [tilespmem:s3+$0x18410];
	_ =	sdelay $0x3  }
0x131: {  	s17 =	sor.u32 $0x410, s3;
	[tilespmem:s3+$0x6400] =	vst.add.f32.msk $0xffff, v3  }
0x132: {  	[tilespmem:s17+$0x0] =	vst.add.f32.msk $0xffff, v4  }
0x133: {  	v3 =	vld [tilespmem:s3+$0x18420];
	_ =	sdelay $0x3  }
0x134: {  	s19 =	sor.u32 $0x420, s3;
	[tilespmem:s3+$0x6410] =	vst.add.f32.msk $0xffff, v4  }
0x135: {  	[tilespmem:s19+$0x0] =	vst.add.f32.msk $0xffff, v3  }
0x136: {  	v36 =	vld [tilespmem:s3+$0x18430];
	_ =	sdelay $0x3  }
0x137: {  	s20 =	sor.u32 $0x430, s3;
	[tilespmem:s3+$0x6420] =	vst.add.f32.msk $0xffff, v3  }
0x138: {  	[tilespmem:s20+$0x0] =	vst.add.f32.msk $0xffff, v36  }
0x139: {  	v3 =	vld [tilespmem:s3+$0x18440];
	_ =	sdelay $0x3  }
0x13a: {  	s22 =	sor.u32 $0x440, s3;
	[tilespmem:s3+$0x6430] =	vst.add.f32.msk $0xffff, v36  }
0x13b: {  	[tilespmem:s22+$0x0] =	vst.add.f32.msk $0xffff, v3  }
0x13c: {  	v37 =	vld [tilespmem:s3+$0x18450];
	_ =	sdelay $0x3  }
0x13d: {  	s23 =	sor.u32 $0x450, s3;
	[tilespmem:s3+$0x6440] =	vst.add.f32.msk $0xffff, v3  }
0x13e: {  	[tilespmem:s23+$0x0] =	vst.add.f32.msk $0xffff, v37  }
0x13f: {  	v3 =	vld [tilespmem:s3+$0x18460];
	_ =	sdelay $0x3  }
0x140: {  	s25 =	sor.u32 $0x460, s3;
	[tilespmem:s3+$0x6450] =	vst.add.f32.msk $0xffff, v37  }
0x141: {  	[tilespmem:s25+$0x0] =	vst.add.f32.msk $0xffff, v3  }
0x142: {  	v38 =	vld [tilespmem:s3+$0x18470];
	_ =	sdelay $0x3  }
0x143: {  	s29 =	sor.u32 $0x470, s3;
	[tilespmem:s3+$0x6460] =	vst.add.f32.msk $0xffff, v3  }
0x144: {  	[tilespmem:s29+$0x0] =	vst.add.f32.msk $0xffff, v38  }
0x145: {  	v3 =	vld [tilespmem:s3+$0x18800]  }
0x146: {  	v5 =	vld [tilespmem:s3+$0x18810]  }
0x147: {  	[tilespmem:s3+$0x6470] =	vst.add.f32.msk $0xffff, v38  }
0x148: {  	v39 =	vld [tilespmem:s3+$0x18820]  }
0x149: {  	v40 =	vld [tilespmem:s3+$0x18840]  }
0x14a: {  	v41 =	vld [tilespmem:s3+$0x18850]  }
0x14b: {  	v42 =	vld [tilespmem:s3+$0x18870]  }
0x14c: {  	v43 =	vld [tilespmem:s3+$0x18C00]  }
0x14d: {  	v44 =	vld [tilespmem:s3+$0x18C20]  }
0x14e: {  	v45 =	vld [tilespmem:s3+$0x18C30]  }
0x14f: {  	v46 =	vld [tilespmem:s3+$0x18C50]  }
0x150: {  	v47 =	vld [tilespmem:s3+$0x18C60]  }
0x151: {  	v48 =	vld [tilespmem:s3+$0x19000]  }
0x152: {  	v49 =	vld [tilespmem:s3+$0x19010]  }
0x153: {  	v50 =	vld [tilespmem:s3+$0x19030]  }
0x154: {  	v51 =	vld [tilespmem:s3+$0x19040]  }
0x155: {  	v52 =	vld [tilespmem:s3+$0x19060]  }
0x156: {  	v53 =	vld [tilespmem:s3+$0x19070]  }
0x157: {  	v54 =	vld [tilespmem:s3+$0x19410]  }
0x158: {  	v55 =	vld [tilespmem:s3+$0x19420]  }
0x159: {  	v56 =	vld [tilespmem:s3+$0x19440]  }
0x15a: {  	v57 =	vld [tilespmem:s3+$0x19450]  }
0x15b: {  	v58 =	vld [tilespmem:s3+$0x19470]  }
0x15c: {  	v59 =	vld [tilespmem:s3+$0x19800]  }
0x15d: {  	v60 =	vld [tilespmem:s3+$0x19820]  }
0x15e: {  	v61 =	vld [tilespmem:s3+$0x19830]  }
0x15f: {  	v62 =	vld [tilespmem:s3+$0x19850]  }
0x160: {  	v63 =	vld [tilespmem:s3+$0x19860]  }
0x161: {  	[tilespmem:s3+$0x800] =	vst.add.f32.msk $0xffff, v3  }
0x162: {  	[tilespmem:s3+$0x6800] =	vst.add.f32.msk $0xffff, v3  }
0x163: {  	v3 =	vld [tilespmem:s3+$0x18830]  }
0x164: {  	[tilespmem:s3+$0x810] =	vst.add.f32.msk $0xffff, v5  }
0x165: {  	[tilespmem:s3+$0x6810] =	vst.add.f32.msk $0xffff, v5  }
0x166: {  	[tilespmem:s3+$0x820] =	vst.add.f32.msk $0xffff, v39  }
0x167: {  	[tilespmem:s3+$0x6820] =	vst.add.f32.msk $0xffff, v39  }
0x168: {  	[tilespmem:s3+$0x830] =	vst.add.f32.msk $0xffff, v3  }
0x169: {  	[tilespmem:s3+$0x6830] =	vst.add.f32.msk $0xffff, v3  }
0x16a: {  	v3 =	vld [tilespmem:s3+$0x18860]  }
0x16b: {  	[tilespmem:s3+$0x840] =	vst.add.f32.msk $0xffff, v40  }
0x16c: {  	[tilespmem:s3+$0x6840] =	vst.add.f32.msk $0xffff, v40  }
0x16d: {  	[tilespmem:s3+$0x850] =	vst.add.f32.msk $0xffff, v41  }
0x16e: {  	[tilespmem:s3+$0x6850] =	vst.add.f32.msk $0xffff, v41  }
0x16f: {  	[tilespmem:s3+$0x860] =	vst.add.f32.msk $0xffff, v3  }
0x170: {  	[tilespmem:s3+$0x6860] =	vst.add.f32.msk $0xffff, v3  }
0x171: {  	v3 =	vld [tilespmem:s3+$0x18C10]  }
0x172: {  	[tilespmem:s3+$0x870] =	vst.add.f32.msk $0xffff, v42  }
0x173: {  	[tilespmem:s3+$0x6870] =	vst.add.f32.msk $0xffff, v42  }
0x174: {  	[tilespmem:s3+$0xC00] =	vst.add.f32.msk $0xffff, v43  }
0x175: {  	[tilespmem:s3+$0x6C00] =	vst.add.f32.msk $0xffff, v43  }
0x176: {  	[tilespmem:s3+$0xC10] =	vst.add.f32.msk $0xffff, v3  }
0x177: {  	[tilespmem:s3+$0x6C10] =	vst.add.f32.msk $0xffff, v3  }
0x178: {  	v3 =	vld [tilespmem:s3+$0x18C40]  }
0x179: {  	[tilespmem:s3+$0xC20] =	vst.add.f32.msk $0xffff, v44  }
0x17a: {  	[tilespmem:s3+$0x6C20] =	vst.add.f32.msk $0xffff, v44  }
0x17b: {  	[tilespmem:s3+$0xC30] =	vst.add.f32.msk $0xffff, v45  }
0x17c: {  	[tilespmem:s3+$0x6C30] =	vst.add.f32.msk $0xffff, v45  }
0x17d: {  	[tilespmem:s3+$0xC40] =	vst.add.f32.msk $0xffff, v3  }
0x17e: {  	[tilespmem:s3+$0x6C40] =	vst.add.f32.msk $0xffff, v3  }
0x17f: {  	v3 =	vld [tilespmem:s3+$0x18C70]  }
0x180: {  	[tilespmem:s3+$0xC50] =	vst.add.f32.msk $0xffff, v46  }
0x181: {  	[tilespmem:s3+$0x6C50] =	vst.add.f32.msk $0xffff, v46  }
0x182: {  	[tilespmem:s3+$0xC60] =	vst.add.f32.msk $0xffff, v47  }
0x183: {  	[tilespmem:s3+$0x6C60] =	vst.add.f32.msk $0xffff, v47  }
0x184: {  	[tilespmem:s3+$0xC70] =	vst.add.f32.msk $0xffff, v3  }
0x185: {  	[tilespmem:s3+$0x6C70] =	vst.add.f32.msk $0xffff, v3  }
0x186: {  	v3 =	vld [tilespmem:s3+$0x19020]  }
0x187: {  	[tilespmem:s3+$0x1000] =	vst.add.f32.msk $0xffff, v48  }
0x188: {  	[tilespmem:s3+$0x7000] =	vst.add.f32.msk $0xffff, v48  }
0x189: {  	[tilespmem:s3+$0x1010] =	vst.add.f32.msk $0xffff, v49  }
0x18a: {  	[tilespmem:s3+$0x7010] =	vst.add.f32.msk $0xffff, v49  }
0x18b: {  	[tilespmem:s3+$0x1020] =	vst.add.f32.msk $0xffff, v3  }
0x18c: {  	[tilespmem:s3+$0x7020] =	vst.add.f32.msk $0xffff, v3  }
0x18d: {  	v3 =	vld [tilespmem:s3+$0x19050]  }
0x18e: {  	[tilespmem:s3+$0x1030] =	vst.add.f32.msk $0xffff, v50  }
0x18f: {  	[tilespmem:s3+$0x7030] =	vst.add.f32.msk $0xffff, v50  }
0x190: {  	[tilespmem:s3+$0x1040] =	vst.add.f32.msk $0xffff, v51  }
0x191: {  	[tilespmem:s3+$0x7040] =	vst.add.f32.msk $0xffff, v51  }
0x192: {  	[tilespmem:s3+$0x1050] =	vst.add.f32.msk $0xffff, v3  }
0x193: {  	[tilespmem:s3+$0x7050] =	vst.add.f32.msk $0xffff, v3  }
0x194: {  	v3 =	vld [tilespmem:s3+$0x19400]  }
0x195: {  	[tilespmem:s3+$0x1060] =	vst.add.f32.msk $0xffff, v52  }
0x196: {  	[tilespmem:s3+$0x7060] =	vst.add.f32.msk $0xffff, v52  }
0x197: {  	[tilespmem:s3+$0x1070] =	vst.add.f32.msk $0xffff, v53  }
0x198: {  	[tilespmem:s3+$0x7070] =	vst.add.f32.msk $0xffff, v53  }
0x199: {  	[tilespmem:s3+$0x1400] =	vst.add.f32.msk $0xffff, v3  }
0x19a: {  	[tilespmem:s3+$0x7400] =	vst.add.f32.msk $0xffff, v3  }
0x19b: {  	v3 =	vld [tilespmem:s3+$0x19430]  }
0x19c: {  	[tilespmem:s3+$0x1410] =	vst.add.f32.msk $0xffff, v54  }
0x19d: {  	[tilespmem:s3+$0x7410] =	vst.add.f32.msk $0xffff, v54  }
0x19e: {  	[tilespmem:s3+$0x1420] =	vst.add.f32.msk $0xffff, v55  }
0x19f: {  	[tilespmem:s3+$0x7420] =	vst.add.f32.msk $0xffff, v55  }
0x1a0: {  	[tilespmem:s3+$0x1430] =	vst.add.f32.msk $0xffff, v3  }
0x1a1: {  	[tilespmem:s3+$0x7430] =	vst.add.f32.msk $0xffff, v3  }
0x1a2: {  	v3 =	vld [tilespmem:s3+$0x19460]  }
0x1a3: {  	[tilespmem:s3+$0x1440] =	vst.add.f32.msk $0xffff, v56  }
0x1a4: {  	[tilespmem:s3+$0x7440] =	vst.add.f32.msk $0xffff, v56  }
0x1a5: {  	[tilespmem:s3+$0x1450] =	vst.add.f32.msk $0xffff, v57  }
0x1a6: {  	[tilespmem:s3+$0x7450] =	vst.add.f32.msk $0xffff, v57  }
0x1a7: {  	[tilespmem:s3+$0x1460] =	vst.add.f32.msk $0xffff, v3  }
0x1a8: {  	[tilespmem:s3+$0x7460] =	vst.add.f32.msk $0xffff, v3  }
0x1a9: {  	v3 =	vld [tilespmem:s3+$0x19810]  }
0x1aa: {  	[tilespmem:s3+$0x1470] =	vst.add.f32.msk $0xffff, v58  }
0x1ab: {  	[tilespmem:s3+$0x7470] =	vst.add.f32.msk $0xffff, v58  }
0x1ac: {  	[tilespmem:s3+$0x1800] =	vst.add.f32.msk $0xffff, v59  }
0x1ad: {  	[tilespmem:s3+$0x7800] =	vst.add.f32.msk $0xffff, v59  }
0x1ae: {  	[tilespmem:s3+$0x1810] =	vst.add.f32.msk $0xffff, v3  }
0x1af: {  	[tilespmem:s3+$0x7810] =	vst.add.f32.msk $0xffff, v3  }
0x1b0: {  	v3 =	vld [tilespmem:s3+$0x19840]  }
0x1b1: {  	[tilespmem:s3+$0x1820] =	vst.add.f32.msk $0xffff, v60  }
0x1b2: {  	[tilespmem:s3+$0x7820] =	vst.add.f32.msk $0xffff, v60  }
0x1b3: {  	[tilespmem:s3+$0x1830] =	vst.add.f32.msk $0xffff, v61  }
0x1b4: {  	[tilespmem:s3+$0x7830] =	vst.add.f32.msk $0xffff, v61  }
0x1b5: {  	[tilespmem:s3+$0x1840] =	vst.add.f32.msk $0xffff, v3  }
0x1b6: {  	[tilespmem:s3+$0x7840] =	vst.add.f32.msk $0xffff, v3  }
0x1b7: {  	v3 =	vld [tilespmem:s3+$0x19870]  }
0x1b8: {  	p0 =	sne.s32 s7, $0x1F;
	[tilespmem:s3+$0x1850] =	vst.add.f32.msk $0xffff, v62  }
.Ltmp2:
0x1b9: {  	[tilespmem:s3+$0x7850] =	vst.add.f32.msk $0xffff, v62;
	(pc) =	sbr.rel @p0 .LBB2_3-.Ltmp2, $4  }
0x1ba: {  	[tilespmem:s3+$0x1860] =	vst.add.f32.msk $0xffff, v63  }
0x1bb: {  	[tilespmem:s3+$0x7860] =	vst.add.f32.msk $0xffff, v63  }
0x1bc: {  	[tilespmem:s3+$0x1870] =	vst.add.f32.msk $0xffff, v3  }
0x1bd: {  	s15 =	sadd.s32 $0x80, s15;
	s7 =	sadd.s32 $0x1, s7;
	[tilespmem:s3+$0x7870] =	vst.add.f32.msk $0xffff, v3  }
0x1be: {  	s3 =	sshll.u32 s14, $0x5  }
0x1bf: {  	s3 =	sadd.s32 s6, s3  }
0x1c0: {  	s3 =	sshrl.u32 s3, $0x3  }
0x1c1: {  	s3 =	smul.u32 $0x1800, s3;
	_ =	sdelay $0x1  }
0x1c2: {  	s4 =	rddreg [dreg:$0x3];
	s3 =	sshrl.u32 s3, $0x3  }
0x1c3: {  	s16 =	simm.s32 $0x0;
	s15 =	sadd.s32 s4, s3  }
0x1c4: {  	[hbm4b:s15+s16] =	stream.linear.scatter [tilespmem:s0], [sflag:$0x5], $0x6000, $0x38;
	[tilespmem:$0x1E400] =	vst v63  }
0x1c5: {  	s17 =	simm.s32 $0x0;
	s3 =	sadd.s32 $0x60000, s15  }
0x1c6: {  	[hbm4b:s3+s16] =	stream.linear.scatter [tilespmem:s18], [sflag:$0x5], $0x6000, $0x38;
	[tilespmem:$0x1E400] =	vst v63  }
0x1c7: {  	s3 =	smul.u32 $0x1800, s17;
	_ =	swait.ge [sflag:s13], $0xC000  }
0x1c8: {  	s19 =	sand.u32 $0x380, s16;
	[sflag:s13] =	ssyncset.done $0x0  }
0x1c9: {  	s17 =	sor.u32 s19, s3;
	[sflag:s13] =	ssyncadd.s32 $0xFFFF4000  }
0x1ca: {  	v3 =	vld [tilespmem:s17+$0x18400];
	_ =	sdelay $0x4  }
0x1cb: {  	[tilespmem:s17+$0xC400] =	vst.add.f32.msk $0xffff, v3  }
0x1cc: {  	s3 =	sadd.s32 $0x18400, s17;
	[tilespmem:s17+$0x12400] =	vst.add.f32.msk $0xffff, v3  }
0x1cd: {  	v3 =	vld [tilespmem:s3+$0x10];
	_ =	sdelay $0x3  }
0x1ce: {  	s4 =	sadd.s32 $0x12400, s17  }
0x1cf: {  	s7 =	sor.u32 $0x10, s4;
	[tilespmem:s17+$0xC410] =	vst.add.f32.msk $0xffff, v3  }
0x1d0: {  	[tilespmem:s7+$0x0] =	vst.add.f32.msk $0xffff, v3  }
0x1d1: {  	v3 =	vld [tilespmem:s3+$0x20];
	_ =	sdelay $0x4  }
0x1d2: {  	s20 =	sor.u32 $0x20, s4;
	[tilespmem:s17+$0xC420] =	vst.add.f32.msk $0xffff, v3  }
0x1d3: {  	[tilespmem:s20+$0x0] =	vst.add.f32.msk $0xffff, v3  }
0x1d4: {  	v3 =	vld [tilespmem:s3+$0x30];
	_ =	sdelay $0x4  }
0x1d5: {  	s22 =	sor.u32 $0x30, s4;
	[tilespmem:s17+$0xC430] =	vst.add.f32.msk $0xffff, v3  }
0x1d6: {  	[tilespmem:s22+$0x0] =	vst.add.f32.msk $0xffff, v3  }
0x1d7: {  	v3 =	vld [tilespmem:s3+$0x40];
	_ =	sdelay $0x4  }
0x1d8: {  	s23 =	sor.u32 $0x40, s4;
	[tilespmem:s17+$0xC440] =	vst.add.f32.msk $0xffff, v3  }
0x1d9: {  	[tilespmem:s23+$0x0] =	vst.add.f32.msk $0xffff, v3  }
0x1da: {  	v3 =	vld [tilespmem:s3+$0x50];
	_ =	sdelay $0x4  }
0x1db: {  	s25 =	sor.u32 $0x50, s4;
	[tilespmem:s17+$0xC450] =	vst.add.f32.msk $0xffff, v3  }
0x1dc: {  	[tilespmem:s25+$0x0] =	vst.add.f32.msk $0xffff, v3  }
0x1dd: {  	v3 =	vld [tilespmem:s3+$0x60];
	_ =	sdelay $0x4  }
0x1de: {  	s29 =	sor.u32 $0x60, s4;
	[tilespmem:s17+$0xC460] =	vst.add.f32.msk $0xffff, v3  }
0x1df: {  	[tilespmem:s29+$0x0] =	vst.add.f32.msk $0xffff, v3  }
0x1e0: {  	v3 =	vld [tilespmem:s3+$0x70];
	_ =	sdelay $0x4  }
0x1e1: {  	s4 =	sor.u32 $0x70, s4;
	[tilespmem:s17+$0xC470] =	vst.add.f32.msk $0xffff, v3  }
0x1e2: {  	[tilespmem:s4+$0x0] =	vst.add.f32.msk $0xffff, v3  }
0x1e3: {  	v3 =	vld [tilespmem:s3+$0x400];
	_ =	sdelay $0x4  }
0x1e4: {  	[tilespmem:s17+$0xC800] =	vst.add.f32.msk $0xffff, v3  }
0x1e5: {  	[tilespmem:s17+$0x12800] =	vst.add.f32.msk $0xffff, v3  }
0x1e6: {  	v3 =	vld [tilespmem:s3+$0x410];
	_ =	sdelay $0x3  }
0x1e7: {  	s4 =	sadd.s32 $0x12800, s17  }
0x1e8: {  	s19 =	sor.u32 $0x10, s4;
	[tilespmem:s17+$0xC810] =	vst.add.f32.msk $0xffff, v3  }
0x1e9: {  	[tilespmem:s19+$0x0] =	vst.add.f32.msk $0xffff, v3  }
0x1ea: {  	v3 =	vld [tilespmem:s3+$0x420];
	_ =	sdelay $0x4  }
0x1eb: {  	s20 =	sor.u32 $0x20, s4;
	[tilespmem:s17+$0xC820] =	vst.add.f32.msk $0xffff, v3  }
0x1ec: {  	[tilespmem:s20+$0x0] =	vst.add.f32.msk $0xffff, v3  }
0x1ed: {  	v3 =	vld [tilespmem:s3+$0x430];
	_ =	sdelay $0x4  }
0x1ee: {  	s22 =	sor.u32 $0x30, s4;
	[tilespmem:s17+$0xC830] =	vst.add.f32.msk $0xffff, v3  }
0x1ef: {  	[tilespmem:s22+$0x0] =	vst.add.f32.msk $0xffff, v3  }
0x1f0: {  	v3 =	vld [tilespmem:s3+$0x440];
	_ =	sdelay $0x4  }
0x1f1: {  	s23 =	sor.u32 $0x40, s4;
	[tilespmem:s17+$0xC840] =	vst.add.f32.msk $0xffff, v3  }
0x1f2: {  	[tilespmem:s23+$0x0] =	vst.add.f32.msk $0xffff, v3  }
0x1f3: {  	v3 =	vld [tilespmem:s3+$0x450];
	_ =	sdelay $0x4  }
0x1f4: {  	s25 =	sor.u32 $0x50, s4;
	[tilespmem:s17+$0xC850] =	vst.add.f32.msk $0xffff, v3  }
0x1f5: {  	[tilespmem:s25+$0x0] =	vst.add.f32.msk $0xffff, v3  }
0x1f6: {  	v3 =	vld [tilespmem:s3+$0x460];
	_ =	sdelay $0x4  }
0x1f7: {  	s29 =	sor.u32 $0x60, s4;
	[tilespmem:s17+$0xC860] =	vst.add.f32.msk $0xffff, v3  }
0x1f8: {  	[tilespmem:s29+$0x0] =	vst.add.f32.msk $0xffff, v3  }
0x1f9: {  	v3 =	vld [tilespmem:s3+$0x470];
	_ =	sdelay $0x4  }
0x1fa: {  	s7 =	sor.u32 $0x70, s4;
	[tilespmem:s17+$0xC870] =	vst.add.f32.msk $0xffff, v3  }
0x1fb: {  	[tilespmem:s7+$0x0] =	vst.add.f32.msk $0xffff, v3  }
0x1fc: {  	v3 =	vld [tilespmem:s17+$0x18C00];
	_ =	sdelay $0x4  }
0x1fd: {  	[tilespmem:s17+$0xCC00] =	vst.add.f32.msk $0xffff, v3  }
0x1fe: {  	s3 =	sadd.s32 $0x18C00, s17;
	[tilespmem:s17+$0x12C00] =	vst.add.f32.msk $0xffff, v3  }
0x1ff: {  	v3 =	vld [tilespmem:s3+$0x10];
	_ =	sdelay $0x3  }
0x200: {  	s4 =	sadd.s32 $0x12C00, s17  }
0x201: {  	s19 =	sor.u32 $0x10, s4;
	[tilespmem:s17+$0xCC10] =	vst.add.f32.msk $0xffff, v3  }
0x202: {  	[tilespmem:s19+$0x0] =	vst.add.f32.msk $0xffff, v3  }
0x203: {  	v3 =	vld [tilespmem:s3+$0x20];
	_ =	sdelay $0x4  }
0x204: {  	s20 =	sor.u32 $0x20, s4;
	[tilespmem:s17+$0xCC20] =	vst.add.f32.msk $0xffff, v3  }
0x205: {  	[tilespmem:s20+$0x0] =	vst.add.f32.msk $0xffff, v3  }
0x206: {  	v3 =	vld [tilespmem:s3+$0x30];
	_ =	sdelay $0x4  }
0x207: {  	s22 =	sor.u32 $0x30, s4;
	[tilespmem:s17+$0xCC30] =	vst.add.f32.msk $0xffff, v3  }
0x208: {  	[tilespmem:s22+$0x0] =	vst.add.f32.msk $0xffff, v3  }
0x209: {  	v3 =	vld [tilespmem:s3+$0x40];
	_ =	sdelay $0x4  }
0x20a: {  	s23 =	sor.u32 $0x40, s4;
	[tilespmem:s17+$0xCC40] =	vst.add.f32.msk $0xffff, v3  }
0x20b: {  	[tilespmem:s23+$0x0] =	vst.add.f32.msk $0xffff, v3  }
0x20c: {  	v3 =	vld [tilespmem:s3+$0x50];
	_ =	sdelay $0x4  }
0x20d: {  	s25 =	sor.u32 $0x50, s4;
	[tilespmem:s17+$0xCC50] =	vst.add.f32.msk $0xffff, v3  }
0x20e: {  	[tilespmem:s25+$0x0] =	vst.add.f32.msk $0xffff, v3  }
0x20f: {  	v3 =	vld [tilespmem:s3+$0x60];
	_ =	sdelay $0x4  }
0x210: {  	s29 =	sor.u32 $0x60, s4;
	[tilespmem:s17+$0xCC60] =	vst.add.f32.msk $0xffff, v3  }
0x211: {  	[tilespmem:s29+$0x0] =	vst.add.f32.msk $0xffff, v3  }
0x212: {  	v3 =	vld [tilespmem:s3+$0x70];
	_ =	sdelay $0x4  }
0x213: {  	s7 =	sor.u32 $0x70, s4;
	[tilespmem:s17+$0xCC70] =	vst.add.f32.msk $0xffff, v3  }
0x214: {  	[tilespmem:s7+$0x0] =	vst.add.f32.msk $0xffff, v3  }
0x215: {  	v3 =	vld [tilespmem:s17+$0x19000];
	_ =	sdelay $0x4  }
0x216: {  	[tilespmem:s17+$0xD000] =	vst.add.f32.msk $0xffff, v3  }
0x217: {  	s3 =	sadd.s32 $0x19000, s17;
	[tilespmem:s17+$0x13000] =	vst.add.f32.msk $0xffff, v3  }
0x218: {  	v3 =	vld [tilespmem:s3+$0x10];
	_ =	sdelay $0x3  }
0x219: {  	s4 =	sadd.s32 $0x13000, s17  }
0x21a: {  	s19 =	sor.u32 $0x10, s4;
	[tilespmem:s17+$0xD010] =	vst.add.f32.msk $0xffff, v3  }
0x21b: {  	[tilespmem:s19+$0x0] =	vst.add.f32.msk $0xffff, v3  }
0x21c: {  	v3 =	vld [tilespmem:s3+$0x20];
	_ =	sdelay $0x4  }
0x21d: {  	s20 =	sor.u32 $0x20, s4;
	[tilespmem:s17+$0xD020] =	vst.add.f32.msk $0xffff, v3  }
0x21e: {  	[tilespmem:s20+$0x0] =	vst.add.f32.msk $0xffff, v3  }
0x21f: {  	v3 =	vld [tilespmem:s3+$0x30];
	_ =	sdelay $0x4  }
0x220: {  	s22 =	sor.u32 $0x30, s4;
	[tilespmem:s17+$0xD030] =	vst.add.f32.msk $0xffff, v3  }
0x221: {  	[tilespmem:s22+$0x0] =	vst.add.f32.msk $0xffff, v3  }
0x222: {  	v3 =	vld [tilespmem:s3+$0x40];
	_ =	sdelay $0x4  }
0x223: {  	s23 =	sor.u32 $0x40, s4;
	[tilespmem:s17+$0xD040] =	vst.add.f32.msk $0xffff, v3  }
0x224: {  	[tilespmem:s23+$0x0] =	vst.add.f32.msk $0xffff, v3  }
0x225: {  	v3 =	vld [tilespmem:s3+$0x50];
	_ =	sdelay $0x4  }
0x226: {  	s25 =	sor.u32 $0x50, s4;
	[tilespmem:s17+$0xD050] =	vst.add.f32.msk $0xffff, v3  }
0x227: {  	[tilespmem:s25+$0x0] =	vst.add.f32.msk $0xffff, v3  }
0x228: {  	v3 =	vld [tilespmem:s3+$0x60];
	_ =	sdelay $0x4  }
0x229: {  	s29 =	sor.u32 $0x60, s4;
	[tilespmem:s17+$0xD060] =	vst.add.f32.msk $0xffff, v3  }
0x22a: {  	[tilespmem:s29+$0x0] =	vst.add.f32.msk $0xffff, v3  }
0x22b: {  	v3 =	vld [tilespmem:s3+$0x70];
	_ =	sdelay $0x4  }
0x22c: {  	s7 =	sor.u32 $0x70, s4;
	[tilespmem:s17+$0xD070] =	vst.add.f32.msk $0xffff, v3  }
0x22d: {  	[tilespmem:s7+$0x0] =	vst.add.f32.msk $0xffff, v3  }
0x22e: {  	v3 =	vld [tilespmem:s17+$0x19400];
	_ =	sdelay $0x4  }
0x22f: {  	[tilespmem:s17+$0xD400] =	vst.add.f32.msk $0xffff, v3  }
0x230: {  	s3 =	sadd.s32 $0x19400, s17;
	[tilespmem:s17+$0x13400] =	vst.add.f32.msk $0xffff, v3  }
0x231: {  	v3 =	vld [tilespmem:s3+$0x10];
	_ =	sdelay $0x3  }
0x232: {  	s4 =	sadd.s32 $0x13400, s17  }
0x233: {  	s19 =	sor.u32 $0x10, s4;
	[tilespmem:s17+$0xD410] =	vst.add.f32.msk $0xffff, v3  }
0x234: {  	[tilespmem:s19+$0x0] =	vst.add.f32.msk $0xffff, v3  }
0x235: {  	v3 =	vld [tilespmem:s3+$0x20];
	_ =	sdelay $0x4  }
0x236: {  	s20 =	sor.u32 $0x20, s4;
	[tilespmem:s17+$0xD420] =	vst.add.f32.msk $0xffff, v3  }
0x237: {  	[tilespmem:s20+$0x0] =	vst.add.f32.msk $0xffff, v3  }
0x238: {  	v3 =	vld [tilespmem:s3+$0x30];
	_ =	sdelay $0x4  }
0x239: {  	s22 =	sor.u32 $0x30, s4;
	[tilespmem:s17+$0xD430] =	vst.add.f32.msk $0xffff, v3  }
0x23a: {  	[tilespmem:s22+$0x0] =	vst.add.f32.msk $0xffff, v3  }
0x23b: {  	v3 =	vld [tilespmem:s3+$0x40];
	_ =	sdelay $0x4  }
0x23c: {  	s23 =	sor.u32 $0x40, s4;
	[tilespmem:s17+$0xD440] =	vst.add.f32.msk $0xffff, v3  }
0x23d: {  	[tilespmem:s23+$0x0] =	vst.add.f32.msk $0xffff, v3  }
0x23e: {  	v3 =	vld [tilespmem:s3+$0x50];
	_ =	sdelay $0x4  }
0x23f: {  	s25 =	sor.u32 $0x50, s4;
	[tilespmem:s17+$0xD450] =	vst.add.f32.msk $0xffff, v3  }
0x240: {  	[tilespmem:s25+$0x0] =	vst.add.f32.msk $0xffff, v3  }
0x241: {  	v3 =	vld [tilespmem:s3+$0x60];
	_ =	sdelay $0x4  }
0x242: {  	s29 =	sor.u32 $0x60, s4;
	[tilespmem:s17+$0xD460] =	vst.add.f32.msk $0xffff, v3  }
0x243: {  	[tilespmem:s29+$0x0] =	vst.add.f32.msk $0xffff, v3  }
0x244: {  	v3 =	vld [tilespmem:s3+$0x70];
	_ =	sdelay $0x4  }
0x245: {  	s7 =	sor.u32 $0x70, s4;
	[tilespmem:s17+$0xD470] =	vst.add.f32.msk $0xffff, v3  }
0x246: {  	[tilespmem:s7+$0x0] =	vst.add.f32.msk $0xffff, v3  }
0x247: {  	v3 =	vld [tilespmem:s17+$0x19800];
	_ =	sdelay $0x4  }
0x248: {  	[tilespmem:s17+$0xD800] =	vst.add.f32.msk $0xffff, v3  }
0x249: {  	s3 =	sadd.s32 $0x19800, s17;
	[tilespmem:s17+$0x13800] =	vst.add.f32.msk $0xffff, v3  }
0x24a: {  	v3 =	vld [tilespmem:s3+$0x10];
	_ =	sdelay $0x3  }
0x24b: {  	s4 =	sadd.s32 $0x13800, s17  }
0x24c: {  	s19 =	sor.u32 $0x10, s4;
	[tilespmem:s17+$0xD810] =	vst.add.f32.msk $0xffff, v3  }
0x24d: {  	[tilespmem:s19+$0x0] =	vst.add.f32.msk $0xffff, v3  }
0x24e: {  	v3 =	vld [tilespmem:s3+$0x20];
	_ =	sdelay $0x4  }
0x24f: {  	s20 =	sor.u32 $0x20, s4;
	[tilespmem:s17+$0xD820] =	vst.add.f32.msk $0xffff, v3  }
0x250: {  	[tilespmem:s20+$0x0] =	vst.add.f32.msk $0xffff, v3  }
0x251: {  	v3 =	vld [tilespmem:s3+$0x30];
	_ =	sdelay $0x4  }
0x252: {  	s22 =	sor.u32 $0x30, s4;
	[tilespmem:s17+$0xD830] =	vst.add.f32.msk $0xffff, v3  }
0x253: {  	[tilespmem:s22+$0x0] =	vst.add.f32.msk $0xffff, v3  }
0x254: {  	v3 =	vld [tilespmem:s3+$0x40];
	_ =	sdelay $0x4  }
0x255: {  	s23 =	sor.u32 $0x40, s4;
	[tilespmem:s17+$0xD840] =	vst.add.f32.msk $0xffff, v3  }
0x256: {  	[tilespmem:s23+$0x0] =	vst.add.f32.msk $0xffff, v3  }
0x257: {  	v3 =	vld [tilespmem:s3+$0x50];
	_ =	sdelay $0x4  }
0x258: {  	s25 =	sor.u32 $0x50, s4;
	[tilespmem:s17+$0xD850] =	vst.add.f32.msk $0xffff, v3  }
0x259: {  	[tilespmem:s25+$0x0] =	vst.add.f32.msk $0xffff, v3  }
0x25a: {  	v3 =	vld [tilespmem:s3+$0x60];
	_ =	sdelay $0x4  }
0x25b: {  	s29 =	sor.u32 $0x60, s4;
	[tilespmem:s17+$0xD860] =	vst.add.f32.msk $0xffff, v3  }
0x25c: {  	s4 =	sor.u32 $0x70, s4;
	s19 =	simm.s32 $0x1;
	[tilespmem:s29+$0x0] =	vst.add.f32.msk $0xffff, v3  }
.LBB2_5:
0x25d: {  	p0 =	sne.s32 s19, $0x1F  }
0x25e: {  	v3 =	vld [tilespmem:s3+$0x70];
	s16 =	sadd.s32 $0x80, s16;
	s3 =	smov.u32 s19;
	s19 =	sadd.s32 $0x1, s19  }
0x25f: {  	_ =	sdelay $0x1  }
0x260: {  	s3 =	sshrl.u32 s3, $0x3  }
0x261: {  	s3 =	smul.u32 $0x1800, s3  }
0x262: {  	s7 =	sand.u32 $0x380, s16;
	[tilespmem:s17+$0xD870] =	vst.add.f32.msk $0xffff, v3  }
0x263: {  	s17 =	sor.u32 s7, s3;
	[tilespmem:s4+$0x0] =	vst.add.f32.msk $0xffff, v3  }
0x264: {  	s4 =	sadd.s32 $0x12400, s17;
	s7 =	sadd.s32 $0x12800, s17;
	s25 =	sadd.s32 $0x12C00, s17;
	v3 =	vld [tilespmem:s17+$0x18400]  }
0x265: {  	s23 =	sadd.s32 $0x13000, s17;
	s22 =	sadd.s32 $0x13400, s17;
	s20 =	sadd.s32 $0x13800, s17  }
0x266: {  	_ =	sdelay $0x2  }
0x267: {  	s3 =	sadd.s32 $0x18400, s17;
	[tilespmem:s17+$0xC400] =	vst.add.f32.msk $0xffff, v3  }
0x268: {  	[tilespmem:s17+$0x12400] =	vst.add.f32.msk $0xffff, v3  }
0x269: {  	v3 =	vld [tilespmem:s3+$0x10];
	_ =	sdelay $0x3  }
0x26a: {  	s29 =	sor.u32 $0x10, s4  }
0x26b: {  	[tilespmem:s17+$0xC410] =	vst.add.f32.msk $0xffff, v3  }
0x26c: {  	[tilespmem:s29+$0x0] =	vst.add.f32.msk $0xffff, v3  }
0x26d: {  	v3 =	vld [tilespmem:s3+$0x20];
	_ =	sdelay $0x3  }
0x26e: {  	s29 =	sor.u32 $0x20, s4  }
0x26f: {  	[tilespmem:s17+$0xC420] =	vst.add.f32.msk $0xffff, v3  }
0x270: {  	[tilespmem:s29+$0x0] =	vst.add.f32.msk $0xffff, v3  }
0x271: {  	v3 =	vld [tilespmem:s3+$0x30];
	_ =	sdelay $0x3  }
0x272: {  	s29 =	sor.u32 $0x30, s4  }
0x273: {  	[tilespmem:s17+$0xC430] =	vst.add.f32.msk $0xffff, v3  }
0x274: {  	[tilespmem:s29+$0x0] =	vst.add.f32.msk $0xffff, v3  }
0x275: {  	v3 =	vld [tilespmem:s3+$0x40];
	_ =	sdelay $0x3  }
0x276: {  	s29 =	sor.u32 $0x40, s4  }
0x277: {  	[tilespmem:s17+$0xC440] =	vst.add.f32.msk $0xffff, v3  }
0x278: {  	[tilespmem:s29+$0x0] =	vst.add.f32.msk $0xffff, v3  }
0x279: {  	v3 =	vld [tilespmem:s3+$0x50];
	_ =	sdelay $0x3  }
0x27a: {  	s29 =	sor.u32 $0x50, s4  }
0x27b: {  	[tilespmem:s17+$0xC450] =	vst.add.f32.msk $0xffff, v3  }
0x27c: {  	[tilespmem:s29+$0x0] =	vst.add.f32.msk $0xffff, v3  }
0x27d: {  	v3 =	vld [tilespmem:s3+$0x60];
	_ =	sdelay $0x3  }
0x27e: {  	s29 =	sor.u32 $0x60, s4  }
0x27f: {  	[tilespmem:s17+$0xC460] =	vst.add.f32.msk $0xffff, v3  }
0x280: {  	[tilespmem:s29+$0x0] =	vst.add.f32.msk $0xffff, v3  }
0x281: {  	v3 =	vld [tilespmem:s3+$0x70];
	_ =	sdelay $0x3  }
0x282: {  	s4 =	sor.u32 $0x70, s4  }
0x283: {  	[tilespmem:s17+$0xC470] =	vst.add.f32.msk $0xffff, v3  }
0x284: {  	[tilespmem:s4+$0x0] =	vst.add.f32.msk $0xffff, v3  }
0x285: {  	v3 =	vld [tilespmem:s3+$0x400];
	_ =	sdelay $0x4  }
0x286: {  	[tilespmem:s17+$0xC800] =	vst.add.f32.msk $0xffff, v3  }
0x287: {  	[tilespmem:s17+$0x12800] =	vst.add.f32.msk $0xffff, v3  }
0x288: {  	v3 =	vld [tilespmem:s3+$0x410];
	_ =	sdelay $0x2  }
0x289: {  	s4 =	sor.u32 $0x10, s7;
	_ =	sdelay $0x1  }
0x28a: {  	[tilespmem:s17+$0xC810] =	vst.add.f32.msk $0xffff, v3  }
0x28b: {  	[tilespmem:s4+$0x0] =	vst.add.f32.msk $0xffff, v3  }
0x28c: {  	v3 =	vld [tilespmem:s3+$0x420];
	_ =	sdelay $0x2  }
0x28d: {  	s4 =	sor.u32 $0x20, s7;
	_ =	sdelay $0x1  }
0x28e: {  	[tilespmem:s17+$0xC820] =	vst.add.f32.msk $0xffff, v3  }
0x28f: {  	[tilespmem:s4+$0x0] =	vst.add.f32.msk $0xffff, v3  }
0x290: {  	v3 =	vld [tilespmem:s3+$0x430];
	_ =	sdelay $0x2  }
0x291: {  	s4 =	sor.u32 $0x30, s7;
	_ =	sdelay $0x1  }
0x292: {  	[tilespmem:s17+$0xC830] =	vst.add.f32.msk $0xffff, v3  }
0x293: {  	[tilespmem:s4+$0x0] =	vst.add.f32.msk $0xffff, v3  }
0x294: {  	v3 =	vld [tilespmem:s3+$0x440];
	_ =	sdelay $0x2  }
0x295: {  	s4 =	sor.u32 $0x40, s7;
	_ =	sdelay $0x1  }
0x296: {  	[tilespmem:s17+$0xC840] =	vst.add.f32.msk $0xffff, v3  }
0x297: {  	[tilespmem:s4+$0x0] =	vst.add.f32.msk $0xffff, v3  }
0x298: {  	v3 =	vld [tilespmem:s3+$0x450];
	_ =	sdelay $0x2  }
0x299: {  	s4 =	sor.u32 $0x50, s7;
	_ =	sdelay $0x1  }
0x29a: {  	[tilespmem:s17+$0xC850] =	vst.add.f32.msk $0xffff, v3  }
0x29b: {  	[tilespmem:s4+$0x0] =	vst.add.f32.msk $0xffff, v3  }
0x29c: {  	v3 =	vld [tilespmem:s3+$0x460];
	_ =	sdelay $0x2  }
0x29d: {  	s4 =	sor.u32 $0x60, s7;
	_ =	sdelay $0x1  }
0x29e: {  	[tilespmem:s17+$0xC860] =	vst.add.f32.msk $0xffff, v3  }
0x29f: {  	[tilespmem:s4+$0x0] =	vst.add.f32.msk $0xffff, v3  }
0x2a0: {  	v3 =	vld [tilespmem:s3+$0x470];
	_ =	sdelay $0x2  }
0x2a1: {  	s3 =	sor.u32 $0x70, s7;
	_ =	sdelay $0x1  }
0x2a2: {  	[tilespmem:s17+$0xC870] =	vst.add.f32.msk $0xffff, v3  }
0x2a3: {  	[tilespmem:s3+$0x0] =	vst.add.f32.msk $0xffff, v3  }
0x2a4: {  	v3 =	vld [tilespmem:s17+$0x18C00];
	_ =	sdelay $0x2  }
0x2a5: {  	s3 =	sadd.s32 $0x18C00, s17;
	_ =	sdelay $0x1  }
0x2a6: {  	[tilespmem:s17+$0xCC00] =	vst.add.f32.msk $0xffff, v3  }
0x2a7: {  	[tilespmem:s17+$0x12C00] =	vst.add.f32.msk $0xffff, v3  }
0x2a8: {  	v3 =	vld [tilespmem:s3+$0x10];
	_ =	sdelay $0x1  }
0x2a9: {  	s4 =	sor.u32 $0x10, s25;
	_ =	sdelay $0x2  }
0x2aa: {  	[tilespmem:s17+$0xCC10] =	vst.add.f32.msk $0xffff, v3  }
0x2ab: {  	[tilespmem:s4+$0x0] =	vst.add.f32.msk $0xffff, v3  }
0x2ac: {  	v3 =	vld [tilespmem:s3+$0x20];
	_ =	sdelay $0x1  }
0x2ad: {  	s4 =	sor.u32 $0x20, s25;
	_ =	sdelay $0x2  }
0x2ae: {  	[tilespmem:s17+$0xCC20] =	vst.add.f32.msk $0xffff, v3  }
0x2af: {  	[tilespmem:s4+$0x0] =	vst.add.f32.msk $0xffff, v3  }
0x2b0: {  	v3 =	vld [tilespmem:s3+$0x30];
	_ =	sdelay $0x1  }
0x2b1: {  	s4 =	sor.u32 $0x30, s25;
	_ =	sdelay $0x2  }
0x2b2: {  	[tilespmem:s17+$0xCC30] =	vst.add.f32.msk $0xffff, v3  }
0x2b3: {  	[tilespmem:s4+$0x0] =	vst.add.f32.msk $0xffff, v3  }
0x2b4: {  	v3 =	vld [tilespmem:s3+$0x40];
	_ =	sdelay $0x1  }
0x2b5: {  	s4 =	sor.u32 $0x40, s25;
	_ =	sdelay $0x2  }
0x2b6: {  	[tilespmem:s17+$0xCC40] =	vst.add.f32.msk $0xffff, v3  }
0x2b7: {  	[tilespmem:s4+$0x0] =	vst.add.f32.msk $0xffff, v3  }
0x2b8: {  	v3 =	vld [tilespmem:s3+$0x50];
	_ =	sdelay $0x1  }
0x2b9: {  	s4 =	sor.u32 $0x50, s25;
	_ =	sdelay $0x2  }
0x2ba: {  	[tilespmem:s17+$0xCC50] =	vst.add.f32.msk $0xffff, v3  }
0x2bb: {  	[tilespmem:s4+$0x0] =	vst.add.f32.msk $0xffff, v3  }
0x2bc: {  	v3 =	vld [tilespmem:s3+$0x60];
	_ =	sdelay $0x1  }
0x2bd: {  	s4 =	sor.u32 $0x60, s25;
	_ =	sdelay $0x2  }
0x2be: {  	[tilespmem:s17+$0xCC60] =	vst.add.f32.msk $0xffff, v3  }
0x2bf: {  	[tilespmem:s4+$0x0] =	vst.add.f32.msk $0xffff, v3  }
0x2c0: {  	v3 =	vld [tilespmem:s3+$0x70];
	_ =	sdelay $0x1  }
0x2c1: {  	s3 =	sor.u32 $0x70, s25;
	_ =	sdelay $0x2  }
0x2c2: {  	[tilespmem:s17+$0xCC70] =	vst.add.f32.msk $0xffff, v3  }
0x2c3: {  	[tilespmem:s3+$0x0] =	vst.add.f32.msk $0xffff, v3  }
0x2c4: {  	v3 =	vld [tilespmem:s17+$0x19000];
	_ =	sdelay $0x1  }
0x2c5: {  	s3 =	sadd.s32 $0x19000, s17;
	_ =	sdelay $0x2  }
0x2c6: {  	[tilespmem:s17+$0xD000] =	vst.add.f32.msk $0xffff, v3  }
0x2c7: {  	[tilespmem:s17+$0x13000] =	vst.add.f32.msk $0xffff, v3  }
0x2c8: {  	v3 =	vld [tilespmem:s3+$0x10]  }
0x2c9: {  	s4 =	sor.u32 $0x10, s23;
	_ =	sdelay $0x3  }
0x2ca: {  	[tilespmem:s17+$0xD010] =	vst.add.f32.msk $0xffff, v3  }
0x2cb: {  	[tilespmem:s4+$0x0] =	vst.add.f32.msk $0xffff, v3  }
0x2cc: {  	v3 =	vld [tilespmem:s3+$0x20]  }
0x2cd: {  	s4 =	sor.u32 $0x20, s23;
	_ =	sdelay $0x3  }
0x2ce: {  	[tilespmem:s17+$0xD020] =	vst.add.f32.msk $0xffff, v3  }
0x2cf: {  	[tilespmem:s4+$0x0] =	vst.add.f32.msk $0xffff, v3  }
0x2d0: {  	v3 =	vld [tilespmem:s3+$0x30]  }
0x2d1: {  	s4 =	sor.u32 $0x30, s23;
	_ =	sdelay $0x3  }
0x2d2: {  	[tilespmem:s17+$0xD030] =	vst.add.f32.msk $0xffff, v3  }
0x2d3: {  	[tilespmem:s4+$0x0] =	vst.add.f32.msk $0xffff, v3  }
0x2d4: {  	v3 =	vld [tilespmem:s3+$0x40]  }
0x2d5: {  	s4 =	sor.u32 $0x40, s23;
	_ =	sdelay $0x3  }
0x2d6: {  	[tilespmem:s17+$0xD040] =	vst.add.f32.msk $0xffff, v3  }
0x2d7: {  	[tilespmem:s4+$0x0] =	vst.add.f32.msk $0xffff, v3  }
0x2d8: {  	v3 =	vld [tilespmem:s3+$0x50]  }
0x2d9: {  	s4 =	sor.u32 $0x50, s23;
	_ =	sdelay $0x3  }
0x2da: {  	[tilespmem:s17+$0xD050] =	vst.add.f32.msk $0xffff, v3  }
0x2db: {  	[tilespmem:s4+$0x0] =	vst.add.f32.msk $0xffff, v3  }
0x2dc: {  	v3 =	vld [tilespmem:s3+$0x60]  }
0x2dd: {  	s4 =	sor.u32 $0x60, s23;
	_ =	sdelay $0x3  }
0x2de: {  	[tilespmem:s17+$0xD060] =	vst.add.f32.msk $0xffff, v3  }
0x2df: {  	[tilespmem:s4+$0x0] =	vst.add.f32.msk $0xffff, v3  }
0x2e0: {  	v3 =	vld [tilespmem:s3+$0x70]  }
0x2e1: {  	s3 =	sor.u32 $0x70, s23;
	_ =	sdelay $0x3  }
0x2e2: {  	[tilespmem:s17+$0xD070] =	vst.add.f32.msk $0xffff, v3  }
0x2e3: {  	[tilespmem:s3+$0x0] =	vst.add.f32.msk $0xffff, v3  }
0x2e4: {  	v3 =	vld [tilespmem:s17+$0x19400]  }
0x2e5: {  	s3 =	sadd.s32 $0x19400, s17;
	_ =	sdelay $0x3  }
0x2e6: {  	[tilespmem:s17+$0xD400] =	vst.add.f32.msk $0xffff, v3  }
0x2e7: {  	[tilespmem:s17+$0x13400] =	vst.add.f32.msk $0xffff, v3  }
0x2e8: {  	s4 =	sor.u32 $0x10, s22;
	v3 =	vld [tilespmem:s3+$0x10];
	_ =	sdelay $0x4  }
0x2e9: {  	[tilespmem:s17+$0xD410] =	vst.add.f32.msk $0xffff, v3  }
0x2ea: {  	[tilespmem:s4+$0x0] =	vst.add.f32.msk $0xffff, v3  }
0x2eb: {  	s4 =	sor.u32 $0x20, s22;
	v3 =	vld [tilespmem:s3+$0x20];
	_ =	sdelay $0x4  }
0x2ec: {  	[tilespmem:s17+$0xD420] =	vst.add.f32.msk $0xffff, v3  }
0x2ed: {  	[tilespmem:s4+$0x0] =	vst.add.f32.msk $0xffff, v3  }
0x2ee: {  	s4 =	sor.u32 $0x30, s22;
	v3 =	vld [tilespmem:s3+$0x30];
	_ =	sdelay $0x4  }
0x2ef: {  	[tilespmem:s17+$0xD430] =	vst.add.f32.msk $0xffff, v3  }
0x2f0: {  	[tilespmem:s4+$0x0] =	vst.add.f32.msk $0xffff, v3  }
0x2f1: {  	s4 =	sor.u32 $0x40, s22;
	v3 =	vld [tilespmem:s3+$0x40];
	_ =	sdelay $0x4  }
0x2f2: {  	[tilespmem:s17+$0xD440] =	vst.add.f32.msk $0xffff, v3  }
0x2f3: {  	[tilespmem:s4+$0x0] =	vst.add.f32.msk $0xffff, v3  }
0x2f4: {  	s4 =	sor.u32 $0x50, s22;
	v3 =	vld [tilespmem:s3+$0x50];
	_ =	sdelay $0x4  }
0x2f5: {  	[tilespmem:s17+$0xD450] =	vst.add.f32.msk $0xffff, v3  }
0x2f6: {  	[tilespmem:s4+$0x0] =	vst.add.f32.msk $0xffff, v3  }
0x2f7: {  	s4 =	sor.u32 $0x60, s22;
	v3 =	vld [tilespmem:s3+$0x60];
	_ =	sdelay $0x4  }
0x2f8: {  	[tilespmem:s17+$0xD460] =	vst.add.f32.msk $0xffff, v3  }
0x2f9: {  	[tilespmem:s4+$0x0] =	vst.add.f32.msk $0xffff, v3  }
0x2fa: {  	v3 =	vld [tilespmem:s3+$0x70];
	s3 =	sor.u32 $0x70, s22;
	_ =	sdelay $0x4  }
0x2fb: {  	[tilespmem:s17+$0xD470] =	vst.add.f32.msk $0xffff, v3  }
0x2fc: {  	[tilespmem:s3+$0x0] =	vst.add.f32.msk $0xffff, v3  }
0x2fd: {  	s3 =	sadd.s32 $0x19800, s17;
	v3 =	vld [tilespmem:s17+$0x19800];
	_ =	sdelay $0x4  }
0x2fe: {  	[tilespmem:s17+$0xD800] =	vst.add.f32.msk $0xffff, v3  }
0x2ff: {  	s4 =	sor.u32 $0x10, s20;
	[tilespmem:s17+$0x13800] =	vst.add.f32.msk $0xffff, v3  }
0x300: {  	v3 =	vld [tilespmem:s3+$0x10];
	_ =	sdelay $0x4  }
0x301: {  	[tilespmem:s17+$0xD810] =	vst.add.f32.msk $0xffff, v3  }
0x302: {  	[tilespmem:s4+$0x0] =	vst.add.f32.msk $0xffff, v3;
	s4 =	sor.u32 $0x20, s20  }
0x303: {  	v3 =	vld [tilespmem:s3+$0x20];
	_ =	sdelay $0x4  }
0x304: {  	[tilespmem:s17+$0xD820] =	vst.add.f32.msk $0xffff, v3  }
0x305: {  	[tilespmem:s4+$0x0] =	vst.add.f32.msk $0xffff, v3;
	s4 =	sor.u32 $0x30, s20  }
0x306: {  	v3 =	vld [tilespmem:s3+$0x30];
	_ =	sdelay $0x4  }
0x307: {  	[tilespmem:s17+$0xD830] =	vst.add.f32.msk $0xffff, v3  }
0x308: {  	[tilespmem:s4+$0x0] =	vst.add.f32.msk $0xffff, v3;
	s4 =	sor.u32 $0x40, s20  }
0x309: {  	v3 =	vld [tilespmem:s3+$0x40];
	_ =	sdelay $0x4  }
0x30a: {  	[tilespmem:s17+$0xD840] =	vst.add.f32.msk $0xffff, v3  }
0x30b: {  	[tilespmem:s4+$0x0] =	vst.add.f32.msk $0xffff, v3;
	s4 =	sor.u32 $0x50, s20  }
0x30c: {  	v3 =	vld [tilespmem:s3+$0x50];
	_ =	sdelay $0x4  }
0x30d: {  	[tilespmem:s17+$0xD850] =	vst.add.f32.msk $0xffff, v3  }
0x30e: {  	[tilespmem:s4+$0x0] =	vst.add.f32.msk $0xffff, v3;
	s4 =	sor.u32 $0x60, s20  }
0x30f: {  	v3 =	vld [tilespmem:s3+$0x60];
	_ =	sdelay $0x1  }
.Ltmp3:
0x310: {  	(pc) =	sbr.rel @p0 .LBB2_5-.Ltmp3, $3  }
0x311: {  	_ =	sdelay $0x1  }
0x312: {  	[tilespmem:s17+$0xD860] =	vst.add.f32.msk $0xffff, v3  }
0x313: {  	[tilespmem:s4+$0x0] =	vst.add.f32.msk $0xffff, v3;
	s4 =	sor.u32 $0x70, s20  }
0x314: {  	v3 =	vld [tilespmem:s3+$0x70];
	_ =	sdelay $0x3  }
0x315: {  	p0 =	seq.s32 s14, $0x3  }
.Ltmp4:
0x316: {  	[tilespmem:s17+$0xD870] =	vst.add.f32.msk $0xffff, v3;
	(pc) =	sbr.rel @p0 .LBB2_8-.Ltmp4, $4  }
0x317: {  	s25 =	sadd.s32 $0xC0000, s15;
	[tilespmem:s4+$0x0] =	vst.add.f32.msk $0xffff, v3  }
0x318: {  	[hbm4b:s25+s5] =	stream.linear.scatter [tilespmem:s8], [sflag:$0x6], $0x6000, $0x38;
	[tilespmem:$0x1E400] =	vst v63  }
0x319: {  	s29 =	sadd.s32 $0x120000, s15  }
0x31a: {  	[hbm4b:s29+s5] =	stream.linear.scatter [tilespmem:s21], [sflag:$0x6], $0x6000, $0x38;
	[tilespmem:$0x1E400] =	vst v63  }
0x31b: {  	p0 =	slt.s32 s14, $0x2  }
0x31c: {  	s3 =	sadd.s32 $0x1, s14;
	s14 =	simm.s32 @!p0 $0x2  }
0x31d: {  	s4 =	sshll.u32 s14, $0x5  }
0x31e: {  	s4 =	sadd.s32 s4, s28  }
.Ltmp5:
0x31f: {  	s4 =	sshrl.u32 s4, $0x3;
	(pc) =	sbr.rel .LBB2_2-.Ltmp5, $4  }
0x320: {  	s4 =	smul.u32 $0x300, s4  }
0x321: {  	s7 =	rddreg [dreg:$0x2]  }
0x322: {  	s29 =	simm.s32 $0x18400;
	s14 =	smov.u32 s3;
	s4 =	sadd.s32 s7, s4  }
0x323: {  	[tilespmem:s29], [sflag:$0x2] =	stream.linear.gather [hbm4b:s4+s5], $0x6000, $0x38;
	[tilespmem:$0x1E400] =	vst v63  }
.LBB2_9:
0x324: {  	_ =	sfence.sel $0x180000  }
0x325: {  	[bflag:$0x0] =	sbarrier.arrive $0xFFFF  }
0x326: {  	_ =	strace $0x90000047  }
0x327: {  	s0 =	stileid.u32;
	[bflag:$0x2] =	sbarrier.arrive $0xFFFF  }
0x328: {  	p0 =	sne.s32 s0, $0x0;
	s0 =	rddreg [dreg:$0x4]  }
0x329: {  	s0 =	sadd.s32 @!p0 $0x100000, s0  }
0x32a: {  	[sflag:s0] =	ssyncadd.tile.s32 @!p0 $0x1;
	_ =	shalt  }
.Lfunc_end2:
_tile_overlayer_lowered:
.L_overlay_start_2:
0x32b: {  	(tag) =	ssettag $0x2  }
0x32c: {  	s0 =	rddreg [dreg:$0x0];
	s2 =	stileid.u32  }
0x32d: {  	s1 =	rddreg [dreg:$0x1];
	p0 =	sne.s32 s2, $0x0  }
0x32e: {  	s3 =	rddreg [dreg:$0x2];
	[bflag:$0x3] =	sbarrier.arrive $0xFFFF;
	s2 =	simm.s32 @!p0 $0x1C07  }
0x32f: {  	[timem:s3], [sflag:s2] =	dma.local @!p0 [hbm:s0], s1  }
0x330: {  	s0 =	simm.s32 @!p0 $0x7  }
0x331: {  	_ =	swait.ge @!p0 [sflag:s0], s1  }
0x332: {  	s1 =	ssub.s32 @!p0 $0x0, s1;
	[sflag:s0] =	ssyncset.done @!p0 $0x0  }
0x333: {  	[sflag:s0] =	ssyncadd.s32 @!p0 s1  }
0x334: {  	[bflag:$0x3] =	sbarrier.arrive $0xFFFF  }
0x335: {  	_ =	shalt  }

</sc_bundles>
